<compile_context>
chip_gen: v7x
topology: tpu7x:2x2x1
jax: 0.10.2.dev20260603
libtpu: 0.0.44.dev20260713+nightly
codegen_flags: <defaults>
</compile_context>

<pallas_src>
import jax
import jax.numpy as jnp
from jax import lax
from jax.experimental import pallas as pl
from jax.experimental.pallas import tpu as pltpu
from jax.experimental.pallas import tpu_sc as plsc

NC = 2
NS = 16
NW = NC * NS
L = 16
BW = 128

HER_PROPORTION = 0.8
THRESHOLD = 0.05
TH_SQ = THRESHOLD * THRESHOLD


def _her_body(ach_hbm, des_hbm, rew_hbm, buf_hbm, noise_hbm, idx_hbm,
              goal_out, rew_out,
              idx_v, fut_v, ach_v, des_v, noise_v, rew_v, rewo_v,
              gsem, dsem, osem):
    T = ach_hbm.shape[0]
    D = ach_hbm.shape[1] * ach_hbm.shape[3]
    NCH = BW // L

    wid = lax.axis_index("s") * NC + lax.axis_index("c")
    base = wid * BW

    pltpu.sync_copy(idx_hbm.at[pl.ds(base, BW)], idx_v)

    lane = lax.iota(jnp.int32, L)
    gather = pltpu.async_copy(buf_hbm.at[idx_v],
                              fut_v.at[:, pl.ds(0, 2 * D)], gsem)

    dense = []
    for t in range(T):
        for r in range(D // 8):
            dense.append(pltpu.async_copy(
                ach_hbm.at[t, r, wid], ach_v.at[t, pl.ds(r * 8, 8)], dsem))
            dense.append(pltpu.async_copy(
                des_hbm.at[t, r, wid], des_v.at[t, pl.ds(r * 8, 8)], dsem))
    dense.append(pltpu.async_copy(noise_hbm.at[pl.ds(base, BW)], noise_v, dsem))
    dense.append(pltpu.async_copy(rew_hbm.at[pl.ds(wid * T, T)], rew_v, dsem))
    for c in dense:
        c.wait()
    gather.wait()

    for i in range(NCH):
        cond = noise_v[pl.ds(i * L, L)] < HER_PROPORTION
        rows = lane + i * L
        accs = [jnp.zeros((L,), jnp.float32) for _ in range(T)]

        def dstep(d, accs, cond=cond, rows=rows, i=i):
            fut = plsc.load_gather(fut_v, [rows, jnp.broadcast_to(d, (L,))])
            out = []
            for t in range(T):
                a = ach_v[t, d, pl.ds(i * L, L)]
                de = des_v[t, d, pl.ds(i * L, L)]
                g = jnp.where(cond, fut, de)
                des_v[t, d, pl.ds(i * L, L)] = g
                diff = a - g
                out.append(accs[t] + diff * diff)
            return out

        accs = lax.fori_loop(0, D, dstep, accs, unroll=4)
        for t in range(T):
            nr = -(accs[t] >= TH_SQ).astype(jnp.float32)
            rw = rew_v[t, pl.ds(i * L, L)]
            rewo_v[t, pl.ds(i * L, L)] = jnp.where(cond, nr, rw)

    outs = []
    for t in range(T):
        for r in range(D // 8):
            outs.append(pltpu.async_copy(
                des_v.at[t, pl.ds(r * 8, 8)], goal_out.at[t, r, wid], osem))
    outs.append(pltpu.async_copy(rewo_v, rew_out.at[pl.ds(wid * T, T)], osem))
    for c in outs:
        c.wait()


def kernel(achieved_goal, desired_goal, reward, buffer_ag, her_noise, future_idx):
    B, T, D = achieved_goal.shape
    BUF = buffer_ag.shape[0]
    idx32 = future_idx.astype(jnp.int32)

    def to5(x):
        return (x.transpose(1, 2, 0)
                 .reshape(T, D // 8, 8, B // 128, 128)
                 .transpose(0, 1, 3, 2, 4))

    ach5 = to5(achieved_goal)
    des5 = to5(desired_goal)
    rew2 = (reward.reshape(B // 128, 128, T)
                  .transpose(0, 2, 1)
                  .reshape(B // 128 * T, 128))

    mesh = plsc.VectorSubcoreMesh(core_axis_name="c", subcore_axis_name="s",
                                  num_cores=NC, num_subcores=NS)

    buf2 = jnp.pad(buffer_ag, ((0, 0), (0, D)))
    run = pl.kernel(
        _her_body,
        out_type=(
            jax.ShapeDtypeStruct((T, D // 8, B // 128, 8, 128), jnp.float32),
            jax.ShapeDtypeStruct((B // 128 * T, 128), jnp.float32),
        ),
        mesh=mesh,
        compiler_params=pltpu.CompilerParams(needs_layout_passes=False,
                                             use_tc_tiling_on_sc=True),
        scratch_types=[
            pltpu.VMEM((BW,), jnp.int32),
            pltpu.VMEM((BW, 2 * D + 1), jnp.float32),
            pltpu.VMEM((T, D, 128), jnp.float32),
            pltpu.VMEM((T, D, 128), jnp.float32),
            pltpu.VMEM((BW,), jnp.float32),
            pltpu.VMEM((T, 128), jnp.float32),
            pltpu.VMEM((T, 128), jnp.float32),
            pltpu.SemaphoreType.DMA,
            pltpu.SemaphoreType.DMA,
            pltpu.SemaphoreType.DMA,
        ],
    )
    goal5, rew2o = run(ach5, des5, rew2, buf2, her_noise, idx32)

    goal = (goal5.transpose(0, 1, 3, 2, 4)
                 .reshape(T, D, B)
                 .transpose(2, 0, 1))
    rew = (rew2o.reshape(B // 128, T, 128)
                .transpose(0, 2, 1)
                .reshape(B, T))
    return goal, rew

# --- scband reference (transcript-rebuilt; emitter-appended) ---
"""Pipeline reference for scband-hindsight-experience-transformer-48335561949768 (READ-ONLY COPY).

The authoritative reference and input builder live on the scoring server;
editing this copy changes nothing except your own understanding.
"""

import jax, jax.numpy as jnp
import numpy as np

HER_PROPORTION = 0.8
THRESHOLD = 0.05


def l2_dist_close_reward_fn(achieved_goal, goal, threshold=THRESHOLD):
    # Faithful port of alf's l2_dist_close_reward_fn: -1/0 reward based on L2 distance.
    if goal.ndim == 2:
        achieved_goal = achieved_goal[:, :, None]
        goal = goal[:, :, None]
    dist = jnp.linalg.norm(achieved_goal - goal, axis=2)
    return -(dist >= threshold).astype(jnp.float32)


def setup_inputs(seed: int = 0) -> dict:
    key = jax.random.key(seed)
    k1, k2, k3, k4, k5, k6 = jax.random.split(key, 6)
    B, T, D = 4096, 2, 64
    BUF = 100000
    achieved_goal = jax.random.normal(k1, (B, T, D), dtype=jnp.float32)
    desired_goal = jax.random.normal(k2, (B, T, D), dtype=jnp.float32)
    reward = jax.random.normal(k3, (B, T), dtype=jnp.float32)
    her_noise = jax.random.uniform(k4, (B,), dtype=jnp.float32)
    buffer_ag = jax.random.normal(k5, (BUF, D), dtype=jnp.float32)
    future_idx = jax.random.randint(k6, (B,), 0, BUF).astype(jnp.int64)
    return {
        "achieved_goal": achieved_goal,
        "desired_goal": desired_goal,
        "reward": reward,
        "buffer_ag": buffer_ag,
        "her_noise": her_noise,
        "future_idx": future_idx,
    }


def reference(achieved_goal, desired_goal, reward, buffer_ag, her_noise, future_idx):
    # her_cond = torch.rand(batch_size) < her_proportion  (noise passed in explicitly)
    her_cond = her_noise < HER_PROPORTION
    # future achieved goal fetched from the replay buffer at a random future position
    # (buffer.get_field gather, here expressed as a row gather from the buffer table)
    future_ag = jnp.take(buffer_ag, future_idx, axis=0)  # [B, D]
    # Relabel desired_goal of HER-selected trajectories with the future achieved goal,
    # broadcast across the batch_length (=2) dimension.
    relabeled_goal = jnp.where(her_cond[:, None, None], future_ag[:, None, :], desired_goal)
    # Recompute reward with the relabeled goal.
    new_reward = l2_dist_close_reward_fn(achieved_goal, relabeled_goal, THRESHOLD)
    relabeled_reward = jnp.where(her_cond[:, None], new_reward, reward)
    return relabeled_goal, relabeled_reward

if __name__ == "__main__":
    import jax
    _d = setup_inputs()
    print(jax.jit(kernel)(*tuple(_d.values())))

</pallas_src>

<mosaic_0001>
#map = affine_map<(d0, d1) -> (0, 0, 0, 0, 0)>
#map1 = affine_map<(d0, d1) -> (0, 0)>
#map2 = affine_map<(d0, d1) -> (0)>
module attributes {stable_mosaic.version = 14 : i64} {
  func.func @_her_body(%arg0: i32, %arg1: i32, %arg2: memref<2x8x32x8x128xf32, #tpu.memory_space<hbm>>, %arg3: memref<2x8x32x8x128xf32, #tpu.memory_space<hbm>>, %arg4: memref<64x128xf32, #tpu.memory_space<hbm>>, %arg5: memref<100000x128xf32, #tpu.memory_space<hbm>>, %arg6: memref<4096xf32, #tpu.memory_space<hbm>>, %arg7: memref<4096xi32, #tpu.memory_space<hbm>>, %arg8: memref<2x8x32x8x128xf32, #tpu.memory_space<hbm>>, %arg9: memref<64x128xf32, #tpu.memory_space<hbm>>, %arg10: memref<128xi32, #tpu.memory_space<vmem>>, %arg11: memref<128x129xf32, #tpu.memory_space<vmem>>, %arg12: memref<2x64x128xf32, #tpu.memory_space<vmem>>, %arg13: memref<2x64x128xf32, #tpu.memory_space<vmem>>, %arg14: memref<128xf32, #tpu.memory_space<vmem>>, %arg15: memref<2x128xf32, #tpu.memory_space<vmem>>, %arg16: memref<2x128xf32, #tpu.memory_space<vmem>>, %arg17: memref<!tpu.dma_semaphore, #tpu.memory_space<semaphore_mem>>, %arg18: memref<!tpu.dma_semaphore, #tpu.memory_space<semaphore_mem>>, %arg19: memref<!tpu.dma_semaphore, #tpu.memory_space<semaphore_mem>>) attributes {dimension_semantics = [#tpu.dimension_semantics<core_parallel>, #tpu.dimension_semantics<subcore_parallel>], iteration_bounds = array<i64: 2, 16>, scalar_prefetch = 0 : i64, scratch_operands = 10 : i64, tpu.core_type = #tpu.core_type<sc_vector_subcore>, window_params = [{transform_indices = #map}, {transform_indices = #map}, {transform_indices = #map1}, {transform_indices = #map1}, {transform_indices = #map2}, {transform_indices = #map2}, {transform_indices = #map}, {transform_indices = #map1}]} {
    %mul3A = arith.constant 2 : i32
    %mul3A_0 = arith.muli %arg1, %mul3A : i32
    %add3A = arith.addi %mul3A_0, %arg0 : i32
    %mul3A_1 = arith.constant 128 : i32
    %mul3A_2 = arith.muli %add3A, %mul3A_1 : i32
    "tpu.region"() ({
      %run_scoped3A = tpu.sem_alloc : memref<!tpu.dma_semaphore, #tpu.memory_space<semaphore_mem>>
      %dma_start3A_2268 = tpu.memref_slice %arg7[%mul3A_2] : memref<4096xi32, #tpu.memory_space<hbm>> -> memref<128xi32, #tpu.memory_space<hbm>>
      %dma_start3A_2269 = tpu.memref_slice %arg7[%mul3A_2] : memref<4096xi32, #tpu.memory_space<hbm>> -> memref<128xi32, #tpu.memory_space<hbm>>
      tpu.enqueue_dma source(%dma_start3A_2269 : memref<128xi32, #tpu.memory_space<hbm>>) target(%arg10 : memref<128xi32, #tpu.memory_space<vmem>>) target_semaphore(%run_scoped3A : memref<!tpu.dma_semaphore, #tpu.memory_space<semaphore_mem>>)
      %dma_wait3A_2270 = tpu.memref_slice %arg7[%mul3A_2] : memref<4096xi32, #tpu.memory_space<hbm>> -> memref<128xi32, #tpu.memory_space<hbm>>
      %dma_wait3A_2271 = tpu.memref_slice %arg7[%mul3A_2] : memref<4096xi32, #tpu.memory_space<hbm>> -> memref<128xi32, #tpu.memory_space<hbm>>
      tpu.wait_dma2 semaphore(%run_scoped3A : memref<!tpu.dma_semaphore, #tpu.memory_space<semaphore_mem>>) src(%dma_wait3A_2271 : memref<128xi32, #tpu.memory_space<hbm>>) dst(%arg10 : memref<128xi32, #tpu.memory_space<vmem>>)
      tpu.yield
    }) : () -> ()
    %iota3A = tpu.iota {dimensions = array<i32: 0>} : vector<16xi32>
    %dma_start3A = arith.constant 0 : i32
    %dma_start3A_3 = arith.constant 0 : i32
    %dma_start3A_4 = tpu.memref_slice %arg11[%dma_start3A, %dma_start3A_3] : memref<128x129xf32, #tpu.memory_space<vmem>> -> memref<128x128xf32, #tpu.memory_space<vmem>>
    %dma_start3A_5 = arith.constant 0 : i32
    %dma_start3A_6 = arith.constant 0 : i32
    %dma_start3A_7 = tpu.memref_slice %arg5[%dma_start3A_5, %dma_start3A_6] : memref<100000x128xf32, #tpu.memory_space<hbm>> -> memref<100000x128xf32, #tpu.memory_space<hbm>>
    tpu.enqueue_indirect_dma source(%dma_start3A_7 : memref<100000x128xf32, #tpu.memory_space<hbm>>) target(%dma_start3A_4 : memref<128x128xf32, #tpu.memory_space<vmem>>) offsets(%arg10 : memref<128xi32, #tpu.memory_space<vmem>>) semaphore(%arg17 : memref<!tpu.dma_semaphore, #tpu.memory_space<semaphore_mem>>)
    %dma_start3A_8 = arith.constant 0 : i32
    %dma_start3A_9 = arith.constant 0 : i32
    %dma_start3A_10 = arith.constant 0 : i32
    %dma_start3A_11 = arith.constant 0 : i32
    %dma_start3A_12 = arith.constant 0 : i32
    %dma_start3A_13 = tpu.memref_slice %arg12[%dma_start3A_10, %dma_start3A_11, %dma_start3A_12] : memref<2x64x128xf32, #tpu.memory_space<vmem>> -> memref<1x8x128xf32, #tpu.memory_space<vmem>>
    %dma_start3A_14 = tpu.memref_squeeze %dma_start3A_13 : memref<1x8x128xf32, #tpu.memory_space<vmem>> -> memref<8x128xf32, #tpu.memory_space<vmem>>
    %dma_start3A_15 = arith.constant 0 : i32
    %dma_start3A_16 = arith.constant 0 : i32
    %dma_start3A_17 = tpu.memref_slice %arg2[%dma_start3A_8, %dma_start3A_9, %add3A, %dma_start3A_15, %dma_start3A_16] : memref<2x8x32x8x128xf32, #tpu.memory_space<hbm>> -> memref<1x1x1x8x128xf32, #tpu.memory_space<hbm>>
    %dma_start3A_18 = tpu.memref_squeeze %dma_start3A_17 : memref<1x1x1x8x128xf32, #tpu.memory_space<hbm>> -> memref<8x128xf32, #tpu.memory_space<hbm>>
    %dma_start3A_19 = arith.constant 0 : i32
    %dma_start3A_20 = arith.constant 0 : i32
    %dma_start3A_21 = tpu.memref_slice %arg12[%dma_start3A_10, %dma_start3A_19, %dma_start3A_20] : memref<2x64x128xf32, #tpu.memory_space<vmem>> -> memref<1x8x128xf32, #tpu.memory_space<vmem>>
    %dma_start3A_22 = tpu.memref_squeeze %dma_start3A_21 : memref<1x8x128xf32, #tpu.memory_space<vmem>> -> memref<8x128xf32, #tpu.memory_space<vmem>>
    %dma_start3A_23 = arith.constant 0 : i32
    %dma_start3A_24 = arith.constant 0 : i32
    %dma_start3A_25 = tpu.memref_slice %arg2[%dma_start3A_8, %dma_start3A_9, %add3A, %dma_start3A_23, %dma_start3A_24] : memref<2x8x32x8x128xf32, #tpu.memory_space<hbm>> -> memref<1x1x1x8x128xf32, #tpu.memory_space<hbm>>
    %dma_start3A_26 = tpu.memref_squeeze %dma_start3A_25 : memref<1x1x1x8x128xf32, #tpu.memory_space<hbm>> -> memref<8x128xf32, #tpu.memory_space<hbm>>
    tpu.enqueue_dma source(%dma_start3A_26 : memref<8x128xf32, #tpu.memory_space<hbm>>) target(%dma_start3A_22 : memref<8x128xf32, #tpu.memory_space<vmem>>) target_semaphore(%arg18 : memref<!tpu.dma_semaphore, #tpu.memory_space<semaphore_mem>>)
    %dma_start3A_27 = arith.constant 0 : i32
    %dma_start3A_28 = arith.constant 0 : i32
    %dma_start3A_29 = arith.constant 0 : i32
    %dma_start3A_30 = arith.constant 0 : i32
    %dma_start3A_31 = arith.constant 0 : i32
    %dma_start3A_32 = tpu.memref_slice %arg13[%dma_start3A_29, %dma_start3A_30, %dma_start3A_31] : memref<2x64x128xf32, #tpu.memory_space<vmem>> -> memref<1x8x128xf32, #tpu.memory_space<vmem>>
    %dma_start3A_33 = tpu.memref_squeeze %dma_start3A_32 : memref<1x8x128xf32, #tpu.memory_space<vmem>> -> memref<8x128xf32, #tpu.memory_space<vmem>>
    %dma_start3A_34 = arith.constant 0 : i32
    %dma_start3A_35 = arith.constant 0 : i32
    %dma_start3A_36 = tpu.memref_slice %arg3[%dma_start3A_27, %dma_start3A_28, %add3A, %dma_start3A_34, %dma_start3A_35] : memref<2x8x32x8x128xf32, #tpu.memory_space<hbm>> -> memref<1x1x1x8x128xf32, #tpu.memory_space<hbm>>
    %dma_start3A_37 = tpu.memref_squeeze %dma_start3A_36 : memref<1x1x1x8x128xf32, #tpu.memory_space<hbm>> -> memref<8x128xf32, #tpu.memory_space<hbm>>
    %dma_start3A_38 = arith.constant 0 : i32
    %dma_start3A_39 = arith.constant 0 : i32
    %dma_start3A_40 = tpu.memref_slice %arg13[%dma_start3A_29, %dma_start3A_38, %dma_start3A_39] : memref<2x64x128xf32, #tpu.memory_space<vmem>> -> memref<1x8x128xf32, #tpu.memory_space<vmem>>
    %dma_start3A_41 = tpu.memref_squeeze %dma_start3A_40 : memref<1x8x128xf32, #tpu.memory_space<vmem>> -> memref<8x128xf32, #tpu.memory_space<vmem>>
    %dma_start3A_42 = arith.constant 0 : i32
    %dma_start3A_43 = arith.constant 0 : i32
    %dma_start3A_44 = tpu.memref_slice %arg3[%dma_start3A_27, %dma_start3A_28, %add3A, %dma_start3A_42, %dma_start3A_43] : memref<2x8x32x8x128xf32, #tpu.memory_space<hbm>> -> memref<1x1x1x8x128xf32, #tpu.memory_space<hbm>>
    %dma_start3A_45 = tpu.memref_squeeze %dma_start3A_44 : memref<1x1x1x8x128xf32, #tpu.memory_space<hbm>> -> memref<8x128xf32, #tpu.memory_space<hbm>>
    tpu.enqueue_dma source(%dma_start3A_45 : memref<8x128xf32, #tpu.memory_space<hbm>>) target(%dma_start3A_41 : memref<8x128xf32, #tpu.memory_space<vmem>>) target_semaphore(%arg18 : memref<!tpu.dma_semaphore, #tpu.memory_space<semaphore_mem>>)
    %dma_start3A_46 = arith.constant 0 : i32
    %dma_start3A_47 = arith.constant 1 : i32
    %dma_start3A_48 = arith.constant 0 : i32
    %dma_start3A_49 = arith.constant 8 : i32
    %dma_start3A_50 = arith.constant 0 : i32
    %dma_start3A_51 = tpu.memref_slice %arg12[%dma_start3A_48, %dma_start3A_49, %dma_start3A_50] : memref<2x64x128xf32, #tpu.memory_space<vmem>> -> memref<1x8x128xf32, #tpu.memory_space<vmem>>
    %dma_start3A_52 = tpu.memref_squeeze %dma_start3A_51 : memref<1x8x128xf32, #tpu.memory_space<vmem>> -> memref<8x128xf32, #tpu.memory_space<vmem>>
    %dma_start3A_53 = arith.constant 0 : i32
    %dma_start3A_54 = arith.constant 0 : i32
    %dma_start3A_55 = tpu.memref_slice %arg2[%dma_start3A_46, %dma_start3A_47, %add3A, %dma_start3A_53, %dma_start3A_54] : memref<2x8x32x8x128xf32, #tpu.memory_space<hbm>> -> memref<1x1x1x8x128xf32, #tpu.memory_space<hbm>>
    %dma_start3A_56 = tpu.memref_squeeze %dma_start3A_55 : memref<1x1x1x8x128xf32, #tpu.memory_space<hbm>> -> memref<8x128xf32, #tpu.memory_space<hbm>>
    %dma_start3A_57 = arith.constant 8 : i32
    %dma_start3A_58 = arith.constant 0 : i32
    %dma_start3A_59 = tpu.memref_slice %arg12[%dma_start3A_48, %dma_start3A_57, %dma_start3A_58] : memref<2x64x128xf32, #tpu.memory_space<vmem>> -> memref<1x8x128xf32, #tpu.memory_space<vmem>>
    %dma_start3A_60 = tpu.memref_squeeze %dma_start3A_59 : memref<1x8x128xf32, #tpu.memory_space<vmem>> -> memref<8x128xf32, #tpu.memory_space<vmem>>
    %dma_start3A_61 = arith.constant 0 : i32
    %dma_start3A_62 = arith.constant 0 : i32
    %dma_start3A_63 = tpu.memref_slice %arg2[%dma_start3A_46, %dma_start3A_47, %add3A, %dma_start3A_61, %dma_start3A_62] : memref<2x8x32x8x128xf32, #tpu.memory_space<hbm>> -> memref<1x1x1x8x128xf32, #tpu.memory_space<hbm>>
    %dma_start3A_64 = tpu.memref_squeeze %dma_start3A_63 : memref<1x1x1x8x128xf32, #tpu.memory_space<hbm>> -> memref<8x128xf32, #tpu.memory_space<hbm>>
    tpu.enqueue_dma source(%dma_start3A_64 : memref<8x128xf32, #tpu.memory_space<hbm>>) target(%dma_start3A_60 : memref<8x128xf32, #tpu.memory_space<vmem>>) target_semaphore(%arg18 : memref<!tpu.dma_semaphore, #tpu.memory_space<semaphore_mem>>)
    %dma_start3A_65 = arith.constant 0 : i32
    %dma_start3A_66 = arith.constant 1 : i32
    %dma_start3A_67 = arith.constant 0 : i32
    %dma_start3A_68 = arith.constant 8 : i32
    %dma_start3A_69 = arith.constant 0 : i32
    %dma_start3A_70 = tpu.memref_slice %arg13[%dma_start3A_67, %dma_start3A_68, %dma_start3A_69] : memref<2x64x128xf32, #tpu.memory_space<vmem>> -> memref<1x8x128xf32, #tpu.memory_space<vmem>>
    %dma_start3A_71 = tpu.memref_squeeze %dma_start3A_70 : memref<1x8x128xf32, #tpu.memory_space<vmem>> -> memref<8x128xf32, #tpu.memory_space<vmem>>
    %dma_start3A_72 = arith.constant 0 : i32
    %dma_start3A_73 = arith.constant 0 : i32
    %dma_start3A_74 = tpu.memref_slice %arg3[%dma_start3A_65, %dma_start3A_66, %add3A, %dma_start3A_72, %dma_start3A_73] : memref<2x8x32x8x128xf32, #tpu.memory_space<hbm>> -> memref<1x1x1x8x128xf32, #tpu.memory_space<hbm>>
    %dma_start3A_75 = tpu.memref_squeeze %dma_start3A_74 : memref<1x1x1x8x128xf32, #tpu.memory_space<hbm>> -> memref<8x128xf32, #tpu.memory_space<hbm>>
    %dma_start3A_76 = arith.constant 8 : i32
    %dma_start3A_77 = arith.constant 0 : i32
    %dma_start3A_78 = tpu.memref_slice %arg13[%dma_start3A_67, %dma_start3A_76, %dma_start3A_77] : memref<2x64x128xf32, #tpu.memory_space<vmem>> -> memref<1x8x128xf32, #tpu.memory_space<vmem>>
    %dma_start3A_79 = tpu.memref_squeeze %dma_start3A_78 : memref<1x8x128xf32, #tpu.memory_space<vmem>> -> memref<8x128xf32, #tpu.memory_space<vmem>>
    %dma_start3A_80 = arith.constant 0 : i32
    %dma_start3A_81 = arith.constant 0 : i32
    %dma_start3A_82 = tpu.memref_slice %arg3[%dma_start3A_65, %dma_start3A_66, %add3A, %dma_start3A_80, %dma_start3A_81] : memref<2x8x32x8x128xf32, #tpu.memory_space<hbm>> -> memref<1x1x1x8x128xf32, #tpu.memory_space<hbm>>
    %dma_start3A_83 = tpu.memref_squeeze %dma_start3A_82 : memref<1x1x1x8x128xf32, #tpu.memory_space<hbm>> -> memref<8x128xf32, #tpu.memory_space<hbm>>
    tpu.enqueue_dma source(%dma_start3A_83 : memref<8x128xf32, #tpu.memory_space<hbm>>) target(%dma_start3A_79 : memref<8x128xf32, #tpu.memory_space<vmem>>) target_semaphore(%arg18 : memref<!tpu.dma_semaphore, #tpu.memory_space<semaphore_mem>>)
    %dma_start3A_84 = arith.constant 0 : i32
    %dma_start3A_85 = arith.constant 2 : i32
    %dma_start3A_86 = arith.constant 0 : i32
    %dma_start3A_87 = arith.constant 16 : i32
    %dma_start3A_88 = arith.constant 0 : i32
    %dma_start3A_89 = tpu.memref_slice %arg12[%dma_start3A_86, %dma_start3A_87, %dma_start3A_88] : memref<2x64x128xf32, #tpu.memory_space<vmem>> -> memref<1x8x128xf32, #tpu.memory_space<vmem>>
    %dma_start3A_90 = tpu.memref_squeeze %dma_start3A_89 : memref<1x8x128xf32, #tpu.memory_space<vmem>> -> memref<8x128xf32, #tpu.memory_space<vmem>>
    %dma_start3A_91 = arith.constant 0 : i32
    %dma_start3A_92 = arith.constant 0 : i32
    %dma_start3A_93 = tpu.memref_slice %arg2[%dma_start3A_84, %dma_start3A_85, %add3A, %dma_start3A_91, %dma_start3A_92] : memref<2x8x32x8x128xf32, #tpu.memory_space<hbm>> -> memref<1x1x1x8x128xf32, #tpu.memory_space<hbm>>
    %dma_start3A_94 = tpu.memref_squeeze %dma_start3A_93 : memref<1x1x1x8x128xf32, #tpu.memory_space<hbm>> -> memref<8x128xf32, #tpu.memory_space<hbm>>
    %dma_start3A_95 = arith.constant 16 : i32
    %dma_start3A_96 = arith.constant 0 : i32
    %dma_start3A_97 = tpu.memref_slice %arg12[%dma_start3A_86, %dma_start3A_95, %dma_start3A_96] : memref<2x64x128xf32, #tpu.memory_space<vmem>> -> memref<1x8x128xf32, #tpu.memory_space<vmem>>
    %dma_start3A_98 = tpu.memref_squeeze %dma_start3A_97 : memref<1x8x128xf32, #tpu.memory_space<vmem>> -> memref<8x128xf32, #tpu.memory_space<vmem>>
    %dma_start3A_99 = arith.constant 0 : i32
    %dma_start3A_100 = arith.constant 0 : i32
    %dma_start3A_101 = tpu.memref_slice %arg2[%dma_start3A_84, %dma_start3A_85, %add3A, %dma_start3A_99, %dma_start3A_100] : memref<2x8x32x8x128xf32, #tpu.memory_space<hbm>> -> memref<1x1x1x8x128xf32, #tpu.memory_space<hbm>>
    %dma_start3A_102 = tpu.memref_squeeze %dma_start3A_101 : memref<1x1x1x8x128xf32, #tpu.memory_space<hbm>> -> memref<8x128xf32, #tpu.memory_space<hbm>>
    tpu.enqueue_dma source(%dma_start3A_102 : memref<8x128xf32, #tpu.memory_space<hbm>>) target(%dma_start3A_98 : memref<8x128xf32, #tpu.memory_space<vmem>>) target_semaphore(%arg18 : memref<!tpu.dma_semaphore, #tpu.memory_space<semaphore_mem>>)
    %dma_start3A_103 = arith.constant 0 : i32
    %dma_start3A_104 = arith.constant 2 : i32
    %dma_start3A_105 = arith.constant 0 : i32
    %dma_start3A_106 = arith.constant 16 : i32
    %dma_start3A_107 = arith.constant 0 : i32
    %dma_start3A_108 = tpu.memref_slice %arg13[%dma_start3A_105, %dma_start3A_106, %dma_start3A_107] : memref<2x64x128xf32, #tpu.memory_space<vmem>> -> memref<1x8x128xf32, #tpu.memory_space<vmem>>
    %dma_start3A_109 = tpu.memref_squeeze %dma_start3A_108 : memref<1x8x128xf32, #tpu.memory_space<vmem>> -> memref<8x128xf32, #tpu.memory_space<vmem>>
    %dma_start3A_110 = arith.constant 0 : i32
    %dma_start3A_111 = arith.constant 0 : i32
    %dma_start3A_112 = tpu.memref_slice %arg3[%dma_start3A_103, %dma_start3A_104, %add3A, %dma_start3A_110, %dma_start3A_111] : memref<2x8x32x8x128xf32, #tpu.memory_space<hbm>> -> memref<1x1x1x8x128xf32, #tpu.memory_space<hbm>>
    %dma_start3A_113 = tpu.memref_squeeze %dma_start3A_112 : memref<1x1x1x8x128xf32, #tpu.memory_space<hbm>> -> memref<8x128xf32, #tpu.memory_space<hbm>>
    %dma_start3A_114 = arith.constant 16 : i32
    %dma_start3A_115 = arith.constant 0 : i32
    %dma_start3A_116 = tpu.memref_slice %arg13[%dma_start3A_105, %dma_start3A_114, %dma_start3A_115] : memref<2x64x128xf32, #tpu.memory_space<vmem>> -> memref<1x8x128xf32, #tpu.memory_space<vmem>>
    %dma_start3A_117 = tpu.memref_squeeze %dma_start3A_116 : memref<1x8x128xf32, #tpu.memory_space<vmem>> -> memref<8x128xf32, #tpu.memory_space<vmem>>
    %dma_start3A_118 = arith.constant 0 : i32
    %dma_start3A_119 = arith.constant 0 : i32
    %dma_start3A_120 = tpu.memref_slice %arg3[%dma_start3A_103, %dma_start3A_104, %add3A, %dma_start3A_118, %dma_start3A_119] : memref<2x8x32x8x128xf32, #tpu.memory_space<hbm>> -> memref<1x1x1x8x128xf32, #tpu.memory_space<hbm>>
    %dma_start3A_121 = tpu.memref_squeeze %dma_start3A_120 : memref<1x1x1x8x128xf32, #tpu.memory_space<hbm>> -> memref<8x128xf32, #tpu.memory_space<hbm>>
    tpu.enqueue_dma source(%dma_start3A_121 : memref<8x128xf32, #tpu.memory_space<hbm>>) target(%dma_start3A_117 : memref<8x128xf32, #tpu.memory_space<vmem>>) target_semaphore(%arg18 : memref<!tpu.dma_semaphore, #tpu.memory_space<semaphore_mem>>)
    %dma_start3A_122 = arith.constant 0 : i32
    %dma_start3A_123 = arith.constant 3 : i32
    %dma_start3A_124 = arith.constant 0 : i32
    %dma_start3A_125 = arith.constant 24 : i32
    %dma_start3A_126 = arith.constant 0 : i32
    %dma_start3A_127 = tpu.memref_slice %arg12[%dma_start3A_124, %dma_start3A_125, %dma_start3A_126] : memref<2x64x128xf32, #tpu.memory_space<vmem>> -> memref<1x8x128xf32, #tpu.memory_space<vmem>>
    %dma_start3A_128 = tpu.memref_squeeze %dma_start3A_127 : memref<1x8x128xf32, #tpu.memory_space<vmem>> -> memref<8x128xf32, #tpu.memory_space<vmem>>
    %dma_start3A_129 = arith.constant 0 : i32
    %dma_start3A_130 = arith.constant 0 : i32
    %dma_start3A_131 = tpu.memref_slice %arg2[%dma_start3A_122, %dma_start3A_123, %add3A, %dma_start3A_129, %dma_start3A_130] : memref<2x8x32x8x128xf32, #tpu.memory_space<hbm>> -> memref<1x1x1x8x128xf32, #tpu.memory_space<hbm>>
    %dma_start3A_132 = tpu.memref_squeeze %dma_start3A_131 : memref<1x1x1x8x128xf32, #tpu.memory_space<hbm>> -> memref<8x128xf32, #tpu.memory_space<hbm>>
    %dma_start3A_133 = arith.constant 24 : i32
    %dma_start3A_134 = arith.constant 0 : i32
    %dma_start3A_135 = tpu.memref_slice %arg12[%dma_start3A_124, %dma_start3A_133, %dma_start3A_134] : memref<2x64x128xf32, #tpu.memory_space<vmem>> -> memref<1x8x128xf32, #tpu.memory_space<vmem>>
    %dma_start3A_136 = tpu.memref_squeeze %dma_start3A_135 : memref<1x8x128xf32, #tpu.memory_space<vmem>> -> memref<8x128xf32, #tpu.memory_space<vmem>>
    %dma_start3A_137 = arith.constant 0 : i32
    %dma_start3A_138 = arith.constant 0 : i32
    %dma_start3A_139 = tpu.memref_slice %arg2[%dma_start3A_122, %dma_start3A_123, %add3A, %dma_start3A_137, %dma_start3A_138] : memref<2x8x32x8x128xf32, #tpu.memory_space<hbm>> -> memref<1x1x1x8x128xf32, #tpu.memory_space<hbm>>
    %dma_start3A_140 = tpu.memref_squeeze %dma_start3A_139 : memref<1x1x1x8x128xf32, #tpu.memory_space<hbm>> -> memref<8x128xf32, #tpu.memory_space<hbm>>
    tpu.enqueue_dma source(%dma_start3A_140 : memref<8x128xf32, #tpu.memory_space<hbm>>) target(%dma_start3A_136 : memref<8x128xf32, #tpu.memory_space<vmem>>) target_semaphore(%arg18 : memref<!tpu.dma_semaphore, #tpu.memory_space<semaphore_mem>>)
    %dma_start3A_141 = arith.constant 0 : i32
    %dma_start3A_142 = arith.constant 3 : i32
    %dma_start3A_143 = arith.constant 0 : i32
    %dma_start3A_144 = arith.constant 24 : i32
    %dma_start3A_145 = arith.constant 0 : i32
    %dma_start3A_146 = tpu.memref_slice %arg13[%dma_start3A_143, %dma_start3A_144, %dma_start3A_145] : memref<2x64x128xf32, #tpu.memory_space<vmem>> -> memref<1x8x128xf32, #tpu.memory_space<vmem>>
    %dma_start3A_147 = tpu.memref_squeeze %dma_start3A_146 : memref<1x8x128xf32, #tpu.memory_space<vmem>> -> memref<8x128xf32, #tpu.memory_space<vmem>>
    %dma_start3A_148 = arith.constant 0 : i32
    %dma_start3A_149 = arith.constant 0 : i32
    %dma_start3A_150 = tpu.memref_slice %arg3[%dma_start3A_141, %dma_start3A_142, %add3A, %dma_start3A_148, %dma_start3A_149] : memref<2x8x32x8x128xf32, #tpu.memory_space<hbm>> -> memref<1x1x1x8x128xf32, #tpu.memory_space<hbm>>
    %dma_start3A_151 = tpu.memref_squeeze %dma_start3A_150 : memref<1x1x1x8x128xf32, #tpu.memory_space<hbm>> -> memref<8x128xf32, #tpu.memory_space<hbm>>
    %dma_start3A_152 = arith.constant 24 : i32
    %dma_start3A_153 = arith.constant 0 : i32
    %dma_start3A_154 = tpu.memref_slice %arg13[%dma_start3A_143, %dma_start3A_152, %dma_start3A_153] : memref<2x64x128xf32, #tpu.memory_space<vmem>> -> memref<1x8x128xf32, #tpu.memory_space<vmem>>
    %dma_start3A_155 = tpu.memref_squeeze %dma_start3A_154 : memref<1x8x128xf32, #tpu.memory_space<vmem>> -> memref<8x128xf32, #tpu.memory_space<vmem>>
    %dma_start3A_156 = arith.constant 0 : i32
    %dma_start3A_157 = arith.constant 0 : i32
    %dma_start3A_158 = tpu.memref_slice %arg3[%dma_start3A_141, %dma_start3A_142, %add3A, %dma_start3A_156, %dma_start3A_157] : memref<2x8x32x8x128xf32, #tpu.memory_space<hbm>> -> memref<1x1x1x8x128xf32, #tpu.memory_space<hbm>>
    %dma_start3A_159 = tpu.memref_squeeze %dma_start3A_158 : memref<1x1x1x8x128xf32, #tpu.memory_space<hbm>> -> memref<8x128xf32, #tpu.memory_space<hbm>>
    tpu.enqueue_dma source(%dma_start3A_159 : memref<8x128xf32, #tpu.memory_space<hbm>>) target(%dma_start3A_155 : memref<8x128xf32, #tpu.memory_space<vmem>>) target_semaphore(%arg18 : memref<!tpu.dma_semaphore, #tpu.memory_space<semaphore_mem>>)
    %dma_start3A_160 = arith.constant 0 : i32
    %dma_start3A_161 = arith.constant 4 : i32
    %dma_start3A_162 = arith.constant 0 : i32
    %dma_start3A_163 = arith.constant 32 : i32
    %dma_start3A_164 = arith.constant 0 : i32
    %dma_start3A_165 = tpu.memref_slice %arg12[%dma_start3A_162, %dma_start3A_163, %dma_start3A_164] : memref<2x64x128xf32, #tpu.memory_space<vmem>> -> memref<1x8x128xf32, #tpu.memory_space<vmem>>
    %dma_start3A_166 = tpu.memref_squeeze %dma_start3A_165 : memref<1x8x128xf32, #tpu.memory_space<vmem>> -> memref<8x128xf32, #tpu.memory_space<vmem>>
    %dma_start3A_167 = arith.constant 0 : i32
    %dma_start3A_168 = arith.constant 0 : i32
    %dma_start3A_169 = tpu.memref_slice %arg2[%dma_start3A_160, %dma_start3A_161, %add3A, %dma_start3A_167, %dma_start3A_168] : memref<2x8x32x8x128xf32, #tpu.memory_space<hbm>> -> memref<1x1x1x8x128xf32, #tpu.memory_space<hbm>>
    %dma_start3A_170 = tpu.memref_squeeze %dma_start3A_169 : memref<1x1x1x8x128xf32, #tpu.memory_space<hbm>> -> memref<8x128xf32, #tpu.memory_space<hbm>>
    %dma_start3A_171 = arith.constant 32 : i32
    %dma_start3A_172 = arith.constant 0 : i32
    %dma_start3A_173 = tpu.memref_slice %arg12[%dma_start3A_162, %dma_start3A_171, %dma_start3A_172] : memref<2x64x128xf32, #tpu.memory_space<vmem>> -> memref<1x8x128xf32, #tpu.memory_space<vmem>>
    %dma_start3A_174 = tpu.memref_squeeze %dma_start3A_173 : memref<1x8x128xf32, #tpu.memory_space<vmem>> -> memref<8x128xf32, #tpu.memory_space<vmem>>
    %dma_start3A_175 = arith.constant 0 : i32
    %dma_start3A_176 = arith.constant 0 : i32
    %dma_start3A_177 = tpu.memref_slice %arg2[%dma_start3A_160, %dma_start3A_161, %add3A, %dma_start3A_175, %dma_start3A_176] : memref<2x8x32x8x128xf32, #tpu.memory_space<hbm>> -> memref<1x1x1x8x128xf32, #tpu.memory_space<hbm>>
    %dma_start3A_178 = tpu.memref_squeeze %dma_start3A_177 : memref<1x1x1x8x128xf32, #tpu.memory_space<hbm>> -> memref<8x128xf32, #tpu.memory_space<hbm>>
    tpu.enqueue_dma source(%dma_start3A_178 : memref<8x128xf32, #tpu.memory_space<hbm>>) target(%dma_start3A_174 : memref<8x128xf32, #tpu.memory_space<vmem>>) target_semaphore(%arg18 : memref<!tpu.dma_semaphore, #tpu.memory_space<semaphore_mem>>)
    %dma_start3A_179 = arith.constant 0 : i32
    %dma_start3A_180 = arith.constant 4 : i32
    %dma_start3A_181 = arith.constant 0 : i32
    %dma_start3A_182 = arith.constant 32 : i32
    %dma_start3A_183 = arith.constant 0 : i32
    %dma_start3A_184 = tpu.memref_slice %arg13[%dma_start3A_181, %dma_start3A_182, %dma_start3A_183] : memref<2x64x128xf32, #tpu.memory_space<vmem>> -> memref<1x8x128xf32, #tpu.memory_space<vmem>>
    %dma_start3A_185 = tpu.memref_squeeze %dma_start3A_184 : memref<1x8x128xf32, #tpu.memory_space<vmem>> -> memref<8x128xf32, #tpu.memory_space<vmem>>
    %dma_start3A_186 = arith.constant 0 : i32
    %dma_start3A_187 = arith.constant 0 : i32
    %dma_start3A_188 = tpu.memref_slice %arg3[%dma_start3A_179, %dma_start3A_180, %add3A, %dma_start3A_186, %dma_start3A_187] : memref<2x8x32x8x128xf32, #tpu.memory_space<hbm>> -> memref<1x1x1x8x128xf32, #tpu.memory_space<hbm>>
    %dma_start3A_189 = tpu.memref_squeeze %dma_start3A_188 : memref<1x1x1x8x128xf32, #tpu.memory_space<hbm>> -> memref<8x128xf32, #tpu.memory_space<hbm>>
    %dma_start3A_190 = arith.constant 32 : i32
    %dma_start3A_191 = arith.constant 0 : i32
    %dma_start3A_192 = tpu.memref_slice %arg13[%dma_start3A_181, %dma_start3A_190, %dma_start3A_191] : memref<2x64x128xf32, #tpu.memory_space<vmem>> -> memref<1x8x128xf32, #tpu.memory_space<vmem>>
    %dma_start3A_193 = tpu.memref_squeeze %dma_start3A_192 : memref<1x8x128xf32, #tpu.memory_space<vmem>> -> memref<8x128xf32, #tpu.memory_space<vmem>>
    %dma_start3A_194 = arith.constant 0 : i32
    %dma_start3A_195 = arith.constant 0 : i32
    %dma_start3A_196 = tpu.memref_slice %arg3[%dma_start3A_179, %dma_start3A_180, %add3A, %dma_start3A_194, %dma_start3A_195] : memref<2x8x32x8x128xf32, #tpu.memory_space<hbm>> -> memref<1x1x1x8x128xf32, #tpu.memory_space<hbm>>
    %dma_start3A_197 = tpu.memref_squeeze %dma_start3A_196 : memref<1x1x1x8x128xf32, #tpu.memory_space<hbm>> -> memref<8x128xf32, #tpu.memory_space<hbm>>
    tpu.enqueue_dma source(%dma_start3A_197 : memref<8x128xf32, #tpu.memory_space<hbm>>) target(%dma_start3A_193 : memref<8x128xf32, #tpu.memory_space<vmem>>) target_semaphore(%arg18 : memref<!tpu.dma_semaphore, #tpu.memory_space<semaphore_mem>>)
    %dma_start3A_198 = arith.constant 0 : i32
    %dma_start3A_199 = arith.constant 5 : i32
    %dma_start3A_200 = arith.constant 0 : i32
    %dma_start3A_201 = arith.constant 40 : i32
    %dma_start3A_202 = arith.constant 0 : i32
    %dma_start3A_203 = tpu.memref_slice %arg12[%dma_start3A_200, %dma_start3A_201, %dma_start3A_202] : memref<2x64x128xf32, #tpu.memory_space<vmem>> -> memref<1x8x128xf32, #tpu.memory_space<vmem>>
    %dma_start3A_204 = tpu.memref_squeeze %dma_start3A_203 : memref<1x8x128xf32, #tpu.memory_space<vmem>> -> memref<8x128xf32, #tpu.memory_space<vmem>>
    %dma_start3A_205 = arith.constant 0 : i32
    %dma_start3A_206 = arith.constant 0 : i32
    %dma_start3A_207 = tpu.memref_slice %arg2[%dma_start3A_198, %dma_start3A_199, %add3A, %dma_start3A_205, %dma_start3A_206] : memref<2x8x32x8x128xf32, #tpu.memory_space<hbm>> -> memref<1x1x1x8x128xf32, #tpu.memory_space<hbm>>
    %dma_start3A_208 = tpu.memref_squeeze %dma_start3A_207 : memref<1x1x1x8x128xf32, #tpu.memory_space<hbm>> -> memref<8x128xf32, #tpu.memory_space<hbm>>
    %dma_start3A_209 = arith.constant 40 : i32
    %dma_start3A_210 = arith.constant 0 : i32
    %dma_start3A_211 = tpu.memref_slice %arg12[%dma_start3A_200, %dma_start3A_209, %dma_start3A_210] : memref<2x64x128xf32, #tpu.memory_space<vmem>> -> memref<1x8x128xf32, #tpu.memory_space<vmem>>
    %dma_start3A_212 = tpu.memref_squeeze %dma_start3A_211 : memref<1x8x128xf32, #tpu.memory_space<vmem>> -> memref<8x128xf32, #tpu.memory_space<vmem>>
    %dma_start3A_213 = arith.constant 0 : i32
    %dma_start3A_214 = arith.constant 0 : i32
    %dma_start3A_215 = tpu.memref_slice %arg2[%dma_start3A_198, %dma_start3A_199, %add3A, %dma_start3A_213, %dma_start3A_214] : memref<2x8x32x8x128xf32, #tpu.memory_space<hbm>> -> memref<1x1x1x8x128xf32, #tpu.memory_space<hbm>>
    %dma_start3A_216 = tpu.memref_squeeze %dma_start3A_215 : memref<1x1x1x8x128xf32, #tpu.memory_space<hbm>> -> memref<8x128xf32, #tpu.memory_space<hbm>>
    tpu.enqueue_dma source(%dma_start3A_216 : memref<8x128xf32, #tpu.memory_space<hbm>>) target(%dma_start3A_212 : memref<8x128xf32, #tpu.memory_space<vmem>>) target_semaphore(%arg18 : memref<!tpu.dma_semaphore, #tpu.memory_space<semaphore_mem>>)
    %dma_start3A_217 = arith.constant 0 : i32
    %dma_start3A_218 = arith.constant 5 : i32
    %dma_start3A_219 = arith.constant 0 : i32
    %dma_start3A_220 = arith.constant 40 : i32
    %dma_start3A_221 = arith.constant 0 : i32
    %dma_start3A_222 = tpu.memref_slice %arg13[%dma_start3A_219, %dma_start3A_220, %dma_start3A_221] : memref<2x64x128xf32, #tpu.memory_space<vmem>> -> memref<1x8x128xf32, #tpu.memory_space<vmem>>
    %dma_start3A_223 = tpu.memref_squeeze %dma_start3A_222 : memref<1x8x128xf32, #tpu.memory_space<vmem>> -> memref<8x128xf32, #tpu.memory_space<vmem>>
    %dma_start3A_224 = arith.constant 0 : i32
    %dma_start3A_225 = arith.constant 0 : i32
    %dma_start3A_226 = tpu.memref_slice %arg3[%dma_start3A_217, %dma_start3A_218, %add3A, %dma_start3A_224, %dma_start3A_225] : memref<2x8x32x8x128xf32, #tpu.memory_space<hbm>> -> memref<1x1x1x8x128xf32, #tpu.memory_space<hbm>>
    %dma_start3A_227 = tpu.memref_squeeze %dma_start3A_226 : memref<1x1x1x8x128xf32, #tpu.memory_space<hbm>> -> memref<8x128xf32, #tpu.memory_space<hbm>>
    %dma_start3A_228 = arith.constant 40 : i32
    %dma_start3A_229 = arith.constant 0 : i32
    %dma_start3A_230 = tpu.memref_slice %arg13[%dma_start3A_219, %dma_start3A_228, %dma_start3A_229] : memref<2x64x128xf32, #tpu.memory_space<vmem>> -> memref<1x8x128xf32, #tpu.memory_space<vmem>>
    %dma_start3A_231 = tpu.memref_squeeze %dma_start3A_230 : memref<1x8x128xf32, #tpu.memory_space<vmem>> -> memref<8x128xf32, #tpu.memory_space<vmem>>
    %dma_start3A_232 = arith.constant 0 : i32
    %dma_start3A_233 = arith.constant 0 : i32
    %dma_start3A_234 = tpu.memref_slice %arg3[%dma_start3A_217, %dma_start3A_218, %add3A, %dma_start3A_232, %dma_start3A_233] : memref<2x8x32x8x128xf32, #tpu.memory_space<hbm>> -> memref<1x1x1x8x128xf32, #tpu.memory_space<hbm>>
    %dma_start3A_235 = tpu.memref_squeeze %dma_start3A_234 : memref<1x1x1x8x128xf32, #tpu.memory_space<hbm>> -> memref<8x128xf32, #tpu.memory_space<hbm>>
    tpu.enqueue_dma source(%dma_start3A_235 : memref<8x128xf32, #tpu.memory_space<hbm>>) target(%dma_start3A_231 : memref<8x128xf32, #tpu.memory_space<vmem>>) target_semaphore(%arg18 : memref<!tpu.dma_semaphore, #tpu.memory_space<semaphore_mem>>)
    %dma_start3A_236 = arith.constant 0 : i32
    %dma_start3A_237 = arith.constant 6 : i32
    %dma_start3A_238 = arith.constant 0 : i32
    %dma_start3A_239 = arith.constant 48 : i32
    %dma_start3A_240 = arith.constant 0 : i32
    %dma_start3A_241 = tpu.memref_slice %arg12[%dma_start3A_238, %dma_start3A_239, %dma_start3A_240] : memref<2x64x128xf32, #tpu.memory_space<vmem>> -> memref<1x8x128xf32, #tpu.memory_space<vmem>>
    %dma_start3A_242 = tpu.memref_squeeze %dma_start3A_241 : memref<1x8x128xf32, #tpu.memory_space<vmem>> -> memref<8x128xf32, #tpu.memory_space<vmem>>
    %dma_start3A_243 = arith.constant 0 : i32
    %dma_start3A_244 = arith.constant 0 : i32
    %dma_start3A_245 = tpu.memref_slice %arg2[%dma_start3A_236, %dma_start3A_237, %add3A, %dma_start3A_243, %dma_start3A_244] : memref<2x8x32x8x128xf32, #tpu.memory_space<hbm>> -> memref<1x1x1x8x128xf32, #tpu.memory_space<hbm>>
    %dma_start3A_246 = tpu.memref_squeeze %dma_start3A_245 : memref<1x1x1x8x128xf32, #tpu.memory_space<hbm>> -> memref<8x128xf32, #tpu.memory_space<hbm>>
    %dma_start3A_247 = arith.constant 48 : i32
    %dma_start3A_248 = arith.constant 0 : i32
    %dma_start3A_249 = tpu.memref_slice %arg12[%dma_start3A_238, %dma_start3A_247, %dma_start3A_248] : memref<2x64x128xf32, #tpu.memory_space<vmem>> -> memref<1x8x128xf32, #tpu.memory_space<vmem>>
    %dma_start3A_250 = tpu.memref_squeeze %dma_start3A_249 : memref<1x8x128xf32, #tpu.memory_space<vmem>> -> memref<8x128xf32, #tpu.memory_space<vmem>>
    %dma_start3A_251 = arith.constant 0 : i32
    %dma_start3A_252 = arith.constant 0 : i32
    %dma_start3A_253 = tpu.memref_slice %arg2[%dma_start3A_236, %dma_start3A_237, %add3A, %dma_start3A_251, %dma_start3A_252] : memref<2x8x32x8x128xf32, #tpu.memory_space<hbm>> -> memref<1x1x1x8x128xf32, #tpu.memory_space<hbm>>
    %dma_start3A_254 = tpu.memref_squeeze %dma_start3A_253 : memref<1x1x1x8x128xf32, #tpu.memory_space<hbm>> -> memref<8x128xf32, #tpu.memory_space<hbm>>
    tpu.enqueue_dma source(%dma_start3A_254 : memref<8x128xf32, #tpu.memory_space<hbm>>) target(%dma_start3A_250 : memref<8x128xf32, #tpu.memory_space<vmem>>) target_semaphore(%arg18 : memref<!tpu.dma_semaphore, #tpu.memory_space<semaphore_mem>>)
    %dma_start3A_255 = arith.constant 0 : i32
    %dma_start3A_256 = arith.constant 6 : i32
    %dma_start3A_257 = arith.constant 0 : i32
    %dma_start3A_258 = arith.constant 48 : i32
    %dma_start3A_259 = arith.constant 0 : i32
    %dma_start3A_260 = tpu.memref_slice %arg13[%dma_start3A_257, %dma_start3A_258, %dma_start3A_259] : memref<2x64x128xf32, #tpu.memory_space<vmem>> -> memref<1x8x128xf32, #tpu.memory_space<vmem>>
    %dma_start3A_261 = tpu.memref_squeeze %dma_start3A_260 : memref<1x8x128xf32, #tpu.memory_space<vmem>> -> memref<8x128xf32, #tpu.memory_space<vmem>>
    %dma_start3A_262 = arith.constant 0 : i32
    %dma_start3A_263 = arith.constant 0 : i32
    %dma_start3A_264 = tpu.memref_slice %arg3[%dma_start3A_255, %dma_start3A_256, %add3A, %dma_start3A_262, %dma_start3A_263] : memref<2x8x32x8x128xf32, #tpu.memory_space<hbm>> -> memref<1x1x1x8x128xf32, #tpu.memory_space<hbm>>
    %dma_start3A_265 = tpu.memref_squeeze %dma_start3A_264 : memref<1x1x1x8x128xf32, #tpu.memory_space<hbm>> -> memref<8x128xf32, #tpu.memory_space<hbm>>
    %dma_start3A_266 = arith.constant 48 : i32
    %dma_start3A_267 = arith.constant 0 : i32
    %dma_start3A_268 = tpu.memref_slice %arg13[%dma_start3A_257, %dma_start3A_266, %dma_start3A_267] : memref<2x64x128xf32, #tpu.memory_space<vmem>> -> memref<1x8x128xf32, #tpu.memory_space<vmem>>
    %dma_start3A_269 = tpu.memref_squeeze %dma_start3A_268 : memref<1x8x128xf32, #tpu.memory_space<vmem>> -> memref<8x128xf32, #tpu.memory_space<vmem>>
    %dma_start3A_270 = arith.constant 0 : i32
    %dma_start3A_271 = arith.constant 0 : i32
    %dma_start3A_272 = tpu.memref_slice %arg3[%dma_start3A_255, %dma_start3A_256, %add3A, %dma_start3A_270, %dma_start3A_271] : memref<2x8x32x8x128xf32, #tpu.memory_space<hbm>> -> memref<1x1x1x8x128xf32, #tpu.memory_space<hbm>>
    %dma_start3A_273 = tpu.memref_squeeze %dma_start3A_272 : memref<1x1x1x8x128xf32, #tpu.memory_space<hbm>> -> memref<8x128xf32, #tpu.memory_space<hbm>>
    tpu.enqueue_dma source(%dma_start3A_273 : memref<8x128xf32, #tpu.memory_space<hbm>>) target(%dma_start3A_269 : memref<8x128xf32, #tpu.memory_space<vmem>>) target_semaphore(%arg18 : memref<!tpu.dma_semaphore, #tpu.memory_space<semaphore_mem>>)
    %dma_start3A_274 = arith.constant 0 : i32
    %dma_start3A_275 = arith.constant 7 : i32
    %dma_start3A_276 = arith.constant 0 : i32
    %dma_start3A_277 = arith.constant 56 : i32
    %dma_start3A_278 = arith.constant 0 : i32
    %dma_start3A_279 = tpu.memref_slice %arg12[%dma_start3A_276, %dma_start3A_277, %dma_start3A_278] : memref<2x64x128xf32, #tpu.memory_space<vmem>> -> memref<1x8x128xf32, #tpu.memory_space<vmem>>
    %dma_start3A_280 = tpu.memref_squeeze %dma_start3A_279 : memref<1x8x128xf32, #tpu.memory_space<vmem>> -> memref<8x128xf32, #tpu.memory_space<vmem>>
    %dma_start3A_281 = arith.constant 0 : i32
    %dma_start3A_282 = arith.constant 0 : i32
    %dma_start3A_283 = tpu.memref_slice %arg2[%dma_start3A_274, %dma_start3A_275, %add3A, %dma_start3A_281, %dma_start3A_282] : memref<2x8x32x8x128xf32, #tpu.memory_space<hbm>> -> memref<1x1x1x8x128xf32, #tpu.memory_space<hbm>>
    %dma_start3A_284 = tpu.memref_squeeze %dma_start3A_283 : memref<1x1x1x8x128xf32, #tpu.memory_space<hbm>> -> memref<8x128xf32, #tpu.memory_space<hbm>>
    %dma_start3A_285 = arith.constant 56 : i32
    %dma_start3A_286 = arith.constant 0 : i32
    %dma_start3A_287 = tpu.memref_slice %arg12[%dma_start3A_276, %dma_start3A_285, %dma_start3A_286] : memref<2x64x128xf32, #tpu.memory_space<vmem>> -> memref<1x8x128xf32, #tpu.memory_space<vmem>>
    %dma_start3A_288 = tpu.memref_squeeze %dma_start3A_287 : memref<1x8x128xf32, #tpu.memory_space<vmem>> -> memref<8x128xf32, #tpu.memory_space<vmem>>
    %dma_start3A_289 = arith.constant 0 : i32
    %dma_start3A_290 = arith.constant 0 : i32
    %dma_start3A_291 = tpu.memref_slice %arg2[%dma_start3A_274, %dma_start3A_275, %add3A, %dma_start3A_289, %dma_start3A_290] : memref<2x8x32x8x128xf32, #tpu.memory_space<hbm>> -> memref<1x1x1x8x128xf32, #tpu.memory_space<hbm>>
    %dma_start3A_292 = tpu.memref_squeeze %dma_start3A_291 : memref<1x1x1x8x128xf32, #tpu.memory_space<hbm>> -> memref<8x128xf32, #tpu.memory_space<hbm>>
    tpu.enqueue_dma source(%dma_start3A_292 : memref<8x128xf32, #tpu.memory_space<hbm>>) target(%dma_start3A_288 : memref<8x128xf32, #tpu.memory_space<vmem>>) target_semaphore(%arg18 : memref<!tpu.dma_semaphore, #tpu.memory_space<semaphore_mem>>)
    %dma_start3A_293 = arith.constant 0 : i32
    %dma_start3A_294 = arith.constant 7 : i32
    %dma_start3A_295 = arith.constant 0 : i32
    %dma_start3A_296 = arith.constant 56 : i32
    %dma_start3A_297 = arith.constant 0 : i32
    %dma_start3A_298 = tpu.memref_slice %arg13[%dma_start3A_295, %dma_start3A_296, %dma_start3A_297] : memref<2x64x128xf32, #tpu.memory_space<vmem>> -> memref<1x8x128xf32, #tpu.memory_space<vmem>>
    %dma_start3A_299 = tpu.memref_squeeze %dma_start3A_298 : memref<1x8x128xf32, #tpu.memory_space<vmem>> -> memref<8x128xf32, #tpu.memory_space<vmem>>
    %dma_start3A_300 = arith.constant 0 : i32
    %dma_start3A_301 = arith.constant 0 : i32
    %dma_start3A_302 = tpu.memref_slice %arg3[%dma_start3A_293, %dma_start3A_294, %add3A, %dma_start3A_300, %dma_start3A_301] : memref<2x8x32x8x128xf32, #tpu.memory_space<hbm>> -> memref<1x1x1x8x128xf32, #tpu.memory_space<hbm>>
    %dma_start3A_303 = tpu.memref_squeeze %dma_start3A_302 : memref<1x1x1x8x128xf32, #tpu.memory_space<hbm>> -> memref<8x128xf32, #tpu.memory_space<hbm>>
    %dma_start3A_304 = arith.constant 56 : i32
    %dma_start3A_305 = arith.constant 0 : i32
    %dma_start3A_306 = tpu.memref_slice %arg13[%dma_start3A_295, %dma_start3A_304, %dma_start3A_305] : memref<2x64x128xf32, #tpu.memory_space<vmem>> -> memref<1x8x128xf32, #tpu.memory_space<vmem>>
    %dma_start3A_307 = tpu.memref_squeeze %dma_start3A_306 : memref<1x8x128xf32, #tpu.memory_space<vmem>> -> memref<8x128xf32, #tpu.memory_space<vmem>>
    %dma_start3A_308 = arith.constant 0 : i32
    %dma_start3A_309 = arith.constant 0 : i32
    %dma_start3A_310 = tpu.memref_slice %arg3[%dma_start3A_293, %dma_start3A_294, %add3A, %dma_start3A_308, %dma_start3A_309] : memref<2x8x32x8x128xf32, #tpu.memory_space<hbm>> -> memref<1x1x1x8x128xf32, #tpu.memory_space<hbm>>
    %dma_start3A_311 = tpu.memref_squeeze %dma_start3A_310 : memref<1x1x1x8x128xf32, #tpu.memory_space<hbm>> -> memref<8x128xf32, #tpu.memory_space<hbm>>
    tpu.enqueue_dma source(%dma_start3A_311 : memref<8x128xf32, #tpu.memory_space<hbm>>) target(%dma_start3A_307 : memref<8x128xf32, #tpu.memory_space<vmem>>) target_semaphore(%arg18 : memref<!tpu.dma_semaphore, #tpu.memory_space<semaphore_mem>>)
    %dma_start3A_312 = arith.constant 1 : i32
    %dma_start3A_313 = arith.constant 0 : i32
    %dma_start3A_314 = arith.constant 1 : i32
    %dma_start3A_315 = arith.constant 0 : i32
    %dma_start3A_316 = arith.constant 0 : i32
    %dma_start3A_317 = tpu.memref_slice %arg12[%dma_start3A_314, %dma_start3A_315, %dma_start3A_316] : memref<2x64x128xf32, #tpu.memory_space<vmem>> -> memref<1x8x128xf32, #tpu.memory_space<vmem>>
    %dma_start3A_318 = tpu.memref_squeeze %dma_start3A_317 : memref<1x8x128xf32, #tpu.memory_space<vmem>> -> memref<8x128xf32, #tpu.memory_space<vmem>>
    %dma_start3A_319 = arith.constant 0 : i32
    %dma_start3A_320 = arith.constant 0 : i32
    %dma_start3A_321 = tpu.memref_slice %arg2[%dma_start3A_312, %dma_start3A_313, %add3A, %dma_start3A_319, %dma_start3A_320] : memref<2x8x32x8x128xf32, #tpu.memory_space<hbm>> -> memref<1x1x1x8x128xf32, #tpu.memory_space<hbm>>
    %dma_start3A_322 = tpu.memref_squeeze %dma_start3A_321 : memref<1x1x1x8x128xf32, #tpu.memory_space<hbm>> -> memref<8x128xf32, #tpu.memory_space<hbm>>
    %dma_start3A_323 = arith.constant 0 : i32
    %dma_start3A_324 = arith.constant 0 : i32
    %dma_start3A_325 = tpu.memref_slice %arg12[%dma_start3A_314, %dma_start3A_323, %dma_start3A_324] : memref<2x64x128xf32, #tpu.memory_space<vmem>> -> memref<1x8x128xf32, #tpu.memory_space<vmem>>
    %dma_start3A_326 = tpu.memref_squeeze %dma_start3A_325 : memref<1x8x128xf32, #tpu.memory_space<vmem>> -> memref<8x128xf32, #tpu.memory_space<vmem>>
    %dma_start3A_327 = arith.constant 0 : i32
    %dma_start3A_328 = arith.constant 0 : i32
    %dma_start3A_329 = tpu.memref_slice %arg2[%dma_start3A_312, %dma_start3A_313, %add3A, %dma_start3A_327, %dma_start3A_328] : memref<2x8x32x8x128xf32, #tpu.memory_space<hbm>> -> memref<1x1x1x8x128xf32, #tpu.memory_space<hbm>>
    %dma_start3A_330 = tpu.memref_squeeze %dma_start3A_329 : memref<1x1x1x8x128xf32, #tpu.memory_space<hbm>> -> memref<8x128xf32, #tpu.memory_space<hbm>>
    tpu.enqueue_dma source(%dma_start3A_330 : memref<8x128xf32, #tpu.memory_space<hbm>>) target(%dma_start3A_326 : memref<8x128xf32, #tpu.memory_space<vmem>>) target_semaphore(%arg18 : memref<!tpu.dma_semaphore, #tpu.memory_space<semaphore_mem>>)
    %dma_start3A_331 = arith.constant 1 : i32
    %dma_start3A_332 = arith.constant 0 : i32
    %dma_start3A_333 = arith.constant 1 : i32
    %dma_start3A_334 = arith.constant 0 : i32
    %dma_start3A_335 = arith.constant 0 : i32
    %dma_start3A_336 = tpu.memref_slice %arg13[%dma_start3A_333, %dma_start3A_334, %dma_start3A_335] : memref<2x64x128xf32, #tpu.memory_space<vmem>> -> memref<1x8x128xf32, #tpu.memory_space<vmem>>
    %dma_start3A_337 = tpu.memref_squeeze %dma_start3A_336 : memref<1x8x128xf32, #tpu.memory_space<vmem>> -> memref<8x128xf32, #tpu.memory_space<vmem>>
    %dma_start3A_338 = arith.constant 0 : i32
    %dma_start3A_339 = arith.constant 0 : i32
    %dma_start3A_340 = tpu.memref_slice %arg3[%dma_start3A_331, %dma_start3A_332, %add3A, %dma_start3A_338, %dma_start3A_339] : memref<2x8x32x8x128xf32, #tpu.memory_space<hbm>> -> memref<1x1x1x8x128xf32, #tpu.memory_space<hbm>>
    %dma_start3A_341 = tpu.memref_squeeze %dma_start3A_340 : memref<1x1x1x8x128xf32, #tpu.memory_space<hbm>> -> memref<8x128xf32, #tpu.memory_space<hbm>>
    %dma_start3A_342 = arith.constant 0 : i32
    %dma_start3A_343 = arith.constant 0 : i32
    %dma_start3A_344 = tpu.memref_slice %arg13[%dma_start3A_333, %dma_start3A_342, %dma_start3A_343] : memref<2x64x128xf32, #tpu.memory_space<vmem>> -> memref<1x8x128xf32, #tpu.memory_space<vmem>>
    %dma_start3A_345 = tpu.memref_squeeze %dma_start3A_344 : memref<1x8x128xf32, #tpu.memory_space<vmem>> -> memref<8x128xf32, #tpu.memory_space<vmem>>
    %dma_start3A_346 = arith.constant 0 : i32
    %dma_start3A_347 = arith.constant 0 : i32
    %dma_start3A_348 = tpu.memref_slice %arg3[%dma_start3A_331, %dma_start3A_332, %add3A, %dma_start3A_346, %dma_start3A_347] : memref<2x8x32x8x128xf32, #tpu.memory_space<hbm>> -> memref<1x1x1x8x128xf32, #tpu.memory_space<hbm>>
    %dma_start3A_349 = tpu.memref_squeeze %dma_start3A_348 : memref<1x1x1x8x128xf32, #tpu.memory_space<hbm>> -> memref<8x128xf32, #tpu.memory_space<hbm>>
    tpu.enqueue_dma source(%dma_start3A_349 : memref<8x128xf32, #tpu.memory_space<hbm>>) target(%dma_start3A_345 : memref<8x128xf32, #tpu.memory_space<vmem>>) target_semaphore(%arg18 : memref<!tpu.dma_semaphore, #tpu.memory_space<semaphore_mem>>)
    %dma_start3A_350 = arith.constant 1 : i32
    %dma_start3A_351 = arith.constant 1 : i32
    %dma_start3A_352 = arith.constant 1 : i32
    %dma_start3A_353 = arith.constant 8 : i32
    %dma_start3A_354 = arith.constant 0 : i32
    %dma_start3A_355 = tpu.memref_slice %arg12[%dma_start3A_352, %dma_start3A_353, %dma_start3A_354] : memref<2x64x128xf32, #tpu.memory_space<vmem>> -> memref<1x8x128xf32, #tpu.memory_space<vmem>>
    %dma_start3A_356 = tpu.memref_squeeze %dma_start3A_355 : memref<1x8x128xf32, #tpu.memory_space<vmem>> -> memref<8x128xf32, #tpu.memory_space<vmem>>
    %dma_start3A_357 = arith.constant 0 : i32
    %dma_start3A_358 = arith.constant 0 : i32
    %dma_start3A_359 = tpu.memref_slice %arg2[%dma_start3A_350, %dma_start3A_351, %add3A, %dma_start3A_357, %dma_start3A_358] : memref<2x8x32x8x128xf32, #tpu.memory_space<hbm>> -> memref<1x1x1x8x128xf32, #tpu.memory_space<hbm>>
    %dma_start3A_360 = tpu.memref_squeeze %dma_start3A_359 : memref<1x1x1x8x128xf32, #tpu.memory_space<hbm>> -> memref<8x128xf32, #tpu.memory_space<hbm>>
    %dma_start3A_361 = arith.constant 8 : i32
    %dma_start3A_362 = arith.constant 0 : i32
    %dma_start3A_363 = tpu.memref_slice %arg12[%dma_start3A_352, %dma_start3A_361, %dma_start3A_362] : memref<2x64x128xf32, #tpu.memory_space<vmem>> -> memref<1x8x128xf32, #tpu.memory_space<vmem>>
    %dma_start3A_364 = tpu.memref_squeeze %dma_start3A_363 : memref<1x8x128xf32, #tpu.memory_space<vmem>> -> memref<8x128xf32, #tpu.memory_space<vmem>>
    %dma_start3A_365 = arith.constant 0 : i32
    %dma_start3A_366 = arith.constant 0 : i32
    %dma_start3A_367 = tpu.memref_slice %arg2[%dma_start3A_350, %dma_start3A_351, %add3A, %dma_start3A_365, %dma_start3A_366] : memref<2x8x32x8x128xf32, #tpu.memory_space<hbm>> -> memref<1x1x1x8x128xf32, #tpu.memory_space<hbm>>
    %dma_start3A_368 = tpu.memref_squeeze %dma_start3A_367 : memref<1x1x1x8x128xf32, #tpu.memory_space<hbm>> -> memref<8x128xf32, #tpu.memory_space<hbm>>
    tpu.enqueue_dma source(%dma_start3A_368 : memref<8x128xf32, #tpu.memory_space<hbm>>) target(%dma_start3A_364 : memref<8x128xf32, #tpu.memory_space<vmem>>) target_semaphore(%arg18 : memref<!tpu.dma_semaphore, #tpu.memory_space<semaphore_mem>>)
    %dma_start3A_369 = arith.constant 1 : i32
    %dma_start3A_370 = arith.constant 1 : i32
    %dma_start3A_371 = arith.constant 1 : i32
    %dma_start3A_372 = arith.constant 8 : i32
    %dma_start3A_373 = arith.constant 0 : i32
    %dma_start3A_374 = tpu.memref_slice %arg13[%dma_start3A_371, %dma_start3A_372, %dma_start3A_373] : memref<2x64x128xf32, #tpu.memory_space<vmem>> -> memref<1x8x128xf32, #tpu.memory_space<vmem>>
    %dma_start3A_375 = tpu.memref_squeeze %dma_start3A_374 : memref<1x8x128xf32, #tpu.memory_space<vmem>> -> memref<8x128xf32, #tpu.memory_space<vmem>>
    %dma_start3A_376 = arith.constant 0 : i32
    %dma_start3A_377 = arith.constant 0 : i32
    %dma_start3A_378 = tpu.memref_slice %arg3[%dma_start3A_369, %dma_start3A_370, %add3A, %dma_start3A_376, %dma_start3A_377] : memref<2x8x32x8x128xf32, #tpu.memory_space<hbm>> -> memref<1x1x1x8x128xf32, #tpu.memory_space<hbm>>
    %dma_start3A_379 = tpu.memref_squeeze %dma_start3A_378 : memref<1x1x1x8x128xf32, #tpu.memory_space<hbm>> -> memref<8x128xf32, #tpu.memory_space<hbm>>
    %dma_start3A_380 = arith.constant 8 : i32
    %dma_start3A_381 = arith.constant 0 : i32
    %dma_start3A_382 = tpu.memref_slice %arg13[%dma_start3A_371, %dma_start3A_380, %dma_start3A_381] : memref<2x64x128xf32, #tpu.memory_space<vmem>> -> memref<1x8x128xf32, #tpu.memory_space<vmem>>
    %dma_start3A_383 = tpu.memref_squeeze %dma_start3A_382 : memref<1x8x128xf32, #tpu.memory_space<vmem>> -> memref<8x128xf32, #tpu.memory_space<vmem>>
    %dma_start3A_384 = arith.constant 0 : i32
    %dma_start3A_385 = arith.constant 0 : i32
    %dma_start3A_386 = tpu.memref_slice %arg3[%dma_start3A_369, %dma_start3A_370, %add3A, %dma_start3A_384, %dma_start3A_385] : memref<2x8x32x8x128xf32, #tpu.memory_space<hbm>> -> memref<1x1x1x8x128xf32, #tpu.memory_space<hbm>>
    %dma_start3A_387 = tpu.memref_squeeze %dma_start3A_386 : memref<1x1x1x8x128xf32, #tpu.memory_space<hbm>> -> memref<8x128xf32, #tpu.memory_space<hbm>>
    tpu.enqueue_dma source(%dma_start3A_387 : memref<8x128xf32, #tpu.memory_space<hbm>>) target(%dma_start3A_383 : memref<8x128xf32, #tpu.memory_space<vmem>>) target_semaphore(%arg18 : memref<!tpu.dma_semaphore, #tpu.memory_space<semaphore_mem>>)
    %dma_start3A_388 = arith.constant 1 : i32
    %dma_start3A_389 = arith.constant 2 : i32
    %dma_start3A_390 = arith.constant 1 : i32
    %dma_start3A_391 = arith.constant 16 : i32
    %dma_start3A_392 = arith.constant 0 : i32
    %dma_start3A_393 = tpu.memref_slice %arg12[%dma_start3A_390, %dma_start3A_391, %dma_start3A_392] : memref<2x64x128xf32, #tpu.memory_space<vmem>> -> memref<1x8x128xf32, #tpu.memory_space<vmem>>
    %dma_start3A_394 = tpu.memref_squeeze %dma_start3A_393 : memref<1x8x128xf32, #tpu.memory_space<vmem>> -> memref<8x128xf32, #tpu.memory_space<vmem>>
    %dma_start3A_395 = arith.constant 0 : i32
    %dma_start3A_396 = arith.constant 0 : i32
    %dma_start3A_397 = tpu.memref_slice %arg2[%dma_start3A_388, %dma_start3A_389, %add3A, %dma_start3A_395, %dma_start3A_396] : memref<2x8x32x8x128xf32, #tpu.memory_space<hbm>> -> memref<1x1x1x8x128xf32, #tpu.memory_space<hbm>>
    %dma_start3A_398 = tpu.memref_squeeze %dma_start3A_397 : memref<1x1x1x8x128xf32, #tpu.memory_space<hbm>> -> memref<8x128xf32, #tpu.memory_space<hbm>>
    %dma_start3A_399 = arith.constant 16 : i32
    %dma_start3A_400 = arith.constant 0 : i32
    %dma_start3A_401 = tpu.memref_slice %arg12[%dma_start3A_390, %dma_start3A_399, %dma_start3A_400] : memref<2x64x128xf32, #tpu.memory_space<vmem>> -> memref<1x8x128xf32, #tpu.memory_space<vmem>>
    %dma_start3A_402 = tpu.memref_squeeze %dma_start3A_401 : memref<1x8x128xf32, #tpu.memory_space<vmem>> -> memref<8x128xf32, #tpu.memory_space<vmem>>
    %dma_start3A_403 = arith.constant 0 : i32
    %dma_start3A_404 = arith.constant 0 : i32
    %dma_start3A_405 = tpu.memref_slice %arg2[%dma_start3A_388, %dma_start3A_389, %add3A, %dma_start3A_403, %dma_start3A_404] : memref<2x8x32x8x128xf32, #tpu.memory_space<hbm>> -> memref<1x1x1x8x128xf32, #tpu.memory_space<hbm>>
    %dma_start3A_406 = tpu.memref_squeeze %dma_start3A_405 : memref<1x1x1x8x128xf32, #tpu.memory_space<hbm>> -> memref<8x128xf32, #tpu.memory_space<hbm>>
    tpu.enqueue_dma source(%dma_start3A_406 : memref<8x128xf32, #tpu.memory_space<hbm>>) target(%dma_start3A_402 : memref<8x128xf32, #tpu.memory_space<vmem>>) target_semaphore(%arg18 : memref<!tpu.dma_semaphore, #tpu.memory_space<semaphore_mem>>)
    %dma_start3A_407 = arith.constant 1 : i32
    %dma_start3A_408 = arith.constant 2 : i32
    %dma_start3A_409 = arith.constant 1 : i32
    %dma_start3A_410 = arith.constant 16 : i32
    %dma_start3A_411 = arith.constant 0 : i32
    %dma_start3A_412 = tpu.memref_slice %arg13[%dma_start3A_409, %dma_start3A_410, %dma_start3A_411] : memref<2x64x128xf32, #tpu.memory_space<vmem>> -> memref<1x8x128xf32, #tpu.memory_space<vmem>>
    %dma_start3A_413 = tpu.memref_squeeze %dma_start3A_412 : memref<1x8x128xf32, #tpu.memory_space<vmem>> -> memref<8x128xf32, #tpu.memory_space<vmem>>
    %dma_start3A_414 = arith.constant 0 : i32
    %dma_start3A_415 = arith.constant 0 : i32
    %dma_start3A_416 = tpu.memref_slice %arg3[%dma_start3A_407, %dma_start3A_408, %add3A, %dma_start3A_414, %dma_start3A_415] : memref<2x8x32x8x128xf32, #tpu.memory_space<hbm>> -> memref<1x1x1x8x128xf32, #tpu.memory_space<hbm>>
    %dma_start3A_417 = tpu.memref_squeeze %dma_start3A_416 : memref<1x1x1x8x128xf32, #tpu.memory_space<hbm>> -> memref<8x128xf32, #tpu.memory_space<hbm>>
    %dma_start3A_418 = arith.constant 16 : i32
    %dma_start3A_419 = arith.constant 0 : i32
    %dma_start3A_420 = tpu.memref_slice %arg13[%dma_start3A_409, %dma_start3A_418, %dma_start3A_419] : memref<2x64x128xf32, #tpu.memory_space<vmem>> -> memref<1x8x128xf32, #tpu.memory_space<vmem>>
    %dma_start3A_421 = tpu.memref_squeeze %dma_start3A_420 : memref<1x8x128xf32, #tpu.memory_space<vmem>> -> memref<8x128xf32, #tpu.memory_space<vmem>>
    %dma_start3A_422 = arith.constant 0 : i32
    %dma_start3A_423 = arith.constant 0 : i32
    %dma_start3A_424 = tpu.memref_slice %arg3[%dma_start3A_407, %dma_start3A_408, %add3A, %dma_start3A_422, %dma_start3A_423] : memref<2x8x32x8x128xf32, #tpu.memory_space<hbm>> -> memref<1x1x1x8x128xf32, #tpu.memory_space<hbm>>
    %dma_start3A_425 = tpu.memref_squeeze %dma_start3A_424 : memref<1x1x1x8x128xf32, #tpu.memory_space<hbm>> -> memref<8x128xf32, #tpu.memory_space<hbm>>
    tpu.enqueue_dma source(%dma_start3A_425 : memref<8x128xf32, #tpu.memory_space<hbm>>) target(%dma_start3A_421 : memref<8x128xf32, #tpu.memory_space<vmem>>) target_semaphore(%arg18 : memref<!tpu.dma_semaphore, #tpu.memory_space<semaphore_mem>>)
    %dma_start3A_426 = arith.constant 1 : i32
    %dma_start3A_427 = arith.constant 3 : i32
    %dma_start3A_428 = arith.constant 1 : i32
    %dma_start3A_429 = arith.constant 24 : i32
    %dma_start3A_430 = arith.constant 0 : i32
    %dma_start3A_431 = tpu.memref_slice %arg12[%dma_start3A_428, %dma_start3A_429, %dma_start3A_430] : memref<2x64x128xf32, #tpu.memory_space<vmem>> -> memref<1x8x128xf32, #tpu.memory_space<vmem>>
    %dma_start3A_432 = tpu.memref_squeeze %dma_start3A_431 : memref<1x8x128xf32, #tpu.memory_space<vmem>> -> memref<8x128xf32, #tpu.memory_space<vmem>>
    %dma_start3A_433 = arith.constant 0 : i32
    %dma_start3A_434 = arith.constant 0 : i32
    %dma_start3A_435 = tpu.memref_slice %arg2[%dma_start3A_426, %dma_start3A_427, %add3A, %dma_start3A_433, %dma_start3A_434] : memref<2x8x32x8x128xf32, #tpu.memory_space<hbm>> -> memref<1x1x1x8x128xf32, #tpu.memory_space<hbm>>
    %dma_start3A_436 = tpu.memref_squeeze %dma_start3A_435 : memref<1x1x1x8x128xf32, #tpu.memory_space<hbm>> -> memref<8x128xf32, #tpu.memory_space<hbm>>
    %dma_start3A_437 = arith.constant 24 : i32
    %dma_start3A_438 = arith.constant 0 : i32
    %dma_start3A_439 = tpu.memref_slice %arg12[%dma_start3A_428, %dma_start3A_437, %dma_start3A_438] : memref<2x64x128xf32, #tpu.memory_space<vmem>> -> memref<1x8x128xf32, #tpu.memory_space<vmem>>
    %dma_start3A_440 = tpu.memref_squeeze %dma_start3A_439 : memref<1x8x128xf32, #tpu.memory_space<vmem>> -> memref<8x128xf32, #tpu.memory_space<vmem>>
    %dma_start3A_441 = arith.constant 0 : i32
    %dma_start3A_442 = arith.constant 0 : i32
    %dma_start3A_443 = tpu.memref_slice %arg2[%dma_start3A_426, %dma_start3A_427, %add3A, %dma_start3A_441, %dma_start3A_442] : memref<2x8x32x8x128xf32, #tpu.memory_space<hbm>> -> memref<1x1x1x8x128xf32, #tpu.memory_space<hbm>>
    %dma_start3A_444 = tpu.memref_squeeze %dma_start3A_443 : memref<1x1x1x8x128xf32, #tpu.memory_space<hbm>> -> memref<8x128xf32, #tpu.memory_space<hbm>>
    tpu.enqueue_dma source(%dma_start3A_444 : memref<8x128xf32, #tpu.memory_space<hbm>>) target(%dma_start3A_440 : memref<8x128xf32, #tpu.memory_space<vmem>>) target_semaphore(%arg18 : memref<!tpu.dma_semaphore, #tpu.memory_space<semaphore_mem>>)
    %dma_start3A_445 = arith.constant 1 : i32
    %dma_start3A_446 = arith.constant 3 : i32
    %dma_start3A_447 = arith.constant 1 : i32
    %dma_start3A_448 = arith.constant 24 : i32
    %dma_start3A_449 = arith.constant 0 : i32
    %dma_start3A_450 = tpu.memref_slice %arg13[%dma_start3A_447, %dma_start3A_448, %dma_start3A_449] : memref<2x64x128xf32, #tpu.memory_space<vmem>> -> memref<1x8x128xf32, #tpu.memory_space<vmem>>
    %dma_start3A_451 = tpu.memref_squeeze %dma_start3A_450 : memref<1x8x128xf32, #tpu.memory_space<vmem>> -> memref<8x128xf32, #tpu.memory_space<vmem>>
    %dma_start3A_452 = arith.constant 0 : i32
    %dma_start3A_453 = arith.constant 0 : i32
    %dma_start3A_454 = tpu.memref_slice %arg3[%dma_start3A_445, %dma_start3A_446, %add3A, %dma_start3A_452, %dma_start3A_453] : memref<2x8x32x8x128xf32, #tpu.memory_space<hbm>> -> memref<1x1x1x8x128xf32, #tpu.memory_space<hbm>>
    %dma_start3A_455 = tpu.memref_squeeze %dma_start3A_454 : memref<1x1x1x8x128xf32, #tpu.memory_space<hbm>> -> memref<8x128xf32, #tpu.memory_space<hbm>>
    %dma_start3A_456 = arith.constant 24 : i32
    %dma_start3A_457 = arith.constant 0 : i32
    %dma_start3A_458 = tpu.memref_slice %arg13[%dma_start3A_447, %dma_start3A_456, %dma_start3A_457] : memref<2x64x128xf32, #tpu.memory_space<vmem>> -> memref<1x8x128xf32, #tpu.memory_space<vmem>>
    %dma_start3A_459 = tpu.memref_squeeze %dma_start3A_458 : memref<1x8x128xf32, #tpu.memory_space<vmem>> -> memref<8x128xf32, #tpu.memory_space<vmem>>
    %dma_start3A_460 = arith.constant 0 : i32
    %dma_start3A_461 = arith.constant 0 : i32
    %dma_start3A_462 = tpu.memref_slice %arg3[%dma_start3A_445, %dma_start3A_446, %add3A, %dma_start3A_460, %dma_start3A_461] : memref<2x8x32x8x128xf32, #tpu.memory_space<hbm>> -> memref<1x1x1x8x128xf32, #tpu.memory_space<hbm>>
    %dma_start3A_463 = tpu.memref_squeeze %dma_start3A_462 : memref<1x1x1x8x128xf32, #tpu.memory_space<hbm>> -> memref<8x128xf32, #tpu.memory_space<hbm>>
    tpu.enqueue_dma source(%dma_start3A_463 : memref<8x128xf32, #tpu.memory_space<hbm>>) target(%dma_start3A_459 : memref<8x128xf32, #tpu.memory_space<vmem>>) target_semaphore(%arg18 : memref<!tpu.dma_semaphore, #tpu.memory_space<semaphore_mem>>)
    %dma_start3A_464 = arith.constant 1 : i32
    %dma_start3A_465 = arith.constant 4 : i32
    %dma_start3A_466 = arith.constant 1 : i32
    %dma_start3A_467 = arith.constant 32 : i32
    %dma_start3A_468 = arith.constant 0 : i32
    %dma_start3A_469 = tpu.memref_slice %arg12[%dma_start3A_466, %dma_start3A_467, %dma_start3A_468] : memref<2x64x128xf32, #tpu.memory_space<vmem>> -> memref<1x8x128xf32, #tpu.memory_space<vmem>>
    %dma_start3A_470 = tpu.memref_squeeze %dma_start3A_469 : memref<1x8x128xf32, #tpu.memory_space<vmem>> -> memref<8x128xf32, #tpu.memory_space<vmem>>
    %dma_start3A_471 = arith.constant 0 : i32
    %dma_start3A_472 = arith.constant 0 : i32
    %dma_start3A_473 = tpu.memref_slice %arg2[%dma_start3A_464, %dma_start3A_465, %add3A, %dma_start3A_471, %dma_start3A_472] : memref<2x8x32x8x128xf32, #tpu.memory_space<hbm>> -> memref<1x1x1x8x128xf32, #tpu.memory_space<hbm>>
    %dma_start3A_474 = tpu.memref_squeeze %dma_start3A_473 : memref<1x1x1x8x128xf32, #tpu.memory_space<hbm>> -> memref<8x128xf32, #tpu.memory_space<hbm>>
    %dma_start3A_475 = arith.constant 32 : i32
    %dma_start3A_476 = arith.constant 0 : i32
    %dma_start3A_477 = tpu.memref_slice %arg12[%dma_start3A_466, %dma_start3A_475, %dma_start3A_476] : memref<2x64x128xf32, #tpu.memory_space<vmem>> -> memref<1x8x128xf32, #tpu.memory_space<vmem>>
    %dma_start3A_478 = tpu.memref_squeeze %dma_start3A_477 : memref<1x8x128xf32, #tpu.memory_space<vmem>> -> memref<8x128xf32, #tpu.memory_space<vmem>>
    %dma_start3A_479 = arith.constant 0 : i32
    %dma_start3A_480 = arith.constant 0 : i32
    %dma_start3A_481 = tpu.memref_slice %arg2[%dma_start3A_464, %dma_start3A_465, %add3A, %dma_start3A_479, %dma_start3A_480] : memref<2x8x32x8x128xf32, #tpu.memory_space<hbm>> -> memref<1x1x1x8x128xf32, #tpu.memory_space<hbm>>
    %dma_start3A_482 = tpu.memref_squeeze %dma_start3A_481 : memref<1x1x1x8x128xf32, #tpu.memory_space<hbm>> -> memref<8x128xf32, #tpu.memory_space<hbm>>
    tpu.enqueue_dma source(%dma_start3A_482 : memref<8x128xf32, #tpu.memory_space<hbm>>) target(%dma_start3A_478 : memref<8x128xf32, #tpu.memory_space<vmem>>) target_semaphore(%arg18 : memref<!tpu.dma_semaphore, #tpu.memory_space<semaphore_mem>>)
    %dma_start3A_483 = arith.constant 1 : i32
    %dma_start3A_484 = arith.constant 4 : i32
    %dma_start3A_485 = arith.constant 1 : i32
    %dma_start3A_486 = arith.constant 32 : i32
    %dma_start3A_487 = arith.constant 0 : i32
    %dma_start3A_488 = tpu.memref_slice %arg13[%dma_start3A_485, %dma_start3A_486, %dma_start3A_487] : memref<2x64x128xf32, #tpu.memory_space<vmem>> -> memref<1x8x128xf32, #tpu.memory_space<vmem>>
    %dma_start3A_489 = tpu.memref_squeeze %dma_start3A_488 : memref<1x8x128xf32, #tpu.memory_space<vmem>> -> memref<8x128xf32, #tpu.memory_space<vmem>>
    %dma_start3A_490 = arith.constant 0 : i32
    %dma_start3A_491 = arith.constant 0 : i32
    %dma_start3A_492 = tpu.memref_slice %arg3[%dma_start3A_483, %dma_start3A_484, %add3A, %dma_start3A_490, %dma_start3A_491] : memref<2x8x32x8x128xf32, #tpu.memory_space<hbm>> -> memref<1x1x1x8x128xf32, #tpu.memory_space<hbm>>
    %dma_start3A_493 = tpu.memref_squeeze %dma_start3A_492 : memref<1x1x1x8x128xf32, #tpu.memory_space<hbm>> -> memref<8x128xf32, #tpu.memory_space<hbm>>
    %dma_start3A_494 = arith.constant 32 : i32
    %dma_start3A_495 = arith.constant 0 : i32
    %dma_start3A_496 = tpu.memref_slice %arg13[%dma_start3A_485, %dma_start3A_494, %dma_start3A_495] : memref<2x64x128xf32, #tpu.memory_space<vmem>> -> memref<1x8x128xf32, #tpu.memory_space<vmem>>
    %dma_start3A_497 = tpu.memref_squeeze %dma_start3A_496 : memref<1x8x128xf32, #tpu.memory_space<vmem>> -> memref<8x128xf32, #tpu.memory_space<vmem>>
    %dma_start3A_498 = arith.constant 0 : i32
    %dma_start3A_499 = arith.constant 0 : i32
    %dma_start3A_500 = tpu.memref_slice %arg3[%dma_start3A_483, %dma_start3A_484, %add3A, %dma_start3A_498, %dma_start3A_499] : memref<2x8x32x8x128xf32, #tpu.memory_space<hbm>> -> memref<1x1x1x8x128xf32, #tpu.memory_space<hbm>>
    %dma_start3A_501 = tpu.memref_squeeze %dma_start3A_500 : memref<1x1x1x8x128xf32, #tpu.memory_space<hbm>> -> memref<8x128xf32, #tpu.memory_space<hbm>>
    tpu.enqueue_dma source(%dma_start3A_501 : memref<8x128xf32, #tpu.memory_space<hbm>>) target(%dma_start3A_497 : memref<8x128xf32, #tpu.memory_space<vmem>>) target_semaphore(%arg18 : memref<!tpu.dma_semaphore, #tpu.memory_space<semaphore_mem>>)
    %dma_start3A_502 = arith.constant 1 : i32
    %dma_start3A_503 = arith.constant 5 : i32
    %dma_start3A_504 = arith.constant 1 : i32
    %dma_start3A_505 = arith.constant 40 : i32
    %dma_start3A_506 = arith.constant 0 : i32
    %dma_start3A_507 = tpu.memref_slice %arg12[%dma_start3A_504, %dma_start3A_505, %dma_start3A_506] : memref<2x64x128xf32, #tpu.memory_space<vmem>> -> memref<1x8x128xf32, #tpu.memory_space<vmem>>
    %dma_start3A_508 = tpu.memref_squeeze %dma_start3A_507 : memref<1x8x128xf32, #tpu.memory_space<vmem>> -> memref<8x128xf32, #tpu.memory_space<vmem>>
    %dma_start3A_509 = arith.constant 0 : i32
    %dma_start3A_510 = arith.constant 0 : i32
    %dma_start3A_511 = tpu.memref_slice %arg2[%dma_start3A_502, %dma_start3A_503, %add3A, %dma_start3A_509, %dma_start3A_510] : memref<2x8x32x8x128xf32, #tpu.memory_space<hbm>> -> memref<1x1x1x8x128xf32, #tpu.memory_space<hbm>>
    %dma_start3A_512 = tpu.memref_squeeze %dma_start3A_511 : memref<1x1x1x8x128xf32, #tpu.memory_space<hbm>> -> memref<8x128xf32, #tpu.memory_space<hbm>>
    %dma_start3A_513 = arith.constant 40 : i32
    %dma_start3A_514 = arith.constant 0 : i32
    %dma_start3A_515 = tpu.memref_slice %arg12[%dma_start3A_504, %dma_start3A_513, %dma_start3A_514] : memref<2x64x128xf32, #tpu.memory_space<vmem>> -> memref<1x8x128xf32, #tpu.memory_space<vmem>>
    %dma_start3A_516 = tpu.memref_squeeze %dma_start3A_515 : memref<1x8x128xf32, #tpu.memory_space<vmem>> -> memref<8x128xf32, #tpu.memory_space<vmem>>
    %dma_start3A_517 = arith.constant 0 : i32
    %dma_start3A_518 = arith.constant 0 : i32
    %dma_start3A_519 = tpu.memref_slice %arg2[%dma_start3A_502, %dma_start3A_503, %add3A, %dma_start3A_517, %dma_start3A_518] : memref<2x8x32x8x128xf32, #tpu.memory_space<hbm>> -> memref<1x1x1x8x128xf32, #tpu.memory_space<hbm>>
    %dma_start3A_520 = tpu.memref_squeeze %dma_start3A_519 : memref<1x1x1x8x128xf32, #tpu.memory_space<hbm>> -> memref<8x128xf32, #tpu.memory_space<hbm>>
    tpu.enqueue_dma source(%dma_start3A_520 : memref<8x128xf32, #tpu.memory_space<hbm>>) target(%dma_start3A_516 : memref<8x128xf32, #tpu.memory_space<vmem>>) target_semaphore(%arg18 : memref<!tpu.dma_semaphore, #tpu.memory_space<semaphore_mem>>)
    %dma_start3A_521 = arith.constant 1 : i32
    %dma_start3A_522 = arith.constant 5 : i32
    %dma_start3A_523 = arith.constant 1 : i32
    %dma_start3A_524 = arith.constant 40 : i32
    %dma_start3A_525 = arith.constant 0 : i32
    %dma_start3A_526 = tpu.memref_slice %arg13[%dma_start3A_523, %dma_start3A_524, %dma_start3A_525] : memref<2x64x128xf32, #tpu.memory_space<vmem>> -> memref<1x8x128xf32, #tpu.memory_space<vmem>>
    %dma_start3A_527 = tpu.memref_squeeze %dma_start3A_526 : memref<1x8x128xf32, #tpu.memory_space<vmem>> -> memref<8x128xf32, #tpu.memory_space<vmem>>
    %dma_start3A_528 = arith.constant 0 : i32
    %dma_start3A_529 = arith.constant 0 : i32
    %dma_start3A_530 = tpu.memref_slice %arg3[%dma_start3A_521, %dma_start3A_522, %add3A, %dma_start3A_528, %dma_start3A_529] : memref<2x8x32x8x128xf32, #tpu.memory_space<hbm>> -> memref<1x1x1x8x128xf32, #tpu.memory_space<hbm>>
    %dma_start3A_531 = tpu.memref_squeeze %dma_start3A_530 : memref<1x1x1x8x128xf32, #tpu.memory_space<hbm>> -> memref<8x128xf32, #tpu.memory_space<hbm>>
    %dma_start3A_532 = arith.constant 40 : i32
    %dma_start3A_533 = arith.constant 0 : i32
    %dma_start3A_534 = tpu.memref_slice %arg13[%dma_start3A_523, %dma_start3A_532, %dma_start3A_533] : memref<2x64x128xf32, #tpu.memory_space<vmem>> -> memref<1x8x128xf32, #tpu.memory_space<vmem>>
    %dma_start3A_535 = tpu.memref_squeeze %dma_start3A_534 : memref<1x8x128xf32, #tpu.memory_space<vmem>> -> memref<8x128xf32, #tpu.memory_space<vmem>>
    %dma_start3A_536 = arith.constant 0 : i32
    %dma_start3A_537 = arith.constant 0 : i32
    %dma_start3A_538 = tpu.memref_slice %arg3[%dma_start3A_521, %dma_start3A_522, %add3A, %dma_start3A_536, %dma_start3A_537] : memref<2x8x32x8x128xf32, #tpu.memory_space<hbm>> -> memref<1x1x1x8x128xf32, #tpu.memory_space<hbm>>
    %dma_start3A_539 = tpu.memref_squeeze %dma_start3A_538 : memref<1x1x1x8x128xf32, #tpu.memory_space<hbm>> -> memref<8x128xf32, #tpu.memory_space<hbm>>
    tpu.enqueue_dma source(%dma_start3A_539 : memref<8x128xf32, #tpu.memory_space<hbm>>) target(%dma_start3A_535 : memref<8x128xf32, #tpu.memory_space<vmem>>) target_semaphore(%arg18 : memref<!tpu.dma_semaphore, #tpu.memory_space<semaphore_mem>>)
    %dma_start3A_540 = arith.constant 1 : i32
    %dma_start3A_541 = arith.constant 6 : i32
    %dma_start3A_542 = arith.constant 1 : i32
    %dma_start3A_543 = arith.constant 48 : i32
    %dma_start3A_544 = arith.constant 0 : i32
    %dma_start3A_545 = tpu.memref_slice %arg12[%dma_start3A_542, %dma_start3A_543, %dma_start3A_544] : memref<2x64x128xf32, #tpu.memory_space<vmem>> -> memref<1x8x128xf32, #tpu.memory_space<vmem>>
    %dma_start3A_546 = tpu.memref_squeeze %dma_start3A_545 : memref<1x8x128xf32, #tpu.memory_space<vmem>> -> memref<8x128xf32, #tpu.memory_space<vmem>>
    %dma_start3A_547 = arith.constant 0 : i32
    %dma_start3A_548 = arith.constant 0 : i32
    %dma_start3A_549 = tpu.memref_slice %arg2[%dma_start3A_540, %dma_start3A_541, %add3A, %dma_start3A_547, %dma_start3A_548] : memref<2x8x32x8x128xf32, #tpu.memory_space<hbm>> -> memref<1x1x1x8x128xf32, #tpu.memory_space<hbm>>
    %dma_start3A_550 = tpu.memref_squeeze %dma_start3A_549 : memref<1x1x1x8x128xf32, #tpu.memory_space<hbm>> -> memref<8x128xf32, #tpu.memory_space<hbm>>
    %dma_start3A_551 = arith.constant 48 : i32
    %dma_start3A_552 = arith.constant 0 : i32
    %dma_start3A_553 = tpu.memref_slice %arg12[%dma_start3A_542, %dma_start3A_551, %dma_start3A_552] : memref<2x64x128xf32, #tpu.memory_space<vmem>> -> memref<1x8x128xf32, #tpu.memory_space<vmem>>
    %dma_start3A_554 = tpu.memref_squeeze %dma_start3A_553 : memref<1x8x128xf32, #tpu.memory_space<vmem>> -> memref<8x128xf32, #tpu.memory_space<vmem>>
    %dma_start3A_555 = arith.constant 0 : i32
    %dma_start3A_556 = arith.constant 0 : i32
    %dma_start3A_557 = tpu.memref_slice %arg2[%dma_start3A_540, %dma_start3A_541, %add3A, %dma_start3A_555, %dma_start3A_556] : memref<2x8x32x8x128xf32, #tpu.memory_space<hbm>> -> memref<1x1x1x8x128xf32, #tpu.memory_space<hbm>>
    %dma_start3A_558 = tpu.memref_squeeze %dma_start3A_557 : memref<1x1x1x8x128xf32, #tpu.memory_space<hbm>> -> memref<8x128xf32, #tpu.memory_space<hbm>>
    tpu.enqueue_dma source(%dma_start3A_558 : memref<8x128xf32, #tpu.memory_space<hbm>>) target(%dma_start3A_554 : memref<8x128xf32, #tpu.memory_space<vmem>>) target_semaphore(%arg18 : memref<!tpu.dma_semaphore, #tpu.memory_space<semaphore_mem>>)
    %dma_start3A_559 = arith.constant 1 : i32
    %dma_start3A_560 = arith.constant 6 : i32
    %dma_start3A_561 = arith.constant 1 : i32
    %dma_start3A_562 = arith.constant 48 : i32
    %dma_start3A_563 = arith.constant 0 : i32
    %dma_start3A_564 = tpu.memref_slice %arg13[%dma_start3A_561, %dma_start3A_562, %dma_start3A_563] : memref<2x64x128xf32, #tpu.memory_space<vmem>> -> memref<1x8x128xf32, #tpu.memory_space<vmem>>
    %dma_start3A_565 = tpu.memref_squeeze %dma_start3A_564 : memref<1x8x128xf32, #tpu.memory_space<vmem>> -> memref<8x128xf32, #tpu.memory_space<vmem>>
    %dma_start3A_566 = arith.constant 0 : i32
    %dma_start3A_567 = arith.constant 0 : i32
    %dma_start3A_568 = tpu.memref_slice %arg3[%dma_start3A_559, %dma_start3A_560, %add3A, %dma_start3A_566, %dma_start3A_567] : memref<2x8x32x8x128xf32, #tpu.memory_space<hbm>> -> memref<1x1x1x8x128xf32, #tpu.memory_space<hbm>>
    %dma_start3A_569 = tpu.memref_squeeze %dma_start3A_568 : memref<1x1x1x8x128xf32, #tpu.memory_space<hbm>> -> memref<8x128xf32, #tpu.memory_space<hbm>>
    %dma_start3A_570 = arith.constant 48 : i32
    %dma_start3A_571 = arith.constant 0 : i32
    %dma_start3A_572 = tpu.memref_slice %arg13[%dma_start3A_561, %dma_start3A_570, %dma_start3A_571] : memref<2x64x128xf32, #tpu.memory_space<vmem>> -> memref<1x8x128xf32, #tpu.memory_space<vmem>>
    %dma_start3A_573 = tpu.memref_squeeze %dma_start3A_572 : memref<1x8x128xf32, #tpu.memory_space<vmem>> -> memref<8x128xf32, #tpu.memory_space<vmem>>
    %dma_start3A_574 = arith.constant 0 : i32
    %dma_start3A_575 = arith.constant 0 : i32
    %dma_start3A_576 = tpu.memref_slice %arg3[%dma_start3A_559, %dma_start3A_560, %add3A, %dma_start3A_574, %dma_start3A_575] : memref<2x8x32x8x128xf32, #tpu.memory_space<hbm>> -> memref<1x1x1x8x128xf32, #tpu.memory_space<hbm>>
    %dma_start3A_577 = tpu.memref_squeeze %dma_start3A_576 : memref<1x1x1x8x128xf32, #tpu.memory_space<hbm>> -> memref<8x128xf32, #tpu.memory_space<hbm>>
    tpu.enqueue_dma source(%dma_start3A_577 : memref<8x128xf32, #tpu.memory_space<hbm>>) target(%dma_start3A_573 : memref<8x128xf32, #tpu.memory_space<vmem>>) target_semaphore(%arg18 : memref<!tpu.dma_semaphore, #tpu.memory_space<semaphore_mem>>)
    %dma_start3A_578 = arith.constant 1 : i32
    %dma_start3A_579 = arith.constant 7 : i32
    %dma_start3A_580 = arith.constant 1 : i32
    %dma_start3A_581 = arith.constant 56 : i32
    %dma_start3A_582 = arith.constant 0 : i32
    %dma_start3A_583 = tpu.memref_slice %arg12[%dma_start3A_580, %dma_start3A_581, %dma_start3A_582] : memref<2x64x128xf32, #tpu.memory_space<vmem>> -> memref<1x8x128xf32, #tpu.memory_space<vmem>>
    %dma_start3A_584 = tpu.memref_squeeze %dma_start3A_583 : memref<1x8x128xf32, #tpu.memory_space<vmem>> -> memref<8x128xf32, #tpu.memory_space<vmem>>
    %dma_start3A_585 = arith.constant 0 : i32
    %dma_start3A_586 = arith.constant 0 : i32
    %dma_start3A_587 = tpu.memref_slice %arg2[%dma_start3A_578, %dma_start3A_579, %add3A, %dma_start3A_585, %dma_start3A_586] : memref<2x8x32x8x128xf32, #tpu.memory_space<hbm>> -> memref<1x1x1x8x128xf32, #tpu.memory_space<hbm>>
    %dma_start3A_588 = tpu.memref_squeeze %dma_start3A_587 : memref<1x1x1x8x128xf32, #tpu.memory_space<hbm>> -> memref<8x128xf32, #tpu.memory_space<hbm>>
    %dma_start3A_589 = arith.constant 56 : i32
    %dma_start3A_590 = arith.constant 0 : i32
    %dma_start3A_591 = tpu.memref_slice %arg12[%dma_start3A_580, %dma_start3A_589, %dma_start3A_590] : memref<2x64x128xf32, #tpu.memory_space<vmem>> -> memref<1x8x128xf32, #tpu.memory_space<vmem>>
    %dma_start3A_592 = tpu.memref_squeeze %dma_start3A_591 : memref<1x8x128xf32, #tpu.memory_space<vmem>> -> memref<8x128xf32, #tpu.memory_space<vmem>>
    %dma_start3A_593 = arith.constant 0 : i32
    %dma_start3A_594 = arith.constant 0 : i32
    %dma_start3A_595 = tpu.memref_slice %arg2[%dma_start3A_578, %dma_start3A_579, %add3A, %dma_start3A_593, %dma_start3A_594] : memref<2x8x32x8x128xf32, #tpu.memory_space<hbm>> -> memref<1x1x1x8x128xf32, #tpu.memory_space<hbm>>
    %dma_start3A_596 = tpu.memref_squeeze %dma_start3A_595 : memref<1x1x1x8x128xf32, #tpu.memory_space<hbm>> -> memref<8x128xf32, #tpu.memory_space<hbm>>
    tpu.enqueue_dma source(%dma_start3A_596 : memref<8x128xf32, #tpu.memory_space<hbm>>) target(%dma_start3A_592 : memref<8x128xf32, #tpu.memory_space<vmem>>) target_semaphore(%arg18 : memref<!tpu.dma_semaphore, #tpu.memory_space<semaphore_mem>>)
    %dma_start3A_597 = arith.constant 1 : i32
    %dma_start3A_598 = arith.constant 7 : i32
    %dma_start3A_599 = arith.constant 1 : i32
    %dma_start3A_600 = arith.constant 56 : i32
    %dma_start3A_601 = arith.constant 0 : i32
    %dma_start3A_602 = tpu.memref_slice %arg13[%dma_start3A_599, %dma_start3A_600, %dma_start3A_601] : memref<2x64x128xf32, #tpu.memory_space<vmem>> -> memref<1x8x128xf32, #tpu.memory_space<vmem>>
    %dma_start3A_603 = tpu.memref_squeeze %dma_start3A_602 : memref<1x8x128xf32, #tpu.memory_space<vmem>> -> memref<8x128xf32, #tpu.memory_space<vmem>>
    %dma_start3A_604 = arith.constant 0 : i32
    %dma_start3A_605 = arith.constant 0 : i32
    %dma_start3A_606 = tpu.memref_slice %arg3[%dma_start3A_597, %dma_start3A_598, %add3A, %dma_start3A_604, %dma_start3A_605] : memref<2x8x32x8x128xf32, #tpu.memory_space<hbm>> -> memref<1x1x1x8x128xf32, #tpu.memory_space<hbm>>
    %dma_start3A_607 = tpu.memref_squeeze %dma_start3A_606 : memref<1x1x1x8x128xf32, #tpu.memory_space<hbm>> -> memref<8x128xf32, #tpu.memory_space<hbm>>
    %dma_start3A_608 = arith.constant 56 : i32
    %dma_start3A_609 = arith.constant 0 : i32
    %dma_start3A_610 = tpu.memref_slice %arg13[%dma_start3A_599, %dma_start3A_608, %dma_start3A_609] : memref<2x64x128xf32, #tpu.memory_space<vmem>> -> memref<1x8x128xf32, #tpu.memory_space<vmem>>
    %dma_start3A_611 = tpu.memref_squeeze %dma_start3A_610 : memref<1x8x128xf32, #tpu.memory_space<vmem>> -> memref<8x128xf32, #tpu.memory_space<vmem>>
    %dma_start3A_612 = arith.constant 0 : i32
    %dma_start3A_613 = arith.constant 0 : i32
    %dma_start3A_614 = tpu.memref_slice %arg3[%dma_start3A_597, %dma_start3A_598, %add3A, %dma_start3A_612, %dma_start3A_613] : memref<2x8x32x8x128xf32, #tpu.memory_space<hbm>> -> memref<1x1x1x8x128xf32, #tpu.memory_space<hbm>>
    %dma_start3A_615 = tpu.memref_squeeze %dma_start3A_614 : memref<1x1x1x8x128xf32, #tpu.memory_space<hbm>> -> memref<8x128xf32, #tpu.memory_space<hbm>>
    tpu.enqueue_dma source(%dma_start3A_615 : memref<8x128xf32, #tpu.memory_space<hbm>>) target(%dma_start3A_611 : memref<8x128xf32, #tpu.memory_space<vmem>>) target_semaphore(%arg18 : memref<!tpu.dma_semaphore, #tpu.memory_space<semaphore_mem>>)
    %dma_start3A_616 = tpu.memref_slice %arg6[%mul3A_2] : memref<4096xf32, #tpu.memory_space<hbm>> -> memref<128xf32, #tpu.memory_space<hbm>>
    %dma_start3A_617 = tpu.memref_slice %arg6[%mul3A_2] : memref<4096xf32, #tpu.memory_space<hbm>> -> memref<128xf32, #tpu.memory_space<hbm>>
    tpu.enqueue_dma source(%dma_start3A_617 : memref<128xf32, #tpu.memory_space<hbm>>) target(%arg14 : memref<128xf32, #tpu.memory_space<vmem>>) target_semaphore(%arg18 : memref<!tpu.dma_semaphore, #tpu.memory_space<semaphore_mem>>)
    %mul3A_618 = arith.constant 2 : i32
    %mul3A_619 = arith.muli %add3A, %mul3A_618 : i32
    %dma_start3A_620 = arith.constant 0 : i32
    %dma_start3A_621 = tpu.memref_slice %arg4[%mul3A_619, %dma_start3A_620] : memref<64x128xf32, #tpu.memory_space<hbm>> -> memref<2x128xf32, #tpu.memory_space<hbm>>
    %dma_start3A_622 = arith.constant 0 : i32
    %dma_start3A_623 = tpu.memref_slice %arg4[%mul3A_619, %dma_start3A_622] : memref<64x128xf32, #tpu.memory_space<hbm>> -> memref<2x128xf32, #tpu.memory_space<hbm>>
    tpu.enqueue_dma source(%dma_start3A_623 : memref<2x128xf32, #tpu.memory_space<hbm>>) target(%arg15 : memref<2x128xf32, #tpu.memory_space<vmem>>) target_semaphore(%arg18 : memref<!tpu.dma_semaphore, #tpu.memory_space<semaphore_mem>>)
    %dma_wait3A = arith.constant 0 : i32
    %dma_wait3A_624 = arith.constant 0 : i32
    %dma_wait3A_625 = arith.constant 0 : i32
    %dma_wait3A_626 = arith.constant 0 : i32
    %dma_wait3A_627 = arith.constant 0 : i32
    %dma_wait3A_628 = tpu.memref_slice %arg12[%dma_wait3A_625, %dma_wait3A_626, %dma_wait3A_627] : memref<2x64x128xf32, #tpu.memory_space<vmem>> -> memref<1x8x128xf32, #tpu.memory_space<vmem>>
    %dma_wait3A_629 = tpu.memref_squeeze %dma_wait3A_628 : memref<1x8x128xf32, #tpu.memory_space<vmem>> -> memref<8x128xf32, #tpu.memory_space<vmem>>
    %dma_wait3A_630 = arith.constant 0 : i32
    %dma_wait3A_631 = arith.constant 0 : i32
    %dma_wait3A_632 = tpu.memref_slice %arg2[%dma_wait3A, %dma_wait3A_624, %add3A, %dma_wait3A_630, %dma_wait3A_631] : memref<2x8x32x8x128xf32, #tpu.memory_space<hbm>> -> memref<1x1x1x8x128xf32, #tpu.memory_space<hbm>>
    %dma_wait3A_633 = tpu.memref_squeeze %dma_wait3A_632 : memref<1x1x1x8x128xf32, #tpu.memory_space<hbm>> -> memref<8x128xf32, #tpu.memory_space<hbm>>
    %dma_wait3A_634 = arith.constant 0 : i32
    %dma_wait3A_635 = arith.constant 0 : i32
    %dma_wait3A_636 = tpu.memref_slice %arg12[%dma_wait3A_625, %dma_wait3A_634, %dma_wait3A_635] : memref<2x64x128xf32, #tpu.memory_space<vmem>> -> memref<1x8x128xf32, #tpu.memory_space<vmem>>
    %dma_wait3A_637 = tpu.memref_squeeze %dma_wait3A_636 : memref<1x8x128xf32, #tpu.memory_space<vmem>> -> memref<8x128xf32, #tpu.memory_space<vmem>>
    %dma_wait3A_638 = arith.constant 0 : i32
    %dma_wait3A_639 = arith.constant 0 : i32
    %dma_wait3A_640 = tpu.memref_slice %arg2[%dma_wait3A, %dma_wait3A_624, %add3A, %dma_wait3A_638, %dma_wait3A_639] : memref<2x8x32x8x128xf32, #tpu.memory_space<hbm>> -> memref<1x1x1x8x128xf32, #tpu.memory_space<hbm>>
    %dma_wait3A_641 = tpu.memref_squeeze %dma_wait3A_640 : memref<1x1x1x8x128xf32, #tpu.memory_space<hbm>> -> memref<8x128xf32, #tpu.memory_space<hbm>>
    tpu.wait_dma2 semaphore(%arg18 : memref<!tpu.dma_semaphore, #tpu.memory_space<semaphore_mem>>) src(%dma_wait3A_641 : memref<8x128xf32, #tpu.memory_space<hbm>>) dst(%dma_wait3A_637 : memref<8x128xf32, #tpu.memory_space<vmem>>)
    %dma_wait3A_642 = arith.constant 0 : i32
    %dma_wait3A_643 = arith.constant 0 : i32
    %dma_wait3A_644 = arith.constant 0 : i32
    %dma_wait3A_645 = arith.constant 0 : i32
    %dma_wait3A_646 = arith.constant 0 : i32
    %dma_wait3A_647 = tpu.memref_slice %arg13[%dma_wait3A_644, %dma_wait3A_645, %dma_wait3A_646] : memref<2x64x128xf32, #tpu.memory_space<vmem>> -> memref<1x8x128xf32, #tpu.memory_space<vmem>>
    %dma_wait3A_648 = tpu.memref_squeeze %dma_wait3A_647 : memref<1x8x128xf32, #tpu.memory_space<vmem>> -> memref<8x128xf32, #tpu.memory_space<vmem>>
    %dma_wait3A_649 = arith.constant 0 : i32
    %dma_wait3A_650 = arith.constant 0 : i32
    %dma_wait3A_651 = tpu.memref_slice %arg3[%dma_wait3A_642, %dma_wait3A_643, %add3A, %dma_wait3A_649, %dma_wait3A_650] : memref<2x8x32x8x128xf32, #tpu.memory_space<hbm>> -> memref<1x1x1x8x128xf32, #tpu.memory_space<hbm>>
    %dma_wait3A_652 = tpu.memref_squeeze %dma_wait3A_651 : memref<1x1x1x8x128xf32, #tpu.memory_space<hbm>> -> memref<8x128xf32, #tpu.memory_space<hbm>>
    %dma_wait3A_653 = arith.constant 0 : i32
    %dma_wait3A_654 = arith.constant 0 : i32
    %dma_wait3A_655 = tpu.memref_slice %arg13[%dma_wait3A_644, %dma_wait3A_653, %dma_wait3A_654] : memref<2x64x128xf32, #tpu.memory_space<vmem>> -> memref<1x8x128xf32, #tpu.memory_space<vmem>>
    %dma_wait3A_656 = tpu.memref_squeeze %dma_wait3A_655 : memref<1x8x128xf32, #tpu.memory_space<vmem>> -> memref<8x128xf32, #tpu.memory_space<vmem>>
    %dma_wait3A_657 = arith.constant 0 : i32
    %dma_wait3A_658 = arith.constant 0 : i32
    %dma_wait3A_659 = tpu.memref_slice %arg3[%dma_wait3A_642, %dma_wait3A_643, %add3A, %dma_wait3A_657, %dma_wait3A_658] : memref<2x8x32x8x128xf32, #tpu.memory_space<hbm>> -> memref<1x1x1x8x128xf32, #tpu.memory_space<hbm>>
    %dma_wait3A_660 = tpu.memref_squeeze %dma_wait3A_659 : memref<1x1x1x8x128xf32, #tpu.memory_space<hbm>> -> memref<8x128xf32, #tpu.memory_space<hbm>>
    tpu.wait_dma2 semaphore(%arg18 : memref<!tpu.dma_semaphore, #tpu.memory_space<semaphore_mem>>) src(%dma_wait3A_660 : memref<8x128xf32, #tpu.memory_space<hbm>>) dst(%dma_wait3A_656 : memref<8x128xf32, #tpu.memory_space<vmem>>)
    %dma_wait3A_661 = arith.constant 0 : i32
    %dma_wait3A_662 = arith.constant 1 : i32
    %dma_wait3A_663 = arith.constant 0 : i32
    %dma_wait3A_664 = arith.constant 8 : i32
    %dma_wait3A_665 = arith.constant 0 : i32
    %dma_wait3A_666 = tpu.memref_slice %arg12[%dma_wait3A_663, %dma_wait3A_664, %dma_wait3A_665] : memref<2x64x128xf32, #tpu.memory_space<vmem>> -> memref<1x8x128xf32, #tpu.memory_space<vmem>>
    %dma_wait3A_667 = tpu.memref_squeeze %dma_wait3A_666 : memref<1x8x128xf32, #tpu.memory_space<vmem>> -> memref<8x128xf32, #tpu.memory_space<vmem>>
    %dma_wait3A_668 = arith.constant 0 : i32
    %dma_wait3A_669 = arith.constant 0 : i32
    %dma_wait3A_670 = tpu.memref_slice %arg2[%dma_wait3A_661, %dma_wait3A_662, %add3A, %dma_wait3A_668, %dma_wait3A_669] : memref<2x8x32x8x128xf32, #tpu.memory_space<hbm>> -> memref<1x1x1x8x128xf32, #tpu.memory_space<hbm>>
    %dma_wait3A_671 = tpu.memref_squeeze %dma_wait3A_670 : memref<1x1x1x8x128xf32, #tpu.memory_space<hbm>> -> memref<8x128xf32, #tpu.memory_space<hbm>>
    %dma_wait3A_672 = arith.constant 8 : i32
    %dma_wait3A_673 = arith.constant 0 : i32
    %dma_wait3A_674 = tpu.memref_slice %arg12[%dma_wait3A_663, %dma_wait3A_672, %dma_wait3A_673] : memref<2x64x128xf32, #tpu.memory_space<vmem>> -> memref<1x8x128xf32, #tpu.memory_space<vmem>>
    %dma_wait3A_675 = tpu.memref_squeeze %dma_wait3A_674 : memref<1x8x128xf32, #tpu.memory_space<vmem>> -> memref<8x128xf32, #tpu.memory_space<vmem>>
    %dma_wait3A_676 = arith.constant 0 : i32
    %dma_wait3A_677 = arith.constant 0 : i32
    %dma_wait3A_678 = tpu.memref_slice %arg2[%dma_wait3A_661, %dma_wait3A_662, %add3A, %dma_wait3A_676, %dma_wait3A_677] : memref<2x8x32x8x128xf32, #tpu.memory_space<hbm>> -> memref<1x1x1x8x128xf32, #tpu.memory_space<hbm>>
    %dma_wait3A_679 = tpu.memref_squeeze %dma_wait3A_678 : memref<1x1x1x8x128xf32, #tpu.memory_space<hbm>> -> memref<8x128xf32, #tpu.memory_space<hbm>>
    tpu.wait_dma2 semaphore(%arg18 : memref<!tpu.dma_semaphore, #tpu.memory_space<semaphore_mem>>) src(%dma_wait3A_679 : memref<8x128xf32, #tpu.memory_space<hbm>>) dst(%dma_wait3A_675 : memref<8x128xf32, #tpu.memory_space<vmem>>)
    %dma_wait3A_680 = arith.constant 0 : i32
    %dma_wait3A_681 = arith.constant 1 : i32
    %dma_wait3A_682 = arith.constant 0 : i32
    %dma_wait3A_683 = arith.constant 8 : i32
    %dma_wait3A_684 = arith.constant 0 : i32
    %dma_wait3A_685 = tpu.memref_slice %arg13[%dma_wait3A_682, %dma_wait3A_683, %dma_wait3A_684] : memref<2x64x128xf32, #tpu.memory_space<vmem>> -> memref<1x8x128xf32, #tpu.memory_space<vmem>>
    %dma_wait3A_686 = tpu.memref_squeeze %dma_wait3A_685 : memref<1x8x128xf32, #tpu.memory_space<vmem>> -> memref<8x128xf32, #tpu.memory_space<vmem>>
    %dma_wait3A_687 = arith.constant 0 : i32
    %dma_wait3A_688 = arith.constant 0 : i32
    %dma_wait3A_689 = tpu.memref_slice %arg3[%dma_wait3A_680, %dma_wait3A_681, %add3A, %dma_wait3A_687, %dma_wait3A_688] : memref<2x8x32x8x128xf32, #tpu.memory_space<hbm>> -> memref<1x1x1x8x128xf32, #tpu.memory_space<hbm>>
    %dma_wait3A_690 = tpu.memref_squeeze %dma_wait3A_689 : memref<1x1x1x8x128xf32, #tpu.memory_space<hbm>> -> memref<8x128xf32, #tpu.memory_space<hbm>>
    %dma_wait3A_691 = arith.constant 8 : i32
    %dma_wait3A_692 = arith.constant 0 : i32
    %dma_wait3A_693 = tpu.memref_slice %arg13[%dma_wait3A_682, %dma_wait3A_691, %dma_wait3A_692] : memref<2x64x128xf32, #tpu.memory_space<vmem>> -> memref<1x8x128xf32, #tpu.memory_space<vmem>>
    %dma_wait3A_694 = tpu.memref_squeeze %dma_wait3A_693 : memref<1x8x128xf32, #tpu.memory_space<vmem>> -> memref<8x128xf32, #tpu.memory_space<vmem>>
    %dma_wait3A_695 = arith.constant 0 : i32
    %dma_wait3A_696 = arith.constant 0 : i32
    %dma_wait3A_697 = tpu.memref_slice %arg3[%dma_wait3A_680, %dma_wait3A_681, %add3A, %dma_wait3A_695, %dma_wait3A_696] : memref<2x8x32x8x128xf32, #tpu.memory_space<hbm>> -> memref<1x1x1x8x128xf32, #tpu.memory_space<hbm>>
    %dma_wait3A_698 = tpu.memref_squeeze %dma_wait3A_697 : memref<1x1x1x8x128xf32, #tpu.memory_space<hbm>> -> memref<8x128xf32, #tpu.memory_space<hbm>>
    tpu.wait_dma2 semaphore(%arg18 : memref<!tpu.dma_semaphore, #tpu.memory_space<semaphore_mem>>) src(%dma_wait3A_698 : memref<8x128xf32, #tpu.memory_space<hbm>>) dst(%dma_wait3A_694 : memref<8x128xf32, #tpu.memory_space<vmem>>)
    %dma_wait3A_699 = arith.constant 0 : i32
    %dma_wait3A_700 = arith.constant 2 : i32
    %dma_wait3A_701 = arith.constant 0 : i32
    %dma_wait3A_702 = arith.constant 16 : i32
    %dma_wait3A_703 = arith.constant 0 : i32
    %dma_wait3A_704 = tpu.memref_slice %arg12[%dma_wait3A_701, %dma_wait3A_702, %dma_wait3A_703] : memref<2x64x128xf32, #tpu.memory_space<vmem>> -> memref<1x8x128xf32, #tpu.memory_space<vmem>>
    %dma_wait3A_705 = tpu.memref_squeeze %dma_wait3A_704 : memref<1x8x128xf32, #tpu.memory_space<vmem>> -> memref<8x128xf32, #tpu.memory_space<vmem>>
    %dma_wait3A_706 = arith.constant 0 : i32
    %dma_wait3A_707 = arith.constant 0 : i32
    %dma_wait3A_708 = tpu.memref_slice %arg2[%dma_wait3A_699, %dma_wait3A_700, %add3A, %dma_wait3A_706, %dma_wait3A_707] : memref<2x8x32x8x128xf32, #tpu.memory_space<hbm>> -> memref<1x1x1x8x128xf32, #tpu.memory_space<hbm>>
    %dma_wait3A_709 = tpu.memref_squeeze %dma_wait3A_708 : memref<1x1x1x8x128xf32, #tpu.memory_space<hbm>> -> memref<8x128xf32, #tpu.memory_space<hbm>>
    %dma_wait3A_710 = arith.constant 16 : i32
    %dma_wait3A_711 = arith.constant 0 : i32
    %dma_wait3A_712 = tpu.memref_slice %arg12[%dma_wait3A_701, %dma_wait3A_710, %dma_wait3A_711] : memref<2x64x128xf32, #tpu.memory_space<vmem>> -> memref<1x8x128xf32, #tpu.memory_space<vmem>>
    %dma_wait3A_713 = tpu.memref_squeeze %dma_wait3A_712 : memref<1x8x128xf32, #tpu.memory_space<vmem>> -> memref<8x128xf32, #tpu.memory_space<vmem>>
    %dma_wait3A_714 = arith.constant 0 : i32
    %dma_wait3A_715 = arith.constant 0 : i32
    %dma_wait3A_716 = tpu.memref_slice %arg2[%dma_wait3A_699, %dma_wait3A_700, %add3A, %dma_wait3A_714, %dma_wait3A_715] : memref<2x8x32x8x128xf32, #tpu.memory_space<hbm>> -> memref<1x1x1x8x128xf32, #tpu.memory_space<hbm>>
    %dma_wait3A_717 = tpu.memref_squeeze %dma_wait3A_716 : memref<1x1x1x8x128xf32, #tpu.memory_space<hbm>> -> memref<8x128xf32, #tpu.memory_space<hbm>>
    tpu.wait_dma2 semaphore(%arg18 : memref<!tpu.dma_semaphore, #tpu.memory_space<semaphore_mem>>) src(%dma_wait3A_717 : memref<8x128xf32, #tpu.memory_space<hbm>>) dst(%dma_wait3A_713 : memref<8x128xf32, #tpu.memory_space<vmem>>)
    %dma_wait3A_718 = arith.constant 0 : i32
    %dma_wait3A_719 = arith.constant 2 : i32
    %dma_wait3A_720 = arith.constant 0 : i32
    %dma_wait3A_721 = arith.constant 16 : i32
    %dma_wait3A_722 = arith.constant 0 : i32
    %dma_wait3A_723 = tpu.memref_slice %arg13[%dma_wait3A_720, %dma_wait3A_721, %dma_wait3A_722] : memref<2x64x128xf32, #tpu.memory_space<vmem>> -> memref<1x8x128xf32, #tpu.memory_space<vmem>>
    %dma_wait3A_724 = tpu.memref_squeeze %dma_wait3A_723 : memref<1x8x128xf32, #tpu.memory_space<vmem>> -> memref<8x128xf32, #tpu.memory_space<vmem>>
    %dma_wait3A_725 = arith.constant 0 : i32
    %dma_wait3A_726 = arith.constant 0 : i32
    %dma_wait3A_727 = tpu.memref_slice %arg3[%dma_wait3A_718, %dma_wait3A_719, %add3A, %dma_wait3A_725, %dma_wait3A_726] : memref<2x8x32x8x128xf32, #tpu.memory_space<hbm>> -> memref<1x1x1x8x128xf32, #tpu.memory_space<hbm>>
    %dma_wait3A_728 = tpu.memref_squeeze %dma_wait3A_727 : memref<1x1x1x8x128xf32, #tpu.memory_space<hbm>> -> memref<8x128xf32, #tpu.memory_space<hbm>>
    %dma_wait3A_729 = arith.constant 16 : i32
    %dma_wait3A_730 = arith.constant 0 : i32
    %dma_wait3A_731 = tpu.memref_slice %arg13[%dma_wait3A_720, %dma_wait3A_729, %dma_wait3A_730] : memref<2x64x128xf32, #tpu.memory_space<vmem>> -> memref<1x8x128xf32, #tpu.memory_space<vmem>>
    %dma_wait3A_732 = tpu.memref_squeeze %dma_wait3A_731 : memref<1x8x128xf32, #tpu.memory_space<vmem>> -> memref<8x128xf32, #tpu.memory_space<vmem>>
    %dma_wait3A_733 = arith.constant 0 : i32
    %dma_wait3A_734 = arith.constant 0 : i32
    %dma_wait3A_735 = tpu.memref_slice %arg3[%dma_wait3A_718, %dma_wait3A_719, %add3A, %dma_wait3A_733, %dma_wait3A_734] : memref<2x8x32x8x128xf32, #tpu.memory_space<hbm>> -> memref<1x1x1x8x128xf32, #tpu.memory_space<hbm>>
    %dma_wait3A_736 = tpu.memref_squeeze %dma_wait3A_735 : memref<1x1x1x8x128xf32, #tpu.memory_space<hbm>> -> memref<8x128xf32, #tpu.memory_space<hbm>>
    tpu.wait_dma2 semaphore(%arg18 : memref<!tpu.dma_semaphore, #tpu.memory_space<semaphore_mem>>) src(%dma_wait3A_736 : memref<8x128xf32, #tpu.memory_space<hbm>>) dst(%dma_wait3A_732 : memref<8x128xf32, #tpu.memory_space<vmem>>)
    %dma_wait3A_737 = arith.constant 0 : i32
    %dma_wait3A_738 = arith.constant 3 : i32
    %dma_wait3A_739 = arith.constant 0 : i32
    %dma_wait3A_740 = arith.constant 24 : i32
    %dma_wait3A_741 = arith.constant 0 : i32
    %dma_wait3A_742 = tpu.memref_slice %arg12[%dma_wait3A_739, %dma_wait3A_740, %dma_wait3A_741] : memref<2x64x128xf32, #tpu.memory_space<vmem>> -> memref<1x8x128xf32, #tpu.memory_space<vmem>>
    %dma_wait3A_743 = tpu.memref_squeeze %dma_wait3A_742 : memref<1x8x128xf32, #tpu.memory_space<vmem>> -> memref<8x128xf32, #tpu.memory_space<vmem>>
    %dma_wait3A_744 = arith.constant 0 : i32
    %dma_wait3A_745 = arith.constant 0 : i32
    %dma_wait3A_746 = tpu.memref_slice %arg2[%dma_wait3A_737, %dma_wait3A_738, %add3A, %dma_wait3A_744, %dma_wait3A_745] : memref<2x8x32x8x128xf32, #tpu.memory_space<hbm>> -> memref<1x1x1x8x128xf32, #tpu.memory_space<hbm>>
    %dma_wait3A_747 = tpu.memref_squeeze %dma_wait3A_746 : memref<1x1x1x8x128xf32, #tpu.memory_space<hbm>> -> memref<8x128xf32, #tpu.memory_space<hbm>>
    %dma_wait3A_748 = arith.constant 24 : i32
    %dma_wait3A_749 = arith.constant 0 : i32
    %dma_wait3A_750 = tpu.memref_slice %arg12[%dma_wait3A_739, %dma_wait3A_748, %dma_wait3A_749] : memref<2x64x128xf32, #tpu.memory_space<vmem>> -> memref<1x8x128xf32, #tpu.memory_space<vmem>>
    %dma_wait3A_751 = tpu.memref_squeeze %dma_wait3A_750 : memref<1x8x128xf32, #tpu.memory_space<vmem>> -> memref<8x128xf32, #tpu.memory_space<vmem>>
    %dma_wait3A_752 = arith.constant 0 : i32
    %dma_wait3A_753 = arith.constant 0 : i32
    %dma_wait3A_754 = tpu.memref_slice %arg2[%dma_wait3A_737, %dma_wait3A_738, %add3A, %dma_wait3A_752, %dma_wait3A_753] : memref<2x8x32x8x128xf32, #tpu.memory_space<hbm>> -> memref<1x1x1x8x128xf32, #tpu.memory_space<hbm>>
    %dma_wait3A_755 = tpu.memref_squeeze %dma_wait3A_754 : memref<1x1x1x8x128xf32, #tpu.memory_space<hbm>> -> memref<8x128xf32, #tpu.memory_space<hbm>>
    tpu.wait_dma2 semaphore(%arg18 : memref<!tpu.dma_semaphore, #tpu.memory_space<semaphore_mem>>) src(%dma_wait3A_755 : memref<8x128xf32, #tpu.memory_space<hbm>>) dst(%dma_wait3A_751 : memref<8x128xf32, #tpu.memory_space<vmem>>)
    %dma_wait3A_756 = arith.constant 0 : i32
    %dma_wait3A_757 = arith.constant 3 : i32
    %dma_wait3A_758 = arith.constant 0 : i32
    %dma_wait3A_759 = arith.constant 24 : i32
    %dma_wait3A_760 = arith.constant 0 : i32
    %dma_wait3A_761 = tpu.memref_slice %arg13[%dma_wait3A_758, %dma_wait3A_759, %dma_wait3A_760] : memref<2x64x128xf32, #tpu.memory_space<vmem>> -> memref<1x8x128xf32, #tpu.memory_space<vmem>>
    %dma_wait3A_762 = tpu.memref_squeeze %dma_wait3A_761 : memref<1x8x128xf32, #tpu.memory_space<vmem>> -> memref<8x128xf32, #tpu.memory_space<vmem>>
    %dma_wait3A_763 = arith.constant 0 : i32
    %dma_wait3A_764 = arith.constant 0 : i32
    %dma_wait3A_765 = tpu.memref_slice %arg3[%dma_wait3A_756, %dma_wait3A_757, %add3A, %dma_wait3A_763, %dma_wait3A_764] : memref<2x8x32x8x128xf32, #tpu.memory_space<hbm>> -> memref<1x1x1x8x128xf32, #tpu.memory_space<hbm>>
    %dma_wait3A_766 = tpu.memref_squeeze %dma_wait3A_765 : memref<1x1x1x8x128xf32, #tpu.memory_space<hbm>> -> memref<8x128xf32, #tpu.memory_space<hbm>>
    %dma_wait3A_767 = arith.constant 24 : i32
    %dma_wait3A_768 = arith.constant 0 : i32
    %dma_wait3A_769 = tpu.memref_slice %arg13[%dma_wait3A_758, %dma_wait3A_767, %dma_wait3A_768] : memref<2x64x128xf32, #tpu.memory_space<vmem>> -> memref<1x8x128xf32, #tpu.memory_space<vmem>>
    %dma_wait3A_770 = tpu.memref_squeeze %dma_wait3A_769 : memref<1x8x128xf32, #tpu.memory_space<vmem>> -> memref<8x128xf32, #tpu.memory_space<vmem>>
    %dma_wait3A_771 = arith.constant 0 : i32
    %dma_wait3A_772 = arith.constant 0 : i32
    %dma_wait3A_773 = tpu.memref_slice %arg3[%dma_wait3A_756, %dma_wait3A_757, %add3A, %dma_wait3A_771, %dma_wait3A_772] : memref<2x8x32x8x128xf32, #tpu.memory_space<hbm>> -> memref<1x1x1x8x128xf32, #tpu.memory_space<hbm>>
    %dma_wait3A_774 = tpu.memref_squeeze %dma_wait3A_773 : memref<1x1x1x8x128xf32, #tpu.memory_space<hbm>> -> memref<8x128xf32, #tpu.memory_space<hbm>>
    tpu.wait_dma2 semaphore(%arg18 : memref<!tpu.dma_semaphore, #tpu.memory_space<semaphore_mem>>) src(%dma_wait3A_774 : memref<8x128xf32, #tpu.memory_space<hbm>>) dst(%dma_wait3A_770 : memref<8x128xf32, #tpu.memory_space<vmem>>)
    %dma_wait3A_775 = arith.constant 0 : i32
    %dma_wait3A_776 = arith.constant 4 : i32
    %dma_wait3A_777 = arith.constant 0 : i32
    %dma_wait3A_778 = arith.constant 32 : i32
    %dma_wait3A_779 = arith.constant 0 : i32
    %dma_wait3A_780 = tpu.memref_slice %arg12[%dma_wait3A_777, %dma_wait3A_778, %dma_wait3A_779] : memref<2x64x128xf32, #tpu.memory_space<vmem>> -> memref<1x8x128xf32, #tpu.memory_space<vmem>>
    %dma_wait3A_781 = tpu.memref_squeeze %dma_wait3A_780 : memref<1x8x128xf32, #tpu.memory_space<vmem>> -> memref<8x128xf32, #tpu.memory_space<vmem>>
    %dma_wait3A_782 = arith.constant 0 : i32
    %dma_wait3A_783 = arith.constant 0 : i32
    %dma_wait3A_784 = tpu.memref_slice %arg2[%dma_wait3A_775, %dma_wait3A_776, %add3A, %dma_wait3A_782, %dma_wait3A_783] : memref<2x8x32x8x128xf32, #tpu.memory_space<hbm>> -> memref<1x1x1x8x128xf32, #tpu.memory_space<hbm>>
    %dma_wait3A_785 = tpu.memref_squeeze %dma_wait3A_784 : memref<1x1x1x8x128xf32, #tpu.memory_space<hbm>> -> memref<8x128xf32, #tpu.memory_space<hbm>>
    %dma_wait3A_786 = arith.constant 32 : i32
    %dma_wait3A_787 = arith.constant 0 : i32
    %dma_wait3A_788 = tpu.memref_slice %arg12[%dma_wait3A_777, %dma_wait3A_786, %dma_wait3A_787] : memref<2x64x128xf32, #tpu.memory_space<vmem>> -> memref<1x8x128xf32, #tpu.memory_space<vmem>>
    %dma_wait3A_789 = tpu.memref_squeeze %dma_wait3A_788 : memref<1x8x128xf32, #tpu.memory_space<vmem>> -> memref<8x128xf32, #tpu.memory_space<vmem>>
    %dma_wait3A_790 = arith.constant 0 : i32
    %dma_wait3A_791 = arith.constant 0 : i32
    %dma_wait3A_792 = tpu.memref_slice %arg2[%dma_wait3A_775, %dma_wait3A_776, %add3A, %dma_wait3A_790, %dma_wait3A_791] : memref<2x8x32x8x128xf32, #tpu.memory_space<hbm>> -> memref<1x1x1x8x128xf32, #tpu.memory_space<hbm>>
    %dma_wait3A_793 = tpu.memref_squeeze %dma_wait3A_792 : memref<1x1x1x8x128xf32, #tpu.memory_space<hbm>> -> memref<8x128xf32, #tpu.memory_space<hbm>>
    tpu.wait_dma2 semaphore(%arg18 : memref<!tpu.dma_semaphore, #tpu.memory_space<semaphore_mem>>) src(%dma_wait3A_793 : memref<8x128xf32, #tpu.memory_space<hbm>>) dst(%dma_wait3A_789 : memref<8x128xf32, #tpu.memory_space<vmem>>)
    %dma_wait3A_794 = arith.constant 0 : i32
    %dma_wait3A_795 = arith.constant 4 : i32
    %dma_wait3A_796 = arith.constant 0 : i32
    %dma_wait3A_797 = arith.constant 32 : i32
    %dma_wait3A_798 = arith.constant 0 : i32
    %dma_wait3A_799 = tpu.memref_slice %arg13[%dma_wait3A_796, %dma_wait3A_797, %dma_wait3A_798] : memref<2x64x128xf32, #tpu.memory_space<vmem>> -> memref<1x8x128xf32, #tpu.memory_space<vmem>>
    %dma_wait3A_800 = tpu.memref_squeeze %dma_wait3A_799 : memref<1x8x128xf32, #tpu.memory_space<vmem>> -> memref<8x128xf32, #tpu.memory_space<vmem>>
    %dma_wait3A_801 = arith.constant 0 : i32
    %dma_wait3A_802 = arith.constant 0 : i32
    %dma_wait3A_803 = tpu.memref_slice %arg3[%dma_wait3A_794, %dma_wait3A_795, %add3A, %dma_wait3A_801, %dma_wait3A_802] : memref<2x8x32x8x128xf32, #tpu.memory_space<hbm>> -> memref<1x1x1x8x128xf32, #tpu.memory_space<hbm>>
    %dma_wait3A_804 = tpu.memref_squeeze %dma_wait3A_803 : memref<1x1x1x8x128xf32, #tpu.memory_space<hbm>> -> memref<8x128xf32, #tpu.memory_space<hbm>>
    %dma_wait3A_805 = arith.constant 32 : i32
    %dma_wait3A_806 = arith.constant 0 : i32
    %dma_wait3A_807 = tpu.memref_slice %arg13[%dma_wait3A_796, %dma_wait3A_805, %dma_wait3A_806] : memref<2x64x128xf32, #tpu.memory_space<vmem>> -> memref<1x8x128xf32, #tpu.memory_space<vmem>>
    %dma_wait3A_808 = tpu.memref_squeeze %dma_wait3A_807 : memref<1x8x128xf32, #tpu.memory_space<vmem>> -> memref<8x128xf32, #tpu.memory_space<vmem>>
    %dma_wait3A_809 = arith.constant 0 : i32
    %dma_wait3A_810 = arith.constant 0 : i32
    %dma_wait3A_811 = tpu.memref_slice %arg3[%dma_wait3A_794, %dma_wait3A_795, %add3A, %dma_wait3A_809, %dma_wait3A_810] : memref<2x8x32x8x128xf32, #tpu.memory_space<hbm>> -> memref<1x1x1x8x128xf32, #tpu.memory_space<hbm>>
    %dma_wait3A_812 = tpu.memref_squeeze %dma_wait3A_811 : memref<1x1x1x8x128xf32, #tpu.memory_space<hbm>> -> memref<8x128xf32, #tpu.memory_space<hbm>>
    tpu.wait_dma2 semaphore(%arg18 : memref<!tpu.dma_semaphore, #tpu.memory_space<semaphore_mem>>) src(%dma_wait3A_812 : memref<8x128xf32, #tpu.memory_space<hbm>>) dst(%dma_wait3A_808 : memref<8x128xf32, #tpu.memory_space<vmem>>)
    %dma_wait3A_813 = arith.constant 0 : i32
    %dma_wait3A_814 = arith.constant 5 : i32
    %dma_wait3A_815 = arith.constant 0 : i32
    %dma_wait3A_816 = arith.constant 40 : i32
    %dma_wait3A_817 = arith.constant 0 : i32
    %dma_wait3A_818 = tpu.memref_slice %arg12[%dma_wait3A_815, %dma_wait3A_816, %dma_wait3A_817] : memref<2x64x128xf32, #tpu.memory_space<vmem>> -> memref<1x8x128xf32, #tpu.memory_space<vmem>>
    %dma_wait3A_819 = tpu.memref_squeeze %dma_wait3A_818 : memref<1x8x128xf32, #tpu.memory_space<vmem>> -> memref<8x128xf32, #tpu.memory_space<vmem>>
    %dma_wait3A_820 = arith.constant 0 : i32
    %dma_wait3A_821 = arith.constant 0 : i32
    %dma_wait3A_822 = tpu.memref_slice %arg2[%dma_wait3A_813, %dma_wait3A_814, %add3A, %dma_wait3A_820, %dma_wait3A_821] : memref<2x8x32x8x128xf32, #tpu.memory_space<hbm>> -> memref<1x1x1x8x128xf32, #tpu.memory_space<hbm>>
    %dma_wait3A_823 = tpu.memref_squeeze %dma_wait3A_822 : memref<1x1x1x8x128xf32, #tpu.memory_space<hbm>> -> memref<8x128xf32, #tpu.memory_space<hbm>>
    %dma_wait3A_824 = arith.constant 40 : i32
    %dma_wait3A_825 = arith.constant 0 : i32
    %dma_wait3A_826 = tpu.memref_slice %arg12[%dma_wait3A_815, %dma_wait3A_824, %dma_wait3A_825] : memref<2x64x128xf32, #tpu.memory_space<vmem>> -> memref<1x8x128xf32, #tpu.memory_space<vmem>>
    %dma_wait3A_827 = tpu.memref_squeeze %dma_wait3A_826 : memref<1x8x128xf32, #tpu.memory_space<vmem>> -> memref<8x128xf32, #tpu.memory_space<vmem>>
    %dma_wait3A_828 = arith.constant 0 : i32
    %dma_wait3A_829 = arith.constant 0 : i32
    %dma_wait3A_830 = tpu.memref_slice %arg2[%dma_wait3A_813, %dma_wait3A_814, %add3A, %dma_wait3A_828, %dma_wait3A_829] : memref<2x8x32x8x128xf32, #tpu.memory_space<hbm>> -> memref<1x1x1x8x128xf32, #tpu.memory_space<hbm>>
    %dma_wait3A_831 = tpu.memref_squeeze %dma_wait3A_830 : memref<1x1x1x8x128xf32, #tpu.memory_space<hbm>> -> memref<8x128xf32, #tpu.memory_space<hbm>>
    tpu.wait_dma2 semaphore(%arg18 : memref<!tpu.dma_semaphore, #tpu.memory_space<semaphore_mem>>) src(%dma_wait3A_831 : memref<8x128xf32, #tpu.memory_space<hbm>>) dst(%dma_wait3A_827 : memref<8x128xf32, #tpu.memory_space<vmem>>)
    %dma_wait3A_832 = arith.constant 0 : i32
    %dma_wait3A_833 = arith.constant 5 : i32
    %dma_wait3A_834 = arith.constant 0 : i32
    %dma_wait3A_835 = arith.constant 40 : i32
    %dma_wait3A_836 = arith.constant 0 : i32
    %dma_wait3A_837 = tpu.memref_slice %arg13[%dma_wait3A_834, %dma_wait3A_835, %dma_wait3A_836] : memref<2x64x128xf32, #tpu.memory_space<vmem>> -> memref<1x8x128xf32, #tpu.memory_space<vmem>>
    %dma_wait3A_838 = tpu.memref_squeeze %dma_wait3A_837 : memref<1x8x128xf32, #tpu.memory_space<vmem>> -> memref<8x128xf32, #tpu.memory_space<vmem>>
    %dma_wait3A_839 = arith.constant 0 : i32
    %dma_wait3A_840 = arith.constant 0 : i32
    %dma_wait3A_841 = tpu.memref_slice %arg3[%dma_wait3A_832, %dma_wait3A_833, %add3A, %dma_wait3A_839, %dma_wait3A_840] : memref<2x8x32x8x128xf32, #tpu.memory_space<hbm>> -> memref<1x1x1x8x128xf32, #tpu.memory_space<hbm>>
    %dma_wait3A_842 = tpu.memref_squeeze %dma_wait3A_841 : memref<1x1x1x8x128xf32, #tpu.memory_space<hbm>> -> memref<8x128xf32, #tpu.memory_space<hbm>>
    %dma_wait3A_843 = arith.constant 40 : i32
    %dma_wait3A_844 = arith.constant 0 : i32
    %dma_wait3A_845 = tpu.memref_slice %arg13[%dma_wait3A_834, %dma_wait3A_843, %dma_wait3A_844] : memref<2x64x128xf32, #tpu.memory_space<vmem>> -> memref<1x8x128xf32, #tpu.memory_space<vmem>>
    %dma_wait3A_846 = tpu.memref_squeeze %dma_wait3A_845 : memref<1x8x128xf32, #tpu.memory_space<vmem>> -> memref<8x128xf32, #tpu.memory_space<vmem>>
    %dma_wait3A_847 = arith.constant 0 : i32
    %dma_wait3A_848 = arith.constant 0 : i32
    %dma_wait3A_849 = tpu.memref_slice %arg3[%dma_wait3A_832, %dma_wait3A_833, %add3A, %dma_wait3A_847, %dma_wait3A_848] : memref<2x8x32x8x128xf32, #tpu.memory_space<hbm>> -> memref<1x1x1x8x128xf32, #tpu.memory_space<hbm>>
    %dma_wait3A_850 = tpu.memref_squeeze %dma_wait3A_849 : memref<1x1x1x8x128xf32, #tpu.memory_space<hbm>> -> memref<8x128xf32, #tpu.memory_space<hbm>>
    tpu.wait_dma2 semaphore(%arg18 : memref<!tpu.dma_semaphore, #tpu.memory_space<semaphore_mem>>) src(%dma_wait3A_850 : memref<8x128xf32, #tpu.memory_space<hbm>>) dst(%dma_wait3A_846 : memref<8x128xf32, #tpu.memory_space<vmem>>)
    %dma_wait3A_851 = arith.constant 0 : i32
    %dma_wait3A_852 = arith.constant 6 : i32
    %dma_wait3A_853 = arith.constant 0 : i32
    %dma_wait3A_854 = arith.constant 48 : i32
    %dma_wait3A_855 = arith.constant 0 : i32
    %dma_wait3A_856 = tpu.memref_slice %arg12[%dma_wait3A_853, %dma_wait3A_854, %dma_wait3A_855] : memref<2x64x128xf32, #tpu.memory_space<vmem>> -> memref<1x8x128xf32, #tpu.memory_space<vmem>>
    %dma_wait3A_857 = tpu.memref_squeeze %dma_wait3A_856 : memref<1x8x128xf32, #tpu.memory_space<vmem>> -> memref<8x128xf32, #tpu.memory_space<vmem>>
    %dma_wait3A_858 = arith.constant 0 : i32
    %dma_wait3A_859 = arith.constant 0 : i32
    %dma_wait3A_860 = tpu.memref_slice %arg2[%dma_wait3A_851, %dma_wait3A_852, %add3A, %dma_wait3A_858, %dma_wait3A_859] : memref<2x8x32x8x128xf32, #tpu.memory_space<hbm>> -> memref<1x1x1x8x128xf32, #tpu.memory_space<hbm>>
    %dma_wait3A_861 = tpu.memref_squeeze %dma_wait3A_860 : memref<1x1x1x8x128xf32, #tpu.memory_space<hbm>> -> memref<8x128xf32, #tpu.memory_space<hbm>>
    %dma_wait3A_862 = arith.constant 48 : i32
    %dma_wait3A_863 = arith.constant 0 : i32
    %dma_wait3A_864 = tpu.memref_slice %arg12[%dma_wait3A_853, %dma_wait3A_862, %dma_wait3A_863] : memref<2x64x128xf32, #tpu.memory_space<vmem>> -> memref<1x8x128xf32, #tpu.memory_space<vmem>>
    %dma_wait3A_865 = tpu.memref_squeeze %dma_wait3A_864 : memref<1x8x128xf32, #tpu.memory_space<vmem>> -> memref<8x128xf32, #tpu.memory_space<vmem>>
    %dma_wait3A_866 = arith.constant 0 : i32
    %dma_wait3A_867 = arith.constant 0 : i32
    %dma_wait3A_868 = tpu.memref_slice %arg2[%dma_wait3A_851, %dma_wait3A_852, %add3A, %dma_wait3A_866, %dma_wait3A_867] : memref<2x8x32x8x128xf32, #tpu.memory_space<hbm>> -> memref<1x1x1x8x128xf32, #tpu.memory_space<hbm>>
    %dma_wait3A_869 = tpu.memref_squeeze %dma_wait3A_868 : memref<1x1x1x8x128xf32, #tpu.memory_space<hbm>> -> memref<8x128xf32, #tpu.memory_space<hbm>>
    tpu.wait_dma2 semaphore(%arg18 : memref<!tpu.dma_semaphore, #tpu.memory_space<semaphore_mem>>) src(%dma_wait3A_869 : memref<8x128xf32, #tpu.memory_space<hbm>>) dst(%dma_wait3A_865 : memref<8x128xf32, #tpu.memory_space<vmem>>)
    %dma_wait3A_870 = arith.constant 0 : i32
    %dma_wait3A_871 = arith.constant 6 : i32
    %dma_wait3A_872 = arith.constant 0 : i32
    %dma_wait3A_873 = arith.constant 48 : i32
    %dma_wait3A_874 = arith.constant 0 : i32
    %dma_wait3A_875 = tpu.memref_slice %arg13[%dma_wait3A_872, %dma_wait3A_873, %dma_wait3A_874] : memref<2x64x128xf32, #tpu.memory_space<vmem>> -> memref<1x8x128xf32, #tpu.memory_space<vmem>>
    %dma_wait3A_876 = tpu.memref_squeeze %dma_wait3A_875 : memref<1x8x128xf32, #tpu.memory_space<vmem>> -> memref<8x128xf32, #tpu.memory_space<vmem>>
    %dma_wait3A_877 = arith.constant 0 : i32
    %dma_wait3A_878 = arith.constant 0 : i32
    %dma_wait3A_879 = tpu.memref_slice %arg3[%dma_wait3A_870, %dma_wait3A_871, %add3A, %dma_wait3A_877, %dma_wait3A_878] : memref<2x8x32x8x128xf32, #tpu.memory_space<hbm>> -> memref<1x1x1x8x128xf32, #tpu.memory_space<hbm>>
    %dma_wait3A_880 = tpu.memref_squeeze %dma_wait3A_879 : memref<1x1x1x8x128xf32, #tpu.memory_space<hbm>> -> memref<8x128xf32, #tpu.memory_space<hbm>>
    %dma_wait3A_881 = arith.constant 48 : i32
    %dma_wait3A_882 = arith.constant 0 : i32
    %dma_wait3A_883 = tpu.memref_slice %arg13[%dma_wait3A_872, %dma_wait3A_881, %dma_wait3A_882] : memref<2x64x128xf32, #tpu.memory_space<vmem>> -> memref<1x8x128xf32, #tpu.memory_space<vmem>>
    %dma_wait3A_884 = tpu.memref_squeeze %dma_wait3A_883 : memref<1x8x128xf32, #tpu.memory_space<vmem>> -> memref<8x128xf32, #tpu.memory_space<vmem>>
    %dma_wait3A_885 = arith.constant 0 : i32
    %dma_wait3A_886 = arith.constant 0 : i32
    %dma_wait3A_887 = tpu.memref_slice %arg3[%dma_wait3A_870, %dma_wait3A_871, %add3A, %dma_wait3A_885, %dma_wait3A_886] : memref<2x8x32x8x128xf32, #tpu.memory_space<hbm>> -> memref<1x1x1x8x128xf32, #tpu.memory_space<hbm>>
    %dma_wait3A_888 = tpu.memref_squeeze %dma_wait3A_887 : memref<1x1x1x8x128xf32, #tpu.memory_space<hbm>> -> memref<8x128xf32, #tpu.memory_space<hbm>>
    tpu.wait_dma2 semaphore(%arg18 : memref<!tpu.dma_semaphore, #tpu.memory_space<semaphore_mem>>) src(%dma_wait3A_888 : memref<8x128xf32, #tpu.memory_space<hbm>>) dst(%dma_wait3A_884 : memref<8x128xf32, #tpu.memory_space<vmem>>)
    %dma_wait3A_889 = arith.constant 0 : i32
    %dma_wait3A_890 = arith.constant 7 : i32
    %dma_wait3A_891 = arith.constant 0 : i32
    %dma_wait3A_892 = arith.constant 56 : i32
    %dma_wait3A_893 = arith.constant 0 : i32
    %dma_wait3A_894 = tpu.memref_slice %arg12[%dma_wait3A_891, %dma_wait3A_892, %dma_wait3A_893] : memref<2x64x128xf32, #tpu.memory_space<vmem>> -> memref<1x8x128xf32, #tpu.memory_space<vmem>>
    %dma_wait3A_895 = tpu.memref_squeeze %dma_wait3A_894 : memref<1x8x128xf32, #tpu.memory_space<vmem>> -> memref<8x128xf32, #tpu.memory_space<vmem>>
    %dma_wait3A_896 = arith.constant 0 : i32
    %dma_wait3A_897 = arith.constant 0 : i32
    %dma_wait3A_898 = tpu.memref_slice %arg2[%dma_wait3A_889, %dma_wait3A_890, %add3A, %dma_wait3A_896, %dma_wait3A_897] : memref<2x8x32x8x128xf32, #tpu.memory_space<hbm>> -> memref<1x1x1x8x128xf32, #tpu.memory_space<hbm>>
    %dma_wait3A_899 = tpu.memref_squeeze %dma_wait3A_898 : memref<1x1x1x8x128xf32, #tpu.memory_space<hbm>> -> memref<8x128xf32, #tpu.memory_space<hbm>>
    %dma_wait3A_900 = arith.constant 56 : i32
    %dma_wait3A_901 = arith.constant 0 : i32
    %dma_wait3A_902 = tpu.memref_slice %arg12[%dma_wait3A_891, %dma_wait3A_900, %dma_wait3A_901] : memref<2x64x128xf32, #tpu.memory_space<vmem>> -> memref<1x8x128xf32, #tpu.memory_space<vmem>>
    %dma_wait3A_903 = tpu.memref_squeeze %dma_wait3A_902 : memref<1x8x128xf32, #tpu.memory_space<vmem>> -> memref<8x128xf32, #tpu.memory_space<vmem>>
    %dma_wait3A_904 = arith.constant 0 : i32
    %dma_wait3A_905 = arith.constant 0 : i32
    %dma_wait3A_906 = tpu.memref_slice %arg2[%dma_wait3A_889, %dma_wait3A_890, %add3A, %dma_wait3A_904, %dma_wait3A_905] : memref<2x8x32x8x128xf32, #tpu.memory_space<hbm>> -> memref<1x1x1x8x128xf32, #tpu.memory_space<hbm>>
    %dma_wait3A_907 = tpu.memref_squeeze %dma_wait3A_906 : memref<1x1x1x8x128xf32, #tpu.memory_space<hbm>> -> memref<8x128xf32, #tpu.memory_space<hbm>>
    tpu.wait_dma2 semaphore(%arg18 : memref<!tpu.dma_semaphore, #tpu.memory_space<semaphore_mem>>) src(%dma_wait3A_907 : memref<8x128xf32, #tpu.memory_space<hbm>>) dst(%dma_wait3A_903 : memref<8x128xf32, #tpu.memory_space<vmem>>)
    %dma_wait3A_908 = arith.constant 0 : i32
    %dma_wait3A_909 = arith.constant 7 : i32
    %dma_wait3A_910 = arith.constant 0 : i32
    %dma_wait3A_911 = arith.constant 56 : i32
    %dma_wait3A_912 = arith.constant 0 : i32
    %dma_wait3A_913 = tpu.memref_slice %arg13[%dma_wait3A_910, %dma_wait3A_911, %dma_wait3A_912] : memref<2x64x128xf32, #tpu.memory_space<vmem>> -> memref<1x8x128xf32, #tpu.memory_space<vmem>>
    %dma_wait3A_914 = tpu.memref_squeeze %dma_wait3A_913 : memref<1x8x128xf32, #tpu.memory_space<vmem>> -> memref<8x128xf32, #tpu.memory_space<vmem>>
    %dma_wait3A_915 = arith.constant 0 : i32
    %dma_wait3A_916 = arith.constant 0 : i32
    %dma_wait3A_917 = tpu.memref_slice %arg3[%dma_wait3A_908, %dma_wait3A_909, %add3A, %dma_wait3A_915, %dma_wait3A_916] : memref<2x8x32x8x128xf32, #tpu.memory_space<hbm>> -> memref<1x1x1x8x128xf32, #tpu.memory_space<hbm>>
    %dma_wait3A_918 = tpu.memref_squeeze %dma_wait3A_917 : memref<1x1x1x8x128xf32, #tpu.memory_space<hbm>> -> memref<8x128xf32, #tpu.memory_space<hbm>>
    %dma_wait3A_919 = arith.constant 56 : i32
    %dma_wait3A_920 = arith.constant 0 : i32
    %dma_wait3A_921 = tpu.memref_slice %arg13[%dma_wait3A_910, %dma_wait3A_919, %dma_wait3A_920] : memref<2x64x128xf32, #tpu.memory_space<vmem>> -> memref<1x8x128xf32, #tpu.memory_space<vmem>>
    %dma_wait3A_922 = tpu.memref_squeeze %dma_wait3A_921 : memref<1x8x128xf32, #tpu.memory_space<vmem>> -> memref<8x128xf32, #tpu.memory_space<vmem>>
    %dma_wait3A_923 = arith.constant 0 : i32
    %dma_wait3A_924 = arith.constant 0 : i32
    %dma_wait3A_925 = tpu.memref_slice %arg3[%dma_wait3A_908, %dma_wait3A_909, %add3A, %dma_wait3A_923, %dma_wait3A_924] : memref<2x8x32x8x128xf32, #tpu.memory_space<hbm>> -> memref<1x1x1x8x128xf32, #tpu.memory_space<hbm>>
    %dma_wait3A_926 = tpu.memref_squeeze %dma_wait3A_925 : memref<1x1x1x8x128xf32, #tpu.memory_space<hbm>> -> memref<8x128xf32, #tpu.memory_space<hbm>>
    tpu.wait_dma2 semaphore(%arg18 : memref<!tpu.dma_semaphore, #tpu.memory_space<semaphore_mem>>) src(%dma_wait3A_926 : memref<8x128xf32, #tpu.memory_space<hbm>>) dst(%dma_wait3A_922 : memref<8x128xf32, #tpu.memory_space<vmem>>)
    %dma_wait3A_927 = arith.constant 1 : i32
    %dma_wait3A_928 = arith.constant 0 : i32
    %dma_wait3A_929 = arith.constant 1 : i32
    %dma_wait3A_930 = arith.constant 0 : i32
    %dma_wait3A_931 = arith.constant 0 : i32
    %dma_wait3A_932 = tpu.memref_slice %arg12[%dma_wait3A_929, %dma_wait3A_930, %dma_wait3A_931] : memref<2x64x128xf32, #tpu.memory_space<vmem>> -> memref<1x8x128xf32, #tpu.memory_space<vmem>>
    %dma_wait3A_933 = tpu.memref_squeeze %dma_wait3A_932 : memref<1x8x128xf32, #tpu.memory_space<vmem>> -> memref<8x128xf32, #tpu.memory_space<vmem>>
    %dma_wait3A_934 = arith.constant 0 : i32
    %dma_wait3A_935 = arith.constant 0 : i32
    %dma_wait3A_936 = tpu.memref_slice %arg2[%dma_wait3A_927, %dma_wait3A_928, %add3A, %dma_wait3A_934, %dma_wait3A_935] : memref<2x8x32x8x128xf32, #tpu.memory_space<hbm>> -> memref<1x1x1x8x128xf32, #tpu.memory_space<hbm>>
    %dma_wait3A_937 = tpu.memref_squeeze %dma_wait3A_936 : memref<1x1x1x8x128xf32, #tpu.memory_space<hbm>> -> memref<8x128xf32, #tpu.memory_space<hbm>>
    %dma_wait3A_938 = arith.constant 0 : i32
    %dma_wait3A_939 = arith.constant 0 : i32
    %dma_wait3A_940 = tpu.memref_slice %arg12[%dma_wait3A_929, %dma_wait3A_938, %dma_wait3A_939] : memref<2x64x128xf32, #tpu.memory_space<vmem>> -> memref<1x8x128xf32, #tpu.memory_space<vmem>>
    %dma_wait3A_941 = tpu.memref_squeeze %dma_wait3A_940 : memref<1x8x128xf32, #tpu.memory_space<vmem>> -> memref<8x128xf32, #tpu.memory_space<vmem>>
    %dma_wait3A_942 = arith.constant 0 : i32
    %dma_wait3A_943 = arith.constant 0 : i32
    %dma_wait3A_944 = tpu.memref_slice %arg2[%dma_wait3A_927, %dma_wait3A_928, %add3A, %dma_wait3A_942, %dma_wait3A_943] : memref<2x8x32x8x128xf32, #tpu.memory_space<hbm>> -> memref<1x1x1x8x128xf32, #tpu.memory_space<hbm>>
    %dma_wait3A_945 = tpu.memref_squeeze %dma_wait3A_944 : memref<1x1x1x8x128xf32, #tpu.memory_space<hbm>> -> memref<8x128xf32, #tpu.memory_space<hbm>>
    tpu.wait_dma2 semaphore(%arg18 : memref<!tpu.dma_semaphore, #tpu.memory_space<semaphore_mem>>) src(%dma_wait3A_945 : memref<8x128xf32, #tpu.memory_space<hbm>>) dst(%dma_wait3A_941 : memref<8x128xf32, #tpu.memory_space<vmem>>)
    %dma_wait3A_946 = arith.constant 1 : i32
    %dma_wait3A_947 = arith.constant 0 : i32
    %dma_wait3A_948 = arith.constant 1 : i32
    %dma_wait3A_949 = arith.constant 0 : i32
    %dma_wait3A_950 = arith.constant 0 : i32
    %dma_wait3A_951 = tpu.memref_slice %arg13[%dma_wait3A_948, %dma_wait3A_949, %dma_wait3A_950] : memref<2x64x128xf32, #tpu.memory_space<vmem>> -> memref<1x8x128xf32, #tpu.memory_space<vmem>>
    %dma_wait3A_952 = tpu.memref_squeeze %dma_wait3A_951 : memref<1x8x128xf32, #tpu.memory_space<vmem>> -> memref<8x128xf32, #tpu.memory_space<vmem>>
    %dma_wait3A_953 = arith.constant 0 : i32
    %dma_wait3A_954 = arith.constant 0 : i32
    %dma_wait3A_955 = tpu.memref_slice %arg3[%dma_wait3A_946, %dma_wait3A_947, %add3A, %dma_wait3A_953, %dma_wait3A_954] : memref<2x8x32x8x128xf32, #tpu.memory_space<hbm>> -> memref<1x1x1x8x128xf32, #tpu.memory_space<hbm>>
    %dma_wait3A_956 = tpu.memref_squeeze %dma_wait3A_955 : memref<1x1x1x8x128xf32, #tpu.memory_space<hbm>> -> memref<8x128xf32, #tpu.memory_space<hbm>>
    %dma_wait3A_957 = arith.constant 0 : i32
    %dma_wait3A_958 = arith.constant 0 : i32
    %dma_wait3A_959 = tpu.memref_slice %arg13[%dma_wait3A_948, %dma_wait3A_957, %dma_wait3A_958] : memref<2x64x128xf32, #tpu.memory_space<vmem>> -> memref<1x8x128xf32, #tpu.memory_space<vmem>>
    %dma_wait3A_960 = tpu.memref_squeeze %dma_wait3A_959 : memref<1x8x128xf32, #tpu.memory_space<vmem>> -> memref<8x128xf32, #tpu.memory_space<vmem>>
    %dma_wait3A_961 = arith.constant 0 : i32
    %dma_wait3A_962 = arith.constant 0 : i32
    %dma_wait3A_963 = tpu.memref_slice %arg3[%dma_wait3A_946, %dma_wait3A_947, %add3A, %dma_wait3A_961, %dma_wait3A_962] : memref<2x8x32x8x128xf32, #tpu.memory_space<hbm>> -> memref<1x1x1x8x128xf32, #tpu.memory_space<hbm>>
    %dma_wait3A_964 = tpu.memref_squeeze %dma_wait3A_963 : memref<1x1x1x8x128xf32, #tpu.memory_space<hbm>> -> memref<8x128xf32, #tpu.memory_space<hbm>>
    tpu.wait_dma2 semaphore(%arg18 : memref<!tpu.dma_semaphore, #tpu.memory_space<semaphore_mem>>) src(%dma_wait3A_964 : memref<8x128xf32, #tpu.memory_space<hbm>>) dst(%dma_wait3A_960 : memref<8x128xf32, #tpu.memory_space<vmem>>)
    %dma_wait3A_965 = arith.constant 1 : i32
    %dma_wait3A_966 = arith.constant 1 : i32
    %dma_wait3A_967 = arith.constant 1 : i32
    %dma_wait3A_968 = arith.constant 8 : i32
    %dma_wait3A_969 = arith.constant 0 : i32
    %dma_wait3A_970 = tpu.memref_slice %arg12[%dma_wait3A_967, %dma_wait3A_968, %dma_wait3A_969] : memref<2x64x128xf32, #tpu.memory_space<vmem>> -> memref<1x8x128xf32, #tpu.memory_space<vmem>>
    %dma_wait3A_971 = tpu.memref_squeeze %dma_wait3A_970 : memref<1x8x128xf32, #tpu.memory_space<vmem>> -> memref<8x128xf32, #tpu.memory_space<vmem>>
    %dma_wait3A_972 = arith.constant 0 : i32
    %dma_wait3A_973 = arith.constant 0 : i32
    %dma_wait3A_974 = tpu.memref_slice %arg2[%dma_wait3A_965, %dma_wait3A_966, %add3A, %dma_wait3A_972, %dma_wait3A_973] : memref<2x8x32x8x128xf32, #tpu.memory_space<hbm>> -> memref<1x1x1x8x128xf32, #tpu.memory_space<hbm>>
    %dma_wait3A_975 = tpu.memref_squeeze %dma_wait3A_974 : memref<1x1x1x8x128xf32, #tpu.memory_space<hbm>> -> memref<8x128xf32, #tpu.memory_space<hbm>>
    %dma_wait3A_976 = arith.constant 8 : i32
    %dma_wait3A_977 = arith.constant 0 : i32
    %dma_wait3A_978 = tpu.memref_slice %arg12[%dma_wait3A_967, %dma_wait3A_976, %dma_wait3A_977] : memref<2x64x128xf32, #tpu.memory_space<vmem>> -> memref<1x8x128xf32, #tpu.memory_space<vmem>>
    %dma_wait3A_979 = tpu.memref_squeeze %dma_wait3A_978 : memref<1x8x128xf32, #tpu.memory_space<vmem>> -> memref<8x128xf32, #tpu.memory_space<vmem>>
    %dma_wait3A_980 = arith.constant 0 : i32
    %dma_wait3A_981 = arith.constant 0 : i32
    %dma_wait3A_982 = tpu.memref_slice %arg2[%dma_wait3A_965, %dma_wait3A_966, %add3A, %dma_wait3A_980, %dma_wait3A_981] : memref<2x8x32x8x128xf32, #tpu.memory_space<hbm>> -> memref<1x1x1x8x128xf32, #tpu.memory_space<hbm>>
    %dma_wait3A_983 = tpu.memref_squeeze %dma_wait3A_982 : memref<1x1x1x8x128xf32, #tpu.memory_space<hbm>> -> memref<8x128xf32, #tpu.memory_space<hbm>>
    tpu.wait_dma2 semaphore(%arg18 : memref<!tpu.dma_semaphore, #tpu.memory_space<semaphore_mem>>) src(%dma_wait3A_983 : memref<8x128xf32, #tpu.memory_space<hbm>>) dst(%dma_wait3A_979 : memref<8x128xf32, #tpu.memory_space<vmem>>)
    %dma_wait3A_984 = arith.constant 1 : i32
    %dma_wait3A_985 = arith.constant 1 : i32
    %dma_wait3A_986 = arith.constant 1 : i32
    %dma_wait3A_987 = arith.constant 8 : i32
    %dma_wait3A_988 = arith.constant 0 : i32
    %dma_wait3A_989 = tpu.memref_slice %arg13[%dma_wait3A_986, %dma_wait3A_987, %dma_wait3A_988] : memref<2x64x128xf32, #tpu.memory_space<vmem>> -> memref<1x8x128xf32, #tpu.memory_space<vmem>>
    %dma_wait3A_990 = tpu.memref_squeeze %dma_wait3A_989 : memref<1x8x128xf32, #tpu.memory_space<vmem>> -> memref<8x128xf32, #tpu.memory_space<vmem>>
    %dma_wait3A_991 = arith.constant 0 : i32
    %dma_wait3A_992 = arith.constant 0 : i32
    %dma_wait3A_993 = tpu.memref_slice %arg3[%dma_wait3A_984, %dma_wait3A_985, %add3A, %dma_wait3A_991, %dma_wait3A_992] : memref<2x8x32x8x128xf32, #tpu.memory_space<hbm>> -> memref<1x1x1x8x128xf32, #tpu.memory_space<hbm>>
    %dma_wait3A_994 = tpu.memref_squeeze %dma_wait3A_993 : memref<1x1x1x8x128xf32, #tpu.memory_space<hbm>> -> memref<8x128xf32, #tpu.memory_space<hbm>>
    %dma_wait3A_995 = arith.constant 8 : i32
    %dma_wait3A_996 = arith.constant 0 : i32
    %dma_wait3A_997 = tpu.memref_slice %arg13[%dma_wait3A_986, %dma_wait3A_995, %dma_wait3A_996] : memref<2x64x128xf32, #tpu.memory_space<vmem>> -> memref<1x8x128xf32, #tpu.memory_space<vmem>>
    %dma_wait3A_998 = tpu.memref_squeeze %dma_wait3A_997 : memref<1x8x128xf32, #tpu.memory_space<vmem>> -> memref<8x128xf32, #tpu.memory_space<vmem>>
    %dma_wait3A_999 = arith.constant 0 : i32
    %dma_wait3A_1000 = arith.constant 0 : i32
    %dma_wait3A_1001 = tpu.memref_slice %arg3[%dma_wait3A_984, %dma_wait3A_985, %add3A, %dma_wait3A_999, %dma_wait3A_1000] : memref<2x8x32x8x128xf32, #tpu.memory_space<hbm>> -> memref<1x1x1x8x128xf32, #tpu.memory_space<hbm>>
    %dma_wait3A_1002 = tpu.memref_squeeze %dma_wait3A_1001 : memref<1x1x1x8x128xf32, #tpu.memory_space<hbm>> -> memref<8x128xf32, #tpu.memory_space<hbm>>
    tpu.wait_dma2 semaphore(%arg18 : memref<!tpu.dma_semaphore, #tpu.memory_space<semaphore_mem>>) src(%dma_wait3A_1002 : memref<8x128xf32, #tpu.memory_space<hbm>>) dst(%dma_wait3A_998 : memref<8x128xf32, #tpu.memory_space<vmem>>)
    %dma_wait3A_1003 = arith.constant 1 : i32
    %dma_wait3A_1004 = arith.constant 2 : i32
    %dma_wait3A_1005 = arith.constant 1 : i32
    %dma_wait3A_1006 = arith.constant 16 : i32
    %dma_wait3A_1007 = arith.constant 0 : i32
    %dma_wait3A_1008 = tpu.memref_slice %arg12[%dma_wait3A_1005, %dma_wait3A_1006, %dma_wait3A_1007] : memref<2x64x128xf32, #tpu.memory_space<vmem>> -> memref<1x8x128xf32, #tpu.memory_space<vmem>>
    %dma_wait3A_1009 = tpu.memref_squeeze %dma_wait3A_1008 : memref<1x8x128xf32, #tpu.memory_space<vmem>> -> memref<8x128xf32, #tpu.memory_space<vmem>>
    %dma_wait3A_1010 = arith.constant 0 : i32
    %dma_wait3A_1011 = arith.constant 0 : i32
    %dma_wait3A_1012 = tpu.memref_slice %arg2[%dma_wait3A_1003, %dma_wait3A_1004, %add3A, %dma_wait3A_1010, %dma_wait3A_1011] : memref<2x8x32x8x128xf32, #tpu.memory_space<hbm>> -> memref<1x1x1x8x128xf32, #tpu.memory_space<hbm>>
    %dma_wait3A_1013 = tpu.memref_squeeze %dma_wait3A_1012 : memref<1x1x1x8x128xf32, #tpu.memory_space<hbm>> -> memref<8x128xf32, #tpu.memory_space<hbm>>
    %dma_wait3A_1014 = arith.constant 16 : i32
    %dma_wait3A_1015 = arith.constant 0 : i32
    %dma_wait3A_1016 = tpu.memref_slice %arg12[%dma_wait3A_1005, %dma_wait3A_1014, %dma_wait3A_1015] : memref<2x64x128xf32, #tpu.memory_space<vmem>> -> memref<1x8x128xf32, #tpu.memory_space<vmem>>
    %dma_wait3A_1017 = tpu.memref_squeeze %dma_wait3A_1016 : memref<1x8x128xf32, #tpu.memory_space<vmem>> -> memref<8x128xf32, #tpu.memory_space<vmem>>
    %dma_wait3A_1018 = arith.constant 0 : i32
    %dma_wait3A_1019 = arith.constant 0 : i32
    %dma_wait3A_1020 = tpu.memref_slice %arg2[%dma_wait3A_1003, %dma_wait3A_1004, %add3A, %dma_wait3A_1018, %dma_wait3A_1019] : memref<2x8x32x8x128xf32, #tpu.memory_space<hbm>> -> memref<1x1x1x8x128xf32, #tpu.memory_space<hbm>>
    %dma_wait3A_1021 = tpu.memref_squeeze %dma_wait3A_1020 : memref<1x1x1x8x128xf32, #tpu.memory_space<hbm>> -> memref<8x128xf32, #tpu.memory_space<hbm>>
    tpu.wait_dma2 semaphore(%arg18 : memref<!tpu.dma_semaphore, #tpu.memory_space<semaphore_mem>>) src(%dma_wait3A_1021 : memref<8x128xf32, #tpu.memory_space<hbm>>) dst(%dma_wait3A_1017 : memref<8x128xf32, #tpu.memory_space<vmem>>)
    %dma_wait3A_1022 = arith.constant 1 : i32
    %dma_wait3A_1023 = arith.constant 2 : i32
    %dma_wait3A_1024 = arith.constant 1 : i32
    %dma_wait3A_1025 = arith.constant 16 : i32
    %dma_wait3A_1026 = arith.constant 0 : i32
    %dma_wait3A_1027 = tpu.memref_slice %arg13[%dma_wait3A_1024, %dma_wait3A_1025, %dma_wait3A_1026] : memref<2x64x128xf32, #tpu.memory_space<vmem>> -> memref<1x8x128xf32, #tpu.memory_space<vmem>>
    %dma_wait3A_1028 = tpu.memref_squeeze %dma_wait3A_1027 : memref<1x8x128xf32, #tpu.memory_space<vmem>> -> memref<8x128xf32, #tpu.memory_space<vmem>>
    %dma_wait3A_1029 = arith.constant 0 : i32
    %dma_wait3A_1030 = arith.constant 0 : i32
    %dma_wait3A_1031 = tpu.memref_slice %arg3[%dma_wait3A_1022, %dma_wait3A_1023, %add3A, %dma_wait3A_1029, %dma_wait3A_1030] : memref<2x8x32x8x128xf32, #tpu.memory_space<hbm>> -> memref<1x1x1x8x128xf32, #tpu.memory_space<hbm>>
    %dma_wait3A_1032 = tpu.memref_squeeze %dma_wait3A_1031 : memref<1x1x1x8x128xf32, #tpu.memory_space<hbm>> -> memref<8x128xf32, #tpu.memory_space<hbm>>
    %dma_wait3A_1033 = arith.constant 16 : i32
    %dma_wait3A_1034 = arith.constant 0 : i32
    %dma_wait3A_1035 = tpu.memref_slice %arg13[%dma_wait3A_1024, %dma_wait3A_1033, %dma_wait3A_1034] : memref<2x64x128xf32, #tpu.memory_space<vmem>> -> memref<1x8x128xf32, #tpu.memory_space<vmem>>
    %dma_wait3A_1036 = tpu.memref_squeeze %dma_wait3A_1035 : memref<1x8x128xf32, #tpu.memory_space<vmem>> -> memref<8x128xf32, #tpu.memory_space<vmem>>
    %dma_wait3A_1037 = arith.constant 0 : i32
    %dma_wait3A_1038 = arith.constant 0 : i32
    %dma_wait3A_1039 = tpu.memref_slice %arg3[%dma_wait3A_1022, %dma_wait3A_1023, %add3A, %dma_wait3A_1037, %dma_wait3A_1038] : memref<2x8x32x8x128xf32, #tpu.memory_space<hbm>> -> memref<1x1x1x8x128xf32, #tpu.memory_space<hbm>>
    %dma_wait3A_1040 = tpu.memref_squeeze %dma_wait3A_1039 : memref<1x1x1x8x128xf32, #tpu.memory_space<hbm>> -> memref<8x128xf32, #tpu.memory_space<hbm>>
    tpu.wait_dma2 semaphore(%arg18 : memref<!tpu.dma_semaphore, #tpu.memory_space<semaphore_mem>>) src(%dma_wait3A_1040 : memref<8x128xf32, #tpu.memory_space<hbm>>) dst(%dma_wait3A_1036 : memref<8x128xf32, #tpu.memory_space<vmem>>)
    %dma_wait3A_1041 = arith.constant 1 : i32
    %dma_wait3A_1042 = arith.constant 3 : i32
    %dma_wait3A_1043 = arith.constant 1 : i32
    %dma_wait3A_1044 = arith.constant 24 : i32
    %dma_wait3A_1045 = arith.constant 0 : i32
    %dma_wait3A_1046 = tpu.memref_slice %arg12[%dma_wait3A_1043, %dma_wait3A_1044, %dma_wait3A_1045] : memref<2x64x128xf32, #tpu.memory_space<vmem>> -> memref<1x8x128xf32, #tpu.memory_space<vmem>>
    %dma_wait3A_1047 = tpu.memref_squeeze %dma_wait3A_1046 : memref<1x8x128xf32, #tpu.memory_space<vmem>> -> memref<8x128xf32, #tpu.memory_space<vmem>>
    %dma_wait3A_1048 = arith.constant 0 : i32
    %dma_wait3A_1049 = arith.constant 0 : i32
    %dma_wait3A_1050 = tpu.memref_slice %arg2[%dma_wait3A_1041, %dma_wait3A_1042, %add3A, %dma_wait3A_1048, %dma_wait3A_1049] : memref<2x8x32x8x128xf32, #tpu.memory_space<hbm>> -> memref<1x1x1x8x128xf32, #tpu.memory_space<hbm>>
    %dma_wait3A_1051 = tpu.memref_squeeze %dma_wait3A_1050 : memref<1x1x1x8x128xf32, #tpu.memory_space<hbm>> -> memref<8x128xf32, #tpu.memory_space<hbm>>
    %dma_wait3A_1052 = arith.constant 24 : i32
    %dma_wait3A_1053 = arith.constant 0 : i32
    %dma_wait3A_1054 = tpu.memref_slice %arg12[%dma_wait3A_1043, %dma_wait3A_1052, %dma_wait3A_1053] : memref<2x64x128xf32, #tpu.memory_space<vmem>> -> memref<1x8x128xf32, #tpu.memory_space<vmem>>
    %dma_wait3A_1055 = tpu.memref_squeeze %dma_wait3A_1054 : memref<1x8x128xf32, #tpu.memory_space<vmem>> -> memref<8x128xf32, #tpu.memory_space<vmem>>
    %dma_wait3A_1056 = arith.constant 0 : i32
    %dma_wait3A_1057 = arith.constant 0 : i32
    %dma_wait3A_1058 = tpu.memref_slice %arg2[%dma_wait3A_1041, %dma_wait3A_1042, %add3A, %dma_wait3A_1056, %dma_wait3A_1057] : memref<2x8x32x8x128xf32, #tpu.memory_space<hbm>> -> memref<1x1x1x8x128xf32, #tpu.memory_space<hbm>>
    %dma_wait3A_1059 = tpu.memref_squeeze %dma_wait3A_1058 : memref<1x1x1x8x128xf32, #tpu.memory_space<hbm>> -> memref<8x128xf32, #tpu.memory_space<hbm>>
    tpu.wait_dma2 semaphore(%arg18 : memref<!tpu.dma_semaphore, #tpu.memory_space<semaphore_mem>>) src(%dma_wait3A_1059 : memref<8x128xf32, #tpu.memory_space<hbm>>) dst(%dma_wait3A_1055 : memref<8x128xf32, #tpu.memory_space<vmem>>)
    %dma_wait3A_1060 = arith.constant 1 : i32
    %dma_wait3A_1061 = arith.constant 3 : i32
    %dma_wait3A_1062 = arith.constant 1 : i32
    %dma_wait3A_1063 = arith.constant 24 : i32
    %dma_wait3A_1064 = arith.constant 0 : i32
    %dma_wait3A_1065 = tpu.memref_slice %arg13[%dma_wait3A_1062, %dma_wait3A_1063, %dma_wait3A_1064] : memref<2x64x128xf32, #tpu.memory_space<vmem>> -> memref<1x8x128xf32, #tpu.memory_space<vmem>>
    %dma_wait3A_1066 = tpu.memref_squeeze %dma_wait3A_1065 : memref<1x8x128xf32, #tpu.memory_space<vmem>> -> memref<8x128xf32, #tpu.memory_space<vmem>>
    %dma_wait3A_1067 = arith.constant 0 : i32
    %dma_wait3A_1068 = arith.constant 0 : i32
    %dma_wait3A_1069 = tpu.memref_slice %arg3[%dma_wait3A_1060, %dma_wait3A_1061, %add3A, %dma_wait3A_1067, %dma_wait3A_1068] : memref<2x8x32x8x128xf32, #tpu.memory_space<hbm>> -> memref<1x1x1x8x128xf32, #tpu.memory_space<hbm>>
    %dma_wait3A_1070 = tpu.memref_squeeze %dma_wait3A_1069 : memref<1x1x1x8x128xf32, #tpu.memory_space<hbm>> -> memref<8x128xf32, #tpu.memory_space<hbm>>
    %dma_wait3A_1071 = arith.constant 24 : i32
    %dma_wait3A_1072 = arith.constant 0 : i32
    %dma_wait3A_1073 = tpu.memref_slice %arg13[%dma_wait3A_1062, %dma_wait3A_1071, %dma_wait3A_1072] : memref<2x64x128xf32, #tpu.memory_space<vmem>> -> memref<1x8x128xf32, #tpu.memory_space<vmem>>
    %dma_wait3A_1074 = tpu.memref_squeeze %dma_wait3A_1073 : memref<1x8x128xf32, #tpu.memory_space<vmem>> -> memref<8x128xf32, #tpu.memory_space<vmem>>
    %dma_wait3A_1075 = arith.constant 0 : i32
    %dma_wait3A_1076 = arith.constant 0 : i32
    %dma_wait3A_1077 = tpu.memref_slice %arg3[%dma_wait3A_1060, %dma_wait3A_1061, %add3A, %dma_wait3A_1075, %dma_wait3A_1076] : memref<2x8x32x8x128xf32, #tpu.memory_space<hbm>> -> memref<1x1x1x8x128xf32, #tpu.memory_space<hbm>>
    %dma_wait3A_1078 = tpu.memref_squeeze %dma_wait3A_1077 : memref<1x1x1x8x128xf32, #tpu.memory_space<hbm>> -> memref<8x128xf32, #tpu.memory_space<hbm>>
    tpu.wait_dma2 semaphore(%arg18 : memref<!tpu.dma_semaphore, #tpu.memory_space<semaphore_mem>>) src(%dma_wait3A_1078 : memref<8x128xf32, #tpu.memory_space<hbm>>) dst(%dma_wait3A_1074 : memref<8x128xf32, #tpu.memory_space<vmem>>)
    %dma_wait3A_1079 = arith.constant 1 : i32
    %dma_wait3A_1080 = arith.constant 4 : i32
    %dma_wait3A_1081 = arith.constant 1 : i32
    %dma_wait3A_1082 = arith.constant 32 : i32
    %dma_wait3A_1083 = arith.constant 0 : i32
    %dma_wait3A_1084 = tpu.memref_slice %arg12[%dma_wait3A_1081, %dma_wait3A_1082, %dma_wait3A_1083] : memref<2x64x128xf32, #tpu.memory_space<vmem>> -> memref<1x8x128xf32, #tpu.memory_space<vmem>>
    %dma_wait3A_1085 = tpu.memref_squeeze %dma_wait3A_1084 : memref<1x8x128xf32, #tpu.memory_space<vmem>> -> memref<8x128xf32, #tpu.memory_space<vmem>>
    %dma_wait3A_1086 = arith.constant 0 : i32
    %dma_wait3A_1087 = arith.constant 0 : i32
    %dma_wait3A_1088 = tpu.memref_slice %arg2[%dma_wait3A_1079, %dma_wait3A_1080, %add3A, %dma_wait3A_1086, %dma_wait3A_1087] : memref<2x8x32x8x128xf32, #tpu.memory_space<hbm>> -> memref<1x1x1x8x128xf32, #tpu.memory_space<hbm>>
    %dma_wait3A_1089 = tpu.memref_squeeze %dma_wait3A_1088 : memref<1x1x1x8x128xf32, #tpu.memory_space<hbm>> -> memref<8x128xf32, #tpu.memory_space<hbm>>
    %dma_wait3A_1090 = arith.constant 32 : i32
    %dma_wait3A_1091 = arith.constant 0 : i32
    %dma_wait3A_1092 = tpu.memref_slice %arg12[%dma_wait3A_1081, %dma_wait3A_1090, %dma_wait3A_1091] : memref<2x64x128xf32, #tpu.memory_space<vmem>> -> memref<1x8x128xf32, #tpu.memory_space<vmem>>
    %dma_wait3A_1093 = tpu.memref_squeeze %dma_wait3A_1092 : memref<1x8x128xf32, #tpu.memory_space<vmem>> -> memref<8x128xf32, #tpu.memory_space<vmem>>
    %dma_wait3A_1094 = arith.constant 0 : i32
    %dma_wait3A_1095 = arith.constant 0 : i32
    %dma_wait3A_1096 = tpu.memref_slice %arg2[%dma_wait3A_1079, %dma_wait3A_1080, %add3A, %dma_wait3A_1094, %dma_wait3A_1095] : memref<2x8x32x8x128xf32, #tpu.memory_space<hbm>> -> memref<1x1x1x8x128xf32, #tpu.memory_space<hbm>>
    %dma_wait3A_1097 = tpu.memref_squeeze %dma_wait3A_1096 : memref<1x1x1x8x128xf32, #tpu.memory_space<hbm>> -> memref<8x128xf32, #tpu.memory_space<hbm>>
    tpu.wait_dma2 semaphore(%arg18 : memref<!tpu.dma_semaphore, #tpu.memory_space<semaphore_mem>>) src(%dma_wait3A_1097 : memref<8x128xf32, #tpu.memory_space<hbm>>) dst(%dma_wait3A_1093 : memref<8x128xf32, #tpu.memory_space<vmem>>)
    %dma_wait3A_1098 = arith.constant 1 : i32
    %dma_wait3A_1099 = arith.constant 4 : i32
    %dma_wait3A_1100 = arith.constant 1 : i32
    %dma_wait3A_1101 = arith.constant 32 : i32
    %dma_wait3A_1102 = arith.constant 0 : i32
    %dma_wait3A_1103 = tpu.memref_slice %arg13[%dma_wait3A_1100, %dma_wait3A_1101, %dma_wait3A_1102] : memref<2x64x128xf32, #tpu.memory_space<vmem>> -> memref<1x8x128xf32, #tpu.memory_space<vmem>>
    %dma_wait3A_1104 = tpu.memref_squeeze %dma_wait3A_1103 : memref<1x8x128xf32, #tpu.memory_space<vmem>> -> memref<8x128xf32, #tpu.memory_space<vmem>>
    %dma_wait3A_1105 = arith.constant 0 : i32
    %dma_wait3A_1106 = arith.constant 0 : i32
    %dma_wait3A_1107 = tpu.memref_slice %arg3[%dma_wait3A_1098, %dma_wait3A_1099, %add3A, %dma_wait3A_1105, %dma_wait3A_1106] : memref<2x8x32x8x128xf32, #tpu.memory_space<hbm>> -> memref<1x1x1x8x128xf32, #tpu.memory_space<hbm>>
    %dma_wait3A_1108 = tpu.memref_squeeze %dma_wait3A_1107 : memref<1x1x1x8x128xf32, #tpu.memory_space<hbm>> -> memref<8x128xf32, #tpu.memory_space<hbm>>
    %dma_wait3A_1109 = arith.constant 32 : i32
    %dma_wait3A_1110 = arith.constant 0 : i32
    %dma_wait3A_1111 = tpu.memref_slice %arg13[%dma_wait3A_1100, %dma_wait3A_1109, %dma_wait3A_1110] : memref<2x64x128xf32, #tpu.memory_space<vmem>> -> memref<1x8x128xf32, #tpu.memory_space<vmem>>
    %dma_wait3A_1112 = tpu.memref_squeeze %dma_wait3A_1111 : memref<1x8x128xf32, #tpu.memory_space<vmem>> -> memref<8x128xf32, #tpu.memory_space<vmem>>
    %dma_wait3A_1113 = arith.constant 0 : i32
    %dma_wait3A_1114 = arith.constant 0 : i32
    %dma_wait3A_1115 = tpu.memref_slice %arg3[%dma_wait3A_1098, %dma_wait3A_1099, %add3A, %dma_wait3A_1113, %dma_wait3A_1114] : memref<2x8x32x8x128xf32, #tpu.memory_space<hbm>> -> memref<1x1x1x8x128xf32, #tpu.memory_space<hbm>>
    %dma_wait3A_1116 = tpu.memref_squeeze %dma_wait3A_1115 : memref<1x1x1x8x128xf32, #tpu.memory_space<hbm>> -> memref<8x128xf32, #tpu.memory_space<hbm>>
    tpu.wait_dma2 semaphore(%arg18 : memref<!tpu.dma_semaphore, #tpu.memory_space<semaphore_mem>>) src(%dma_wait3A_1116 : memref<8x128xf32, #tpu.memory_space<hbm>>) dst(%dma_wait3A_1112 : memref<8x128xf32, #tpu.memory_space<vmem>>)
    %dma_wait3A_1117 = arith.constant 1 : i32
    %dma_wait3A_1118 = arith.constant 5 : i32
    %dma_wait3A_1119 = arith.constant 1 : i32
    %dma_wait3A_1120 = arith.constant 40 : i32
    %dma_wait3A_1121 = arith.constant 0 : i32
    %dma_wait3A_1122 = tpu.memref_slice %arg12[%dma_wait3A_1119, %dma_wait3A_1120, %dma_wait3A_1121] : memref<2x64x128xf32, #tpu.memory_space<vmem>> -> memref<1x8x128xf32, #tpu.memory_space<vmem>>
    %dma_wait3A_1123 = tpu.memref_squeeze %dma_wait3A_1122 : memref<1x8x128xf32, #tpu.memory_space<vmem>> -> memref<8x128xf32, #tpu.memory_space<vmem>>
    %dma_wait3A_1124 = arith.constant 0 : i32
    %dma_wait3A_1125 = arith.constant 0 : i32
    %dma_wait3A_1126 = tpu.memref_slice %arg2[%dma_wait3A_1117, %dma_wait3A_1118, %add3A, %dma_wait3A_1124, %dma_wait3A_1125] : memref<2x8x32x8x128xf32, #tpu.memory_space<hbm>> -> memref<1x1x1x8x128xf32, #tpu.memory_space<hbm>>
    %dma_wait3A_1127 = tpu.memref_squeeze %dma_wait3A_1126 : memref<1x1x1x8x128xf32, #tpu.memory_space<hbm>> -> memref<8x128xf32, #tpu.memory_space<hbm>>
    %dma_wait3A_1128 = arith.constant 40 : i32
    %dma_wait3A_1129 = arith.constant 0 : i32
    %dma_wait3A_1130 = tpu.memref_slice %arg12[%dma_wait3A_1119, %dma_wait3A_1128, %dma_wait3A_1129] : memref<2x64x128xf32, #tpu.memory_space<vmem>> -> memref<1x8x128xf32, #tpu.memory_space<vmem>>
    %dma_wait3A_1131 = tpu.memref_squeeze %dma_wait3A_1130 : memref<1x8x128xf32, #tpu.memory_space<vmem>> -> memref<8x128xf32, #tpu.memory_space<vmem>>
    %dma_wait3A_1132 = arith.constant 0 : i32
    %dma_wait3A_1133 = arith.constant 0 : i32
    %dma_wait3A_1134 = tpu.memref_slice %arg2[%dma_wait3A_1117, %dma_wait3A_1118, %add3A, %dma_wait3A_1132, %dma_wait3A_1133] : memref<2x8x32x8x128xf32, #tpu.memory_space<hbm>> -> memref<1x1x1x8x128xf32, #tpu.memory_space<hbm>>
    %dma_wait3A_1135 = tpu.memref_squeeze %dma_wait3A_1134 : memref<1x1x1x8x128xf32, #tpu.memory_space<hbm>> -> memref<8x128xf32, #tpu.memory_space<hbm>>
    tpu.wait_dma2 semaphore(%arg18 : memref<!tpu.dma_semaphore, #tpu.memory_space<semaphore_mem>>) src(%dma_wait3A_1135 : memref<8x128xf32, #tpu.memory_space<hbm>>) dst(%dma_wait3A_1131 : memref<8x128xf32, #tpu.memory_space<vmem>>)
    %dma_wait3A_1136 = arith.constant 1 : i32
    %dma_wait3A_1137 = arith.constant 5 : i32
    %dma_wait3A_1138 = arith.constant 1 : i32
    %dma_wait3A_1139 = arith.constant 40 : i32
    %dma_wait3A_1140 = arith.constant 0 : i32
    %dma_wait3A_1141 = tpu.memref_slice %arg13[%dma_wait3A_1138, %dma_wait3A_1139, %dma_wait3A_1140] : memref<2x64x128xf32, #tpu.memory_space<vmem>> -> memref<1x8x128xf32, #tpu.memory_space<vmem>>
    %dma_wait3A_1142 = tpu.memref_squeeze %dma_wait3A_1141 : memref<1x8x128xf32, #tpu.memory_space<vmem>> -> memref<8x128xf32, #tpu.memory_space<vmem>>
    %dma_wait3A_1143 = arith.constant 0 : i32
    %dma_wait3A_1144 = arith.constant 0 : i32
    %dma_wait3A_1145 = tpu.memref_slice %arg3[%dma_wait3A_1136, %dma_wait3A_1137, %add3A, %dma_wait3A_1143, %dma_wait3A_1144] : memref<2x8x32x8x128xf32, #tpu.memory_space<hbm>> -> memref<1x1x1x8x128xf32, #tpu.memory_space<hbm>>
    %dma_wait3A_1146 = tpu.memref_squeeze %dma_wait3A_1145 : memref<1x1x1x8x128xf32, #tpu.memory_space<hbm>> -> memref<8x128xf32, #tpu.memory_space<hbm>>
    %dma_wait3A_1147 = arith.constant 40 : i32
    %dma_wait3A_1148 = arith.constant 0 : i32
    %dma_wait3A_1149 = tpu.memref_slice %arg13[%dma_wait3A_1138, %dma_wait3A_1147, %dma_wait3A_1148] : memref<2x64x128xf32, #tpu.memory_space<vmem>> -> memref<1x8x128xf32, #tpu.memory_space<vmem>>
    %dma_wait3A_1150 = tpu.memref_squeeze %dma_wait3A_1149 : memref<1x8x128xf32, #tpu.memory_space<vmem>> -> memref<8x128xf32, #tpu.memory_space<vmem>>
    %dma_wait3A_1151 = arith.constant 0 : i32
    %dma_wait3A_1152 = arith.constant 0 : i32
    %dma_wait3A_1153 = tpu.memref_slice %arg3[%dma_wait3A_1136, %dma_wait3A_1137, %add3A, %dma_wait3A_1151, %dma_wait3A_1152] : memref<2x8x32x8x128xf32, #tpu.memory_space<hbm>> -> memref<1x1x1x8x128xf32, #tpu.memory_space<hbm>>
    %dma_wait3A_1154 = tpu.memref_squeeze %dma_wait3A_1153 : memref<1x1x1x8x128xf32, #tpu.memory_space<hbm>> -> memref<8x128xf32, #tpu.memory_space<hbm>>
    tpu.wait_dma2 semaphore(%arg18 : memref<!tpu.dma_semaphore, #tpu.memory_space<semaphore_mem>>) src(%dma_wait3A_1154 : memref<8x128xf32, #tpu.memory_space<hbm>>) dst(%dma_wait3A_1150 : memref<8x128xf32, #tpu.memory_space<vmem>>)
    %dma_wait3A_1155 = arith.constant 1 : i32
    %dma_wait3A_1156 = arith.constant 6 : i32
    %dma_wait3A_1157 = arith.constant 1 : i32
    %dma_wait3A_1158 = arith.constant 48 : i32
    %dma_wait3A_1159 = arith.constant 0 : i32
    %dma_wait3A_1160 = tpu.memref_slice %arg12[%dma_wait3A_1157, %dma_wait3A_1158, %dma_wait3A_1159] : memref<2x64x128xf32, #tpu.memory_space<vmem>> -> memref<1x8x128xf32, #tpu.memory_space<vmem>>
    %dma_wait3A_1161 = tpu.memref_squeeze %dma_wait3A_1160 : memref<1x8x128xf32, #tpu.memory_space<vmem>> -> memref<8x128xf32, #tpu.memory_space<vmem>>
    %dma_wait3A_1162 = arith.constant 0 : i32
    %dma_wait3A_1163 = arith.constant 0 : i32
    %dma_wait3A_1164 = tpu.memref_slice %arg2[%dma_wait3A_1155, %dma_wait3A_1156, %add3A, %dma_wait3A_1162, %dma_wait3A_1163] : memref<2x8x32x8x128xf32, #tpu.memory_space<hbm>> -> memref<1x1x1x8x128xf32, #tpu.memory_space<hbm>>
    %dma_wait3A_1165 = tpu.memref_squeeze %dma_wait3A_1164 : memref<1x1x1x8x128xf32, #tpu.memory_space<hbm>> -> memref<8x128xf32, #tpu.memory_space<hbm>>
    %dma_wait3A_1166 = arith.constant 48 : i32
    %dma_wait3A_1167 = arith.constant 0 : i32
    %dma_wait3A_1168 = tpu.memref_slice %arg12[%dma_wait3A_1157, %dma_wait3A_1166, %dma_wait3A_1167] : memref<2x64x128xf32, #tpu.memory_space<vmem>> -> memref<1x8x128xf32, #tpu.memory_space<vmem>>
    %dma_wait3A_1169 = tpu.memref_squeeze %dma_wait3A_1168 : memref<1x8x128xf32, #tpu.memory_space<vmem>> -> memref<8x128xf32, #tpu.memory_space<vmem>>
    %dma_wait3A_1170 = arith.constant 0 : i32
    %dma_wait3A_1171 = arith.constant 0 : i32
    %dma_wait3A_1172 = tpu.memref_slice %arg2[%dma_wait3A_1155, %dma_wait3A_1156, %add3A, %dma_wait3A_1170, %dma_wait3A_1171] : memref<2x8x32x8x128xf32, #tpu.memory_space<hbm>> -> memref<1x1x1x8x128xf32, #tpu.memory_space<hbm>>
    %dma_wait3A_1173 = tpu.memref_squeeze %dma_wait3A_1172 : memref<1x1x1x8x128xf32, #tpu.memory_space<hbm>> -> memref<8x128xf32, #tpu.memory_space<hbm>>
    tpu.wait_dma2 semaphore(%arg18 : memref<!tpu.dma_semaphore, #tpu.memory_space<semaphore_mem>>) src(%dma_wait3A_1173 : memref<8x128xf32, #tpu.memory_space<hbm>>) dst(%dma_wait3A_1169 : memref<8x128xf32, #tpu.memory_space<vmem>>)
    %dma_wait3A_1174 = arith.constant 1 : i32
    %dma_wait3A_1175 = arith.constant 6 : i32
    %dma_wait3A_1176 = arith.constant 1 : i32
    %dma_wait3A_1177 = arith.constant 48 : i32
    %dma_wait3A_1178 = arith.constant 0 : i32
    %dma_wait3A_1179 = tpu.memref_slice %arg13[%dma_wait3A_1176, %dma_wait3A_1177, %dma_wait3A_1178] : memref<2x64x128xf32, #tpu.memory_space<vmem>> -> memref<1x8x128xf32, #tpu.memory_space<vmem>>
    %dma_wait3A_1180 = tpu.memref_squeeze %dma_wait3A_1179 : memref<1x8x128xf32, #tpu.memory_space<vmem>> -> memref<8x128xf32, #tpu.memory_space<vmem>>
    %dma_wait3A_1181 = arith.constant 0 : i32
    %dma_wait3A_1182 = arith.constant 0 : i32
    %dma_wait3A_1183 = tpu.memref_slice %arg3[%dma_wait3A_1174, %dma_wait3A_1175, %add3A, %dma_wait3A_1181, %dma_wait3A_1182] : memref<2x8x32x8x128xf32, #tpu.memory_space<hbm>> -> memref<1x1x1x8x128xf32, #tpu.memory_space<hbm>>
    %dma_wait3A_1184 = tpu.memref_squeeze %dma_wait3A_1183 : memref<1x1x1x8x128xf32, #tpu.memory_space<hbm>> -> memref<8x128xf32, #tpu.memory_space<hbm>>
    %dma_wait3A_1185 = arith.constant 48 : i32
    %dma_wait3A_1186 = arith.constant 0 : i32
    %dma_wait3A_1187 = tpu.memref_slice %arg13[%dma_wait3A_1176, %dma_wait3A_1185, %dma_wait3A_1186] : memref<2x64x128xf32, #tpu.memory_space<vmem>> -> memref<1x8x128xf32, #tpu.memory_space<vmem>>
    %dma_wait3A_1188 = tpu.memref_squeeze %dma_wait3A_1187 : memref<1x8x128xf32, #tpu.memory_space<vmem>> -> memref<8x128xf32, #tpu.memory_space<vmem>>
    %dma_wait3A_1189 = arith.constant 0 : i32
    %dma_wait3A_1190 = arith.constant 0 : i32
    %dma_wait3A_1191 = tpu.memref_slice %arg3[%dma_wait3A_1174, %dma_wait3A_1175, %add3A, %dma_wait3A_1189, %dma_wait3A_1190] : memref<2x8x32x8x128xf32, #tpu.memory_space<hbm>> -> memref<1x1x1x8x128xf32, #tpu.memory_space<hbm>>
    %dma_wait3A_1192 = tpu.memref_squeeze %dma_wait3A_1191 : memref<1x1x1x8x128xf32, #tpu.memory_space<hbm>> -> memref<8x128xf32, #tpu.memory_space<hbm>>
    tpu.wait_dma2 semaphore(%arg18 : memref<!tpu.dma_semaphore, #tpu.memory_space<semaphore_mem>>) src(%dma_wait3A_1192 : memref<8x128xf32, #tpu.memory_space<hbm>>) dst(%dma_wait3A_1188 : memref<8x128xf32, #tpu.memory_space<vmem>>)
    %dma_wait3A_1193 = arith.constant 1 : i32
    %dma_wait3A_1194 = arith.constant 7 : i32
    %dma_wait3A_1195 = arith.constant 1 : i32
    %dma_wait3A_1196 = arith.constant 56 : i32
    %dma_wait3A_1197 = arith.constant 0 : i32
    %dma_wait3A_1198 = tpu.memref_slice %arg12[%dma_wait3A_1195, %dma_wait3A_1196, %dma_wait3A_1197] : memref<2x64x128xf32, #tpu.memory_space<vmem>> -> memref<1x8x128xf32, #tpu.memory_space<vmem>>
    %dma_wait3A_1199 = tpu.memref_squeeze %dma_wait3A_1198 : memref<1x8x128xf32, #tpu.memory_space<vmem>> -> memref<8x128xf32, #tpu.memory_space<vmem>>
    %dma_wait3A_1200 = arith.constant 0 : i32
    %dma_wait3A_1201 = arith.constant 0 : i32
    %dma_wait3A_1202 = tpu.memref_slice %arg2[%dma_wait3A_1193, %dma_wait3A_1194, %add3A, %dma_wait3A_1200, %dma_wait3A_1201] : memref<2x8x32x8x128xf32, #tpu.memory_space<hbm>> -> memref<1x1x1x8x128xf32, #tpu.memory_space<hbm>>
    %dma_wait3A_1203 = tpu.memref_squeeze %dma_wait3A_1202 : memref<1x1x1x8x128xf32, #tpu.memory_space<hbm>> -> memref<8x128xf32, #tpu.memory_space<hbm>>
    %dma_wait3A_1204 = arith.constant 56 : i32
    %dma_wait3A_1205 = arith.constant 0 : i32
    %dma_wait3A_1206 = tpu.memref_slice %arg12[%dma_wait3A_1195, %dma_wait3A_1204, %dma_wait3A_1205] : memref<2x64x128xf32, #tpu.memory_space<vmem>> -> memref<1x8x128xf32, #tpu.memory_space<vmem>>
    %dma_wait3A_1207 = tpu.memref_squeeze %dma_wait3A_1206 : memref<1x8x128xf32, #tpu.memory_space<vmem>> -> memref<8x128xf32, #tpu.memory_space<vmem>>
    %dma_wait3A_1208 = arith.constant 0 : i32
    %dma_wait3A_1209 = arith.constant 0 : i32
    %dma_wait3A_1210 = tpu.memref_slice %arg2[%dma_wait3A_1193, %dma_wait3A_1194, %add3A, %dma_wait3A_1208, %dma_wait3A_1209] : memref<2x8x32x8x128xf32, #tpu.memory_space<hbm>> -> memref<1x1x1x8x128xf32, #tpu.memory_space<hbm>>
    %dma_wait3A_1211 = tpu.memref_squeeze %dma_wait3A_1210 : memref<1x1x1x8x128xf32, #tpu.memory_space<hbm>> -> memref<8x128xf32, #tpu.memory_space<hbm>>
    tpu.wait_dma2 semaphore(%arg18 : memref<!tpu.dma_semaphore, #tpu.memory_space<semaphore_mem>>) src(%dma_wait3A_1211 : memref<8x128xf32, #tpu.memory_space<hbm>>) dst(%dma_wait3A_1207 : memref<8x128xf32, #tpu.memory_space<vmem>>)
    %dma_wait3A_1212 = arith.constant 1 : i32
    %dma_wait3A_1213 = arith.constant 7 : i32
    %dma_wait3A_1214 = arith.constant 1 : i32
    %dma_wait3A_1215 = arith.constant 56 : i32
    %dma_wait3A_1216 = arith.constant 0 : i32
    %dma_wait3A_1217 = tpu.memref_slice %arg13[%dma_wait3A_1214, %dma_wait3A_1215, %dma_wait3A_1216] : memref<2x64x128xf32, #tpu.memory_space<vmem>> -> memref<1x8x128xf32, #tpu.memory_space<vmem>>
    %dma_wait3A_1218 = tpu.memref_squeeze %dma_wait3A_1217 : memref<1x8x128xf32, #tpu.memory_space<vmem>> -> memref<8x128xf32, #tpu.memory_space<vmem>>
    %dma_wait3A_1219 = arith.constant 0 : i32
    %dma_wait3A_1220 = arith.constant 0 : i32
    %dma_wait3A_1221 = tpu.memref_slice %arg3[%dma_wait3A_1212, %dma_wait3A_1213, %add3A, %dma_wait3A_1219, %dma_wait3A_1220] : memref<2x8x32x8x128xf32, #tpu.memory_space<hbm>> -> memref<1x1x1x8x128xf32, #tpu.memory_space<hbm>>
    %dma_wait3A_1222 = tpu.memref_squeeze %dma_wait3A_1221 : memref<1x1x1x8x128xf32, #tpu.memory_space<hbm>> -> memref<8x128xf32, #tpu.memory_space<hbm>>
    %dma_wait3A_1223 = arith.constant 56 : i32
    %dma_wait3A_1224 = arith.constant 0 : i32
    %dma_wait3A_1225 = tpu.memref_slice %arg13[%dma_wait3A_1214, %dma_wait3A_1223, %dma_wait3A_1224] : memref<2x64x128xf32, #tpu.memory_space<vmem>> -> memref<1x8x128xf32, #tpu.memory_space<vmem>>
    %dma_wait3A_1226 = tpu.memref_squeeze %dma_wait3A_1225 : memref<1x8x128xf32, #tpu.memory_space<vmem>> -> memref<8x128xf32, #tpu.memory_space<vmem>>
    %dma_wait3A_1227 = arith.constant 0 : i32
    %dma_wait3A_1228 = arith.constant 0 : i32
    %dma_wait3A_1229 = tpu.memref_slice %arg3[%dma_wait3A_1212, %dma_wait3A_1213, %add3A, %dma_wait3A_1227, %dma_wait3A_1228] : memref<2x8x32x8x128xf32, #tpu.memory_space<hbm>> -> memref<1x1x1x8x128xf32, #tpu.memory_space<hbm>>
    %dma_wait3A_1230 = tpu.memref_squeeze %dma_wait3A_1229 : memref<1x1x1x8x128xf32, #tpu.memory_space<hbm>> -> memref<8x128xf32, #tpu.memory_space<hbm>>
    tpu.wait_dma2 semaphore(%arg18 : memref<!tpu.dma_semaphore, #tpu.memory_space<semaphore_mem>>) src(%dma_wait3A_1230 : memref<8x128xf32, #tpu.memory_space<hbm>>) dst(%dma_wait3A_1226 : memref<8x128xf32, #tpu.memory_space<vmem>>)
    %dma_wait3A_1231 = tpu.memref_slice %arg6[%mul3A_2] : memref<4096xf32, #tpu.memory_space<hbm>> -> memref<128xf32, #tpu.memory_space<hbm>>
    %dma_wait3A_1232 = tpu.memref_slice %arg6[%mul3A_2] : memref<4096xf32, #tpu.memory_space<hbm>> -> memref<128xf32, #tpu.memory_space<hbm>>
    tpu.wait_dma2 semaphore(%arg18 : memref<!tpu.dma_semaphore, #tpu.memory_space<semaphore_mem>>) src(%dma_wait3A_1232 : memref<128xf32, #tpu.memory_space<hbm>>) dst(%arg14 : memref<128xf32, #tpu.memory_space<vmem>>)
    %dma_wait3A_1233 = arith.constant 0 : i32
    %dma_wait3A_1234 = tpu.memref_slice %arg4[%mul3A_619, %dma_wait3A_1233] : memref<64x128xf32, #tpu.memory_space<hbm>> -> memref<2x128xf32, #tpu.memory_space<hbm>>
    %dma_wait3A_1235 = arith.constant 0 : i32
    %dma_wait3A_1236 = tpu.memref_slice %arg4[%mul3A_619, %dma_wait3A_1235] : memref<64x128xf32, #tpu.memory_space<hbm>> -> memref<2x128xf32, #tpu.memory_space<hbm>>
    tpu.wait_dma2 semaphore(%arg18 : memref<!tpu.dma_semaphore, #tpu.memory_space<semaphore_mem>>) src(%dma_wait3A_1236 : memref<2x128xf32, #tpu.memory_space<hbm>>) dst(%arg15 : memref<2x128xf32, #tpu.memory_space<vmem>>)
    %dma_wait3A_1237 = arith.constant 0 : i32
    %dma_wait3A_1238 = arith.constant 0 : i32
    %dma_wait3A_1239 = tpu.memref_slice %arg11[%dma_wait3A_1237, %dma_wait3A_1238] : memref<128x129xf32, #tpu.memory_space<vmem>> -> memref<128x128xf32, #tpu.memory_space<vmem>>
    %dma_wait3A_1240 = arith.constant 0 : i32
    %dma_wait3A_1241 = arith.constant 0 : i32
    %dma_wait3A_1242 = tpu.memref_slice %arg5[%dma_wait3A_1240, %dma_wait3A_1241] : memref<100000x128xf32, #tpu.memory_space<hbm>> -> memref<100000x128xf32, #tpu.memory_space<hbm>>
    tpu.wait_indirect_dma semaphore(%arg17 : memref<!tpu.dma_semaphore, #tpu.memory_space<semaphore_mem>>) src(%dma_wait3A_1242 : memref<100000x128xf32, #tpu.memory_space<hbm>>) dst(%dma_wait3A_1239 : memref<128x128xf32, #tpu.memory_space<vmem>>)
    %get3A = arith.constant 0 : index
    %get3A_1243 = tpu.vector_load %arg14[%get3A] {strides = array<i32>} : memref<128xf32, #tpu.memory_space<vmem>>, vector<16xf32>,
    %lt3A = arith.constant 8.000000e-01 : f32
    %lt3A_1244 = vector.broadcast %lt3A : f32 to vector<16xf32>
    %lt3A_1245 = arith.cmpf olt, %get3A_1243, %lt3A_1244 : vector<16xf32>
    %add3A_1246 = arith.constant 0 : i32
    %add3A_1247 = vector.broadcast %add3A_1246 : i32 to vector<16xi32>
    %add3A_1248 = arith.addi %iota3A, %add3A_1247 : vector<16xi32>
    %broadcast_in_dim3A = arith.constant 0.000000e+00 : f32
    %broadcast_in_dim3A_1249 = vector.broadcast %broadcast_in_dim3A : f32 to vector<16xf32>
    %broadcast_in_dim3A_1250 = arith.constant 0.000000e+00 : f32
    %broadcast_in_dim3A_1251 = vector.broadcast %broadcast_in_dim3A_1250 : f32 to vector<16xf32>
    %scan3A = arith.constant 0 : i32
    %scan3A_1252 = arith.constant 64 : i32
    %scan3A_1253 = arith.addi %scan3A, %scan3A_1252 : i32
    %scan3A_1254 = arith.constant 4 : i32
    %scan3A_1255:2 = scf.for %scan3A_2268 = %scan3A to %scan3A_1253 step %scan3A_1254 iter_args(%scan3A_2269 = %broadcast_in_dim3A_1249, %scan3A_2270 = %broadcast_in_dim3A_1251) -> (vector<16xf32>, vector<16xf32>)  : i32 {
      %broadcast_in_dim3A_2271 = vector.broadcast %scan3A_2268 : i32 to vector<16xi32>
      %gather3A = tpu.vector_load_idx %arg11[%add3A_1248, %broadcast_in_dim3A_2271] : memref<128x129xf32, #tpu.memory_space<vmem>>[vector<16xi32>, vector<16xi32>], vector<16xf32>,
      %get3A_2272 = arith.constant 0 : i32
      %get3A_2273 = arith.index_cast %get3A_2272 : i32 to index
      %get3A_2274 = arith.index_cast %scan3A_2268 : i32 to index
      %get3A_2275 = arith.constant 0 : index
      %get3A_2276 = tpu.vector_load %arg12[%get3A_2273, %get3A_2274, %get3A_2275] {strides = array<i32>} : memref<2x64x128xf32, #tpu.memory_space<vmem>>, vector<16xf32>,
      %get3A_2277 = arith.constant 0 : i32
      %get3A_2278 = arith.index_cast %get3A_2277 : i32 to index
      %get3A_2279 = arith.index_cast %scan3A_2268 : i32 to index
      %get3A_2280 = arith.constant 0 : index
      %get3A_2281 = tpu.vector_load %arg13[%get3A_2278, %get3A_2279, %get3A_2280] {strides = array<i32>} : memref<2x64x128xf32, #tpu.memory_space<vmem>>, vector<16xf32>,
      %select_n3A_2282 = arith.select %lt3A_1245, %gather3A, %get3A_2281 : vector<16xi1>, vector<16xf32>
      %swap3A_2283 = arith.constant 0 : i32
      %swap3A_2284 = arith.index_cast %swap3A_2283 : i32 to index
      %swap3A_2285 = arith.index_cast %scan3A_2268 : i32 to index
      %swap3A_2286 = arith.constant 0 : index
      %swap3A_2287 = tpu.vector_load %arg13[%swap3A_2284, %swap3A_2285, %swap3A_2286] {strides = array<i32>} : memref<2x64x128xf32, #tpu.memory_space<vmem>>, vector<16xf32>,
      tpu.vector_store %arg13[%swap3A_2284, %swap3A_2285, %swap3A_2286], %select_n3A_2282 {strides = array<i32>} : memref<2x64x128xf32, #tpu.memory_space<vmem>>, vector<16xf32>,
      %sub3A = arith.subf %get3A_2276, %select_n3A_2282 : vector<16xf32>
      %mul3A_2288 = arith.mulf %sub3A, %sub3A : vector<16xf32>
      %add3A_2289 = arith.addf %scan3A_2269, %mul3A_2288 : vector<16xf32>
      %get3A_2290 = arith.constant 1 : i32
      %get3A_2291 = arith.index_cast %get3A_2290 : i32 to index
      %get3A_2292 = arith.index_cast %scan3A_2268 : i32 to index
      %get3A_2293 = arith.constant 0 : index
      %get3A_2294 = tpu.vector_load %arg12[%get3A_2291, %get3A_2292, %get3A_2293] {strides = array<i32>} : memref<2x64x128xf32, #tpu.memory_space<vmem>>, vector<16xf32>,
      %get3A_2295 = arith.constant 1 : i32
      %get3A_2296 = arith.index_cast %get3A_2295 : i32 to index
      %get3A_2297 = arith.index_cast %scan3A_2268 : i32 to index
      %get3A_2298 = arith.constant 0 : index
      %get3A_2299 = tpu.vector_load %arg13[%get3A_2296, %get3A_2297, %get3A_2298] {strides = array<i32>} : memref<2x64x128xf32, #tpu.memory_space<vmem>>, vector<16xf32>,
      %select_n3A_2300 = arith.select %lt3A_1245, %gather3A, %get3A_2299 : vector<16xi1>, vector<16xf32>
      %swap3A_2301 = arith.constant 1 : i32
      %swap3A_2302 = arith.index_cast %swap3A_2301 : i32 to index
      %swap3A_2303 = arith.index_cast %scan3A_2268 : i32 to index
      %swap3A_2304 = arith.constant 0 : index
      %swap3A_2305 = tpu.vector_load %arg13[%swap3A_2302, %swap3A_2303, %swap3A_2304] {strides = array<i32>} : memref<2x64x128xf32, #tpu.memory_space<vmem>>, vector<16xf32>,
      tpu.vector_store %arg13[%swap3A_2302, %swap3A_2303, %swap3A_2304], %select_n3A_2300 {strides = array<i32>} : memref<2x64x128xf32, #tpu.memory_space<vmem>>, vector<16xf32>,
      %sub3A_2306 = arith.subf %get3A_2294, %select_n3A_2300 : vector<16xf32>
      %mul3A_2307 = arith.mulf %sub3A_2306, %sub3A_2306 : vector<16xf32>
      %add3A_2308 = arith.addf %scan3A_2270, %mul3A_2307 : vector<16xf32>
      %scan3A_2309 = arith.constant 1 : i32
      %scan3A_2310 = arith.addi %scan3A_2268, %scan3A_2309 : i32
      %broadcast_in_dim3A_2311 = vector.broadcast %scan3A_2310 : i32 to vector<16xi32>
      %gather3A_2312 = tpu.vector_load_idx %arg11[%add3A_1248, %broadcast_in_dim3A_2311] : memref<128x129xf32, #tpu.memory_space<vmem>>[vector<16xi32>, vector<16xi32>], vector<16xf32>,
      %get3A_2313 = arith.constant 0 : i32
      %get3A_2314 = arith.index_cast %get3A_2313 : i32 to index
      %get3A_2315 = arith.index_cast %scan3A_2310 : i32 to index
      %get3A_2316 = arith.constant 0 : index
      %get3A_2317 = tpu.vector_load %arg12[%get3A_2314, %get3A_2315, %get3A_2316] {strides = array<i32>} : memref<2x64x128xf32, #tpu.memory_space<vmem>>, vector<16xf32>,
      %get3A_2318 = arith.constant 0 : i32
      %get3A_2319 = arith.index_cast %get3A_2318 : i32 to index
      %get3A_2320 = arith.index_cast %scan3A_2310 : i32 to index
      %get3A_2321 = arith.constant 0 : index
      %get3A_2322 = tpu.vector_load %arg13[%get3A_2319, %get3A_2320, %get3A_2321] {strides = array<i32>} : memref<2x64x128xf32, #tpu.memory_space<vmem>>, vector<16xf32>,
      %select_n3A_2323 = arith.select %lt3A_1245, %gather3A_2312, %get3A_2322 : vector<16xi1>, vector<16xf32>
      %swap3A_2324 = arith.constant 0 : i32
      %swap3A_2325 = arith.index_cast %swap3A_2324 : i32 to index
      %swap3A_2326 = arith.index_cast %scan3A_2310 : i32 to index
      %swap3A_2327 = arith.constant 0 : index
      %swap3A_2328 = tpu.vector_load %arg13[%swap3A_2325, %swap3A_2326, %swap3A_2327] {strides = array<i32>} : memref<2x64x128xf32, #tpu.memory_space<vmem>>, vector<16xf32>,
      tpu.vector_store %arg13[%swap3A_2325, %swap3A_2326, %swap3A_2327], %select_n3A_2323 {strides = array<i32>} : memref<2x64x128xf32, #tpu.memory_space<vmem>>, vector<16xf32>,
      %sub3A_2329 = arith.subf %get3A_2317, %select_n3A_2323 : vector<16xf32>
      %mul3A_2330 = arith.mulf %sub3A_2329, %sub3A_2329 : vector<16xf32>
      %add3A_2331 = arith.addf %add3A_2289, %mul3A_2330 : vector<16xf32>
      %get3A_2332 = arith.constant 1 : i32
      %get3A_2333 = arith.index_cast %get3A_2332 : i32 to index
      %get3A_2334 = arith.index_cast %scan3A_2310 : i32 to index
      %get3A_2335 = arith.constant 0 : index
      %get3A_2336 = tpu.vector_load %arg12[%get3A_2333, %get3A_2334, %get3A_2335] {strides = array<i32>} : memref<2x64x128xf32, #tpu.memory_space<vmem>>, vector<16xf32>,
      %get3A_2337 = arith.constant 1 : i32
      %get3A_2338 = arith.index_cast %get3A_2337 : i32 to index
      %get3A_2339 = arith.index_cast %scan3A_2310 : i32 to index
      %get3A_2340 = arith.constant 0 : index
      %get3A_2341 = tpu.vector_load %arg13[%get3A_2338, %get3A_2339, %get3A_2340] {strides = array<i32>} : memref<2x64x128xf32, #tpu.memory_space<vmem>>, vector<16xf32>,
      %select_n3A_2342 = arith.select %lt3A_1245, %gather3A_2312, %get3A_2341 : vector<16xi1>, vector<16xf32>
      %swap3A_2343 = arith.constant 1 : i32
      %swap3A_2344 = arith.index_cast %swap3A_2343 : i32 to index
      %swap3A_2345 = arith.index_cast %scan3A_2310 : i32 to index
      %swap3A_2346 = arith.constant 0 : index
      %swap3A_2347 = tpu.vector_load %arg13[%swap3A_2344, %swap3A_2345, %swap3A_2346] {strides = array<i32>} : memref<2x64x128xf32, #tpu.memory_space<vmem>>, vector<16xf32>,
      tpu.vector_store %arg13[%swap3A_2344, %swap3A_2345, %swap3A_2346], %select_n3A_2342 {strides = array<i32>} : memref<2x64x128xf32, #tpu.memory_space<vmem>>, vector<16xf32>,
      %sub3A_2348 = arith.subf %get3A_2336, %select_n3A_2342 : vector<16xf32>
      %mul3A_2349 = arith.mulf %sub3A_2348, %sub3A_2348 : vector<16xf32>
      %add3A_2350 = arith.addf %add3A_2308, %mul3A_2349 : vector<16xf32>
      %scan3A_2351 = arith.constant 2 : i32
      %scan3A_2352 = arith.addi %scan3A_2268, %scan3A_2351 : i32
      %broadcast_in_dim3A_2353 = vector.broadcast %scan3A_2352 : i32 to vector<16xi32>
      %gather3A_2354 = tpu.vector_load_idx %arg11[%add3A_1248, %broadcast_in_dim3A_2353] : memref<128x129xf32, #tpu.memory_space<vmem>>[vector<16xi32>, vector<16xi32>], vector<16xf32>,
      %get3A_2355 = arith.constant 0 : i32
      %get3A_2356 = arith.index_cast %get3A_2355 : i32 to index
      %get3A_2357 = arith.index_cast %scan3A_2352 : i32 to index
      %get3A_2358 = arith.constant 0 : index
      %get3A_2359 = tpu.vector_load %arg12[%get3A_2356, %get3A_2357, %get3A_2358] {strides = array<i32>} : memref<2x64x128xf32, #tpu.memory_space<vmem>>, vector<16xf32>,
      %get3A_2360 = arith.constant 0 : i32
      %get3A_2361 = arith.index_cast %get3A_2360 : i32 to index
      %get3A_2362 = arith.index_cast %scan3A_2352 : i32 to index
      %get3A_2363 = arith.constant 0 : index
      %get3A_2364 = tpu.vector_load %arg13[%get3A_2361, %get3A_2362, %get3A_2363] {strides = array<i32>} : memref<2x64x128xf32, #tpu.memory_space<vmem>>, vector<16xf32>,
      %select_n3A_2365 = arith.select %lt3A_1245, %gather3A_2354, %get3A_2364 : vector<16xi1>, vector<16xf32>
      %swap3A_2366 = arith.constant 0 : i32
      %swap3A_2367 = arith.index_cast %swap3A_2366 : i32 to index
      %swap3A_2368 = arith.index_cast %scan3A_2352 : i32 to index
      %swap3A_2369 = arith.constant 0 : index
      %swap3A_2370 = tpu.vector_load %arg13[%swap3A_2367, %swap3A_2368, %swap3A_2369] {strides = array<i32>} : memref<2x64x128xf32, #tpu.memory_space<vmem>>, vector<16xf32>,
      tpu.vector_store %arg13[%swap3A_2367, %swap3A_2368, %swap3A_2369], %select_n3A_2365 {strides = array<i32>} : memref<2x64x128xf32, #tpu.memory_space<vmem>>, vector<16xf32>,
      %sub3A_2371 = arith.subf %get3A_2359, %select_n3A_2365 : vector<16xf32>
      %mul3A_2372 = arith.mulf %sub3A_2371, %sub3A_2371 : vector<16xf32>
      %add3A_2373 = arith.addf %add3A_2331, %mul3A_2372 : vector<16xf32>
      %get3A_2374 = arith.constant 1 : i32
      %get3A_2375 = arith.index_cast %get3A_2374 : i32 to index
      %get3A_2376 = arith.index_cast %scan3A_2352 : i32 to index
      %get3A_2377 = arith.constant 0 : index
      %get3A_2378 = tpu.vector_load %arg12[%get3A_2375, %get3A_2376, %get3A_2377] {strides = array<i32>} : memref<2x64x128xf32, #tpu.memory_space<vmem>>, vector<16xf32>,
      %get3A_2379 = arith.constant 1 : i32
      %get3A_2380 = arith.index_cast %get3A_2379 : i32 to index
      %get3A_2381 = arith.index_cast %scan3A_2352 : i32 to index
      %get3A_2382 = arith.constant 0 : index
      %get3A_2383 = tpu.vector_load %arg13[%get3A_2380, %get3A_2381, %get3A_2382] {strides = array<i32>} : memref<2x64x128xf32, #tpu.memory_space<vmem>>, vector<16xf32>,
      %select_n3A_2384 = arith.select %lt3A_1245, %gather3A_2354, %get3A_2383 : vector<16xi1>, vector<16xf32>
      %swap3A_2385 = arith.constant 1 : i32
      %swap3A_2386 = arith.index_cast %swap3A_2385 : i32 to index
      %swap3A_2387 = arith.index_cast %scan3A_2352 : i32 to index
      %swap3A_2388 = arith.constant 0 : index
      %swap3A_2389 = tpu.vector_load %arg13[%swap3A_2386, %swap3A_2387, %swap3A_2388] {strides = array<i32>} : memref<2x64x128xf32, #tpu.memory_space<vmem>>, vector<16xf32>,
      tpu.vector_store %arg13[%swap3A_2386, %swap3A_2387, %swap3A_2388], %select_n3A_2384 {strides = array<i32>} : memref<2x64x128xf32, #tpu.memory_space<vmem>>, vector<16xf32>,
      %sub3A_2390 = arith.subf %get3A_2378, %select_n3A_2384 : vector<16xf32>
      %mul3A_2391 = arith.mulf %sub3A_2390, %sub3A_2390 : vector<16xf32>
      %add3A_2392 = arith.addf %add3A_2350, %mul3A_2391 : vector<16xf32>
      %scan3A_2393 = arith.constant 3 : i32
      %scan3A_2394 = arith.addi %scan3A_2268, %scan3A_2393 : i32
      %broadcast_in_dim3A_2395 = vector.broadcast %scan3A_2394 : i32 to vector<16xi32>
      %gather3A_2396 = tpu.vector_load_idx %arg11[%add3A_1248, %broadcast_in_dim3A_2395] : memref<128x129xf32, #tpu.memory_space<vmem>>[vector<16xi32>, vector<16xi32>], vector<16xf32>,
      %get3A_2397 = arith.constant 0 : i32
      %get3A_2398 = arith.index_cast %get3A_2397 : i32 to index
      %get3A_2399 = arith.index_cast %scan3A_2394 : i32 to index
      %get3A_2400 = arith.constant 0 : index
      %get3A_2401 = tpu.vector_load %arg12[%get3A_2398, %get3A_2399, %get3A_2400] {strides = array<i32>} : memref<2x64x128xf32, #tpu.memory_space<vmem>>, vector<16xf32>,
      %get3A_2402 = arith.constant 0 : i32
      %get3A_2403 = arith.index_cast %get3A_2402 : i32 to index
      %get3A_2404 = arith.index_cast %scan3A_2394 : i32 to index
      %get3A_2405 = arith.constant 0 : index
      %get3A_2406 = tpu.vector_load %arg13[%get3A_2403, %get3A_2404, %get3A_2405] {strides = array<i32>} : memref<2x64x128xf32, #tpu.memory_space<vmem>>, vector<16xf32>,
      %select_n3A_2407 = arith.select %lt3A_1245, %gather3A_2396, %get3A_2406 : vector<16xi1>, vector<16xf32>
      %swap3A_2408 = arith.constant 0 : i32
      %swap3A_2409 = arith.index_cast %swap3A_2408 : i32 to index
      %swap3A_2410 = arith.index_cast %scan3A_2394 : i32 to index
      %swap3A_2411 = arith.constant 0 : index
      %swap3A_2412 = tpu.vector_load %arg13[%swap3A_2409, %swap3A_2410, %swap3A_2411] {strides = array<i32>} : memref<2x64x128xf32, #tpu.memory_space<vmem>>, vector<16xf32>,
      tpu.vector_store %arg13[%swap3A_2409, %swap3A_2410, %swap3A_2411], %select_n3A_2407 {strides = array<i32>} : memref<2x64x128xf32, #tpu.memory_space<vmem>>, vector<16xf32>,
      %sub3A_2413 = arith.subf %get3A_2401, %select_n3A_2407 : vector<16xf32>
      %mul3A_2414 = arith.mulf %sub3A_2413, %sub3A_2413 : vector<16xf32>
      %add3A_2415 = arith.addf %add3A_2373, %mul3A_2414 : vector<16xf32>
      %get3A_2416 = arith.constant 1 : i32
      %get3A_2417 = arith.index_cast %get3A_2416 : i32 to index
      %get3A_2418 = arith.index_cast %scan3A_2394 : i32 to index
      %get3A_2419 = arith.constant 0 : index
      %get3A_2420 = tpu.vector_load %arg12[%get3A_2417, %get3A_2418, %get3A_2419] {strides = array<i32>} : memref<2x64x128xf32, #tpu.memory_space<vmem>>, vector<16xf32>,
      %get3A_2421 = arith.constant 1 : i32
      %get3A_2422 = arith.index_cast %get3A_2421 : i32 to index
      %get3A_2423 = arith.index_cast %scan3A_2394 : i32 to index
      %get3A_2424 = arith.constant 0 : index
      %get3A_2425 = tpu.vector_load %arg13[%get3A_2422, %get3A_2423, %get3A_2424] {strides = array<i32>} : memref<2x64x128xf32, #tpu.memory_space<vmem>>, vector<16xf32>,
      %select_n3A_2426 = arith.select %lt3A_1245, %gather3A_2396, %get3A_2425 : vector<16xi1>, vector<16xf32>
      %swap3A_2427 = arith.constant 1 : i32
      %swap3A_2428 = arith.index_cast %swap3A_2427 : i32 to index
      %swap3A_2429 = arith.index_cast %scan3A_2394 : i32 to index
      %swap3A_2430 = arith.constant 0 : index
      %swap3A_2431 = tpu.vector_load %arg13[%swap3A_2428, %swap3A_2429, %swap3A_2430] {strides = array<i32>} : memref<2x64x128xf32, #tpu.memory_space<vmem>>, vector<16xf32>,
      tpu.vector_store %arg13[%swap3A_2428, %swap3A_2429, %swap3A_2430], %select_n3A_2426 {strides = array<i32>} : memref<2x64x128xf32, #tpu.memory_space<vmem>>, vector<16xf32>,
      %sub3A_2432 = arith.subf %get3A_2420, %select_n3A_2426 : vector<16xf32>
      %mul3A_2433 = arith.mulf %sub3A_2432, %sub3A_2432 : vector<16xf32>
      %add3A_2434 = arith.addf %add3A_2392, %mul3A_2433 : vector<16xf32>
      scf.yield %add3A_2415, %add3A_2434 : vector<16xf32>, vector<16xf32>
    }
    %scan3A_1256 = arith.constant 64 : i32
    %ge3A = arith.constant 2.500000e-03 : f32
    %ge3A_1257 = vector.broadcast %ge3A : f32 to vector<16xf32>
    %ge3A_1258 = arith.cmpf oge, %scan3A_1255#0, %ge3A_1257 : vector<16xf32>
    %convert_element_type3A = arith.extui %ge3A_1258 : vector<16xi1> to vector<16xi32>
    %convert_element_type3A_1259 = arith.sitofp %convert_element_type3A : vector<16xi32> to vector<16xf32>
    %neg3A = arith.constant 0.000000e+00 : f32
    %neg3A_1260 = vector.broadcast %neg3A : f32 to vector<16xf32>
    %neg3A_1261 = arith.subf %neg3A_1260, %convert_element_type3A_1259 : vector<16xf32>
    %get3A_1262 = arith.constant 0 : i32
    %get3A_1263 = arith.index_cast %get3A_1262 : i32 to index
    %get3A_1264 = arith.constant 0 : index
    %get3A_1265 = tpu.vector_load %arg15[%get3A_1263, %get3A_1264] {strides = array<i32>} : memref<2x128xf32, #tpu.memory_space<vmem>>, vector<16xf32>,
    %select_n3A = arith.select %lt3A_1245, %neg3A_1261, %get3A_1265 : vector<16xi1>, vector<16xf32>
    %swap3A = arith.constant 0 : i32
    %swap3A_1266 = arith.index_cast %swap3A : i32 to index
    %swap3A_1267 = arith.constant 0 : index
    %swap3A_1268 = tpu.vector_load %arg16[%swap3A_1266, %swap3A_1267] {strides = array<i32>} : memref<2x128xf32, #tpu.memory_space<vmem>>, vector<16xf32>,
    tpu.vector_store %arg16[%swap3A_1266, %swap3A_1267], %select_n3A {strides = array<i32>} : memref<2x128xf32, #tpu.memory_space<vmem>>, vector<16xf32>,
    %ge3A_1269 = arith.constant 2.500000e-03 : f32
    %ge3A_1270 = vector.broadcast %ge3A_1269 : f32 to vector<16xf32>
    %ge3A_1271 = arith.cmpf oge, %scan3A_1255#1, %ge3A_1270 : vector<16xf32>
    %convert_element_type3A_1272 = arith.extui %ge3A_1271 : vector<16xi1> to vector<16xi32>
    %convert_element_type3A_1273 = arith.sitofp %convert_element_type3A_1272 : vector<16xi32> to vector<16xf32>
    %neg3A_1274 = arith.constant 0.000000e+00 : f32
    %neg3A_1275 = vector.broadcast %neg3A_1274 : f32 to vector<16xf32>
    %neg3A_1276 = arith.subf %neg3A_1275, %convert_element_type3A_1273 : vector<16xf32>
    %get3A_1277 = arith.constant 1 : i32
    %get3A_1278 = arith.index_cast %get3A_1277 : i32 to index
    %get3A_1279 = arith.constant 0 : index
    %get3A_1280 = tpu.vector_load %arg15[%get3A_1278, %get3A_1279] {strides = array<i32>} : memref<2x128xf32, #tpu.memory_space<vmem>>, vector<16xf32>,
    %select_n3A_1281 = arith.select %lt3A_1245, %neg3A_1276, %get3A_1280 : vector<16xi1>, vector<16xf32>
    %swap3A_1282 = arith.constant 1 : i32
    %swap3A_1283 = arith.index_cast %swap3A_1282 : i32 to index
    %swap3A_1284 = arith.constant 0 : index
    %swap3A_1285 = tpu.vector_load %arg16[%swap3A_1283, %swap3A_1284] {strides = array<i32>} : memref<2x128xf32, #tpu.memory_space<vmem>>, vector<16xf32>,
    tpu.vector_store %arg16[%swap3A_1283, %swap3A_1284], %select_n3A_1281 {strides = array<i32>} : memref<2x128xf32, #tpu.memory_space<vmem>>, vector<16xf32>,
    %get3A_1286 = arith.constant 16 : index
    %get3A_1287 = tpu.vector_load %arg14[%get3A_1286] {strides = array<i32>} : memref<128xf32, #tpu.memory_space<vmem>>, vector<16xf32>,
    %lt3A_1288 = arith.constant 8.000000e-01 : f32
    %lt3A_1289 = vector.broadcast %lt3A_1288 : f32 to vector<16xf32>
    %lt3A_1290 = arith.cmpf olt, %get3A_1287, %lt3A_1289 : vector<16xf32>
    %add3A_1291 = arith.constant 16 : i32
    %add3A_1292 = vector.broadcast %add3A_1291 : i32 to vector<16xi32>
    %add3A_1293 = arith.addi %iota3A, %add3A_1292 : vector<16xi32>
    %broadcast_in_dim3A_1294 = arith.constant 0.000000e+00 : f32
    %broadcast_in_dim3A_1295 = vector.broadcast %broadcast_in_dim3A_1294 : f32 to vector<16xf32>
    %broadcast_in_dim3A_1296 = arith.constant 0.000000e+00 : f32
    %broadcast_in_dim3A_1297 = vector.broadcast %broadcast_in_dim3A_1296 : f32 to vector<16xf32>
    %scan3A_1298 = arith.constant 0 : i32
    %scan3A_1299 = arith.constant 64 : i32
    %scan3A_1300 = arith.addi %scan3A_1298, %scan3A_1299 : i32
    %scan3A_1301 = arith.constant 4 : i32
    %scan3A_1302:2 = scf.for %scan3A_2268 = %scan3A_1298 to %scan3A_1300 step %scan3A_1301 iter_args(%scan3A_2269 = %broadcast_in_dim3A_1295, %scan3A_2270 = %broadcast_in_dim3A_1297) -> (vector<16xf32>, vector<16xf32>)  : i32 {
      %broadcast_in_dim3A_2271 = vector.broadcast %scan3A_2268 : i32 to vector<16xi32>
      %gather3A = tpu.vector_load_idx %arg11[%add3A_1293, %broadcast_in_dim3A_2271] : memref<128x129xf32, #tpu.memory_space<vmem>>[vector<16xi32>, vector<16xi32>], vector<16xf32>,
      %get3A_2272 = arith.constant 0 : i32
      %get3A_2273 = arith.index_cast %get3A_2272 : i32 to index
      %get3A_2274 = arith.index_cast %scan3A_2268 : i32 to index
      %get3A_2275 = arith.constant 16 : index
      %get3A_2276 = tpu.vector_load %arg12[%get3A_2273, %get3A_2274, %get3A_2275] {strides = array<i32>} : memref<2x64x128xf32, #tpu.memory_space<vmem>>, vector<16xf32>,
      %get3A_2277 = arith.constant 0 : i32
      %get3A_2278 = arith.index_cast %get3A_2277 : i32 to index
      %get3A_2279 = arith.index_cast %scan3A_2268 : i32 to index
      %get3A_2280 = arith.constant 16 : index
      %get3A_2281 = tpu.vector_load %arg13[%get3A_2278, %get3A_2279, %get3A_2280] {strides = array<i32>} : memref<2x64x128xf32, #tpu.memory_space<vmem>>, vector<16xf32>,
      %select_n3A_2282 = arith.select %lt3A_1290, %gather3A, %get3A_2281 : vector<16xi1>, vector<16xf32>
      %swap3A_2283 = arith.constant 0 : i32
      %swap3A_2284 = arith.index_cast %swap3A_2283 : i32 to index
      %swap3A_2285 = arith.index_cast %scan3A_2268 : i32 to index
      %swap3A_2286 = arith.constant 16 : index
      %swap3A_2287 = tpu.vector_load %arg13[%swap3A_2284, %swap3A_2285, %swap3A_2286] {strides = array<i32>} : memref<2x64x128xf32, #tpu.memory_space<vmem>>, vector<16xf32>,
      tpu.vector_store %arg13[%swap3A_2284, %swap3A_2285, %swap3A_2286], %select_n3A_2282 {strides = array<i32>} : memref<2x64x128xf32, #tpu.memory_space<vmem>>, vector<16xf32>,
      %sub3A = arith.subf %get3A_2276, %select_n3A_2282 : vector<16xf32>
      %mul3A_2288 = arith.mulf %sub3A, %sub3A : vector<16xf32>
      %add3A_2289 = arith.addf %scan3A_2269, %mul3A_2288 : vector<16xf32>
      %get3A_2290 = arith.constant 1 : i32
      %get3A_2291 = arith.index_cast %get3A_2290 : i32 to index
      %get3A_2292 = arith.index_cast %scan3A_2268 : i32 to index
      %get3A_2293 = arith.constant 16 : index
      %get3A_2294 = tpu.vector_load %arg12[%get3A_2291, %get3A_2292, %get3A_2293] {strides = array<i32>} : memref<2x64x128xf32, #tpu.memory_space<vmem>>, vector<16xf32>,
      %get3A_2295 = arith.constant 1 : i32
      %get3A_2296 = arith.index_cast %get3A_2295 : i32 to index
      %get3A_2297 = arith.index_cast %scan3A_2268 : i32 to index
      %get3A_2298 = arith.constant 16 : index
      %get3A_2299 = tpu.vector_load %arg13[%get3A_2296, %get3A_2297, %get3A_2298] {strides = array<i32>} : memref<2x64x128xf32, #tpu.memory_space<vmem>>, vector<16xf32>,
      %select_n3A_2300 = arith.select %lt3A_1290, %gather3A, %get3A_2299 : vector<16xi1>, vector<16xf32>
      %swap3A_2301 = arith.constant 1 : i32
      %swap3A_2302 = arith.index_cast %swap3A_2301 : i32 to index
      %swap3A_2303 = arith.index_cast %scan3A_2268 : i32 to index
      %swap3A_2304 = arith.constant 16 : index
      %swap3A_2305 = tpu.vector_load %arg13[%swap3A_2302, %swap3A_2303, %swap3A_2304] {strides = array<i32>} : memref<2x64x128xf32, #tpu.memory_space<vmem>>, vector<16xf32>,
      tpu.vector_store %arg13[%swap3A_2302, %swap3A_2303, %swap3A_2304], %select_n3A_2300 {strides = array<i32>} : memref<2x64x128xf32, #tpu.memory_space<vmem>>, vector<16xf32>,
      %sub3A_2306 = arith.subf %get3A_2294, %select_n3A_2300 : vector<16xf32>
      %mul3A_2307 = arith.mulf %sub3A_2306, %sub3A_2306 : vector<16xf32>
      %add3A_2308 = arith.addf %scan3A_2270, %mul3A_2307 : vector<16xf32>
      %scan3A_2309 = arith.constant 1 : i32
      %scan3A_2310 = arith.addi %scan3A_2268, %scan3A_2309 : i32
      %broadcast_in_dim3A_2311 = vector.broadcast %scan3A_2310 : i32 to vector<16xi32>
      %gather3A_2312 = tpu.vector_load_idx %arg11[%add3A_1293, %broadcast_in_dim3A_2311] : memref<128x129xf32, #tpu.memory_space<vmem>>[vector<16xi32>, vector<16xi32>], vector<16xf32>,
      %get3A_2313 = arith.constant 0 : i32
      %get3A_2314 = arith.index_cast %get3A_2313 : i32 to index
      %get3A_2315 = arith.index_cast %scan3A_2310 : i32 to index
      %get3A_2316 = arith.constant 16 : index
      %get3A_2317 = tpu.vector_load %arg12[%get3A_2314, %get3A_2315, %get3A_2316] {strides = array<i32>} : memref<2x64x128xf32, #tpu.memory_space<vmem>>, vector<16xf32>,
      %get3A_2318 = arith.constant 0 : i32
      %get3A_2319 = arith.index_cast %get3A_2318 : i32 to index
      %get3A_2320 = arith.index_cast %scan3A_2310 : i32 to index
      %get3A_2321 = arith.constant 16 : index
      %get3A_2322 = tpu.vector_load %arg13[%get3A_2319, %get3A_2320, %get3A_2321] {strides = array<i32>} : memref<2x64x128xf32, #tpu.memory_space<vmem>>, vector<16xf32>,
      %select_n3A_2323 = arith.select %lt3A_1290, %gather3A_2312, %get3A_2322 : vector<16xi1>, vector<16xf32>
      %swap3A_2324 = arith.constant 0 : i32
      %swap3A_2325 = arith.index_cast %swap3A_2324 : i32 to index
      %swap3A_2326 = arith.index_cast %scan3A_2310 : i32 to index
      %swap3A_2327 = arith.constant 16 : index
      %swap3A_2328 = tpu.vector_load %arg13[%swap3A_2325, %swap3A_2326, %swap3A_2327] {strides = array<i32>} : memref<2x64x128xf32, #tpu.memory_space<vmem>>, vector<16xf32>,
      tpu.vector_store %arg13[%swap3A_2325, %swap3A_2326, %swap3A_2327], %select_n3A_2323 {strides = array<i32>} : memref<2x64x128xf32, #tpu.memory_space<vmem>>, vector<16xf32>,
      %sub3A_2329 = arith.subf %get3A_2317, %select_n3A_2323 : vector<16xf32>
      %mul3A_2330 = arith.mulf %sub3A_2329, %sub3A_2329 : vector<16xf32>
      %add3A_2331 = arith.addf %add3A_2289, %mul3A_2330 : vector<16xf32>
      %get3A_2332 = arith.constant 1 : i32
      %get3A_2333 = arith.index_cast %get3A_2332 : i32 to index
      %get3A_2334 = arith.index_cast %scan3A_2310 : i32 to index
      %get3A_2335 = arith.constant 16 : index
      %get3A_2336 = tpu.vector_load %arg12[%get3A_2333, %get3A_2334, %get3A_2335] {strides = array<i32>} : memref<2x64x128xf32, #tpu.memory_space<vmem>>, vector<16xf32>,
      %get3A_2337 = arith.constant 1 : i32
      %get3A_2338 = arith.index_cast %get3A_2337 : i32 to index
      %get3A_2339 = arith.index_cast %scan3A_2310 : i32 to index
      %get3A_2340 = arith.constant 16 : index
      %get3A_2341 = tpu.vector_load %arg13[%get3A_2338, %get3A_2339, %get3A_2340] {strides = array<i32>} : memref<2x64x128xf32, #tpu.memory_space<vmem>>, vector<16xf32>,
      %select_n3A_2342 = arith.select %lt3A_1290, %gather3A_2312, %get3A_2341 : vector<16xi1>, vector<16xf32>
      %swap3A_2343 = arith.constant 1 : i32
      %swap3A_2344 = arith.index_cast %swap3A_2343 : i32 to index
      %swap3A_2345 = arith.index_cast %scan3A_2310 : i32 to index
      %swap3A_2346 = arith.constant 16 : index
      %swap3A_2347 = tpu.vector_load %arg13[%swap3A_2344, %swap3A_2345, %swap3A_2346] {strides = array<i32>} : memref<2x64x128xf32, #tpu.memory_space<vmem>>, vector<16xf32>,
      tpu.vector_store %arg13[%swap3A_2344, %swap3A_2345, %swap3A_2346], %select_n3A_2342 {strides = array<i32>} : memref<2x64x128xf32, #tpu.memory_space<vmem>>, vector<16xf32>,
      %sub3A_2348 = arith.subf %get3A_2336, %select_n3A_2342 : vector<16xf32>
      %mul3A_2349 = arith.mulf %sub3A_2348, %sub3A_2348 : vector<16xf32>
      %add3A_2350 = arith.addf %add3A_2308, %mul3A_2349 : vector<16xf32>
      %scan3A_2351 = arith.constant 2 : i32
      %scan3A_2352 = arith.addi %scan3A_2268, %scan3A_2351 : i32
      %broadcast_in_dim3A_2353 = vector.broadcast %scan3A_2352 : i32 to vector<16xi32>
      %gather3A_2354 = tpu.vector_load_idx %arg11[%add3A_1293, %broadcast_in_dim3A_2353] : memref<128x129xf32, #tpu.memory_space<vmem>>[vector<16xi32>, vector<16xi32>], vector<16xf32>,
      %get3A_2355 = arith.constant 0 : i32
      %get3A_2356 = arith.index_cast %get3A_2355 : i32 to index
      %get3A_2357 = arith.index_cast %scan3A_2352 : i32 to index
      %get3A_2358 = arith.constant 16 : index
      %get3A_2359 = tpu.vector_load %arg12[%get3A_2356, %get3A_2357, %get3A_2358] {strides = array<i32>} : memref<2x64x128xf32, #tpu.memory_space<vmem>>, vector<16xf32>,
      %get3A_2360 = arith.constant 0 : i32
      %get3A_2361 = arith.index_cast %get3A_2360 : i32 to index
      %get3A_2362 = arith.index_cast %scan3A_2352 : i32 to index
      %get3A_2363 = arith.constant 16 : index
      %get3A_2364 = tpu.vector_load %arg13[%get3A_2361, %get3A_2362, %get3A_2363] {strides = array<i32>} : memref<2x64x128xf32, #tpu.memory_space<vmem>>, vector<16xf32>,
      %select_n3A_2365 = arith.select %lt3A_1290, %gather3A_2354, %get3A_2364 : vector<16xi1>, vector<16xf32>
      %swap3A_2366 = arith.constant 0 : i32
      %swap3A_2367 = arith.index_cast %swap3A_2366 : i32 to index
      %swap3A_2368 = arith.index_cast %scan3A_2352 : i32 to index
      %swap3A_2369 = arith.constant 16 : index
      %swap3A_2370 = tpu.vector_load %arg13[%swap3A_2367, %swap3A_2368, %swap3A_2369] {strides = array<i32>} : memref<2x64x128xf32, #tpu.memory_space<vmem>>, vector<16xf32>,
      tpu.vector_store %arg13[%swap3A_2367, %swap3A_2368, %swap3A_2369], %select_n3A_2365 {strides = array<i32>} : memref<2x64x128xf32, #tpu.memory_space<vmem>>, vector<16xf32>,
      %sub3A_2371 = arith.subf %get3A_2359, %select_n3A_2365 : vector<16xf32>
      %mul3A_2372 = arith.mulf %sub3A_2371, %sub3A_2371 : vector<16xf32>
      %add3A_2373 = arith.addf %add3A_2331, %mul3A_2372 : vector<16xf32>
      %get3A_2374 = arith.constant 1 : i32
      %get3A_2375 = arith.index_cast %get3A_2374 : i32 to index
      %get3A_2376 = arith.index_cast %scan3A_2352 : i32 to index
      %get3A_2377 = arith.constant 16 : index
      %get3A_2378 = tpu.vector_load %arg12[%get3A_2375, %get3A_2376, %get3A_2377] {strides = array<i32>} : memref<2x64x128xf32, #tpu.memory_space<vmem>>, vector<16xf32>,
      %get3A_2379 = arith.constant 1 : i32
      %get3A_2380 = arith.index_cast %get3A_2379 : i32 to index
      %get3A_2381 = arith.index_cast %scan3A_2352 : i32 to index
      %get3A_2382 = arith.constant 16 : index
      %get3A_2383 = tpu.vector_load %arg13[%get3A_2380, %get3A_2381, %get3A_2382] {strides = array<i32>} : memref<2x64x128xf32, #tpu.memory_space<vmem>>, vector<16xf32>,
      %select_n3A_2384 = arith.select %lt3A_1290, %gather3A_2354, %get3A_2383 : vector<16xi1>, vector<16xf32>
      %swap3A_2385 = arith.constant 1 : i32
      %swap3A_2386 = arith.index_cast %swap3A_2385 : i32 to index
      %swap3A_2387 = arith.index_cast %scan3A_2352 : i32 to index
      %swap3A_2388 = arith.constant 16 : index
      %swap3A_2389 = tpu.vector_load %arg13[%swap3A_2386, %swap3A_2387, %swap3A_2388] {strides = array<i32>} : memref<2x64x128xf32, #tpu.memory_space<vmem>>, vector<16xf32>,
      tpu.vector_store %arg13[%swap3A_2386, %swap3A_2387, %swap3A_2388], %select_n3A_2384 {strides = array<i32>} : memref<2x64x128xf32, #tpu.memory_space<vmem>>, vector<16xf32>,
      %sub3A_2390 = arith.subf %get3A_2378, %select_n3A_2384 : vector<16xf32>
      %mul3A_2391 = arith.mulf %sub3A_2390, %sub3A_2390 : vector<16xf32>
      %add3A_2392 = arith.addf %add3A_2350, %mul3A_2391 : vector<16xf32>
      %scan3A_2393 = arith.constant 3 : i32
      %scan3A_2394 = arith.addi %scan3A_2268, %scan3A_2393 : i32
      %broadcast_in_dim3A_2395 = vector.broadcast %scan3A_2394 : i32 to vector<16xi32>
      %gather3A_2396 = tpu.vector_load_idx %arg11[%add3A_1293, %broadcast_in_dim3A_2395] : memref<128x129xf32, #tpu.memory_space<vmem>>[vector<16xi32>, vector<16xi32>], vector<16xf32>,
      %get3A_2397 = arith.constant 0 : i32
      %get3A_2398 = arith.index_cast %get3A_2397 : i32 to index
      %get3A_2399 = arith.index_cast %scan3A_2394 : i32 to index
      %get3A_2400 = arith.constant 16 : index
      %get3A_2401 = tpu.vector_load %arg12[%get3A_2398, %get3A_2399, %get3A_2400] {strides = array<i32>} : memref<2x64x128xf32, #tpu.memory_space<vmem>>, vector<16xf32>,
      %get3A_2402 = arith.constant 0 : i32
      %get3A_2403 = arith.index_cast %get3A_2402 : i32 to index
      %get3A_2404 = arith.index_cast %scan3A_2394 : i32 to index
      %get3A_2405 = arith.constant 16 : index
      %get3A_2406 = tpu.vector_load %arg13[%get3A_2403, %get3A_2404, %get3A_2405] {strides = array<i32>} : memref<2x64x128xf32, #tpu.memory_space<vmem>>, vector<16xf32>,
      %select_n3A_2407 = arith.select %lt3A_1290, %gather3A_2396, %get3A_2406 : vector<16xi1>, vector<16xf32>
      %swap3A_2408 = arith.constant 0 : i32
      %swap3A_2409 = arith.index_cast %swap3A_2408 : i32 to index
      %swap3A_2410 = arith.index_cast %scan3A_2394 : i32 to index
      %swap3A_2411 = arith.constant 16 : index
      %swap3A_2412 = tpu.vector_load %arg13[%swap3A_2409, %swap3A_2410, %swap3A_2411] {strides = array<i32>} : memref<2x64x128xf32, #tpu.memory_space<vmem>>, vector<16xf32>,
      tpu.vector_store %arg13[%swap3A_2409, %swap3A_2410, %swap3A_2411], %select_n3A_2407 {strides = array<i32>} : memref<2x64x128xf32, #tpu.memory_space<vmem>>, vector<16xf32>,
      %sub3A_2413 = arith.subf %get3A_2401, %select_n3A_2407 : vector<16xf32>
      %mul3A_2414 = arith.mulf %sub3A_2413, %sub3A_2413 : vector<16xf32>
      %add3A_2415 = arith.addf %add3A_2373, %mul3A_2414 : vector<16xf32>
      %get3A_2416 = arith.constant 1 : i32
      %get3A_2417 = arith.index_cast %get3A_2416 : i32 to index
      %get3A_2418 = arith.index_cast %scan3A_2394 : i32 to index
      %get3A_2419 = arith.constant 16 : index
      %get3A_2420 = tpu.vector_load %arg12[%get3A_2417, %get3A_2418, %get3A_2419] {strides = array<i32>} : memref<2x64x128xf32, #tpu.memory_space<vmem>>, vector<16xf32>,
      %get3A_2421 = arith.constant 1 : i32
      %get3A_2422 = arith.index_cast %get3A_2421 : i32 to index
      %get3A_2423 = arith.index_cast %scan3A_2394 : i32 to index
      %get3A_2424 = arith.constant 16 : index
      %get3A_2425 = tpu.vector_load %arg13[%get3A_2422, %get3A_2423, %get3A_2424] {strides = array<i32>} : memref<2x64x128xf32, #tpu.memory_space<vmem>>, vector<16xf32>,
      %select_n3A_2426 = arith.select %lt3A_1290, %gather3A_2396, %get3A_2425 : vector<16xi1>, vector<16xf32>
      %swap3A_2427 = arith.constant 1 : i32
      %swap3A_2428 = arith.index_cast %swap3A_2427 : i32 to index
      %swap3A_2429 = arith.index_cast %scan3A_2394 : i32 to index
      %swap3A_2430 = arith.constant 16 : index
      %swap3A_2431 = tpu.vector_load %arg13[%swap3A_2428, %swap3A_2429, %swap3A_2430] {strides = array<i32>} : memref<2x64x128xf32, #tpu.memory_space<vmem>>, vector<16xf32>,
      tpu.vector_store %arg13[%swap3A_2428, %swap3A_2429, %swap3A_2430], %select_n3A_2426 {strides = array<i32>} : memref<2x64x128xf32, #tpu.memory_space<vmem>>, vector<16xf32>,
      %sub3A_2432 = arith.subf %get3A_2420, %select_n3A_2426 : vector<16xf32>
      %mul3A_2433 = arith.mulf %sub3A_2432, %sub3A_2432 : vector<16xf32>
      %add3A_2434 = arith.addf %add3A_2392, %mul3A_2433 : vector<16xf32>
      scf.yield %add3A_2415, %add3A_2434 : vector<16xf32>, vector<16xf32>
    }
    %scan3A_1303 = arith.constant 64 : i32
    %ge3A_1304 = arith.constant 2.500000e-03 : f32
    %ge3A_1305 = vector.broadcast %ge3A_1304 : f32 to vector<16xf32>
    %ge3A_1306 = arith.cmpf oge, %scan3A_1302#0, %ge3A_1305 : vector<16xf32>
    %convert_element_type3A_1307 = arith.extui %ge3A_1306 : vector<16xi1> to vector<16xi32>
    %convert_element_type3A_1308 = arith.sitofp %convert_element_type3A_1307 : vector<16xi32> to vector<16xf32>
    %neg3A_1309 = arith.constant 0.000000e+00 : f32
    %neg3A_1310 = vector.broadcast %neg3A_1309 : f32 to vector<16xf32>
    %neg3A_1311 = arith.subf %neg3A_1310, %convert_element_type3A_1308 : vector<16xf32>
    %get3A_1312 = arith.constant 0 : i32
    %get3A_1313 = arith.index_cast %get3A_1312 : i32 to index
    %get3A_1314 = arith.constant 16 : index
    %get3A_1315 = tpu.vector_load %arg15[%get3A_1313, %get3A_1314] {strides = array<i32>} : memref<2x128xf32, #tpu.memory_space<vmem>>, vector<16xf32>,
    %select_n3A_1316 = arith.select %lt3A_1290, %neg3A_1311, %get3A_1315 : vector<16xi1>, vector<16xf32>
    %swap3A_1317 = arith.constant 0 : i32
    %swap3A_1318 = arith.index_cast %swap3A_1317 : i32 to index
    %swap3A_1319 = arith.constant 16 : index
    %swap3A_1320 = tpu.vector_load %arg16[%swap3A_1318, %swap3A_1319] {strides = array<i32>} : memref<2x128xf32, #tpu.memory_space<vmem>>, vector<16xf32>,
    tpu.vector_store %arg16[%swap3A_1318, %swap3A_1319], %select_n3A_1316 {strides = array<i32>} : memref<2x128xf32, #tpu.memory_space<vmem>>, vector<16xf32>,
    %ge3A_1321 = arith.constant 2.500000e-03 : f32
    %ge3A_1322 = vector.broadcast %ge3A_1321 : f32 to vector<16xf32>
    %ge3A_1323 = arith.cmpf oge, %scan3A_1302#1, %ge3A_1322 : vector<16xf32>
    %convert_element_type3A_1324 = arith.extui %ge3A_1323 : vector<16xi1> to vector<16xi32>
    %convert_element_type3A_1325 = arith.sitofp %convert_element_type3A_1324 : vector<16xi32> to vector<16xf32>
    %neg3A_1326 = arith.constant 0.000000e+00 : f32
    %neg3A_1327 = vector.broadcast %neg3A_1326 : f32 to vector<16xf32>
    %neg3A_1328 = arith.subf %neg3A_1327, %convert_element_type3A_1325 : vector<16xf32>
    %get3A_1329 = arith.constant 1 : i32
    %get3A_1330 = arith.index_cast %get3A_1329 : i32 to index
    %get3A_1331 = arith.constant 16 : index
    %get3A_1332 = tpu.vector_load %arg15[%get3A_1330, %get3A_1331] {strides = array<i32>} : memref<2x128xf32, #tpu.memory_space<vmem>>, vector<16xf32>,
    %select_n3A_1333 = arith.select %lt3A_1290, %neg3A_1328, %get3A_1332 : vector<16xi1>, vector<16xf32>
    %swap3A_1334 = arith.constant 1 : i32
    %swap3A_1335 = arith.index_cast %swap3A_1334 : i32 to index
    %swap3A_1336 = arith.constant 16 : index
    %swap3A_1337 = tpu.vector_load %arg16[%swap3A_1335, %swap3A_1336] {strides = array<i32>} : memref<2x128xf32, #tpu.memory_space<vmem>>, vector<16xf32>,
    tpu.vector_store %arg16[%swap3A_1335, %swap3A_1336], %select_n3A_1333 {strides = array<i32>} : memref<2x128xf32, #tpu.memory_space<vmem>>, vector<16xf32>,
    %get3A_1338 = arith.constant 32 : index
    %get3A_1339 = tpu.vector_load %arg14[%get3A_1338] {strides = array<i32>} : memref<128xf32, #tpu.memory_space<vmem>>, vector<16xf32>,
    %lt3A_1340 = arith.constant 8.000000e-01 : f32
    %lt3A_1341 = vector.broadcast %lt3A_1340 : f32 to vector<16xf32>
    %lt3A_1342 = arith.cmpf olt, %get3A_1339, %lt3A_1341 : vector<16xf32>
    %add3A_1343 = arith.constant 32 : i32
    %add3A_1344 = vector.broadcast %add3A_1343 : i32 to vector<16xi32>
    %add3A_1345 = arith.addi %iota3A, %add3A_1344 : vector<16xi32>
    %broadcast_in_dim3A_1346 = arith.constant 0.000000e+00 : f32
    %broadcast_in_dim3A_1347 = vector.broadcast %broadcast_in_dim3A_1346 : f32 to vector<16xf32>
    %broadcast_in_dim3A_1348 = arith.constant 0.000000e+00 : f32
    %broadcast_in_dim3A_1349 = vector.broadcast %broadcast_in_dim3A_1348 : f32 to vector<16xf32>
    %scan3A_1350 = arith.constant 0 : i32
    %scan3A_1351 = arith.constant 64 : i32
    %scan3A_1352 = arith.addi %scan3A_1350, %scan3A_1351 : i32
    %scan3A_1353 = arith.constant 4 : i32
    %scan3A_1354:2 = scf.for %scan3A_2268 = %scan3A_1350 to %scan3A_1352 step %scan3A_1353 iter_args(%scan3A_2269 = %broadcast_in_dim3A_1347, %scan3A_2270 = %broadcast_in_dim3A_1349) -> (vector<16xf32>, vector<16xf32>)  : i32 {
      %broadcast_in_dim3A_2271 = vector.broadcast %scan3A_2268 : i32 to vector<16xi32>
      %gather3A = tpu.vector_load_idx %arg11[%add3A_1345, %broadcast_in_dim3A_2271] : memref<128x129xf32, #tpu.memory_space<vmem>>[vector<16xi32>, vector<16xi32>], vector<16xf32>,
      %get3A_2272 = arith.constant 0 : i32
      %get3A_2273 = arith.index_cast %get3A_2272 : i32 to index
      %get3A_2274 = arith.index_cast %scan3A_2268 : i32 to index
      %get3A_2275 = arith.constant 32 : index
      %get3A_2276 = tpu.vector_load %arg12[%get3A_2273, %get3A_2274, %get3A_2275] {strides = array<i32>} : memref<2x64x128xf32, #tpu.memory_space<vmem>>, vector<16xf32>,
      %get3A_2277 = arith.constant 0 : i32
      %get3A_2278 = arith.index_cast %get3A_2277 : i32 to index
      %get3A_2279 = arith.index_cast %scan3A_2268 : i32 to index
      %get3A_2280 = arith.constant 32 : index
      %get3A_2281 = tpu.vector_load %arg13[%get3A_2278, %get3A_2279, %get3A_2280] {strides = array<i32>} : memref<2x64x128xf32, #tpu.memory_space<vmem>>, vector<16xf32>,
      %select_n3A_2282 = arith.select %lt3A_1342, %gather3A, %get3A_2281 : vector<16xi1>, vector<16xf32>
      %swap3A_2283 = arith.constant 0 : i32
      %swap3A_2284 = arith.index_cast %swap3A_2283 : i32 to index
      %swap3A_2285 = arith.index_cast %scan3A_2268 : i32 to index
      %swap3A_2286 = arith.constant 32 : index
      %swap3A_2287 = tpu.vector_load %arg13[%swap3A_2284, %swap3A_2285, %swap3A_2286] {strides = array<i32>} : memref<2x64x128xf32, #tpu.memory_space<vmem>>, vector<16xf32>,
      tpu.vector_store %arg13[%swap3A_2284, %swap3A_2285, %swap3A_2286], %select_n3A_2282 {strides = array<i32>} : memref<2x64x128xf32, #tpu.memory_space<vmem>>, vector<16xf32>,
      %sub3A = arith.subf %get3A_2276, %select_n3A_2282 : vector<16xf32>
      %mul3A_2288 = arith.mulf %sub3A, %sub3A : vector<16xf32>
      %add3A_2289 = arith.addf %scan3A_2269, %mul3A_2288 : vector<16xf32>
      %get3A_2290 = arith.constant 1 : i32
      %get3A_2291 = arith.index_cast %get3A_2290 : i32 to index
      %get3A_2292 = arith.index_cast %scan3A_2268 : i32 to index
      %get3A_2293 = arith.constant 32 : index
      %get3A_2294 = tpu.vector_load %arg12[%get3A_2291, %get3A_2292, %get3A_2293] {strides = array<i32>} : memref<2x64x128xf32, #tpu.memory_space<vmem>>, vector<16xf32>,
      %get3A_2295 = arith.constant 1 : i32
      %get3A_2296 = arith.index_cast %get3A_2295 : i32 to index
      %get3A_2297 = arith.index_cast %scan3A_2268 : i32 to index
      %get3A_2298 = arith.constant 32 : index
      %get3A_2299 = tpu.vector_load %arg13[%get3A_2296, %get3A_2297, %get3A_2298] {strides = array<i32>} : memref<2x64x128xf32, #tpu.memory_space<vmem>>, vector<16xf32>,
      %select_n3A_2300 = arith.select %lt3A_1342, %gather3A, %get3A_2299 : vector<16xi1>, vector<16xf32>
      %swap3A_2301 = arith.constant 1 : i32
      %swap3A_2302 = arith.index_cast %swap3A_2301 : i32 to index
      %swap3A_2303 = arith.index_cast %scan3A_2268 : i32 to index
      %swap3A_2304 = arith.constant 32 : index
      %swap3A_2305 = tpu.vector_load %arg13[%swap3A_2302, %swap3A_2303, %swap3A_2304] {strides = array<i32>} : memref<2x64x128xf32, #tpu.memory_space<vmem>>, vector<16xf32>,
      tpu.vector_store %arg13[%swap3A_2302, %swap3A_2303, %swap3A_2304], %select_n3A_2300 {strides = array<i32>} : memref<2x64x128xf32, #tpu.memory_space<vmem>>, vector<16xf32>,
      %sub3A_2306 = arith.subf %get3A_2294, %select_n3A_2300 : vector<16xf32>
      %mul3A_2307 = arith.mulf %sub3A_2306, %sub3A_2306 : vector<16xf32>
      %add3A_2308 = arith.addf %scan3A_2270, %mul3A_2307 : vector<16xf32>
      %scan3A_2309 = arith.constant 1 : i32
      %scan3A_2310 = arith.addi %scan3A_2268, %scan3A_2309 : i32
      %broadcast_in_dim3A_2311 = vector.broadcast %scan3A_2310 : i32 to vector<16xi32>
      %gather3A_2312 = tpu.vector_load_idx %arg11[%add3A_1345, %broadcast_in_dim3A_2311] : memref<128x129xf32, #tpu.memory_space<vmem>>[vector<16xi32>, vector<16xi32>], vector<16xf32>,
      %get3A_2313 = arith.constant 0 : i32
      %get3A_2314 = arith.index_cast %get3A_2313 : i32 to index
      %get3A_2315 = arith.index_cast %scan3A_2310 : i32 to index
      %get3A_2316 = arith.constant 32 : index
      %get3A_2317 = tpu.vector_load %arg12[%get3A_2314, %get3A_2315, %get3A_2316] {strides = array<i32>} : memref<2x64x128xf32, #tpu.memory_space<vmem>>, vector<16xf32>,
      %get3A_2318 = arith.constant 0 : i32
      %get3A_2319 = arith.index_cast %get3A_2318 : i32 to index
      %get3A_2320 = arith.index_cast %scan3A_2310 : i32 to index
      %get3A_2321 = arith.constant 32 : index
      %get3A_2322 = tpu.vector_load %arg13[%get3A_2319, %get3A_2320, %get3A_2321] {strides = array<i32>} : memref<2x64x128xf32, #tpu.memory_space<vmem>>, vector<16xf32>,
      %select_n3A_2323 = arith.select %lt3A_1342, %gather3A_2312, %get3A_2322 : vector<16xi1>, vector<16xf32>
      %swap3A_2324 = arith.constant 0 : i32
      %swap3A_2325 = arith.index_cast %swap3A_2324 : i32 to index
      %swap3A_2326 = arith.index_cast %scan3A_2310 : i32 to index
      %swap3A_2327 = arith.constant 32 : index
      %swap3A_2328 = tpu.vector_load %arg13[%swap3A_2325, %swap3A_2326, %swap3A_2327] {strides = array<i32>} : memref<2x64x128xf32, #tpu.memory_space<vmem>>, vector<16xf32>,
      tpu.vector_store %arg13[%swap3A_2325, %swap3A_2326, %swap3A_2327], %select_n3A_2323 {strides = array<i32>} : memref<2x64x128xf32, #tpu.memory_space<vmem>>, vector<16xf32>,
      %sub3A_2329 = arith.subf %get3A_2317, %select_n3A_2323 : vector<16xf32>
      %mul3A_2330 = arith.mulf %sub3A_2329, %sub3A_2329 : vector<16xf32>
      %add3A_2331 = arith.addf %add3A_2289, %mul3A_2330 : vector<16xf32>
      %get3A_2332 = arith.constant 1 : i32
      %get3A_2333 = arith.index_cast %get3A_2332 : i32 to index
      %get3A_2334 = arith.index_cast %scan3A_2310 : i32 to index
      %get3A_2335 = arith.constant 32 : index
      %get3A_2336 = tpu.vector_load %arg12[%get3A_2333, %get3A_2334, %get3A_2335] {strides = array<i32>} : memref<2x64x128xf32, #tpu.memory_space<vmem>>, vector<16xf32>,
      %get3A_2337 = arith.constant 1 : i32
      %get3A_2338 = arith.index_cast %get3A_2337 : i32 to index
      %get3A_2339 = arith.index_cast %scan3A_2310 : i32 to index
      %get3A_2340 = arith.constant 32 : index
      %get3A_2341 = tpu.vector_load %arg13[%get3A_2338, %get3A_2339, %get3A_2340] {strides = array<i32>} : memref<2x64x128xf32, #tpu.memory_space<vmem>>, vector<16xf32>,
      %select_n3A_2342 = arith.select %lt3A_1342, %gather3A_2312, %get3A_2341 : vector<16xi1>, vector<16xf32>
      %swap3A_2343 = arith.constant 1 : i32
      %swap3A_2344 = arith.index_cast %swap3A_2343 : i32 to index
      %swap3A_2345 = arith.index_cast %scan3A_2310 : i32 to index
      %swap3A_2346 = arith.constant 32 : index
      %swap3A_2347 = tpu.vector_load %arg13[%swap3A_2344, %swap3A_2345, %swap3A_2346] {strides = array<i32>} : memref<2x64x128xf32, #tpu.memory_space<vmem>>, vector<16xf32>,
      tpu.vector_store %arg13[%swap3A_2344, %swap3A_2345, %swap3A_2346], %select_n3A_2342 {strides = array<i32>} : memref<2x64x128xf32, #tpu.memory_space<vmem>>, vector<16xf32>,
      %sub3A_2348 = arith.subf %get3A_2336, %select_n3A_2342 : vector<16xf32>
      %mul3A_2349 = arith.mulf %sub3A_2348, %sub3A_2348 : vector<16xf32>
      %add3A_2350 = arith.addf %add3A_2308, %mul3A_2349 : vector<16xf32>
      %scan3A_2351 = arith.constant 2 : i32
      %scan3A_2352 = arith.addi %scan3A_2268, %scan3A_2351 : i32
      %broadcast_in_dim3A_2353 = vector.broadcast %scan3A_2352 : i32 to vector<16xi32>
      %gather3A_2354 = tpu.vector_load_idx %arg11[%add3A_1345, %broadcast_in_dim3A_2353] : memref<128x129xf32, #tpu.memory_space<vmem>>[vector<16xi32>, vector<16xi32>], vector<16xf32>,
      %get3A_2355 = arith.constant 0 : i32
      %get3A_2356 = arith.index_cast %get3A_2355 : i32 to index
      %get3A_2357 = arith.index_cast %scan3A_2352 : i32 to index
      %get3A_2358 = arith.constant 32 : index
      %get3A_2359 = tpu.vector_load %arg12[%get3A_2356, %get3A_2357, %get3A_2358] {strides = array<i32>} : memref<2x64x128xf32, #tpu.memory_space<vmem>>, vector<16xf32>,
      %get3A_2360 = arith.constant 0 : i32
      %get3A_2361 = arith.index_cast %get3A_2360 : i32 to index
      %get3A_2362 = arith.index_cast %scan3A_2352 : i32 to index
      %get3A_2363 = arith.constant 32 : index
      %get3A_2364 = tpu.vector_load %arg13[%get3A_2361, %get3A_2362, %get3A_2363] {strides = array<i32>} : memref<2x64x128xf32, #tpu.memory_space<vmem>>, vector<16xf32>,
      %select_n3A_2365 = arith.select %lt3A_1342, %gather3A_2354, %get3A_2364 : vector<16xi1>, vector<16xf32>
      %swap3A_2366 = arith.constant 0 : i32
      %swap3A_2367 = arith.index_cast %swap3A_2366 : i32 to index
      %swap3A_2368 = arith.index_cast %scan3A_2352 : i32 to index
      %swap3A_2369 = arith.constant 32 : index
      %swap3A_2370 = tpu.vector_load %arg13[%swap3A_2367, %swap3A_2368, %swap3A_2369] {strides = array<i32>} : memref<2x64x128xf32, #tpu.memory_space<vmem>>, vector<16xf32>,
      tpu.vector_store %arg13[%swap3A_2367, %swap3A_2368, %swap3A_2369], %select_n3A_2365 {strides = array<i32>} : memref<2x64x128xf32, #tpu.memory_space<vmem>>, vector<16xf32>,
      %sub3A_2371 = arith.subf %get3A_2359, %select_n3A_2365 : vector<16xf32>
      %mul3A_2372 = arith.mulf %sub3A_2371, %sub3A_2371 : vector<16xf32>
      %add3A_2373 = arith.addf %add3A_2331, %mul3A_2372 : vector<16xf32>
      %get3A_2374 = arith.constant 1 : i32
      %get3A_2375 = arith.index_cast %get3A_2374 : i32 to index
      %get3A_2376 = arith.index_cast %scan3A_2352 : i32 to index
      %get3A_2377 = arith.constant 32 : index
      %get3A_2378 = tpu.vector_load %arg12[%get3A_2375, %get3A_2376, %get3A_2377] {strides = array<i32>} : memref<2x64x128xf32, #tpu.memory_space<vmem>>, vector<16xf32>,
      %get3A_2379 = arith.constant 1 : i32
      %get3A_2380 = arith.index_cast %get3A_2379 : i32 to index
      %get3A_2381 = arith.index_cast %scan3A_2352 : i32 to index
      %get3A_2382 = arith.constant 32 : index
      %get3A_2383 = tpu.vector_load %arg13[%get3A_2380, %get3A_2381, %get3A_2382] {strides = array<i32>} : memref<2x64x128xf32, #tpu.memory_space<vmem>>, vector<16xf32>,
      %select_n3A_2384 = arith.select %lt3A_1342, %gather3A_2354, %get3A_2383 : vector<16xi1>, vector<16xf32>
      %swap3A_2385 = arith.constant 1 : i32
      %swap3A_2386 = arith.index_cast %swap3A_2385 : i32 to index
      %swap3A_2387 = arith.index_cast %scan3A_2352 : i32 to index
      %swap3A_2388 = arith.constant 32 : index
      %swap3A_2389 = tpu.vector_load %arg13[%swap3A_2386, %swap3A_2387, %swap3A_2388] {strides = array<i32>} : memref<2x64x128xf32, #tpu.memory_space<vmem>>, vector<16xf32>,
      tpu.vector_store %arg13[%swap3A_2386, %swap3A_2387, %swap3A_2388], %select_n3A_2384 {strides = array<i32>} : memref<2x64x128xf32, #tpu.memory_space<vmem>>, vector<16xf32>,
      %sub3A_2390 = arith.subf %get3A_2378, %select_n3A_2384 : vector<16xf32>
      %mul3A_2391 = arith.mulf %sub3A_2390, %sub3A_2390 : vector<16xf32>
      %add3A_2392 = arith.addf %add3A_2350, %mul3A_2391 : vector<16xf32>
      %scan3A_2393 = arith.constant 3 : i32
      %scan3A_2394 = arith.addi %scan3A_2268, %scan3A_2393 : i32
      %broadcast_in_dim3A_2395 = vector.broadcast %scan3A_2394 : i32 to vector<16xi32>
      %gather3A_2396 = tpu.vector_load_idx %arg11[%add3A_1345, %broadcast_in_dim3A_2395] : memref<128x129xf32, #tpu.memory_space<vmem>>[vector<16xi32>, vector<16xi32>], vector<16xf32>,
      %get3A_2397 = arith.constant 0 : i32
      %get3A_2398 = arith.index_cast %get3A_2397 : i32 to index
      %get3A_2399 = arith.index_cast %scan3A_2394 : i32 to index
      %get3A_2400 = arith.constant 32 : index
      %get3A_2401 = tpu.vector_load %arg12[%get3A_2398, %get3A_2399, %get3A_2400] {strides = array<i32>} : memref<2x64x128xf32, #tpu.memory_space<vmem>>, vector<16xf32>,
      %get3A_2402 = arith.constant 0 : i32
      %get3A_2403 = arith.index_cast %get3A_2402 : i32 to index
      %get3A_2404 = arith.index_cast %scan3A_2394 : i32 to index
      %get3A_2405 = arith.constant 32 : index
      %get3A_2406 = tpu.vector_load %arg13[%get3A_2403, %get3A_2404, %get3A_2405] {strides = array<i32>} : memref<2x64x128xf32, #tpu.memory_space<vmem>>, vector<16xf32>,
      %select_n3A_2407 = arith.select %lt3A_1342, %gather3A_2396, %get3A_2406 : vector<16xi1>, vector<16xf32>
      %swap3A_2408 = arith.constant 0 : i32
      %swap3A_2409 = arith.index_cast %swap3A_2408 : i32 to index
      %swap3A_2410 = arith.index_cast %scan3A_2394 : i32 to index
      %swap3A_2411 = arith.constant 32 : index
      %swap3A_2412 = tpu.vector_load %arg13[%swap3A_2409, %swap3A_2410, %swap3A_2411] {strides = array<i32>} : memref<2x64x128xf32, #tpu.memory_space<vmem>>, vector<16xf32>,
      tpu.vector_store %arg13[%swap3A_2409, %swap3A_2410, %swap3A_2411], %select_n3A_2407 {strides = array<i32>} : memref<2x64x128xf32, #tpu.memory_space<vmem>>, vector<16xf32>,
      %sub3A_2413 = arith.subf %get3A_2401, %select_n3A_2407 : vector<16xf32>
      %mul3A_2414 = arith.mulf %sub3A_2413, %sub3A_2413 : vector<16xf32>
      %add3A_2415 = arith.addf %add3A_2373, %mul3A_2414 : vector<16xf32>
      %get3A_2416 = arith.constant 1 : i32
      %get3A_2417 = arith.index_cast %get3A_2416 : i32 to index
      %get3A_2418 = arith.index_cast %scan3A_2394 : i32 to index
      %get3A_2419 = arith.constant 32 : index
      %get3A_2420 = tpu.vector_load %arg12[%get3A_2417, %get3A_2418, %get3A_2419] {strides = array<i32>} : memref<2x64x128xf32, #tpu.memory_space<vmem>>, vector<16xf32>,
      %get3A_2421 = arith.constant 1 : i32
      %get3A_2422 = arith.index_cast %get3A_2421 : i32 to index
      %get3A_2423 = arith.index_cast %scan3A_2394 : i32 to index
      %get3A_2424 = arith.constant 32 : index
      %get3A_2425 = tpu.vector_load %arg13[%get3A_2422, %get3A_2423, %get3A_2424] {strides = array<i32>} : memref<2x64x128xf32, #tpu.memory_space<vmem>>, vector<16xf32>,
      %select_n3A_2426 = arith.select %lt3A_1342, %gather3A_2396, %get3A_2425 : vector<16xi1>, vector<16xf32>
      %swap3A_2427 = arith.constant 1 : i32
      %swap3A_2428 = arith.index_cast %swap3A_2427 : i32 to index
      %swap3A_2429 = arith.index_cast %scan3A_2394 : i32 to index
      %swap3A_2430 = arith.constant 32 : index
      %swap3A_2431 = tpu.vector_load %arg13[%swap3A_2428, %swap3A_2429, %swap3A_2430] {strides = array<i32>} : memref<2x64x128xf32, #tpu.memory_space<vmem>>, vector<16xf32>,
      tpu.vector_store %arg13[%swap3A_2428, %swap3A_2429, %swap3A_2430], %select_n3A_2426 {strides = array<i32>} : memref<2x64x128xf32, #tpu.memory_space<vmem>>, vector<16xf32>,
      %sub3A_2432 = arith.subf %get3A_2420, %select_n3A_2426 : vector<16xf32>
      %mul3A_2433 = arith.mulf %sub3A_2432, %sub3A_2432 : vector<16xf32>
      %add3A_2434 = arith.addf %add3A_2392, %mul3A_2433 : vector<16xf32>
      scf.yield %add3A_2415, %add3A_2434 : vector<16xf32>, vector<16xf32>
    }
    %scan3A_1355 = arith.constant 64 : i32
    %ge3A_1356 = arith.constant 2.500000e-03 : f32
    %ge3A_1357 = vector.broadcast %ge3A_1356 : f32 to vector<16xf32>
    %ge3A_1358 = arith.cmpf oge, %scan3A_1354#0, %ge3A_1357 : vector<16xf32>
    %convert_element_type3A_1359 = arith.extui %ge3A_1358 : vector<16xi1> to vector<16xi32>
    %convert_element_type3A_1360 = arith.sitofp %convert_element_type3A_1359 : vector<16xi32> to vector<16xf32>
    %neg3A_1361 = arith.constant 0.000000e+00 : f32
    %neg3A_1362 = vector.broadcast %neg3A_1361 : f32 to vector<16xf32>
    %neg3A_1363 = arith.subf %neg3A_1362, %convert_element_type3A_1360 : vector<16xf32>
    %get3A_1364 = arith.constant 0 : i32
    %get3A_1365 = arith.index_cast %get3A_1364 : i32 to index
    %get3A_1366 = arith.constant 32 : index
    %get3A_1367 = tpu.vector_load %arg15[%get3A_1365, %get3A_1366] {strides = array<i32>} : memref<2x128xf32, #tpu.memory_space<vmem>>, vector<16xf32>,
    %select_n3A_1368 = arith.select %lt3A_1342, %neg3A_1363, %get3A_1367 : vector<16xi1>, vector<16xf32>
    %swap3A_1369 = arith.constant 0 : i32
    %swap3A_1370 = arith.index_cast %swap3A_1369 : i32 to index
    %swap3A_1371 = arith.constant 32 : index
    %swap3A_1372 = tpu.vector_load %arg16[%swap3A_1370, %swap3A_1371] {strides = array<i32>} : memref<2x128xf32, #tpu.memory_space<vmem>>, vector<16xf32>,
    tpu.vector_store %arg16[%swap3A_1370, %swap3A_1371], %select_n3A_1368 {strides = array<i32>} : memref<2x128xf32, #tpu.memory_space<vmem>>, vector<16xf32>,
    %ge3A_1373 = arith.constant 2.500000e-03 : f32
    %ge3A_1374 = vector.broadcast %ge3A_1373 : f32 to vector<16xf32>
    %ge3A_1375 = arith.cmpf oge, %scan3A_1354#1, %ge3A_1374 : vector<16xf32>
    %convert_element_type3A_1376 = arith.extui %ge3A_1375 : vector<16xi1> to vector<16xi32>
    %convert_element_type3A_1377 = arith.sitofp %convert_element_type3A_1376 : vector<16xi32> to vector<16xf32>
    %neg3A_1378 = arith.constant 0.000000e+00 : f32
    %neg3A_1379 = vector.broadcast %neg3A_1378 : f32 to vector<16xf32>
    %neg3A_1380 = arith.subf %neg3A_1379, %convert_element_type3A_1377 : vector<16xf32>
    %get3A_1381 = arith.constant 1 : i32
    %get3A_1382 = arith.index_cast %get3A_1381 : i32 to index
    %get3A_1383 = arith.constant 32 : index
    %get3A_1384 = tpu.vector_load %arg15[%get3A_1382, %get3A_1383] {strides = array<i32>} : memref<2x128xf32, #tpu.memory_space<vmem>>, vector<16xf32>,
    %select_n3A_1385 = arith.select %lt3A_1342, %neg3A_1380, %get3A_1384 : vector<16xi1>, vector<16xf32>
    %swap3A_1386 = arith.constant 1 : i32
    %swap3A_1387 = arith.index_cast %swap3A_1386 : i32 to index
    %swap3A_1388 = arith.constant 32 : index
    %swap3A_1389 = tpu.vector_load %arg16[%swap3A_1387, %swap3A_1388] {strides = array<i32>} : memref<2x128xf32, #tpu.memory_space<vmem>>, vector<16xf32>,
    tpu.vector_store %arg16[%swap3A_1387, %swap3A_1388], %select_n3A_1385 {strides = array<i32>} : memref<2x128xf32, #tpu.memory_space<vmem>>, vector<16xf32>,
    %get3A_1390 = arith.constant 48 : index
    %get3A_1391 = tpu.vector_load %arg14[%get3A_1390] {strides = array<i32>} : memref<128xf32, #tpu.memory_space<vmem>>, vector<16xf32>,
    %lt3A_1392 = arith.constant 8.000000e-01 : f32
    %lt3A_1393 = vector.broadcast %lt3A_1392 : f32 to vector<16xf32>
    %lt3A_1394 = arith.cmpf olt, %get3A_1391, %lt3A_1393 : vector<16xf32>
    %add3A_1395 = arith.constant 48 : i32
    %add3A_1396 = vector.broadcast %add3A_1395 : i32 to vector<16xi32>
    %add3A_1397 = arith.addi %iota3A, %add3A_1396 : vector<16xi32>
    %broadcast_in_dim3A_1398 = arith.constant 0.000000e+00 : f32
    %broadcast_in_dim3A_1399 = vector.broadcast %broadcast_in_dim3A_1398 : f32 to vector<16xf32>
    %broadcast_in_dim3A_1400 = arith.constant 0.000000e+00 : f32
    %broadcast_in_dim3A_1401 = vector.broadcast %broadcast_in_dim3A_1400 : f32 to vector<16xf32>
    %scan3A_1402 = arith.constant 0 : i32
    %scan3A_1403 = arith.constant 64 : i32
    %scan3A_1404 = arith.addi %scan3A_1402, %scan3A_1403 : i32
    %scan3A_1405 = arith.constant 4 : i32
    %scan3A_1406:2 = scf.for %scan3A_2268 = %scan3A_1402 to %scan3A_1404 step %scan3A_1405 iter_args(%scan3A_2269 = %broadcast_in_dim3A_1399, %scan3A_2270 = %broadcast_in_dim3A_1401) -> (vector<16xf32>, vector<16xf32>)  : i32 {
      %broadcast_in_dim3A_2271 = vector.broadcast %scan3A_2268 : i32 to vector<16xi32>
      %gather3A = tpu.vector_load_idx %arg11[%add3A_1397, %broadcast_in_dim3A_2271] : memref<128x129xf32, #tpu.memory_space<vmem>>[vector<16xi32>, vector<16xi32>], vector<16xf32>,
      %get3A_2272 = arith.constant 0 : i32
      %get3A_2273 = arith.index_cast %get3A_2272 : i32 to index
      %get3A_2274 = arith.index_cast %scan3A_2268 : i32 to index
      %get3A_2275 = arith.constant 48 : index
      %get3A_2276 = tpu.vector_load %arg12[%get3A_2273, %get3A_2274, %get3A_2275] {strides = array<i32>} : memref<2x64x128xf32, #tpu.memory_space<vmem>>, vector<16xf32>,
      %get3A_2277 = arith.constant 0 : i32
      %get3A_2278 = arith.index_cast %get3A_2277 : i32 to index
      %get3A_2279 = arith.index_cast %scan3A_2268 : i32 to index
      %get3A_2280 = arith.constant 48 : index
      %get3A_2281 = tpu.vector_load %arg13[%get3A_2278, %get3A_2279, %get3A_2280] {strides = array<i32>} : memref<2x64x128xf32, #tpu.memory_space<vmem>>, vector<16xf32>,
      %select_n3A_2282 = arith.select %lt3A_1394, %gather3A, %get3A_2281 : vector<16xi1>, vector<16xf32>
      %swap3A_2283 = arith.constant 0 : i32
      %swap3A_2284 = arith.index_cast %swap3A_2283 : i32 to index
      %swap3A_2285 = arith.index_cast %scan3A_2268 : i32 to index
      %swap3A_2286 = arith.constant 48 : index
      %swap3A_2287 = tpu.vector_load %arg13[%swap3A_2284, %swap3A_2285, %swap3A_2286] {strides = array<i32>} : memref<2x64x128xf32, #tpu.memory_space<vmem>>, vector<16xf32>,
      tpu.vector_store %arg13[%swap3A_2284, %swap3A_2285, %swap3A_2286], %select_n3A_2282 {strides = array<i32>} : memref<2x64x128xf32, #tpu.memory_space<vmem>>, vector<16xf32>,
      %sub3A = arith.subf %get3A_2276, %select_n3A_2282 : vector<16xf32>
      %mul3A_2288 = arith.mulf %sub3A, %sub3A : vector<16xf32>
      %add3A_2289 = arith.addf %scan3A_2269, %mul3A_2288 : vector<16xf32>
      %get3A_2290 = arith.constant 1 : i32
      %get3A_2291 = arith.index_cast %get3A_2290 : i32 to index
      %get3A_2292 = arith.index_cast %scan3A_2268 : i32 to index
      %get3A_2293 = arith.constant 48 : index
      %get3A_2294 = tpu.vector_load %arg12[%get3A_2291, %get3A_2292, %get3A_2293] {strides = array<i32>} : memref<2x64x128xf32, #tpu.memory_space<vmem>>, vector<16xf32>,
      %get3A_2295 = arith.constant 1 : i32
      %get3A_2296 = arith.index_cast %get3A_2295 : i32 to index
      %get3A_2297 = arith.index_cast %scan3A_2268 : i32 to index
      %get3A_2298 = arith.constant 48 : index
      %get3A_2299 = tpu.vector_load %arg13[%get3A_2296, %get3A_2297, %get3A_2298] {strides = array<i32>} : memref<2x64x128xf32, #tpu.memory_space<vmem>>, vector<16xf32>,
      %select_n3A_2300 = arith.select %lt3A_1394, %gather3A, %get3A_2299 : vector<16xi1>, vector<16xf32>
      %swap3A_2301 = arith.constant 1 : i32
      %swap3A_2302 = arith.index_cast %swap3A_2301 : i32 to index
      %swap3A_2303 = arith.index_cast %scan3A_2268 : i32 to index
      %swap3A_2304 = arith.constant 48 : index
      %swap3A_2305 = tpu.vector_load %arg13[%swap3A_2302, %swap3A_2303, %swap3A_2304] {strides = array<i32>} : memref<2x64x128xf32, #tpu.memory_space<vmem>>, vector<16xf32>,
      tpu.vector_store %arg13[%swap3A_2302, %swap3A_2303, %swap3A_2304], %select_n3A_2300 {strides = array<i32>} : memref<2x64x128xf32, #tpu.memory_space<vmem>>, vector<16xf32>,
      %sub3A_2306 = arith.subf %get3A_2294, %select_n3A_2300 : vector<16xf32>
      %mul3A_2307 = arith.mulf %sub3A_2306, %sub3A_2306 : vector<16xf32>
      %add3A_2308 = arith.addf %scan3A_2270, %mul3A_2307 : vector<16xf32>
      %scan3A_2309 = arith.constant 1 : i32
      %scan3A_2310 = arith.addi %scan3A_2268, %scan3A_2309 : i32
      %broadcast_in_dim3A_2311 = vector.broadcast %scan3A_2310 : i32 to vector<16xi32>
      %gather3A_2312 = tpu.vector_load_idx %arg11[%add3A_1397, %broadcast_in_dim3A_2311] : memref<128x129xf32, #tpu.memory_space<vmem>>[vector<16xi32>, vector<16xi32>], vector<16xf32>,
      %get3A_2313 = arith.constant 0 : i32
      %get3A_2314 = arith.index_cast %get3A_2313 : i32 to index
      %get3A_2315 = arith.index_cast %scan3A_2310 : i32 to index
      %get3A_2316 = arith.constant 48 : index
      %get3A_2317 = tpu.vector_load %arg12[%get3A_2314, %get3A_2315, %get3A_2316] {strides = array<i32>} : memref<2x64x128xf32, #tpu.memory_space<vmem>>, vector<16xf32>,
      %get3A_2318 = arith.constant 0 : i32
      %get3A_2319 = arith.index_cast %get3A_2318 : i32 to index
      %get3A_2320 = arith.index_cast %scan3A_2310 : i32 to index
      %get3A_2321 = arith.constant 48 : index
      %get3A_2322 = tpu.vector_load %arg13[%get3A_2319, %get3A_2320, %get3A_2321] {strides = array<i32>} : memref<2x64x128xf32, #tpu.memory_space<vmem>>, vector<16xf32>,
      %select_n3A_2323 = arith.select %lt3A_1394, %gather3A_2312, %get3A_2322 : vector<16xi1>, vector<16xf32>
      %swap3A_2324 = arith.constant 0 : i32
      %swap3A_2325 = arith.index_cast %swap3A_2324 : i32 to index
      %swap3A_2326 = arith.index_cast %scan3A_2310 : i32 to index
      %swap3A_2327 = arith.constant 48 : index
      %swap3A_2328 = tpu.vector_load %arg13[%swap3A_2325, %swap3A_2326, %swap3A_2327] {strides = array<i32>} : memref<2x64x128xf32, #tpu.memory_space<vmem>>, vector<16xf32>,
      tpu.vector_store %arg13[%swap3A_2325, %swap3A_2326, %swap3A_2327], %select_n3A_2323 {strides = array<i32>} : memref<2x64x128xf32, #tpu.memory_space<vmem>>, vector<16xf32>,
      %sub3A_2329 = arith.subf %get3A_2317, %select_n3A_2323 : vector<16xf32>
      %mul3A_2330 = arith.mulf %sub3A_2329, %sub3A_2329 : vector<16xf32>
      %add3A_2331 = arith.addf %add3A_2289, %mul3A_2330 : vector<16xf32>
      %get3A_2332 = arith.constant 1 : i32
      %get3A_2333 = arith.index_cast %get3A_2332 : i32 to index
      %get3A_2334 = arith.index_cast %scan3A_2310 : i32 to index
      %get3A_2335 = arith.constant 48 : index
      %get3A_2336 = tpu.vector_load %arg12[%get3A_2333, %get3A_2334, %get3A_2335] {strides = array<i32>} : memref<2x64x128xf32, #tpu.memory_space<vmem>>, vector<16xf32>,
      %get3A_2337 = arith.constant 1 : i32
      %get3A_2338 = arith.index_cast %get3A_2337 : i32 to index
      %get3A_2339 = arith.index_cast %scan3A_2310 : i32 to index
      %get3A_2340 = arith.constant 48 : index
      %get3A_2341 = tpu.vector_load %arg13[%get3A_2338, %get3A_2339, %get3A_2340] {strides = array<i32>} : memref<2x64x128xf32, #tpu.memory_space<vmem>>, vector<16xf32>,
      %select_n3A_2342 = arith.select %lt3A_1394, %gather3A_2312, %get3A_2341 : vector<16xi1>, vector<16xf32>
      %swap3A_2343 = arith.constant 1 : i32
      %swap3A_2344 = arith.index_cast %swap3A_2343 : i32 to index
      %swap3A_2345 = arith.index_cast %scan3A_2310 : i32 to index
      %swap3A_2346 = arith.constant 48 : index
      %swap3A_2347 = tpu.vector_load %arg13[%swap3A_2344, %swap3A_2345, %swap3A_2346] {strides = array<i32>} : memref<2x64x128xf32, #tpu.memory_space<vmem>>, vector<16xf32>,
      tpu.vector_store %arg13[%swap3A_2344, %swap3A_2345, %swap3A_2346], %select_n3A_2342 {strides = array<i32>} : memref<2x64x128xf32, #tpu.memory_space<vmem>>, vector<16xf32>,
      %sub3A_2348 = arith.subf %get3A_2336, %select_n3A_2342 : vector<16xf32>
      %mul3A_2349 = arith.mulf %sub3A_2348, %sub3A_2348 : vector<16xf32>
      %add3A_2350 = arith.addf %add3A_2308, %mul3A_2349 : vector<16xf32>
      %scan3A_2351 = arith.constant 2 : i32
      %scan3A_2352 = arith.addi %scan3A_2268, %scan3A_2351 : i32
      %broadcast_in_dim3A_2353 = vector.broadcast %scan3A_2352 : i32 to vector<16xi32>
      %gather3A_2354 = tpu.vector_load_idx %arg11[%add3A_1397, %broadcast_in_dim3A_2353] : memref<128x129xf32, #tpu.memory_space<vmem>>[vector<16xi32>, vector<16xi32>], vector<16xf32>,
      %get3A_2355 = arith.constant 0 : i32
      %get3A_2356 = arith.index_cast %get3A_2355 : i32 to index
      %get3A_2357 = arith.index_cast %scan3A_2352 : i32 to index
      %get3A_2358 = arith.constant 48 : index
      %get3A_2359 = tpu.vector_load %arg12[%get3A_2356, %get3A_2357, %get3A_2358] {strides = array<i32>} : memref<2x64x128xf32, #tpu.memory_space<vmem>>, vector<16xf32>,
      %get3A_2360 = arith.constant 0 : i32
      %get3A_2361 = arith.index_cast %get3A_2360 : i32 to index
      %get3A_2362 = arith.index_cast %scan3A_2352 : i32 to index
      %get3A_2363 = arith.constant 48 : index
      %get3A_2364 = tpu.vector_load %arg13[%get3A_2361, %get3A_2362, %get3A_2363] {strides = array<i32>} : memref<2x64x128xf32, #tpu.memory_space<vmem>>, vector<16xf32>,
      %select_n3A_2365 = arith.select %lt3A_1394, %gather3A_2354, %get3A_2364 : vector<16xi1>, vector<16xf32>
      %swap3A_2366 = arith.constant 0 : i32
      %swap3A_2367 = arith.index_cast %swap3A_2366 : i32 to index
      %swap3A_2368 = arith.index_cast %scan3A_2352 : i32 to index
      %swap3A_2369 = arith.constant 48 : index
      %swap3A_2370 = tpu.vector_load %arg13[%swap3A_2367, %swap3A_2368, %swap3A_2369] {strides = array<i32>} : memref<2x64x128xf32, #tpu.memory_space<vmem>>, vector<16xf32>,
      tpu.vector_store %arg13[%swap3A_2367, %swap3A_2368, %swap3A_2369], %select_n3A_2365 {strides = array<i32>} : memref<2x64x128xf32, #tpu.memory_space<vmem>>, vector<16xf32>,
      %sub3A_2371 = arith.subf %get3A_2359, %select_n3A_2365 : vector<16xf32>
      %mul3A_2372 = arith.mulf %sub3A_2371, %sub3A_2371 : vector<16xf32>
      %add3A_2373 = arith.addf %add3A_2331, %mul3A_2372 : vector<16xf32>
      %get3A_2374 = arith.constant 1 : i32
      %get3A_2375 = arith.index_cast %get3A_2374 : i32 to index
      %get3A_2376 = arith.index_cast %scan3A_2352 : i32 to index
      %get3A_2377 = arith.constant 48 : index
      %get3A_2378 = tpu.vector_load %arg12[%get3A_2375, %get3A_2376, %get3A_2377] {strides = array<i32>} : memref<2x64x128xf32, #tpu.memory_space<vmem>>, vector<16xf32>,
      %get3A_2379 = arith.constant 1 : i32
      %get3A_2380 = arith.index_cast %get3A_2379 : i32 to index
      %get3A_2381 = arith.index_cast %scan3A_2352 : i32 to index
      %get3A_2382 = arith.constant 48 : index
      %get3A_2383 = tpu.vector_load %arg13[%get3A_2380, %get3A_2381, %get3A_2382] {strides = array<i32>} : memref<2x64x128xf32, #tpu.memory_space<vmem>>, vector<16xf32>,
      %select_n3A_2384 = arith.select %lt3A_1394, %gather3A_2354, %get3A_2383 : vector<16xi1>, vector<16xf32>
      %swap3A_2385 = arith.constant 1 : i32
      %swap3A_2386 = arith.index_cast %swap3A_2385 : i32 to index
      %swap3A_2387 = arith.index_cast %scan3A_2352 : i32 to index
      %swap3A_2388 = arith.constant 48 : index
      %swap3A_2389 = tpu.vector_load %arg13[%swap3A_2386, %swap3A_2387, %swap3A_2388] {strides = array<i32>} : memref<2x64x128xf32, #tpu.memory_space<vmem>>, vector<16xf32>,
      tpu.vector_store %arg13[%swap3A_2386, %swap3A_2387, %swap3A_2388], %select_n3A_2384 {strides = array<i32>} : memref<2x64x128xf32, #tpu.memory_space<vmem>>, vector<16xf32>,
      %sub3A_2390 = arith.subf %get3A_2378, %select_n3A_2384 : vector<16xf32>
      %mul3A_2391 = arith.mulf %sub3A_2390, %sub3A_2390 : vector<16xf32>
      %add3A_2392 = arith.addf %add3A_2350, %mul3A_2391 : vector<16xf32>
      %scan3A_2393 = arith.constant 3 : i32
      %scan3A_2394 = arith.addi %scan3A_2268, %scan3A_2393 : i32
      %broadcast_in_dim3A_2395 = vector.broadcast %scan3A_2394 : i32 to vector<16xi32>
      %gather3A_2396 = tpu.vector_load_idx %arg11[%add3A_1397, %broadcast_in_dim3A_2395] : memref<128x129xf32, #tpu.memory_space<vmem>>[vector<16xi32>, vector<16xi32>], vector<16xf32>,
      %get3A_2397 = arith.constant 0 : i32
      %get3A_2398 = arith.index_cast %get3A_2397 : i32 to index
      %get3A_2399 = arith.index_cast %scan3A_2394 : i32 to index
      %get3A_2400 = arith.constant 48 : index
      %get3A_2401 = tpu.vector_load %arg12[%get3A_2398, %get3A_2399, %get3A_2400] {strides = array<i32>} : memref<2x64x128xf32, #tpu.memory_space<vmem>>, vector<16xf32>,
      %get3A_2402 = arith.constant 0 : i32
      %get3A_2403 = arith.index_cast %get3A_2402 : i32 to index
      %get3A_2404 = arith.index_cast %scan3A_2394 : i32 to index
      %get3A_2405 = arith.constant 48 : index
      %get3A_2406 = tpu.vector_load %arg13[%get3A_2403, %get3A_2404, %get3A_2405] {strides = array<i32>} : memref<2x64x128xf32, #tpu.memory_space<vmem>>, vector<16xf32>,
      %select_n3A_2407 = arith.select %lt3A_1394, %gather3A_2396, %get3A_2406 : vector<16xi1>, vector<16xf32>
      %swap3A_2408 = arith.constant 0 : i32
      %swap3A_2409 = arith.index_cast %swap3A_2408 : i32 to index
      %swap3A_2410 = arith.index_cast %scan3A_2394 : i32 to index
      %swap3A_2411 = arith.constant 48 : index
      %swap3A_2412 = tpu.vector_load %arg13[%swap3A_2409, %swap3A_2410, %swap3A_2411] {strides = array<i32>} : memref<2x64x128xf32, #tpu.memory_space<vmem>>, vector<16xf32>,
      tpu.vector_store %arg13[%swap3A_2409, %swap3A_2410, %swap3A_2411], %select_n3A_2407 {strides = array<i32>} : memref<2x64x128xf32, #tpu.memory_space<vmem>>, vector<16xf32>,
      %sub3A_2413 = arith.subf %get3A_2401, %select_n3A_2407 : vector<16xf32>
      %mul3A_2414 = arith.mulf %sub3A_2413, %sub3A_2413 : vector<16xf32>
      %add3A_2415 = arith.addf %add3A_2373, %mul3A_2414 : vector<16xf32>
      %get3A_2416 = arith.constant 1 : i32
      %get3A_2417 = arith.index_cast %get3A_2416 : i32 to index
      %get3A_2418 = arith.index_cast %scan3A_2394 : i32 to index
      %get3A_2419 = arith.constant 48 : index
      %get3A_2420 = tpu.vector_load %arg12[%get3A_2417, %get3A_2418, %get3A_2419] {strides = array<i32>} : memref<2x64x128xf32, #tpu.memory_space<vmem>>, vector<16xf32>,
      %get3A_2421 = arith.constant 1 : i32
      %get3A_2422 = arith.index_cast %get3A_2421 : i32 to index
      %get3A_2423 = arith.index_cast %scan3A_2394 : i32 to index
      %get3A_2424 = arith.constant 48 : index
      %get3A_2425 = tpu.vector_load %arg13[%get3A_2422, %get3A_2423, %get3A_2424] {strides = array<i32>} : memref<2x64x128xf32, #tpu.memory_space<vmem>>, vector<16xf32>,
      %select_n3A_2426 = arith.select %lt3A_1394, %gather3A_2396, %get3A_2425 : vector<16xi1>, vector<16xf32>
      %swap3A_2427 = arith.constant 1 : i32
      %swap3A_2428 = arith.index_cast %swap3A_2427 : i32 to index
      %swap3A_2429 = arith.index_cast %scan3A_2394 : i32 to index
      %swap3A_2430 = arith.constant 48 : index
      %swap3A_2431 = tpu.vector_load %arg13[%swap3A_2428, %swap3A_2429, %swap3A_2430] {strides = array<i32>} : memref<2x64x128xf32, #tpu.memory_space<vmem>>, vector<16xf32>,
      tpu.vector_store %arg13[%swap3A_2428, %swap3A_2429, %swap3A_2430], %select_n3A_2426 {strides = array<i32>} : memref<2x64x128xf32, #tpu.memory_space<vmem>>, vector<16xf32>,
      %sub3A_2432 = arith.subf %get3A_2420, %select_n3A_2426 : vector<16xf32>
      %mul3A_2433 = arith.mulf %sub3A_2432, %sub3A_2432 : vector<16xf32>
      %add3A_2434 = arith.addf %add3A_2392, %mul3A_2433 : vector<16xf32>
      scf.yield %add3A_2415, %add3A_2434 : vector<16xf32>, vector<16xf32>
    }
    %scan3A_1407 = arith.constant 64 : i32
    %ge3A_1408 = arith.constant 2.500000e-03 : f32
    %ge3A_1409 = vector.broadcast %ge3A_1408 : f32 to vector<16xf32>
    %ge3A_1410 = arith.cmpf oge, %scan3A_1406#0, %ge3A_1409 : vector<16xf32>
    %convert_element_type3A_1411 = arith.extui %ge3A_1410 : vector<16xi1> to vector<16xi32>
    %convert_element_type3A_1412 = arith.sitofp %convert_element_type3A_1411 : vector<16xi32> to vector<16xf32>
    %neg3A_1413 = arith.constant 0.000000e+00 : f32
    %neg3A_1414 = vector.broadcast %neg3A_1413 : f32 to vector<16xf32>
    %neg3A_1415 = arith.subf %neg3A_1414, %convert_element_type3A_1412 : vector<16xf32>
    %get3A_1416 = arith.constant 0 : i32
    %get3A_1417 = arith.index_cast %get3A_1416 : i32 to index
    %get3A_1418 = arith.constant 48 : index
    %get3A_1419 = tpu.vector_load %arg15[%get3A_1417, %get3A_1418] {strides = array<i32>} : memref<2x128xf32, #tpu.memory_space<vmem>>, vector<16xf32>,
    %select_n3A_1420 = arith.select %lt3A_1394, %neg3A_1415, %get3A_1419 : vector<16xi1>, vector<16xf32>
    %swap3A_1421 = arith.constant 0 : i32
    %swap3A_1422 = arith.index_cast %swap3A_1421 : i32 to index
    %swap3A_1423 = arith.constant 48 : index
    %swap3A_1424 = tpu.vector_load %arg16[%swap3A_1422, %swap3A_1423] {strides = array<i32>} : memref<2x128xf32, #tpu.memory_space<vmem>>, vector<16xf32>,
    tpu.vector_store %arg16[%swap3A_1422, %swap3A_1423], %select_n3A_1420 {strides = array<i32>} : memref<2x128xf32, #tpu.memory_space<vmem>>, vector<16xf32>,
    %ge3A_1425 = arith.constant 2.500000e-03 : f32
    %ge3A_1426 = vector.broadcast %ge3A_1425 : f32 to vector<16xf32>
    %ge3A_1427 = arith.cmpf oge, %scan3A_1406#1, %ge3A_1426 : vector<16xf32>
    %convert_element_type3A_1428 = arith.extui %ge3A_1427 : vector<16xi1> to vector<16xi32>
    %convert_element_type3A_1429 = arith.sitofp %convert_element_type3A_1428 : vector<16xi32> to vector<16xf32>
    %neg3A_1430 = arith.constant 0.000000e+00 : f32
    %neg3A_1431 = vector.broadcast %neg3A_1430 : f32 to vector<16xf32>
    %neg3A_1432 = arith.subf %neg3A_1431, %convert_element_type3A_1429 : vector<16xf32>
    %get3A_1433 = arith.constant 1 : i32
    %get3A_1434 = arith.index_cast %get3A_1433 : i32 to index
    %get3A_1435 = arith.constant 48 : index
    %get3A_1436 = tpu.vector_load %arg15[%get3A_1434, %get3A_1435] {strides = array<i32>} : memref<2x128xf32, #tpu.memory_space<vmem>>, vector<16xf32>,
    %select_n3A_1437 = arith.select %lt3A_1394, %neg3A_1432, %get3A_1436 : vector<16xi1>, vector<16xf32>
    %swap3A_1438 = arith.constant 1 : i32
    %swap3A_1439 = arith.index_cast %swap3A_1438 : i32 to index
    %swap3A_1440 = arith.constant 48 : index
    %swap3A_1441 = tpu.vector_load %arg16[%swap3A_1439, %swap3A_1440] {strides = array<i32>} : memref<2x128xf32, #tpu.memory_space<vmem>>, vector<16xf32>,
    tpu.vector_store %arg16[%swap3A_1439, %swap3A_1440], %select_n3A_1437 {strides = array<i32>} : memref<2x128xf32, #tpu.memory_space<vmem>>, vector<16xf32>,
    %get3A_1442 = arith.constant 64 : index
    %get3A_1443 = tpu.vector_load %arg14[%get3A_1442] {strides = array<i32>} : memref<128xf32, #tpu.memory_space<vmem>>, vector<16xf32>,
    %lt3A_1444 = arith.constant 8.000000e-01 : f32
    %lt3A_1445 = vector.broadcast %lt3A_1444 : f32 to vector<16xf32>
    %lt3A_1446 = arith.cmpf olt, %get3A_1443, %lt3A_1445 : vector<16xf32>
    %add3A_1447 = arith.constant 64 : i32
    %add3A_1448 = vector.broadcast %add3A_1447 : i32 to vector<16xi32>
    %add3A_1449 = arith.addi %iota3A, %add3A_1448 : vector<16xi32>
    %broadcast_in_dim3A_1450 = arith.constant 0.000000e+00 : f32
    %broadcast_in_dim3A_1451 = vector.broadcast %broadcast_in_dim3A_1450 : f32 to vector<16xf32>
    %broadcast_in_dim3A_1452 = arith.constant 0.000000e+00 : f32
    %broadcast_in_dim3A_1453 = vector.broadcast %broadcast_in_dim3A_1452 : f32 to vector<16xf32>
    %scan3A_1454 = arith.constant 0 : i32
    %scan3A_1455 = arith.constant 64 : i32
    %scan3A_1456 = arith.addi %scan3A_1454, %scan3A_1455 : i32
    %scan3A_1457 = arith.constant 4 : i32
    %scan3A_1458:2 = scf.for %scan3A_2268 = %scan3A_1454 to %scan3A_1456 step %scan3A_1457 iter_args(%scan3A_2269 = %broadcast_in_dim3A_1451, %scan3A_2270 = %broadcast_in_dim3A_1453) -> (vector<16xf32>, vector<16xf32>)  : i32 {
      %broadcast_in_dim3A_2271 = vector.broadcast %scan3A_2268 : i32 to vector<16xi32>
      %gather3A = tpu.vector_load_idx %arg11[%add3A_1449, %broadcast_in_dim3A_2271] : memref<128x129xf32, #tpu.memory_space<vmem>>[vector<16xi32>, vector<16xi32>], vector<16xf32>,
      %get3A_2272 = arith.constant 0 : i32
      %get3A_2273 = arith.index_cast %get3A_2272 : i32 to index
      %get3A_2274 = arith.index_cast %scan3A_2268 : i32 to index
      %get3A_2275 = arith.constant 64 : index
      %get3A_2276 = tpu.vector_load %arg12[%get3A_2273, %get3A_2274, %get3A_2275] {strides = array<i32>} : memref<2x64x128xf32, #tpu.memory_space<vmem>>, vector<16xf32>,
      %get3A_2277 = arith.constant 0 : i32
      %get3A_2278 = arith.index_cast %get3A_2277 : i32 to index
      %get3A_2279 = arith.index_cast %scan3A_2268 : i32 to index
      %get3A_2280 = arith.constant 64 : index
      %get3A_2281 = tpu.vector_load %arg13[%get3A_2278, %get3A_2279, %get3A_2280] {strides = array<i32>} : memref<2x64x128xf32, #tpu.memory_space<vmem>>, vector<16xf32>,
      %select_n3A_2282 = arith.select %lt3A_1446, %gather3A, %get3A_2281 : vector<16xi1>, vector<16xf32>
      %swap3A_2283 = arith.constant 0 : i32
      %swap3A_2284 = arith.index_cast %swap3A_2283 : i32 to index
      %swap3A_2285 = arith.index_cast %scan3A_2268 : i32 to index
      %swap3A_2286 = arith.constant 64 : index
      %swap3A_2287 = tpu.vector_load %arg13[%swap3A_2284, %swap3A_2285, %swap3A_2286] {strides = array<i32>} : memref<2x64x128xf32, #tpu.memory_space<vmem>>, vector<16xf32>,
      tpu.vector_store %arg13[%swap3A_2284, %swap3A_2285, %swap3A_2286], %select_n3A_2282 {strides = array<i32>} : memref<2x64x128xf32, #tpu.memory_space<vmem>>, vector<16xf32>,
      %sub3A = arith.subf %get3A_2276, %select_n3A_2282 : vector<16xf32>
      %mul3A_2288 = arith.mulf %sub3A, %sub3A : vector<16xf32>
      %add3A_2289 = arith.addf %scan3A_2269, %mul3A_2288 : vector<16xf32>
      %get3A_2290 = arith.constant 1 : i32
      %get3A_2291 = arith.index_cast %get3A_2290 : i32 to index
      %get3A_2292 = arith.index_cast %scan3A_2268 : i32 to index
      %get3A_2293 = arith.constant 64 : index
      %get3A_2294 = tpu.vector_load %arg12[%get3A_2291, %get3A_2292, %get3A_2293] {strides = array<i32>} : memref<2x64x128xf32, #tpu.memory_space<vmem>>, vector<16xf32>,
      %get3A_2295 = arith.constant 1 : i32
      %get3A_2296 = arith.index_cast %get3A_2295 : i32 to index
      %get3A_2297 = arith.index_cast %scan3A_2268 : i32 to index
      %get3A_2298 = arith.constant 64 : index
      %get3A_2299 = tpu.vector_load %arg13[%get3A_2296, %get3A_2297, %get3A_2298] {strides = array<i32>} : memref<2x64x128xf32, #tpu.memory_space<vmem>>, vector<16xf32>,
      %select_n3A_2300 = arith.select %lt3A_1446, %gather3A, %get3A_2299 : vector<16xi1>, vector<16xf32>
      %swap3A_2301 = arith.constant 1 : i32
      %swap3A_2302 = arith.index_cast %swap3A_2301 : i32 to index
      %swap3A_2303 = arith.index_cast %scan3A_2268 : i32 to index
      %swap3A_2304 = arith.constant 64 : index
      %swap3A_2305 = tpu.vector_load %arg13[%swap3A_2302, %swap3A_2303, %swap3A_2304] {strides = array<i32>} : memref<2x64x128xf32, #tpu.memory_space<vmem>>, vector<16xf32>,
      tpu.vector_store %arg13[%swap3A_2302, %swap3A_2303, %swap3A_2304], %select_n3A_2300 {strides = array<i32>} : memref<2x64x128xf32, #tpu.memory_space<vmem>>, vector<16xf32>,
      %sub3A_2306 = arith.subf %get3A_2294, %select_n3A_2300 : vector<16xf32>
      %mul3A_2307 = arith.mulf %sub3A_2306, %sub3A_2306 : vector<16xf32>
      %add3A_2308 = arith.addf %scan3A_2270, %mul3A_2307 : vector<16xf32>
      %scan3A_2309 = arith.constant 1 : i32
      %scan3A_2310 = arith.addi %scan3A_2268, %scan3A_2309 : i32
      %broadcast_in_dim3A_2311 = vector.broadcast %scan3A_2310 : i32 to vector<16xi32>
      %gather3A_2312 = tpu.vector_load_idx %arg11[%add3A_1449, %broadcast_in_dim3A_2311] : memref<128x129xf32, #tpu.memory_space<vmem>>[vector<16xi32>, vector<16xi32>], vector<16xf32>,
      %get3A_2313 = arith.constant 0 : i32
      %get3A_2314 = arith.index_cast %get3A_2313 : i32 to index
      %get3A_2315 = arith.index_cast %scan3A_2310 : i32 to index
      %get3A_2316 = arith.constant 64 : index
      %get3A_2317 = tpu.vector_load %arg12[%get3A_2314, %get3A_2315, %get3A_2316] {strides = array<i32>} : memref<2x64x128xf32, #tpu.memory_space<vmem>>, vector<16xf32>,
      %get3A_2318 = arith.constant 0 : i32
      %get3A_2319 = arith.index_cast %get3A_2318 : i32 to index
      %get3A_2320 = arith.index_cast %scan3A_2310 : i32 to index
      %get3A_2321 = arith.constant 64 : index
      %get3A_2322 = tpu.vector_load %arg13[%get3A_2319, %get3A_2320, %get3A_2321] {strides = array<i32>} : memref<2x64x128xf32, #tpu.memory_space<vmem>>, vector<16xf32>,
      %select_n3A_2323 = arith.select %lt3A_1446, %gather3A_2312, %get3A_2322 : vector<16xi1>, vector<16xf32>
      %swap3A_2324 = arith.constant 0 : i32
      %swap3A_2325 = arith.index_cast %swap3A_2324 : i32 to index
      %swap3A_2326 = arith.index_cast %scan3A_2310 : i32 to index
      %swap3A_2327 = arith.constant 64 : index
      %swap3A_2328 = tpu.vector_load %arg13[%swap3A_2325, %swap3A_2326, %swap3A_2327] {strides = array<i32>} : memref<2x64x128xf32, #tpu.memory_space<vmem>>, vector<16xf32>,
      tpu.vector_store %arg13[%swap3A_2325, %swap3A_2326, %swap3A_2327], %select_n3A_2323 {strides = array<i32>} : memref<2x64x128xf32, #tpu.memory_space<vmem>>, vector<16xf32>,
      %sub3A_2329 = arith.subf %get3A_2317, %select_n3A_2323 : vector<16xf32>
      %mul3A_2330 = arith.mulf %sub3A_2329, %sub3A_2329 : vector<16xf32>
      %add3A_2331 = arith.addf %add3A_2289, %mul3A_2330 : vector<16xf32>
      %get3A_2332 = arith.constant 1 : i32
      %get3A_2333 = arith.index_cast %get3A_2332 : i32 to index
      %get3A_2334 = arith.index_cast %scan3A_2310 : i32 to index
      %get3A_2335 = arith.constant 64 : index
      %get3A_2336 = tpu.vector_load %arg12[%get3A_2333, %get3A_2334, %get3A_2335] {strides = array<i32>} : memref<2x64x128xf32, #tpu.memory_space<vmem>>, vector<16xf32>,
      %get3A_2337 = arith.constant 1 : i32
      %get3A_2338 = arith.index_cast %get3A_2337 : i32 to index
      %get3A_2339 = arith.index_cast %scan3A_2310 : i32 to index
      %get3A_2340 = arith.constant 64 : index
      %get3A_2341 = tpu.vector_load %arg13[%get3A_2338, %get3A_2339, %get3A_2340] {strides = array<i32>} : memref<2x64x128xf32, #tpu.memory_space<vmem>>, vector<16xf32>,
      %select_n3A_2342 = arith.select %lt3A_1446, %gather3A_2312, %get3A_2341 : vector<16xi1>, vector<16xf32>
      %swap3A_2343 = arith.constant 1 : i32
      %swap3A_2344 = arith.index_cast %swap3A_2343 : i32 to index
      %swap3A_2345 = arith.index_cast %scan3A_2310 : i32 to index
      %swap3A_2346 = arith.constant 64 : index
      %swap3A_2347 = tpu.vector_load %arg13[%swap3A_2344, %swap3A_2345, %swap3A_2346] {strides = array<i32>} : memref<2x64x128xf32, #tpu.memory_space<vmem>>, vector<16xf32>,
      tpu.vector_store %arg13[%swap3A_2344, %swap3A_2345, %swap3A_2346], %select_n3A_2342 {strides = array<i32>} : memref<2x64x128xf32, #tpu.memory_space<vmem>>, vector<16xf32>,
      %sub3A_2348 = arith.subf %get3A_2336, %select_n3A_2342 : vector<16xf32>
      %mul3A_2349 = arith.mulf %sub3A_2348, %sub3A_2348 : vector<16xf32>
      %add3A_2350 = arith.addf %add3A_2308, %mul3A_2349 : vector<16xf32>
      %scan3A_2351 = arith.constant 2 : i32
      %scan3A_2352 = arith.addi %scan3A_2268, %scan3A_2351 : i32
      %broadcast_in_dim3A_2353 = vector.broadcast %scan3A_2352 : i32 to vector<16xi32>
      %gather3A_2354 = tpu.vector_load_idx %arg11[%add3A_1449, %broadcast_in_dim3A_2353] : memref<128x129xf32, #tpu.memory_space<vmem>>[vector<16xi32>, vector<16xi32>], vector<16xf32>,
      %get3A_2355 = arith.constant 0 : i32
      %get3A_2356 = arith.index_cast %get3A_2355 : i32 to index
      %get3A_2357 = arith.index_cast %scan3A_2352 : i32 to index
      %get3A_2358 = arith.constant 64 : index
      %get3A_2359 = tpu.vector_load %arg12[%get3A_2356, %get3A_2357, %get3A_2358] {strides = array<i32>} : memref<2x64x128xf32, #tpu.memory_space<vmem>>, vector<16xf32>,
      %get3A_2360 = arith.constant 0 : i32
      %get3A_2361 = arith.index_cast %get3A_2360 : i32 to index
      %get3A_2362 = arith.index_cast %scan3A_2352 : i32 to index
      %get3A_2363 = arith.constant 64 : index
      %get3A_2364 = tpu.vector_load %arg13[%get3A_2361, %get3A_2362, %get3A_2363] {strides = array<i32>} : memref<2x64x128xf32, #tpu.memory_space<vmem>>, vector<16xf32>,
      %select_n3A_2365 = arith.select %lt3A_1446, %gather3A_2354, %get3A_2364 : vector<16xi1>, vector<16xf32>
      %swap3A_2366 = arith.constant 0 : i32
      %swap3A_2367 = arith.index_cast %swap3A_2366 : i32 to index
      %swap3A_2368 = arith.index_cast %scan3A_2352 : i32 to index
      %swap3A_2369 = arith.constant 64 : index
      %swap3A_2370 = tpu.vector_load %arg13[%swap3A_2367, %swap3A_2368, %swap3A_2369] {strides = array<i32>} : memref<2x64x128xf32, #tpu.memory_space<vmem>>, vector<16xf32>,
      tpu.vector_store %arg13[%swap3A_2367, %swap3A_2368, %swap3A_2369], %select_n3A_2365 {strides = array<i32>} : memref<2x64x128xf32, #tpu.memory_space<vmem>>, vector<16xf32>,
      %sub3A_2371 = arith.subf %get3A_2359, %select_n3A_2365 : vector<16xf32>
      %mul3A_2372 = arith.mulf %sub3A_2371, %sub3A_2371 : vector<16xf32>
      %add3A_2373 = arith.addf %add3A_2331, %mul3A_2372 : vector<16xf32>
      %get3A_2374 = arith.constant 1 : i32
      %get3A_2375 = arith.index_cast %get3A_2374 : i32 to index
      %get3A_2376 = arith.index_cast %scan3A_2352 : i32 to index
      %get3A_2377 = arith.constant 64 : index
      %get3A_2378 = tpu.vector_load %arg12[%get3A_2375, %get3A_2376, %get3A_2377] {strides = array<i32>} : memref<2x64x128xf32, #tpu.memory_space<vmem>>, vector<16xf32>,
      %get3A_2379 = arith.constant 1 : i32
      %get3A_2380 = arith.index_cast %get3A_2379 : i32 to index
      %get3A_2381 = arith.index_cast %scan3A_2352 : i32 to index
      %get3A_2382 = arith.constant 64 : index
      %get3A_2383 = tpu.vector_load %arg13[%get3A_2380, %get3A_2381, %get3A_2382] {strides = array<i32>} : memref<2x64x128xf32, #tpu.memory_space<vmem>>, vector<16xf32>,
      %select_n3A_2384 = arith.select %lt3A_1446, %gather3A_2354, %get3A_2383 : vector<16xi1>, vector<16xf32>
      %swap3A_2385 = arith.constant 1 : i32
      %swap3A_2386 = arith.index_cast %swap3A_2385 : i32 to index
      %swap3A_2387 = arith.index_cast %scan3A_2352 : i32 to index
      %swap3A_2388 = arith.constant 64 : index
      %swap3A_2389 = tpu.vector_load %arg13[%swap3A_2386, %swap3A_2387, %swap3A_2388] {strides = array<i32>} : memref<2x64x128xf32, #tpu.memory_space<vmem>>, vector<16xf32>,
      tpu.vector_store %arg13[%swap3A_2386, %swap3A_2387, %swap3A_2388], %select_n3A_2384 {strides = array<i32>} : memref<2x64x128xf32, #tpu.memory_space<vmem>>, vector<16xf32>,
      %sub3A_2390 = arith.subf %get3A_2378, %select_n3A_2384 : vector<16xf32>
      %mul3A_2391 = arith.mulf %sub3A_2390, %sub3A_2390 : vector<16xf32>
      %add3A_2392 = arith.addf %add3A_2350, %mul3A_2391 : vector<16xf32>
      %scan3A_2393 = arith.constant 3 : i32
      %scan3A_2394 = arith.addi %scan3A_2268, %scan3A_2393 : i32
      %broadcast_in_dim3A_2395 = vector.broadcast %scan3A_2394 : i32 to vector<16xi32>
      %gather3A_2396 = tpu.vector_load_idx %arg11[%add3A_1449, %broadcast_in_dim3A_2395] : memref<128x129xf32, #tpu.memory_space<vmem>>[vector<16xi32>, vector<16xi32>], vector<16xf32>,
      %get3A_2397 = arith.constant 0 : i32
      %get3A_2398 = arith.index_cast %get3A_2397 : i32 to index
      %get3A_2399 = arith.index_cast %scan3A_2394 : i32 to index
      %get3A_2400 = arith.constant 64 : index
      %get3A_2401 = tpu.vector_load %arg12[%get3A_2398, %get3A_2399, %get3A_2400] {strides = array<i32>} : memref<2x64x128xf32, #tpu.memory_space<vmem>>, vector<16xf32>,
      %get3A_2402 = arith.constant 0 : i32
      %get3A_2403 = arith.index_cast %get3A_2402 : i32 to index
      %get3A_2404 = arith.index_cast %scan3A_2394 : i32 to index
      %get3A_2405 = arith.constant 64 : index
      %get3A_2406 = tpu.vector_load %arg13[%get3A_2403, %get3A_2404, %get3A_2405] {strides = array<i32>} : memref<2x64x128xf32, #tpu.memory_space<vmem>>, vector<16xf32>,
      %select_n3A_2407 = arith.select %lt3A_1446, %gather3A_2396, %get3A_2406 : vector<16xi1>, vector<16xf32>
      %swap3A_2408 = arith.constant 0 : i32
      %swap3A_2409 = arith.index_cast %swap3A_2408 : i32 to index
      %swap3A_2410 = arith.index_cast %scan3A_2394 : i32 to index
      %swap3A_2411 = arith.constant 64 : index
      %swap3A_2412 = tpu.vector_load %arg13[%swap3A_2409, %swap3A_2410, %swap3A_2411] {strides = array<i32>} : memref<2x64x128xf32, #tpu.memory_space<vmem>>, vector<16xf32>,
      tpu.vector_store %arg13[%swap3A_2409, %swap3A_2410, %swap3A_2411], %select_n3A_2407 {strides = array<i32>} : memref<2x64x128xf32, #tpu.memory_space<vmem>>, vector<16xf32>,
      %sub3A_2413 = arith.subf %get3A_2401, %select_n3A_2407 : vector<16xf32>
      %mul3A_2414 = arith.mulf %sub3A_2413, %sub3A_2413 : vector<16xf32>
      %add3A_2415 = arith.addf %add3A_2373, %mul3A_2414 : vector<16xf32>
      %get3A_2416 = arith.constant 1 : i32
      %get3A_2417 = arith.index_cast %get3A_2416 : i32 to index
      %get3A_2418 = arith.index_cast %scan3A_2394 : i32 to index
      %get3A_2419 = arith.constant 64 : index
      %get3A_2420 = tpu.vector_load %arg12[%get3A_2417, %get3A_2418, %get3A_2419] {strides = array<i32>} : memref<2x64x128xf32, #tpu.memory_space<vmem>>, vector<16xf32>,
      %get3A_2421 = arith.constant 1 : i32
      %get3A_2422 = arith.index_cast %get3A_2421 : i32 to index
      %get3A_2423 = arith.index_cast %scan3A_2394 : i32 to index
      %get3A_2424 = arith.constant 64 : index
      %get3A_2425 = tpu.vector_load %arg13[%get3A_2422, %get3A_2423, %get3A_2424] {strides = array<i32>} : memref<2x64x128xf32, #tpu.memory_space<vmem>>, vector<16xf32>,
      %select_n3A_2426 = arith.select %lt3A_1446, %gather3A_2396, %get3A_2425 : vector<16xi1>, vector<16xf32>
      %swap3A_2427 = arith.constant 1 : i32
      %swap3A_2428 = arith.index_cast %swap3A_2427 : i32 to index
      %swap3A_2429 = arith.index_cast %scan3A_2394 : i32 to index
      %swap3A_2430 = arith.constant 64 : index
      %swap3A_2431 = tpu.vector_load %arg13[%swap3A_2428, %swap3A_2429, %swap3A_2430] {strides = array<i32>} : memref<2x64x128xf32, #tpu.memory_space<vmem>>, vector<16xf32>,
      tpu.vector_store %arg13[%swap3A_2428, %swap3A_2429, %swap3A_2430], %select_n3A_2426 {strides = array<i32>} : memref<2x64x128xf32, #tpu.memory_space<vmem>>, vector<16xf32>,
      %sub3A_2432 = arith.subf %get3A_2420, %select_n3A_2426 : vector<16xf32>
      %mul3A_2433 = arith.mulf %sub3A_2432, %sub3A_2432 : vector<16xf32>
      %add3A_2434 = arith.addf %add3A_2392, %mul3A_2433 : vector<16xf32>
      scf.yield %add3A_2415, %add3A_2434 : vector<16xf32>, vector<16xf32>
    }
    %scan3A_1459 = arith.constant 64 : i32
    %ge3A_1460 = arith.constant 2.500000e-03 : f32
    %ge3A_1461 = vector.broadcast %ge3A_1460 : f32 to vector<16xf32>
    %ge3A_1462 = arith.cmpf oge, %scan3A_1458#0, %ge3A_1461 : vector<16xf32>
    %convert_element_type3A_1463 = arith.extui %ge3A_1462 : vector<16xi1> to vector<16xi32>
    %convert_element_type3A_1464 = arith.sitofp %convert_element_type3A_1463 : vector<16xi32> to vector<16xf32>
    %neg3A_1465 = arith.constant 0.000000e+00 : f32
    %neg3A_1466 = vector.broadcast %neg3A_1465 : f32 to vector<16xf32>
    %neg3A_1467 = arith.subf %neg3A_1466, %convert_element_type3A_1464 : vector<16xf32>
    %get3A_1468 = arith.constant 0 : i32
    %get3A_1469 = arith.index_cast %get3A_1468 : i32 to index
    %get3A_1470 = arith.constant 64 : index
    %get3A_1471 = tpu.vector_load %arg15[%get3A_1469, %get3A_1470] {strides = array<i32>} : memref<2x128xf32, #tpu.memory_space<vmem>>, vector<16xf32>,
    %select_n3A_1472 = arith.select %lt3A_1446, %neg3A_1467, %get3A_1471 : vector<16xi1>, vector<16xf32>
    %swap3A_1473 = arith.constant 0 : i32
    %swap3A_1474 = arith.index_cast %swap3A_1473 : i32 to index
    %swap3A_1475 = arith.constant 64 : index
    %swap3A_1476 = tpu.vector_load %arg16[%swap3A_1474, %swap3A_1475] {strides = array<i32>} : memref<2x128xf32, #tpu.memory_space<vmem>>, vector<16xf32>,
    tpu.vector_store %arg16[%swap3A_1474, %swap3A_1475], %select_n3A_1472 {strides = array<i32>} : memref<2x128xf32, #tpu.memory_space<vmem>>, vector<16xf32>,
    %ge3A_1477 = arith.constant 2.500000e-03 : f32
    %ge3A_1478 = vector.broadcast %ge3A_1477 : f32 to vector<16xf32>
    %ge3A_1479 = arith.cmpf oge, %scan3A_1458#1, %ge3A_1478 : vector<16xf32>
    %convert_element_type3A_1480 = arith.extui %ge3A_1479 : vector<16xi1> to vector<16xi32>
    %convert_element_type3A_1481 = arith.sitofp %convert_element_type3A_1480 : vector<16xi32> to vector<16xf32>
    %neg3A_1482 = arith.constant 0.000000e+00 : f32
    %neg3A_1483 = vector.broadcast %neg3A_1482 : f32 to vector<16xf32>
    %neg3A_1484 = arith.subf %neg3A_1483, %convert_element_type3A_1481 : vector<16xf32>
    %get3A_1485 = arith.constant 1 : i32
    %get3A_1486 = arith.index_cast %get3A_1485 : i32 to index
    %get3A_1487 = arith.constant 64 : index
    %get3A_1488 = tpu.vector_load %arg15[%get3A_1486, %get3A_1487] {strides = array<i32>} : memref<2x128xf32, #tpu.memory_space<vmem>>, vector<16xf32>,
    %select_n3A_1489 = arith.select %lt3A_1446, %neg3A_1484, %get3A_1488 : vector<16xi1>, vector<16xf32>
    %swap3A_1490 = arith.constant 1 : i32
    %swap3A_1491 = arith.index_cast %swap3A_1490 : i32 to index
    %swap3A_1492 = arith.constant 64 : index
    %swap3A_1493 = tpu.vector_load %arg16[%swap3A_1491, %swap3A_1492] {strides = array<i32>} : memref<2x128xf32, #tpu.memory_space<vmem>>, vector<16xf32>,
    tpu.vector_store %arg16[%swap3A_1491, %swap3A_1492], %select_n3A_1489 {strides = array<i32>} : memref<2x128xf32, #tpu.memory_space<vmem>>, vector<16xf32>,
    %get3A_1494 = arith.constant 80 : index
    %get3A_1495 = tpu.vector_load %arg14[%get3A_1494] {strides = array<i32>} : memref<128xf32, #tpu.memory_space<vmem>>, vector<16xf32>,
    %lt3A_1496 = arith.constant 8.000000e-01 : f32
    %lt3A_1497 = vector.broadcast %lt3A_1496 : f32 to vector<16xf32>
    %lt3A_1498 = arith.cmpf olt, %get3A_1495, %lt3A_1497 : vector<16xf32>
    %add3A_1499 = arith.constant 80 : i32
    %add3A_1500 = vector.broadcast %add3A_1499 : i32 to vector<16xi32>
    %add3A_1501 = arith.addi %iota3A, %add3A_1500 : vector<16xi32>
    %broadcast_in_dim3A_1502 = arith.constant 0.000000e+00 : f32
    %broadcast_in_dim3A_1503 = vector.broadcast %broadcast_in_dim3A_1502 : f32 to vector<16xf32>
    %broadcast_in_dim3A_1504 = arith.constant 0.000000e+00 : f32
    %broadcast_in_dim3A_1505 = vector.broadcast %broadcast_in_dim3A_1504 : f32 to vector<16xf32>
    %scan3A_1506 = arith.constant 0 : i32
    %scan3A_1507 = arith.constant 64 : i32
    %scan3A_1508 = arith.addi %scan3A_1506, %scan3A_1507 : i32
    %scan3A_1509 = arith.constant 4 : i32
    %scan3A_1510:2 = scf.for %scan3A_2268 = %scan3A_1506 to %scan3A_1508 step %scan3A_1509 iter_args(%scan3A_2269 = %broadcast_in_dim3A_1503, %scan3A_2270 = %broadcast_in_dim3A_1505) -> (vector<16xf32>, vector<16xf32>)  : i32 {
      %broadcast_in_dim3A_2271 = vector.broadcast %scan3A_2268 : i32 to vector<16xi32>
      %gather3A = tpu.vector_load_idx %arg11[%add3A_1501, %broadcast_in_dim3A_2271] : memref<128x129xf32, #tpu.memory_space<vmem>>[vector<16xi32>, vector<16xi32>], vector<16xf32>,
      %get3A_2272 = arith.constant 0 : i32
      %get3A_2273 = arith.index_cast %get3A_2272 : i32 to index
      %get3A_2274 = arith.index_cast %scan3A_2268 : i32 to index
      %get3A_2275 = arith.constant 80 : index
      %get3A_2276 = tpu.vector_load %arg12[%get3A_2273, %get3A_2274, %get3A_2275] {strides = array<i32>} : memref<2x64x128xf32, #tpu.memory_space<vmem>>, vector<16xf32>,
      %get3A_2277 = arith.constant 0 : i32
      %get3A_2278 = arith.index_cast %get3A_2277 : i32 to index
      %get3A_2279 = arith.index_cast %scan3A_2268 : i32 to index
      %get3A_2280 = arith.constant 80 : index
      %get3A_2281 = tpu.vector_load %arg13[%get3A_2278, %get3A_2279, %get3A_2280] {strides = array<i32>} : memref<2x64x128xf32, #tpu.memory_space<vmem>>, vector<16xf32>,
      %select_n3A_2282 = arith.select %lt3A_1498, %gather3A, %get3A_2281 : vector<16xi1>, vector<16xf32>
      %swap3A_2283 = arith.constant 0 : i32
      %swap3A_2284 = arith.index_cast %swap3A_2283 : i32 to index
      %swap3A_2285 = arith.index_cast %scan3A_2268 : i32 to index
      %swap3A_2286 = arith.constant 80 : index
      %swap3A_2287 = tpu.vector_load %arg13[%swap3A_2284, %swap3A_2285, %swap3A_2286] {strides = array<i32>} : memref<2x64x128xf32, #tpu.memory_space<vmem>>, vector<16xf32>,
      tpu.vector_store %arg13[%swap3A_2284, %swap3A_2285, %swap3A_2286], %select_n3A_2282 {strides = array<i32>} : memref<2x64x128xf32, #tpu.memory_space<vmem>>, vector<16xf32>,
      %sub3A = arith.subf %get3A_2276, %select_n3A_2282 : vector<16xf32>
      %mul3A_2288 = arith.mulf %sub3A, %sub3A : vector<16xf32>
      %add3A_2289 = arith.addf %scan3A_2269, %mul3A_2288 : vector<16xf32>
      %get3A_2290 = arith.constant 1 : i32
      %get3A_2291 = arith.index_cast %get3A_2290 : i32 to index
      %get3A_2292 = arith.index_cast %scan3A_2268 : i32 to index
      %get3A_2293 = arith.constant 80 : index
      %get3A_2294 = tpu.vector_load %arg12[%get3A_2291, %get3A_2292, %get3A_2293] {strides = array<i32>} : memref<2x64x128xf32, #tpu.memory_space<vmem>>, vector<16xf32>,
      %get3A_2295 = arith.constant 1 : i32
      %get3A_2296 = arith.index_cast %get3A_2295 : i32 to index
      %get3A_2297 = arith.index_cast %scan3A_2268 : i32 to index
      %get3A_2298 = arith.constant 80 : index
      %get3A_2299 = tpu.vector_load %arg13[%get3A_2296, %get3A_2297, %get3A_2298] {strides = array<i32>} : memref<2x64x128xf32, #tpu.memory_space<vmem>>, vector<16xf32>,
      %select_n3A_2300 = arith.select %lt3A_1498, %gather3A, %get3A_2299 : vector<16xi1>, vector<16xf32>
      %swap3A_2301 = arith.constant 1 : i32
      %swap3A_2302 = arith.index_cast %swap3A_2301 : i32 to index
      %swap3A_2303 = arith.index_cast %scan3A_2268 : i32 to index
      %swap3A_2304 = arith.constant 80 : index
      %swap3A_2305 = tpu.vector_load %arg13[%swap3A_2302, %swap3A_2303, %swap3A_2304] {strides = array<i32>} : memref<2x64x128xf32, #tpu.memory_space<vmem>>, vector<16xf32>,
      tpu.vector_store %arg13[%swap3A_2302, %swap3A_2303, %swap3A_2304], %select_n3A_2300 {strides = array<i32>} : memref<2x64x128xf32, #tpu.memory_space<vmem>>, vector<16xf32>,
      %sub3A_2306 = arith.subf %get3A_2294, %select_n3A_2300 : vector<16xf32>
      %mul3A_2307 = arith.mulf %sub3A_2306, %sub3A_2306 : vector<16xf32>
      %add3A_2308 = arith.addf %scan3A_2270, %mul3A_2307 : vector<16xf32>
      %scan3A_2309 = arith.constant 1 : i32
      %scan3A_2310 = arith.addi %scan3A_2268, %scan3A_2309 : i32
      %broadcast_in_dim3A_2311 = vector.broadcast %scan3A_2310 : i32 to vector<16xi32>
      %gather3A_2312 = tpu.vector_load_idx %arg11[%add3A_1501, %broadcast_in_dim3A_2311] : memref<128x129xf32, #tpu.memory_space<vmem>>[vector<16xi32>, vector<16xi32>], vector<16xf32>,
      %get3A_2313 = arith.constant 0 : i32
      %get3A_2314 = arith.index_cast %get3A_2313 : i32 to index
      %get3A_2315 = arith.index_cast %scan3A_2310 : i32 to index
      %get3A_2316 = arith.constant 80 : index
      %get3A_2317 = tpu.vector_load %arg12[%get3A_2314, %get3A_2315, %get3A_2316] {strides = array<i32>} : memref<2x64x128xf32, #tpu.memory_space<vmem>>, vector<16xf32>,
      %get3A_2318 = arith.constant 0 : i32
      %get3A_2319 = arith.index_cast %get3A_2318 : i32 to index
      %get3A_2320 = arith.index_cast %scan3A_2310 : i32 to index
      %get3A_2321 = arith.constant 80 : index
      %get3A_2322 = tpu.vector_load %arg13[%get3A_2319, %get3A_2320, %get3A_2321] {strides = array<i32>} : memref<2x64x128xf32, #tpu.memory_space<vmem>>, vector<16xf32>,
      %select_n3A_2323 = arith.select %lt3A_1498, %gather3A_2312, %get3A_2322 : vector<16xi1>, vector<16xf32>
      %swap3A_2324 = arith.constant 0 : i32
      %swap3A_2325 = arith.index_cast %swap3A_2324 : i32 to index
      %swap3A_2326 = arith.index_cast %scan3A_2310 : i32 to index
      %swap3A_2327 = arith.constant 80 : index
      %swap3A_2328 = tpu.vector_load %arg13[%swap3A_2325, %swap3A_2326, %swap3A_2327] {strides = array<i32>} : memref<2x64x128xf32, #tpu.memory_space<vmem>>, vector<16xf32>,
      tpu.vector_store %arg13[%swap3A_2325, %swap3A_2326, %swap3A_2327], %select_n3A_2323 {strides = array<i32>} : memref<2x64x128xf32, #tpu.memory_space<vmem>>, vector<16xf32>,
      %sub3A_2329 = arith.subf %get3A_2317, %select_n3A_2323 : vector<16xf32>
      %mul3A_2330 = arith.mulf %sub3A_2329, %sub3A_2329 : vector<16xf32>
      %add3A_2331 = arith.addf %add3A_2289, %mul3A_2330 : vector<16xf32>
      %get3A_2332 = arith.constant 1 : i32
      %get3A_2333 = arith.index_cast %get3A_2332 : i32 to index
      %get3A_2334 = arith.index_cast %scan3A_2310 : i32 to index
      %get3A_2335 = arith.constant 80 : index
      %get3A_2336 = tpu.vector_load %arg12[%get3A_2333, %get3A_2334, %get3A_2335] {strides = array<i32>} : memref<2x64x128xf32, #tpu.memory_space<vmem>>, vector<16xf32>,
      %get3A_2337 = arith.constant 1 : i32
      %get3A_2338 = arith.index_cast %get3A_2337 : i32 to index
      %get3A_2339 = arith.index_cast %scan3A_2310 : i32 to index
      %get3A_2340 = arith.constant 80 : index
      %get3A_2341 = tpu.vector_load %arg13[%get3A_2338, %get3A_2339, %get3A_2340] {strides = array<i32>} : memref<2x64x128xf32, #tpu.memory_space<vmem>>, vector<16xf32>,
      %select_n3A_2342 = arith.select %lt3A_1498, %gather3A_2312, %get3A_2341 : vector<16xi1>, vector<16xf32>
      %swap3A_2343 = arith.constant 1 : i32
      %swap3A_2344 = arith.index_cast %swap3A_2343 : i32 to index
      %swap3A_2345 = arith.index_cast %scan3A_2310 : i32 to index
      %swap3A_2346 = arith.constant 80 : index
      %swap3A_2347 = tpu.vector_load %arg13[%swap3A_2344, %swap3A_2345, %swap3A_2346] {strides = array<i32>} : memref<2x64x128xf32, #tpu.memory_space<vmem>>, vector<16xf32>,
      tpu.vector_store %arg13[%swap3A_2344, %swap3A_2345, %swap3A_2346], %select_n3A_2342 {strides = array<i32>} : memref<2x64x128xf32, #tpu.memory_space<vmem>>, vector<16xf32>,
      %sub3A_2348 = arith.subf %get3A_2336, %select_n3A_2342 : vector<16xf32>
      %mul3A_2349 = arith.mulf %sub3A_2348, %sub3A_2348 : vector<16xf32>
      %add3A_2350 = arith.addf %add3A_2308, %mul3A_2349 : vector<16xf32>
      %scan3A_2351 = arith.constant 2 : i32
      %scan3A_2352 = arith.addi %scan3A_2268, %scan3A_2351 : i32
      %broadcast_in_dim3A_2353 = vector.broadcast %scan3A_2352 : i32 to vector<16xi32>
      %gather3A_2354 = tpu.vector_load_idx %arg11[%add3A_1501, %broadcast_in_dim3A_2353] : memref<128x129xf32, #tpu.memory_space<vmem>>[vector<16xi32>, vector<16xi32>], vector<16xf32>,
      %get3A_2355 = arith.constant 0 : i32
      %get3A_2356 = arith.index_cast %get3A_2355 : i32 to index
      %get3A_2357 = arith.index_cast %scan3A_2352 : i32 to index
      %get3A_2358 = arith.constant 80 : index
      %get3A_2359 = tpu.vector_load %arg12[%get3A_2356, %get3A_2357, %get3A_2358] {strides = array<i32>} : memref<2x64x128xf32, #tpu.memory_space<vmem>>, vector<16xf32>,
      %get3A_2360 = arith.constant 0 : i32
      %get3A_2361 = arith.index_cast %get3A_2360 : i32 to index
      %get3A_2362 = arith.index_cast %scan3A_2352 : i32 to index
      %get3A_2363 = arith.constant 80 : index
      %get3A_2364 = tpu.vector_load %arg13[%get3A_2361, %get3A_2362, %get3A_2363] {strides = array<i32>} : memref<2x64x128xf32, #tpu.memory_space<vmem>>, vector<16xf32>,
      %select_n3A_2365 = arith.select %lt3A_1498, %gather3A_2354, %get3A_2364 : vector<16xi1>, vector<16xf32>
      %swap3A_2366 = arith.constant 0 : i32
      %swap3A_2367 = arith.index_cast %swap3A_2366 : i32 to index
      %swap3A_2368 = arith.index_cast %scan3A_2352 : i32 to index
      %swap3A_2369 = arith.constant 80 : index
      %swap3A_2370 = tpu.vector_load %arg13[%swap3A_2367, %swap3A_2368, %swap3A_2369] {strides = array<i32>} : memref<2x64x128xf32, #tpu.memory_space<vmem>>, vector<16xf32>,
      tpu.vector_store %arg13[%swap3A_2367, %swap3A_2368, %swap3A_2369], %select_n3A_2365 {strides = array<i32>} : memref<2x64x128xf32, #tpu.memory_space<vmem>>, vector<16xf32>,
      %sub3A_2371 = arith.subf %get3A_2359, %select_n3A_2365 : vector<16xf32>
      %mul3A_2372 = arith.mulf %sub3A_2371, %sub3A_2371 : vector<16xf32>
      %add3A_2373 = arith.addf %add3A_2331, %mul3A_2372 : vector<16xf32>
      %get3A_2374 = arith.constant 1 : i32
      %get3A_2375 = arith.index_cast %get3A_2374 : i32 to index
      %get3A_2376 = arith.index_cast %scan3A_2352 : i32 to index
      %get3A_2377 = arith.constant 80 : index
      %get3A_2378 = tpu.vector_load %arg12[%get3A_2375, %get3A_2376, %get3A_2377] {strides = array<i32>} : memref<2x64x128xf32, #tpu.memory_space<vmem>>, vector<16xf32>,
      %get3A_2379 = arith.constant 1 : i32
      %get3A_2380 = arith.index_cast %get3A_2379 : i32 to index
      %get3A_2381 = arith.index_cast %scan3A_2352 : i32 to index
      %get3A_2382 = arith.constant 80 : index
      %get3A_2383 = tpu.vector_load %arg13[%get3A_2380, %get3A_2381, %get3A_2382] {strides = array<i32>} : memref<2x64x128xf32, #tpu.memory_space<vmem>>, vector<16xf32>,
      %select_n3A_2384 = arith.select %lt3A_1498, %gather3A_2354, %get3A_2383 : vector<16xi1>, vector<16xf32>
      %swap3A_2385 = arith.constant 1 : i32
      %swap3A_2386 = arith.index_cast %swap3A_2385 : i32 to index
      %swap3A_2387 = arith.index_cast %scan3A_2352 : i32 to index
      %swap3A_2388 = arith.constant 80 : index
      %swap3A_2389 = tpu.vector_load %arg13[%swap3A_2386, %swap3A_2387, %swap3A_2388] {strides = array<i32>} : memref<2x64x128xf32, #tpu.memory_space<vmem>>, vector<16xf32>,
      tpu.vector_store %arg13[%swap3A_2386, %swap3A_2387, %swap3A_2388], %select_n3A_2384 {strides = array<i32>} : memref<2x64x128xf32, #tpu.memory_space<vmem>>, vector<16xf32>,
      %sub3A_2390 = arith.subf %get3A_2378, %select_n3A_2384 : vector<16xf32>
      %mul3A_2391 = arith.mulf %sub3A_2390, %sub3A_2390 : vector<16xf32>
      %add3A_2392 = arith.addf %add3A_2350, %mul3A_2391 : vector<16xf32>
      %scan3A_2393 = arith.constant 3 : i32
      %scan3A_2394 = arith.addi %scan3A_2268, %scan3A_2393 : i32
      %broadcast_in_dim3A_2395 = vector.broadcast %scan3A_2394 : i32 to vector<16xi32>
      %gather3A_2396 = tpu.vector_load_idx %arg11[%add3A_1501, %broadcast_in_dim3A_2395] : memref<128x129xf32, #tpu.memory_space<vmem>>[vector<16xi32>, vector<16xi32>], vector<16xf32>,
      %get3A_2397 = arith.constant 0 : i32
      %get3A_2398 = arith.index_cast %get3A_2397 : i32 to index
      %get3A_2399 = arith.index_cast %scan3A_2394 : i32 to index
      %get3A_2400 = arith.constant 80 : index
      %get3A_2401 = tpu.vector_load %arg12[%get3A_2398, %get3A_2399, %get3A_2400] {strides = array<i32>} : memref<2x64x128xf32, #tpu.memory_space<vmem>>, vector<16xf32>,
      %get3A_2402 = arith.constant 0 : i32
      %get3A_2403 = arith.index_cast %get3A_2402 : i32 to index
      %get3A_2404 = arith.index_cast %scan3A_2394 : i32 to index
      %get3A_2405 = arith.constant 80 : index
      %get3A_2406 = tpu.vector_load %arg13[%get3A_2403, %get3A_2404, %get3A_2405] {strides = array<i32>} : memref<2x64x128xf32, #tpu.memory_space<vmem>>, vector<16xf32>,
      %select_n3A_2407 = arith.select %lt3A_1498, %gather3A_2396, %get3A_2406 : vector<16xi1>, vector<16xf32>
      %swap3A_2408 = arith.constant 0 : i32
      %swap3A_2409 = arith.index_cast %swap3A_2408 : i32 to index
      %swap3A_2410 = arith.index_cast %scan3A_2394 : i32 to index
      %swap3A_2411 = arith.constant 80 : index
      %swap3A_2412 = tpu.vector_load %arg13[%swap3A_2409, %swap3A_2410, %swap3A_2411] {strides = array<i32>} : memref<2x64x128xf32, #tpu.memory_space<vmem>>, vector<16xf32>,
      tpu.vector_store %arg13[%swap3A_2409, %swap3A_2410, %swap3A_2411], %select_n3A_2407 {strides = array<i32>} : memref<2x64x128xf32, #tpu.memory_space<vmem>>, vector<16xf32>,
      %sub3A_2413 = arith.subf %get3A_2401, %select_n3A_2407 : vector<16xf32>
      %mul3A_2414 = arith.mulf %sub3A_2413, %sub3A_2413 : vector<16xf32>
      %add3A_2415 = arith.addf %add3A_2373, %mul3A_2414 : vector<16xf32>
      %get3A_2416 = arith.constant 1 : i32
      %get3A_2417 = arith.index_cast %get3A_2416 : i32 to index
      %get3A_2418 = arith.index_cast %scan3A_2394 : i32 to index
      %get3A_2419 = arith.constant 80 : index
      %get3A_2420 = tpu.vector_load %arg12[%get3A_2417, %get3A_2418, %get3A_2419] {strides = array<i32>} : memref<2x64x128xf32, #tpu.memory_space<vmem>>, vector<16xf32>,
      %get3A_2421 = arith.constant 1 : i32
      %get3A_2422 = arith.index_cast %get3A_2421 : i32 to index
      %get3A_2423 = arith.index_cast %scan3A_2394 : i32 to index
      %get3A_2424 = arith.constant 80 : index
      %get3A_2425 = tpu.vector_load %arg13[%get3A_2422, %get3A_2423, %get3A_2424] {strides = array<i32>} : memref<2x64x128xf32, #tpu.memory_space<vmem>>, vector<16xf32>,
      %select_n3A_2426 = arith.select %lt3A_1498, %gather3A_2396, %get3A_2425 : vector<16xi1>, vector<16xf32>
      %swap3A_2427 = arith.constant 1 : i32
      %swap3A_2428 = arith.index_cast %swap3A_2427 : i32 to index
      %swap3A_2429 = arith.index_cast %scan3A_2394 : i32 to index
      %swap3A_2430 = arith.constant 80 : index
      %swap3A_2431 = tpu.vector_load %arg13[%swap3A_2428, %swap3A_2429, %swap3A_2430] {strides = array<i32>} : memref<2x64x128xf32, #tpu.memory_space<vmem>>, vector<16xf32>,
      tpu.vector_store %arg13[%swap3A_2428, %swap3A_2429, %swap3A_2430], %select_n3A_2426 {strides = array<i32>} : memref<2x64x128xf32, #tpu.memory_space<vmem>>, vector<16xf32>,
      %sub3A_2432 = arith.subf %get3A_2420, %select_n3A_2426 : vector<16xf32>
      %mul3A_2433 = arith.mulf %sub3A_2432, %sub3A_2432 : vector<16xf32>
      %add3A_2434 = arith.addf %add3A_2392, %mul3A_2433 : vector<16xf32>
      scf.yield %add3A_2415, %add3A_2434 : vector<16xf32>, vector<16xf32>
    }
    %scan3A_1511 = arith.constant 64 : i32
    %ge3A_1512 = arith.constant 2.500000e-03 : f32
    %ge3A_1513 = vector.broadcast %ge3A_1512 : f32 to vector<16xf32>
    %ge3A_1514 = arith.cmpf oge, %scan3A_1510#0, %ge3A_1513 : vector<16xf32>
    %convert_element_type3A_1515 = arith.extui %ge3A_1514 : vector<16xi1> to vector<16xi32>
    %convert_element_type3A_1516 = arith.sitofp %convert_element_type3A_1515 : vector<16xi32> to vector<16xf32>
    %neg3A_1517 = arith.constant 0.000000e+00 : f32
    %neg3A_1518 = vector.broadcast %neg3A_1517 : f32 to vector<16xf32>
    %neg3A_1519 = arith.subf %neg3A_1518, %convert_element_type3A_1516 : vector<16xf32>
    %get3A_1520 = arith.constant 0 : i32
    %get3A_1521 = arith.index_cast %get3A_1520 : i32 to index
    %get3A_1522 = arith.constant 80 : index
    %get3A_1523 = tpu.vector_load %arg15[%get3A_1521, %get3A_1522] {strides = array<i32>} : memref<2x128xf32, #tpu.memory_space<vmem>>, vector<16xf32>,
    %select_n3A_1524 = arith.select %lt3A_1498, %neg3A_1519, %get3A_1523 : vector<16xi1>, vector<16xf32>
    %swap3A_1525 = arith.constant 0 : i32
    %swap3A_1526 = arith.index_cast %swap3A_1525 : i32 to index
    %swap3A_1527 = arith.constant 80 : index
    %swap3A_1528 = tpu.vector_load %arg16[%swap3A_1526, %swap3A_1527] {strides = array<i32>} : memref<2x128xf32, #tpu.memory_space<vmem>>, vector<16xf32>,
    tpu.vector_store %arg16[%swap3A_1526, %swap3A_1527], %select_n3A_1524 {strides = array<i32>} : memref<2x128xf32, #tpu.memory_space<vmem>>, vector<16xf32>,
    %ge3A_1529 = arith.constant 2.500000e-03 : f32
    %ge3A_1530 = vector.broadcast %ge3A_1529 : f32 to vector<16xf32>
    %ge3A_1531 = arith.cmpf oge, %scan3A_1510#1, %ge3A_1530 : vector<16xf32>
    %convert_element_type3A_1532 = arith.extui %ge3A_1531 : vector<16xi1> to vector<16xi32>
    %convert_element_type3A_1533 = arith.sitofp %convert_element_type3A_1532 : vector<16xi32> to vector<16xf32>
    %neg3A_1534 = arith.constant 0.000000e+00 : f32
    %neg3A_1535 = vector.broadcast %neg3A_1534 : f32 to vector<16xf32>
    %neg3A_1536 = arith.subf %neg3A_1535, %convert_element_type3A_1533 : vector<16xf32>
    %get3A_1537 = arith.constant 1 : i32
    %get3A_1538 = arith.index_cast %get3A_1537 : i32 to index
    %get3A_1539 = arith.constant 80 : index
    %get3A_1540 = tpu.vector_load %arg15[%get3A_1538, %get3A_1539] {strides = array<i32>} : memref<2x128xf32, #tpu.memory_space<vmem>>, vector<16xf32>,
    %select_n3A_1541 = arith.select %lt3A_1498, %neg3A_1536, %get3A_1540 : vector<16xi1>, vector<16xf32>
    %swap3A_1542 = arith.constant 1 : i32
    %swap3A_1543 = arith.index_cast %swap3A_1542 : i32 to index
    %swap3A_1544 = arith.constant 80 : index
    %swap3A_1545 = tpu.vector_load %arg16[%swap3A_1543, %swap3A_1544] {strides = array<i32>} : memref<2x128xf32, #tpu.memory_space<vmem>>, vector<16xf32>,
    tpu.vector_store %arg16[%swap3A_1543, %swap3A_1544], %select_n3A_1541 {strides = array<i32>} : memref<2x128xf32, #tpu.memory_space<vmem>>, vector<16xf32>,
    %get3A_1546 = arith.constant 96 : index
    %get3A_1547 = tpu.vector_load %arg14[%get3A_1546] {strides = array<i32>} : memref<128xf32, #tpu.memory_space<vmem>>, vector<16xf32>,
    %lt3A_1548 = arith.constant 8.000000e-01 : f32
    %lt3A_1549 = vector.broadcast %lt3A_1548 : f32 to vector<16xf32>
    %lt3A_1550 = arith.cmpf olt, %get3A_1547, %lt3A_1549 : vector<16xf32>
    %add3A_1551 = arith.constant 96 : i32
    %add3A_1552 = vector.broadcast %add3A_1551 : i32 to vector<16xi32>
    %add3A_1553 = arith.addi %iota3A, %add3A_1552 : vector<16xi32>
    %broadcast_in_dim3A_1554 = arith.constant 0.000000e+00 : f32
    %broadcast_in_dim3A_1555 = vector.broadcast %broadcast_in_dim3A_1554 : f32 to vector<16xf32>
    %broadcast_in_dim3A_1556 = arith.constant 0.000000e+00 : f32
    %broadcast_in_dim3A_1557 = vector.broadcast %broadcast_in_dim3A_1556 : f32 to vector<16xf32>
    %scan3A_1558 = arith.constant 0 : i32
    %scan3A_1559 = arith.constant 64 : i32
    %scan3A_1560 = arith.addi %scan3A_1558, %scan3A_1559 : i32
    %scan3A_1561 = arith.constant 4 : i32
    %scan3A_1562:2 = scf.for %scan3A_2268 = %scan3A_1558 to %scan3A_1560 step %scan3A_1561 iter_args(%scan3A_2269 = %broadcast_in_dim3A_1555, %scan3A_2270 = %broadcast_in_dim3A_1557) -> (vector<16xf32>, vector<16xf32>)  : i32 {
      %broadcast_in_dim3A_2271 = vector.broadcast %scan3A_2268 : i32 to vector<16xi32>
      %gather3A = tpu.vector_load_idx %arg11[%add3A_1553, %broadcast_in_dim3A_2271] : memref<128x129xf32, #tpu.memory_space<vmem>>[vector<16xi32>, vector<16xi32>], vector<16xf32>,
      %get3A_2272 = arith.constant 0 : i32
      %get3A_2273 = arith.index_cast %get3A_2272 : i32 to index
      %get3A_2274 = arith.index_cast %scan3A_2268 : i32 to index
      %get3A_2275 = arith.constant 96 : index
      %get3A_2276 = tpu.vector_load %arg12[%get3A_2273, %get3A_2274, %get3A_2275] {strides = array<i32>} : memref<2x64x128xf32, #tpu.memory_space<vmem>>, vector<16xf32>,
      %get3A_2277 = arith.constant 0 : i32
      %get3A_2278 = arith.index_cast %get3A_2277 : i32 to index
      %get3A_2279 = arith.index_cast %scan3A_2268 : i32 to index
      %get3A_2280 = arith.constant 96 : index
      %get3A_2281 = tpu.vector_load %arg13[%get3A_2278, %get3A_2279, %get3A_2280] {strides = array<i32>} : memref<2x64x128xf32, #tpu.memory_space<vmem>>, vector<16xf32>,
      %select_n3A_2282 = arith.select %lt3A_1550, %gather3A, %get3A_2281 : vector<16xi1>, vector<16xf32>
      %swap3A_2283 = arith.constant 0 : i32
      %swap3A_2284 = arith.index_cast %swap3A_2283 : i32 to index
      %swap3A_2285 = arith.index_cast %scan3A_2268 : i32 to index
      %swap3A_2286 = arith.constant 96 : index
      %swap3A_2287 = tpu.vector_load %arg13[%swap3A_2284, %swap3A_2285, %swap3A_2286] {strides = array<i32>} : memref<2x64x128xf32, #tpu.memory_space<vmem>>, vector<16xf32>,
      tpu.vector_store %arg13[%swap3A_2284, %swap3A_2285, %swap3A_2286], %select_n3A_2282 {strides = array<i32>} : memref<2x64x128xf32, #tpu.memory_space<vmem>>, vector<16xf32>,
      %sub3A = arith.subf %get3A_2276, %select_n3A_2282 : vector<16xf32>
      %mul3A_2288 = arith.mulf %sub3A, %sub3A : vector<16xf32>
      %add3A_2289 = arith.addf %scan3A_2269, %mul3A_2288 : vector<16xf32>
      %get3A_2290 = arith.constant 1 : i32
      %get3A_2291 = arith.index_cast %get3A_2290 : i32 to index
      %get3A_2292 = arith.index_cast %scan3A_2268 : i32 to index
      %get3A_2293 = arith.constant 96 : index
      %get3A_2294 = tpu.vector_load %arg12[%get3A_2291, %get3A_2292, %get3A_2293] {strides = array<i32>} : memref<2x64x128xf32, #tpu.memory_space<vmem>>, vector<16xf32>,
      %get3A_2295 = arith.constant 1 : i32
      %get3A_2296 = arith.index_cast %get3A_2295 : i32 to index
      %get3A_2297 = arith.index_cast %scan3A_2268 : i32 to index
      %get3A_2298 = arith.constant 96 : index
      %get3A_2299 = tpu.vector_load %arg13[%get3A_2296, %get3A_2297, %get3A_2298] {strides = array<i32>} : memref<2x64x128xf32, #tpu.memory_space<vmem>>, vector<16xf32>,
      %select_n3A_2300 = arith.select %lt3A_1550, %gather3A, %get3A_2299 : vector<16xi1>, vector<16xf32>
      %swap3A_2301 = arith.constant 1 : i32
      %swap3A_2302 = arith.index_cast %swap3A_2301 : i32 to index
      %swap3A_2303 = arith.index_cast %scan3A_2268 : i32 to index
      %swap3A_2304 = arith.constant 96 : index
      %swap3A_2305 = tpu.vector_load %arg13[%swap3A_2302, %swap3A_2303, %swap3A_2304] {strides = array<i32>} : memref<2x64x128xf32, #tpu.memory_space<vmem>>, vector<16xf32>,
      tpu.vector_store %arg13[%swap3A_2302, %swap3A_2303, %swap3A_2304], %select_n3A_2300 {strides = array<i32>} : memref<2x64x128xf32, #tpu.memory_space<vmem>>, vector<16xf32>,
      %sub3A_2306 = arith.subf %get3A_2294, %select_n3A_2300 : vector<16xf32>
      %mul3A_2307 = arith.mulf %sub3A_2306, %sub3A_2306 : vector<16xf32>
      %add3A_2308 = arith.addf %scan3A_2270, %mul3A_2307 : vector<16xf32>
      %scan3A_2309 = arith.constant 1 : i32
      %scan3A_2310 = arith.addi %scan3A_2268, %scan3A_2309 : i32
      %broadcast_in_dim3A_2311 = vector.broadcast %scan3A_2310 : i32 to vector<16xi32>
      %gather3A_2312 = tpu.vector_load_idx %arg11[%add3A_1553, %broadcast_in_dim3A_2311] : memref<128x129xf32, #tpu.memory_space<vmem>>[vector<16xi32>, vector<16xi32>], vector<16xf32>,
      %get3A_2313 = arith.constant 0 : i32
      %get3A_2314 = arith.index_cast %get3A_2313 : i32 to index
      %get3A_2315 = arith.index_cast %scan3A_2310 : i32 to index
      %get3A_2316 = arith.constant 96 : index
      %get3A_2317 = tpu.vector_load %arg12[%get3A_2314, %get3A_2315, %get3A_2316] {strides = array<i32>} : memref<2x64x128xf32, #tpu.memory_space<vmem>>, vector<16xf32>,
      %get3A_2318 = arith.constant 0 : i32
      %get3A_2319 = arith.index_cast %get3A_2318 : i32 to index
      %get3A_2320 = arith.index_cast %scan3A_2310 : i32 to index
      %get3A_2321 = arith.constant 96 : index
      %get3A_2322 = tpu.vector_load %arg13[%get3A_2319, %get3A_2320, %get3A_2321] {strides = array<i32>} : memref<2x64x128xf32, #tpu.memory_space<vmem>>, vector<16xf32>,
      %select_n3A_2323 = arith.select %lt3A_1550, %gather3A_2312, %get3A_2322 : vector<16xi1>, vector<16xf32>
      %swap3A_2324 = arith.constant 0 : i32
      %swap3A_2325 = arith.index_cast %swap3A_2324 : i32 to index
      %swap3A_2326 = arith.index_cast %scan3A_2310 : i32 to index
      %swap3A_2327 = arith.constant 96 : index
      %swap3A_2328 = tpu.vector_load %arg13[%swap3A_2325, %swap3A_2326, %swap3A_2327] {strides = array<i32>} : memref<2x64x128xf32, #tpu.memory_space<vmem>>, vector<16xf32>,
      tpu.vector_store %arg13[%swap3A_2325, %swap3A_2326, %swap3A_2327], %select_n3A_2323 {strides = array<i32>} : memref<2x64x128xf32, #tpu.memory_space<vmem>>, vector<16xf32>,
      %sub3A_2329 = arith.subf %get3A_2317, %select_n3A_2323 : vector<16xf32>
      %mul3A_2330 = arith.mulf %sub3A_2329, %sub3A_2329 : vector<16xf32>
      %add3A_2331 = arith.addf %add3A_2289, %mul3A_2330 : vector<16xf32>
      %get3A_2332 = arith.constant 1 : i32
      %get3A_2333 = arith.index_cast %get3A_2332 : i32 to index
      %get3A_2334 = arith.index_cast %scan3A_2310 : i32 to index
      %get3A_2335 = arith.constant 96 : index
      %get3A_2336 = tpu.vector_load %arg12[%get3A_2333, %get3A_2334, %get3A_2335] {strides = array<i32>} : memref<2x64x128xf32, #tpu.memory_space<vmem>>, vector<16xf32>,
      %get3A_2337 = arith.constant 1 : i32
      %get3A_2338 = arith.index_cast %get3A_2337 : i32 to index
      %get3A_2339 = arith.index_cast %scan3A_2310 : i32 to index
      %get3A_2340 = arith.constant 96 : index
      %get3A_2341 = tpu.vector_load %arg13[%get3A_2338, %get3A_2339, %get3A_2340] {strides = array<i32>} : memref<2x64x128xf32, #tpu.memory_space<vmem>>, vector<16xf32>,
      %select_n3A_2342 = arith.select %lt3A_1550, %gather3A_2312, %get3A_2341 : vector<16xi1>, vector<16xf32>
      %swap3A_2343 = arith.constant 1 : i32
      %swap3A_2344 = arith.index_cast %swap3A_2343 : i32 to index
      %swap3A_2345 = arith.index_cast %scan3A_2310 : i32 to index
      %swap3A_2346 = arith.constant 96 : index
      %swap3A_2347 = tpu.vector_load %arg13[%swap3A_2344, %swap3A_2345, %swap3A_2346] {strides = array<i32>} : memref<2x64x128xf32, #tpu.memory_space<vmem>>, vector<16xf32>,
      tpu.vector_store %arg13[%swap3A_2344, %swap3A_2345, %swap3A_2346], %select_n3A_2342 {strides = array<i32>} : memref<2x64x128xf32, #tpu.memory_space<vmem>>, vector<16xf32>,
      %sub3A_2348 = arith.subf %get3A_2336, %select_n3A_2342 : vector<16xf32>
      %mul3A_2349 = arith.mulf %sub3A_2348, %sub3A_2348 : vector<16xf32>
      %add3A_2350 = arith.addf %add3A_2308, %mul3A_2349 : vector<16xf32>
      %scan3A_2351 = arith.constant 2 : i32
      %scan3A_2352 = arith.addi %scan3A_2268, %scan3A_2351 : i32
      %broadcast_in_dim3A_2353 = vector.broadcast %scan3A_2352 : i32 to vector<16xi32>
      %gather3A_2354 = tpu.vector_load_idx %arg11[%add3A_1553, %broadcast_in_dim3A_2353] : memref<128x129xf32, #tpu.memory_space<vmem>>[vector<16xi32>, vector<16xi32>], vector<16xf32>,
      %get3A_2355 = arith.constant 0 : i32
      %get3A_2356 = arith.index_cast %get3A_2355 : i32 to index
      %get3A_2357 = arith.index_cast %scan3A_2352 : i32 to index
      %get3A_2358 = arith.constant 96 : index
      %get3A_2359 = tpu.vector_load %arg12[%get3A_2356, %get3A_2357, %get3A_2358] {strides = array<i32>} : memref<2x64x128xf32, #tpu.memory_space<vmem>>, vector<16xf32>,
      %get3A_2360 = arith.constant 0 : i32
      %get3A_2361 = arith.index_cast %get3A_2360 : i32 to index
      %get3A_2362 = arith.index_cast %scan3A_2352 : i32 to index
      %get3A_2363 = arith.constant 96 : index
      %get3A_2364 = tpu.vector_load %arg13[%get3A_2361, %get3A_2362, %get3A_2363] {strides = array<i32>} : memref<2x64x128xf32, #tpu.memory_space<vmem>>, vector<16xf32>,
      %select_n3A_2365 = arith.select %lt3A_1550, %gather3A_2354, %get3A_2364 : vector<16xi1>, vector<16xf32>
      %swap3A_2366 = arith.constant 0 : i32
      %swap3A_2367 = arith.index_cast %swap3A_2366 : i32 to index
      %swap3A_2368 = arith.index_cast %scan3A_2352 : i32 to index
      %swap3A_2369 = arith.constant 96 : index
      %swap3A_2370 = tpu.vector_load %arg13[%swap3A_2367, %swap3A_2368, %swap3A_2369] {strides = array<i32>} : memref<2x64x128xf32, #tpu.memory_space<vmem>>, vector<16xf32>,
      tpu.vector_store %arg13[%swap3A_2367, %swap3A_2368, %swap3A_2369], %select_n3A_2365 {strides = array<i32>} : memref<2x64x128xf32, #tpu.memory_space<vmem>>, vector<16xf32>,
      %sub3A_2371 = arith.subf %get3A_2359, %select_n3A_2365 : vector<16xf32>
      %mul3A_2372 = arith.mulf %sub3A_2371, %sub3A_2371 : vector<16xf32>
      %add3A_2373 = arith.addf %add3A_2331, %mul3A_2372 : vector<16xf32>
      %get3A_2374 = arith.constant 1 : i32
      %get3A_2375 = arith.index_cast %get3A_2374 : i32 to index
      %get3A_2376 = arith.index_cast %scan3A_2352 : i32 to index
      %get3A_2377 = arith.constant 96 : index
      %get3A_2378 = tpu.vector_load %arg12[%get3A_2375, %get3A_2376, %get3A_2377] {strides = array<i32>} : memref<2x64x128xf32, #tpu.memory_space<vmem>>, vector<16xf32>,
      %get3A_2379 = arith.constant 1 : i32
      %get3A_2380 = arith.index_cast %get3A_2379 : i32 to index
      %get3A_2381 = arith.index_cast %scan3A_2352 : i32 to index
      %get3A_2382 = arith.constant 96 : index
      %get3A_2383 = tpu.vector_load %arg13[%get3A_2380, %get3A_2381, %get3A_2382] {strides = array<i32>} : memref<2x64x128xf32, #tpu.memory_space<vmem>>, vector<16xf32>,
      %select_n3A_2384 = arith.select %lt3A_1550, %gather3A_2354, %get3A_2383 : vector<16xi1>, vector<16xf32>
      %swap3A_2385 = arith.constant 1 : i32
      %swap3A_2386 = arith.index_cast %swap3A_2385 : i32 to index
      %swap3A_2387 = arith.index_cast %scan3A_2352 : i32 to index
      %swap3A_2388 = arith.constant 96 : index
      %swap3A_2389 = tpu.vector_load %arg13[%swap3A_2386, %swap3A_2387, %swap3A_2388] {strides = array<i32>} : memref<2x64x128xf32, #tpu.memory_space<vmem>>, vector<16xf32>,
      tpu.vector_store %arg13[%swap3A_2386, %swap3A_2387, %swap3A_2388], %select_n3A_2384 {strides = array<i32>} : memref<2x64x128xf32, #tpu.memory_space<vmem>>, vector<16xf32>,
      %sub3A_2390 = arith.subf %get3A_2378, %select_n3A_2384 : vector<16xf32>
      %mul3A_2391 = arith.mulf %sub3A_2390, %sub3A_2390 : vector<16xf32>
      %add3A_2392 = arith.addf %add3A_2350, %mul3A_2391 : vector<16xf32>
      %scan3A_2393 = arith.constant 3 : i32
      %scan3A_2394 = arith.addi %scan3A_2268, %scan3A_2393 : i32
      %broadcast_in_dim3A_2395 = vector.broadcast %scan3A_2394 : i32 to vector<16xi32>
      %gather3A_2396 = tpu.vector_load_idx %arg11[%add3A_1553, %broadcast_in_dim3A_2395] : memref<128x129xf32, #tpu.memory_space<vmem>>[vector<16xi32>, vector<16xi32>], vector<16xf32>,
      %get3A_2397 = arith.constant 0 : i32
      %get3A_2398 = arith.index_cast %get3A_2397 : i32 to index
      %get3A_2399 = arith.index_cast %scan3A_2394 : i32 to index
      %get3A_2400 = arith.constant 96 : index
      %get3A_2401 = tpu.vector_load %arg12[%get3A_2398, %get3A_2399, %get3A_2400] {strides = array<i32>} : memref<2x64x128xf32, #tpu.memory_space<vmem>>, vector<16xf32>,
      %get3A_2402 = arith.constant 0 : i32
      %get3A_2403 = arith.index_cast %get3A_2402 : i32 to index
      %get3A_2404 = arith.index_cast %scan3A_2394 : i32 to index
      %get3A_2405 = arith.constant 96 : index
      %get3A_2406 = tpu.vector_load %arg13[%get3A_2403, %get3A_2404, %get3A_2405] {strides = array<i32>} : memref<2x64x128xf32, #tpu.memory_space<vmem>>, vector<16xf32>,
      %select_n3A_2407 = arith.select %lt3A_1550, %gather3A_2396, %get3A_2406 : vector<16xi1>, vector<16xf32>
      %swap3A_2408 = arith.constant 0 : i32
      %swap3A_2409 = arith.index_cast %swap3A_2408 : i32 to index
      %swap3A_2410 = arith.index_cast %scan3A_2394 : i32 to index
      %swap3A_2411 = arith.constant 96 : index
      %swap3A_2412 = tpu.vector_load %arg13[%swap3A_2409, %swap3A_2410, %swap3A_2411] {strides = array<i32>} : memref<2x64x128xf32, #tpu.memory_space<vmem>>, vector<16xf32>,
      tpu.vector_store %arg13[%swap3A_2409, %swap3A_2410, %swap3A_2411], %select_n3A_2407 {strides = array<i32>} : memref<2x64x128xf32, #tpu.memory_space<vmem>>, vector<16xf32>,
      %sub3A_2413 = arith.subf %get3A_2401, %select_n3A_2407 : vector<16xf32>
      %mul3A_2414 = arith.mulf %sub3A_2413, %sub3A_2413 : vector<16xf32>
      %add3A_2415 = arith.addf %add3A_2373, %mul3A_2414 : vector<16xf32>
      %get3A_2416 = arith.constant 1 : i32
      %get3A_2417 = arith.index_cast %get3A_2416 : i32 to index
      %get3A_2418 = arith.index_cast %scan3A_2394 : i32 to index
      %get3A_2419 = arith.constant 96 : index
      %get3A_2420 = tpu.vector_load %arg12[%get3A_2417, %get3A_2418, %get3A_2419] {strides = array<i32>} : memref<2x64x128xf32, #tpu.memory_space<vmem>>, vector<16xf32>,
      %get3A_2421 = arith.constant 1 : i32
      %get3A_2422 = arith.index_cast %get3A_2421 : i32 to index
      %get3A_2423 = arith.index_cast %scan3A_2394 : i32 to index
      %get3A_2424 = arith.constant 96 : index
      %get3A_2425 = tpu.vector_load %arg13[%get3A_2422, %get3A_2423, %get3A_2424] {strides = array<i32>} : memref<2x64x128xf32, #tpu.memory_space<vmem>>, vector<16xf32>,
      %select_n3A_2426 = arith.select %lt3A_1550, %gather3A_2396, %get3A_2425 : vector<16xi1>, vector<16xf32>
      %swap3A_2427 = arith.constant 1 : i32
      %swap3A_2428 = arith.index_cast %swap3A_2427 : i32 to index
      %swap3A_2429 = arith.index_cast %scan3A_2394 : i32 to index
      %swap3A_2430 = arith.constant 96 : index
      %swap3A_2431 = tpu.vector_load %arg13[%swap3A_2428, %swap3A_2429, %swap3A_2430] {strides = array<i32>} : memref<2x64x128xf32, #tpu.memory_space<vmem>>, vector<16xf32>,
      tpu.vector_store %arg13[%swap3A_2428, %swap3A_2429, %swap3A_2430], %select_n3A_2426 {strides = array<i32>} : memref<2x64x128xf32, #tpu.memory_space<vmem>>, vector<16xf32>,
      %sub3A_2432 = arith.subf %get3A_2420, %select_n3A_2426 : vector<16xf32>
      %mul3A_2433 = arith.mulf %sub3A_2432, %sub3A_2432 : vector<16xf32>
      %add3A_2434 = arith.addf %add3A_2392, %mul3A_2433 : vector<16xf32>
      scf.yield %add3A_2415, %add3A_2434 : vector<16xf32>, vector<16xf32>
    }
    %scan3A_1563 = arith.constant 64 : i32
    %ge3A_1564 = arith.constant 2.500000e-03 : f32
    %ge3A_1565 = vector.broadcast %ge3A_1564 : f32 to vector<16xf32>
    %ge3A_1566 = arith.cmpf oge, %scan3A_1562#0, %ge3A_1565 : vector<16xf32>
    %convert_element_type3A_1567 = arith.extui %ge3A_1566 : vector<16xi1> to vector<16xi32>
    %convert_element_type3A_1568 = arith.sitofp %convert_element_type3A_1567 : vector<16xi32> to vector<16xf32>
    %neg3A_1569 = arith.constant 0.000000e+00 : f32
    %neg3A_1570 = vector.broadcast %neg3A_1569 : f32 to vector<16xf32>
    %neg3A_1571 = arith.subf %neg3A_1570, %convert_element_type3A_1568 : vector<16xf32>
    %get3A_1572 = arith.constant 0 : i32
    %get3A_1573 = arith.index_cast %get3A_1572 : i32 to index
    %get3A_1574 = arith.constant 96 : index
    %get3A_1575 = tpu.vector_load %arg15[%get3A_1573, %get3A_1574] {strides = array<i32>} : memref<2x128xf32, #tpu.memory_space<vmem>>, vector<16xf32>,
    %select_n3A_1576 = arith.select %lt3A_1550, %neg3A_1571, %get3A_1575 : vector<16xi1>, vector<16xf32>
    %swap3A_1577 = arith.constant 0 : i32
    %swap3A_1578 = arith.index_cast %swap3A_1577 : i32 to index
    %swap3A_1579 = arith.constant 96 : index
    %swap3A_1580 = tpu.vector_load %arg16[%swap3A_1578, %swap3A_1579] {strides = array<i32>} : memref<2x128xf32, #tpu.memory_space<vmem>>, vector<16xf32>,
    tpu.vector_store %arg16[%swap3A_1578, %swap3A_1579], %select_n3A_1576 {strides = array<i32>} : memref<2x128xf32, #tpu.memory_space<vmem>>, vector<16xf32>,
    %ge3A_1581 = arith.constant 2.500000e-03 : f32
    %ge3A_1582 = vector.broadcast %ge3A_1581 : f32 to vector<16xf32>
    %ge3A_1583 = arith.cmpf oge, %scan3A_1562#1, %ge3A_1582 : vector<16xf32>
    %convert_element_type3A_1584 = arith.extui %ge3A_1583 : vector<16xi1> to vector<16xi32>
    %convert_element_type3A_1585 = arith.sitofp %convert_element_type3A_1584 : vector<16xi32> to vector<16xf32>
    %neg3A_1586 = arith.constant 0.000000e+00 : f32
    %neg3A_1587 = vector.broadcast %neg3A_1586 : f32 to vector<16xf32>
    %neg3A_1588 = arith.subf %neg3A_1587, %convert_element_type3A_1585 : vector<16xf32>
    %get3A_1589 = arith.constant 1 : i32
    %get3A_1590 = arith.index_cast %get3A_1589 : i32 to index
    %get3A_1591 = arith.constant 96 : index
    %get3A_1592 = tpu.vector_load %arg15[%get3A_1590, %get3A_1591] {strides = array<i32>} : memref<2x128xf32, #tpu.memory_space<vmem>>, vector<16xf32>,
    %select_n3A_1593 = arith.select %lt3A_1550, %neg3A_1588, %get3A_1592 : vector<16xi1>, vector<16xf32>
    %swap3A_1594 = arith.constant 1 : i32
    %swap3A_1595 = arith.index_cast %swap3A_1594 : i32 to index
    %swap3A_1596 = arith.constant 96 : index
    %swap3A_1597 = tpu.vector_load %arg16[%swap3A_1595, %swap3A_1596] {strides = array<i32>} : memref<2x128xf32, #tpu.memory_space<vmem>>, vector<16xf32>,
    tpu.vector_store %arg16[%swap3A_1595, %swap3A_1596], %select_n3A_1593 {strides = array<i32>} : memref<2x128xf32, #tpu.memory_space<vmem>>, vector<16xf32>,
    %get3A_1598 = arith.constant 112 : index
    %get3A_1599 = tpu.vector_load %arg14[%get3A_1598] {strides = array<i32>} : memref<128xf32, #tpu.memory_space<vmem>>, vector<16xf32>,
    %lt3A_1600 = arith.constant 8.000000e-01 : f32
    %lt3A_1601 = vector.broadcast %lt3A_1600 : f32 to vector<16xf32>
    %lt3A_1602 = arith.cmpf olt, %get3A_1599, %lt3A_1601 : vector<16xf32>
    %add3A_1603 = arith.constant 112 : i32
    %add3A_1604 = vector.broadcast %add3A_1603 : i32 to vector<16xi32>
    %add3A_1605 = arith.addi %iota3A, %add3A_1604 : vector<16xi32>
    %broadcast_in_dim3A_1606 = arith.constant 0.000000e+00 : f32
    %broadcast_in_dim3A_1607 = vector.broadcast %broadcast_in_dim3A_1606 : f32 to vector<16xf32>
    %broadcast_in_dim3A_1608 = arith.constant 0.000000e+00 : f32
    %broadcast_in_dim3A_1609 = vector.broadcast %broadcast_in_dim3A_1608 : f32 to vector<16xf32>
    %scan3A_1610 = arith.constant 0 : i32
    %scan3A_1611 = arith.constant 64 : i32
    %scan3A_1612 = arith.addi %scan3A_1610, %scan3A_1611 : i32
    %scan3A_1613 = arith.constant 4 : i32
    %scan3A_1614:2 = scf.for %scan3A_2268 = %scan3A_1610 to %scan3A_1612 step %scan3A_1613 iter_args(%scan3A_2269 = %broadcast_in_dim3A_1607, %scan3A_2270 = %broadcast_in_dim3A_1609) -> (vector<16xf32>, vector<16xf32>)  : i32 {
      %broadcast_in_dim3A_2271 = vector.broadcast %scan3A_2268 : i32 to vector<16xi32>
      %gather3A = tpu.vector_load_idx %arg11[%add3A_1605, %broadcast_in_dim3A_2271] : memref<128x129xf32, #tpu.memory_space<vmem>>[vector<16xi32>, vector<16xi32>], vector<16xf32>,
      %get3A_2272 = arith.constant 0 : i32
      %get3A_2273 = arith.index_cast %get3A_2272 : i32 to index
      %get3A_2274 = arith.index_cast %scan3A_2268 : i32 to index
      %get3A_2275 = arith.constant 112 : index
      %get3A_2276 = tpu.vector_load %arg12[%get3A_2273, %get3A_2274, %get3A_2275] {strides = array<i32>} : memref<2x64x128xf32, #tpu.memory_space<vmem>>, vector<16xf32>,
      %get3A_2277 = arith.constant 0 : i32
      %get3A_2278 = arith.index_cast %get3A_2277 : i32 to index
      %get3A_2279 = arith.index_cast %scan3A_2268 : i32 to index
      %get3A_2280 = arith.constant 112 : index
      %get3A_2281 = tpu.vector_load %arg13[%get3A_2278, %get3A_2279, %get3A_2280] {strides = array<i32>} : memref<2x64x128xf32, #tpu.memory_space<vmem>>, vector<16xf32>,
      %select_n3A_2282 = arith.select %lt3A_1602, %gather3A, %get3A_2281 : vector<16xi1>, vector<16xf32>
      %swap3A_2283 = arith.constant 0 : i32
      %swap3A_2284 = arith.index_cast %swap3A_2283 : i32 to index
      %swap3A_2285 = arith.index_cast %scan3A_2268 : i32 to index
      %swap3A_2286 = arith.constant 112 : index
      %swap3A_2287 = tpu.vector_load %arg13[%swap3A_2284, %swap3A_2285, %swap3A_2286] {strides = array<i32>} : memref<2x64x128xf32, #tpu.memory_space<vmem>>, vector<16xf32>,
      tpu.vector_store %arg13[%swap3A_2284, %swap3A_2285, %swap3A_2286], %select_n3A_2282 {strides = array<i32>} : memref<2x64x128xf32, #tpu.memory_space<vmem>>, vector<16xf32>,
      %sub3A = arith.subf %get3A_2276, %select_n3A_2282 : vector<16xf32>
      %mul3A_2288 = arith.mulf %sub3A, %sub3A : vector<16xf32>
      %add3A_2289 = arith.addf %scan3A_2269, %mul3A_2288 : vector<16xf32>
      %get3A_2290 = arith.constant 1 : i32
      %get3A_2291 = arith.index_cast %get3A_2290 : i32 to index
      %get3A_2292 = arith.index_cast %scan3A_2268 : i32 to index
      %get3A_2293 = arith.constant 112 : index
      %get3A_2294 = tpu.vector_load %arg12[%get3A_2291, %get3A_2292, %get3A_2293] {strides = array<i32>} : memref<2x64x128xf32, #tpu.memory_space<vmem>>, vector<16xf32>,
      %get3A_2295 = arith.constant 1 : i32
      %get3A_2296 = arith.index_cast %get3A_2295 : i32 to index
      %get3A_2297 = arith.index_cast %scan3A_2268 : i32 to index
      %get3A_2298 = arith.constant 112 : index
      %get3A_2299 = tpu.vector_load %arg13[%get3A_2296, %get3A_2297, %get3A_2298] {strides = array<i32>} : memref<2x64x128xf32, #tpu.memory_space<vmem>>, vector<16xf32>,
      %select_n3A_2300 = arith.select %lt3A_1602, %gather3A, %get3A_2299 : vector<16xi1>, vector<16xf32>
      %swap3A_2301 = arith.constant 1 : i32
      %swap3A_2302 = arith.index_cast %swap3A_2301 : i32 to index
      %swap3A_2303 = arith.index_cast %scan3A_2268 : i32 to index
      %swap3A_2304 = arith.constant 112 : index
      %swap3A_2305 = tpu.vector_load %arg13[%swap3A_2302, %swap3A_2303, %swap3A_2304] {strides = array<i32>} : memref<2x64x128xf32, #tpu.memory_space<vmem>>, vector<16xf32>,
      tpu.vector_store %arg13[%swap3A_2302, %swap3A_2303, %swap3A_2304], %select_n3A_2300 {strides = array<i32>} : memref<2x64x128xf32, #tpu.memory_space<vmem>>, vector<16xf32>,
      %sub3A_2306 = arith.subf %get3A_2294, %select_n3A_2300 : vector<16xf32>
      %mul3A_2307 = arith.mulf %sub3A_2306, %sub3A_2306 : vector<16xf32>
      %add3A_2308 = arith.addf %scan3A_2270, %mul3A_2307 : vector<16xf32>
      %scan3A_2309 = arith.constant 1 : i32
      %scan3A_2310 = arith.addi %scan3A_2268, %scan3A_2309 : i32
      %broadcast_in_dim3A_2311 = vector.broadcast %scan3A_2310 : i32 to vector<16xi32>
      %gather3A_2312 = tpu.vector_load_idx %arg11[%add3A_1605, %broadcast_in_dim3A_2311] : memref<128x129xf32, #tpu.memory_space<vmem>>[vector<16xi32>, vector<16xi32>], vector<16xf32>,
      %get3A_2313 = arith.constant 0 : i32
      %get3A_2314 = arith.index_cast %get3A_2313 : i32 to index
      %get3A_2315 = arith.index_cast %scan3A_2310 : i32 to index
      %get3A_2316 = arith.constant 112 : index
      %get3A_2317 = tpu.vector_load %arg12[%get3A_2314, %get3A_2315, %get3A_2316] {strides = array<i32>} : memref<2x64x128xf32, #tpu.memory_space<vmem>>, vector<16xf32>,
      %get3A_2318 = arith.constant 0 : i32
      %get3A_2319 = arith.index_cast %get3A_2318 : i32 to index
      %get3A_2320 = arith.index_cast %scan3A_2310 : i32 to index
      %get3A_2321 = arith.constant 112 : index
      %get3A_2322 = tpu.vector_load %arg13[%get3A_2319, %get3A_2320, %get3A_2321] {strides = array<i32>} : memref<2x64x128xf32, #tpu.memory_space<vmem>>, vector<16xf32>,
      %select_n3A_2323 = arith.select %lt3A_1602, %gather3A_2312, %get3A_2322 : vector<16xi1>, vector<16xf32>
      %swap3A_2324 = arith.constant 0 : i32
      %swap3A_2325 = arith.index_cast %swap3A_2324 : i32 to index
      %swap3A_2326 = arith.index_cast %scan3A_2310 : i32 to index
      %swap3A_2327 = arith.constant 112 : index
      %swap3A_2328 = tpu.vector_load %arg13[%swap3A_2325, %swap3A_2326, %swap3A_2327] {strides = array<i32>} : memref<2x64x128xf32, #tpu.memory_space<vmem>>, vector<16xf32>,
      tpu.vector_store %arg13[%swap3A_2325, %swap3A_2326, %swap3A_2327], %select_n3A_2323 {strides = array<i32>} : memref<2x64x128xf32, #tpu.memory_space<vmem>>, vector<16xf32>,
      %sub3A_2329 = arith.subf %get3A_2317, %select_n3A_2323 : vector<16xf32>
      %mul3A_2330 = arith.mulf %sub3A_2329, %sub3A_2329 : vector<16xf32>
      %add3A_2331 = arith.addf %add3A_2289, %mul3A_2330 : vector<16xf32>
      %get3A_2332 = arith.constant 1 : i32
      %get3A_2333 = arith.index_cast %get3A_2332 : i32 to index
      %get3A_2334 = arith.index_cast %scan3A_2310 : i32 to index
      %get3A_2335 = arith.constant 112 : index
      %get3A_2336 = tpu.vector_load %arg12[%get3A_2333, %get3A_2334, %get3A_2335] {strides = array<i32>} : memref<2x64x128xf32, #tpu.memory_space<vmem>>, vector<16xf32>,
      %get3A_2337 = arith.constant 1 : i32
      %get3A_2338 = arith.index_cast %get3A_2337 : i32 to index
      %get3A_2339 = arith.index_cast %scan3A_2310 : i32 to index
      %get3A_2340 = arith.constant 112 : index
      %get3A_2341 = tpu.vector_load %arg13[%get3A_2338, %get3A_2339, %get3A_2340] {strides = array<i32>} : memref<2x64x128xf32, #tpu.memory_space<vmem>>, vector<16xf32>,
      %select_n3A_2342 = arith.select %lt3A_1602, %gather3A_2312, %get3A_2341 : vector<16xi1>, vector<16xf32>
      %swap3A_2343 = arith.constant 1 : i32
      %swap3A_2344 = arith.index_cast %swap3A_2343 : i32 to index
      %swap3A_2345 = arith.index_cast %scan3A_2310 : i32 to index
      %swap3A_2346 = arith.constant 112 : index
      %swap3A_2347 = tpu.vector_load %arg13[%swap3A_2344, %swap3A_2345, %swap3A_2346] {strides = array<i32>} : memref<2x64x128xf32, #tpu.memory_space<vmem>>, vector<16xf32>,
      tpu.vector_store %arg13[%swap3A_2344, %swap3A_2345, %swap3A_2346], %select_n3A_2342 {strides = array<i32>} : memref<2x64x128xf32, #tpu.memory_space<vmem>>, vector<16xf32>,
      %sub3A_2348 = arith.subf %get3A_2336, %select_n3A_2342 : vector<16xf32>
      %mul3A_2349 = arith.mulf %sub3A_2348, %sub3A_2348 : vector<16xf32>
      %add3A_2350 = arith.addf %add3A_2308, %mul3A_2349 : vector<16xf32>
      %scan3A_2351 = arith.constant 2 : i32
      %scan3A_2352 = arith.addi %scan3A_2268, %scan3A_2351 : i32
      %broadcast_in_dim3A_2353 = vector.broadcast %scan3A_2352 : i32 to vector<16xi32>
      %gather3A_2354 = tpu.vector_load_idx %arg11[%add3A_1605, %broadcast_in_dim3A_2353] : memref<128x129xf32, #tpu.memory_space<vmem>>[vector<16xi32>, vector<16xi32>], vector<16xf32>,
      %get3A_2355 = arith.constant 0 : i32
      %get3A_2356 = arith.index_cast %get3A_2355 : i32 to index
      %get3A_2357 = arith.index_cast %scan3A_2352 : i32 to index
      %get3A_2358 = arith.constant 112 : index
      %get3A_2359 = tpu.vector_load %arg12[%get3A_2356, %get3A_2357, %get3A_2358] {strides = array<i32>} : memref<2x64x128xf32, #tpu.memory_space<vmem>>, vector<16xf32>,
      %get3A_2360 = arith.constant 0 : i32
      %get3A_2361 = arith.index_cast %get3A_2360 : i32 to index
      %get3A_2362 = arith.index_cast %scan3A_2352 : i32 to index
      %get3A_2363 = arith.constant 112 : index
      %get3A_2364 = tpu.vector_load %arg13[%get3A_2361, %get3A_2362, %get3A_2363] {strides = array<i32>} : memref<2x64x128xf32, #tpu.memory_space<vmem>>, vector<16xf32>,
      %select_n3A_2365 = arith.select %lt3A_1602, %gather3A_2354, %get3A_2364 : vector<16xi1>, vector<16xf32>
      %swap3A_2366 = arith.constant 0 : i32
      %swap3A_2367 = arith.index_cast %swap3A_2366 : i32 to index
      %swap3A_2368 = arith.index_cast %scan3A_2352 : i32 to index
      %swap3A_2369 = arith.constant 112 : index
      %swap3A_2370 = tpu.vector_load %arg13[%swap3A_2367, %swap3A_2368, %swap3A_2369] {strides = array<i32>} : memref<2x64x128xf32, #tpu.memory_space<vmem>>, vector<16xf32>,
      tpu.vector_store %arg13[%swap3A_2367, %swap3A_2368, %swap3A_2369], %select_n3A_2365 {strides = array<i32>} : memref<2x64x128xf32, #tpu.memory_space<vmem>>, vector<16xf32>,
      %sub3A_2371 = arith.subf %get3A_2359, %select_n3A_2365 : vector<16xf32>
      %mul3A_2372 = arith.mulf %sub3A_2371, %sub3A_2371 : vector<16xf32>
      %add3A_2373 = arith.addf %add3A_2331, %mul3A_2372 : vector<16xf32>
      %get3A_2374 = arith.constant 1 : i32
      %get3A_2375 = arith.index_cast %get3A_2374 : i32 to index
      %get3A_2376 = arith.index_cast %scan3A_2352 : i32 to index
      %get3A_2377 = arith.constant 112 : index
      %get3A_2378 = tpu.vector_load %arg12[%get3A_2375, %get3A_2376, %get3A_2377] {strides = array<i32>} : memref<2x64x128xf32, #tpu.memory_space<vmem>>, vector<16xf32>,
      %get3A_2379 = arith.constant 1 : i32
      %get3A_2380 = arith.index_cast %get3A_2379 : i32 to index
      %get3A_2381 = arith.index_cast %scan3A_2352 : i32 to index
      %get3A_2382 = arith.constant 112 : index
      %get3A_2383 = tpu.vector_load %arg13[%get3A_2380, %get3A_2381, %get3A_2382] {strides = array<i32>} : memref<2x64x128xf32, #tpu.memory_space<vmem>>, vector<16xf32>,
      %select_n3A_2384 = arith.select %lt3A_1602, %gather3A_2354, %get3A_2383 : vector<16xi1>, vector<16xf32>
      %swap3A_2385 = arith.constant 1 : i32
      %swap3A_2386 = arith.index_cast %swap3A_2385 : i32 to index
      %swap3A_2387 = arith.index_cast %scan3A_2352 : i32 to index
      %swap3A_2388 = arith.constant 112 : index
      %swap3A_2389 = tpu.vector_load %arg13[%swap3A_2386, %swap3A_2387, %swap3A_2388] {strides = array<i32>} : memref<2x64x128xf32, #tpu.memory_space<vmem>>, vector<16xf32>,
      tpu.vector_store %arg13[%swap3A_2386, %swap3A_2387, %swap3A_2388], %select_n3A_2384 {strides = array<i32>} : memref<2x64x128xf32, #tpu.memory_space<vmem>>, vector<16xf32>,
      %sub3A_2390 = arith.subf %get3A_2378, %select_n3A_2384 : vector<16xf32>
      %mul3A_2391 = arith.mulf %sub3A_2390, %sub3A_2390 : vector<16xf32>
      %add3A_2392 = arith.addf %add3A_2350, %mul3A_2391 : vector<16xf32>
      %scan3A_2393 = arith.constant 3 : i32
      %scan3A_2394 = arith.addi %scan3A_2268, %scan3A_2393 : i32
      %broadcast_in_dim3A_2395 = vector.broadcast %scan3A_2394 : i32 to vector<16xi32>
      %gather3A_2396 = tpu.vector_load_idx %arg11[%add3A_1605, %broadcast_in_dim3A_2395] : memref<128x129xf32, #tpu.memory_space<vmem>>[vector<16xi32>, vector<16xi32>], vector<16xf32>,
      %get3A_2397 = arith.constant 0 : i32
      %get3A_2398 = arith.index_cast %get3A_2397 : i32 to index
      %get3A_2399 = arith.index_cast %scan3A_2394 : i32 to index
      %get3A_2400 = arith.constant 112 : index
      %get3A_2401 = tpu.vector_load %arg12[%get3A_2398, %get3A_2399, %get3A_2400] {strides = array<i32>} : memref<2x64x128xf32, #tpu.memory_space<vmem>>, vector<16xf32>,
      %get3A_2402 = arith.constant 0 : i32
      %get3A_2403 = arith.index_cast %get3A_2402 : i32 to index
      %get3A_2404 = arith.index_cast %scan3A_2394 : i32 to index
      %get3A_2405 = arith.constant 112 : index
      %get3A_2406 = tpu.vector_load %arg13[%get3A_2403, %get3A_2404, %get3A_2405] {strides = array<i32>} : memref<2x64x128xf32, #tpu.memory_space<vmem>>, vector<16xf32>,
      %select_n3A_2407 = arith.select %lt3A_1602, %gather3A_2396, %get3A_2406 : vector<16xi1>, vector<16xf32>
      %swap3A_2408 = arith.constant 0 : i32
      %swap3A_2409 = arith.index_cast %swap3A_2408 : i32 to index
      %swap3A_2410 = arith.index_cast %scan3A_2394 : i32 to index
      %swap3A_2411 = arith.constant 112 : index
      %swap3A_2412 = tpu.vector_load %arg13[%swap3A_2409, %swap3A_2410, %swap3A_2411] {strides = array<i32>} : memref<2x64x128xf32, #tpu.memory_space<vmem>>, vector<16xf32>,
      tpu.vector_store %arg13[%swap3A_2409, %swap3A_2410, %swap3A_2411], %select_n3A_2407 {strides = array<i32>} : memref<2x64x128xf32, #tpu.memory_space<vmem>>, vector<16xf32>,
      %sub3A_2413 = arith.subf %get3A_2401, %select_n3A_2407 : vector<16xf32>
      %mul3A_2414 = arith.mulf %sub3A_2413, %sub3A_2413 : vector<16xf32>
      %add3A_2415 = arith.addf %add3A_2373, %mul3A_2414 : vector<16xf32>
      %get3A_2416 = arith.constant 1 : i32
      %get3A_2417 = arith.index_cast %get3A_2416 : i32 to index
      %get3A_2418 = arith.index_cast %scan3A_2394 : i32 to index
      %get3A_2419 = arith.constant 112 : index
      %get3A_2420 = tpu.vector_load %arg12[%get3A_2417, %get3A_2418, %get3A_2419] {strides = array<i32>} : memref<2x64x128xf32, #tpu.memory_space<vmem>>, vector<16xf32>,
      %get3A_2421 = arith.constant 1 : i32
      %get3A_2422 = arith.index_cast %get3A_2421 : i32 to index
      %get3A_2423 = arith.index_cast %scan3A_2394 : i32 to index
      %get3A_2424 = arith.constant 112 : index
      %get3A_2425 = tpu.vector_load %arg13[%get3A_2422, %get3A_2423, %get3A_2424] {strides = array<i32>} : memref<2x64x128xf32, #tpu.memory_space<vmem>>, vector<16xf32>,
      %select_n3A_2426 = arith.select %lt3A_1602, %gather3A_2396, %get3A_2425 : vector<16xi1>, vector<16xf32>
      %swap3A_2427 = arith.constant 1 : i32
      %swap3A_2428 = arith.index_cast %swap3A_2427 : i32 to index
      %swap3A_2429 = arith.index_cast %scan3A_2394 : i32 to index
      %swap3A_2430 = arith.constant 112 : index
      %swap3A_2431 = tpu.vector_load %arg13[%swap3A_2428, %swap3A_2429, %swap3A_2430] {strides = array<i32>} : memref<2x64x128xf32, #tpu.memory_space<vmem>>, vector<16xf32>,
      tpu.vector_store %arg13[%swap3A_2428, %swap3A_2429, %swap3A_2430], %select_n3A_2426 {strides = array<i32>} : memref<2x64x128xf32, #tpu.memory_space<vmem>>, vector<16xf32>,
      %sub3A_2432 = arith.subf %get3A_2420, %select_n3A_2426 : vector<16xf32>
      %mul3A_2433 = arith.mulf %sub3A_2432, %sub3A_2432 : vector<16xf32>
      %add3A_2434 = arith.addf %add3A_2392, %mul3A_2433 : vector<16xf32>
      scf.yield %add3A_2415, %add3A_2434 : vector<16xf32>, vector<16xf32>
    }
    %scan3A_1615 = arith.constant 64 : i32
    %ge3A_1616 = arith.constant 2.500000e-03 : f32
    %ge3A_1617 = vector.broadcast %ge3A_1616 : f32 to vector<16xf32>
    %ge3A_1618 = arith.cmpf oge, %scan3A_1614#0, %ge3A_1617 : vector<16xf32>
    %convert_element_type3A_1619 = arith.extui %ge3A_1618 : vector<16xi1> to vector<16xi32>
    %convert_element_type3A_1620 = arith.sitofp %convert_element_type3A_1619 : vector<16xi32> to vector<16xf32>
    %neg3A_1621 = arith.constant 0.000000e+00 : f32
    %neg3A_1622 = vector.broadcast %neg3A_1621 : f32 to vector<16xf32>
    %neg3A_1623 = arith.subf %neg3A_1622, %convert_element_type3A_1620 : vector<16xf32>
    %get3A_1624 = arith.constant 0 : i32
    %get3A_1625 = arith.index_cast %get3A_1624 : i32 to index
    %get3A_1626 = arith.constant 112 : index
    %get3A_1627 = tpu.vector_load %arg15[%get3A_1625, %get3A_1626] {strides = array<i32>} : memref<2x128xf32, #tpu.memory_space<vmem>>, vector<16xf32>,
    %select_n3A_1628 = arith.select %lt3A_1602, %neg3A_1623, %get3A_1627 : vector<16xi1>, vector<16xf32>
    %swap3A_1629 = arith.constant 0 : i32
    %swap3A_1630 = arith.index_cast %swap3A_1629 : i32 to index
    %swap3A_1631 = arith.constant 112 : index
    %swap3A_1632 = tpu.vector_load %arg16[%swap3A_1630, %swap3A_1631] {strides = array<i32>} : memref<2x128xf32, #tpu.memory_space<vmem>>, vector<16xf32>,
    tpu.vector_store %arg16[%swap3A_1630, %swap3A_1631], %select_n3A_1628 {strides = array<i32>} : memref<2x128xf32, #tpu.memory_space<vmem>>, vector<16xf32>,
    %ge3A_1633 = arith.constant 2.500000e-03 : f32
    %ge3A_1634 = vector.broadcast %ge3A_1633 : f32 to vector<16xf32>
    %ge3A_1635 = arith.cmpf oge, %scan3A_1614#1, %ge3A_1634 : vector<16xf32>
    %convert_element_type3A_1636 = arith.extui %ge3A_1635 : vector<16xi1> to vector<16xi32>
    %convert_element_type3A_1637 = arith.sitofp %convert_element_type3A_1636 : vector<16xi32> to vector<16xf32>
    %neg3A_1638 = arith.constant 0.000000e+00 : f32
    %neg3A_1639 = vector.broadcast %neg3A_1638 : f32 to vector<16xf32>
    %neg3A_1640 = arith.subf %neg3A_1639, %convert_element_type3A_1637 : vector<16xf32>
    %get3A_1641 = arith.constant 1 : i32
    %get3A_1642 = arith.index_cast %get3A_1641 : i32 to index
    %get3A_1643 = arith.constant 112 : index
    %get3A_1644 = tpu.vector_load %arg15[%get3A_1642, %get3A_1643] {strides = array<i32>} : memref<2x128xf32, #tpu.memory_space<vmem>>, vector<16xf32>,
    %select_n3A_1645 = arith.select %lt3A_1602, %neg3A_1640, %get3A_1644 : vector<16xi1>, vector<16xf32>
    %swap3A_1646 = arith.constant 1 : i32
    %swap3A_1647 = arith.index_cast %swap3A_1646 : i32 to index
    %swap3A_1648 = arith.constant 112 : index
    %swap3A_1649 = tpu.vector_load %arg16[%swap3A_1647, %swap3A_1648] {strides = array<i32>} : memref<2x128xf32, #tpu.memory_space<vmem>>, vector<16xf32>,
    tpu.vector_store %arg16[%swap3A_1647, %swap3A_1648], %select_n3A_1645 {strides = array<i32>} : memref<2x128xf32, #tpu.memory_space<vmem>>, vector<16xf32>,
    %dma_start3A_1650 = arith.constant 0 : i32
    %dma_start3A_1651 = arith.constant 0 : i32
    %dma_start3A_1652 = arith.constant 0 : i32
    %dma_start3A_1653 = arith.constant 0 : i32
    %dma_start3A_1654 = arith.constant 0 : i32
    %dma_start3A_1655 = tpu.memref_slice %arg13[%dma_start3A_1650, %dma_start3A_1653, %dma_start3A_1654] : memref<2x64x128xf32, #tpu.memory_space<vmem>> -> memref<1x8x128xf32, #tpu.memory_space<vmem>>
    %dma_start3A_1656 = tpu.memref_squeeze %dma_start3A_1655 : memref<1x8x128xf32, #tpu.memory_space<vmem>> -> memref<8x128xf32, #tpu.memory_space<vmem>>
    %dma_start3A_1657 = arith.constant 0 : i32
    %dma_start3A_1658 = arith.constant 0 : i32
    %dma_start3A_1659 = tpu.memref_slice %arg8[%dma_start3A_1651, %dma_start3A_1652, %add3A, %dma_start3A_1657, %dma_start3A_1658] : memref<2x8x32x8x128xf32, #tpu.memory_space<hbm>> -> memref<1x1x1x8x128xf32, #tpu.memory_space<hbm>>
    %dma_start3A_1660 = tpu.memref_squeeze %dma_start3A_1659 : memref<1x1x1x8x128xf32, #tpu.memory_space<hbm>> -> memref<8x128xf32, #tpu.memory_space<hbm>>
    %dma_start3A_1661 = arith.constant 0 : i32
    %dma_start3A_1662 = arith.constant 0 : i32
    %dma_start3A_1663 = tpu.memref_slice %arg8[%dma_start3A_1651, %dma_start3A_1652, %add3A, %dma_start3A_1661, %dma_start3A_1662] : memref<2x8x32x8x128xf32, #tpu.memory_space<hbm>> -> memref<1x1x1x8x128xf32, #tpu.memory_space<hbm>>
    %dma_start3A_1664 = tpu.memref_squeeze %dma_start3A_1663 : memref<1x1x1x8x128xf32, #tpu.memory_space<hbm>> -> memref<8x128xf32, #tpu.memory_space<hbm>>
    %dma_start3A_1665 = arith.constant 0 : i32
    %dma_start3A_1666 = arith.constant 0 : i32
    %dma_start3A_1667 = tpu.memref_slice %arg13[%dma_start3A_1650, %dma_start3A_1665, %dma_start3A_1666] : memref<2x64x128xf32, #tpu.memory_space<vmem>> -> memref<1x8x128xf32, #tpu.memory_space<vmem>>
    %dma_start3A_1668 = tpu.memref_squeeze %dma_start3A_1667 : memref<1x8x128xf32, #tpu.memory_space<vmem>> -> memref<8x128xf32, #tpu.memory_space<vmem>>
    tpu.enqueue_dma source(%dma_start3A_1668 : memref<8x128xf32, #tpu.memory_space<vmem>>) target(%dma_start3A_1664 : memref<8x128xf32, #tpu.memory_space<hbm>>) target_semaphore(%arg19 : memref<!tpu.dma_semaphore, #tpu.memory_space<semaphore_mem>>)
    %dma_start3A_1669 = arith.constant 0 : i32
    %dma_start3A_1670 = arith.constant 0 : i32
    %dma_start3A_1671 = arith.constant 1 : i32
    %dma_start3A_1672 = arith.constant 8 : i32
    %dma_start3A_1673 = arith.constant 0 : i32
    %dma_start3A_1674 = tpu.memref_slice %arg13[%dma_start3A_1669, %dma_start3A_1672, %dma_start3A_1673] : memref<2x64x128xf32, #tpu.memory_space<vmem>> -> memref<1x8x128xf32, #tpu.memory_space<vmem>>
    %dma_start3A_1675 = tpu.memref_squeeze %dma_start3A_1674 : memref<1x8x128xf32, #tpu.memory_space<vmem>> -> memref<8x128xf32, #tpu.memory_space<vmem>>
    %dma_start3A_1676 = arith.constant 0 : i32
    %dma_start3A_1677 = arith.constant 0 : i32
    %dma_start3A_1678 = tpu.memref_slice %arg8[%dma_start3A_1670, %dma_start3A_1671, %add3A, %dma_start3A_1676, %dma_start3A_1677] : memref<2x8x32x8x128xf32, #tpu.memory_space<hbm>> -> memref<1x1x1x8x128xf32, #tpu.memory_space<hbm>>
    %dma_start3A_1679 = tpu.memref_squeeze %dma_start3A_1678 : memref<1x1x1x8x128xf32, #tpu.memory_space<hbm>> -> memref<8x128xf32, #tpu.memory_space<hbm>>
    %dma_start3A_1680 = arith.constant 0 : i32
    %dma_start3A_1681 = arith.constant 0 : i32
    %dma_start3A_1682 = tpu.memref_slice %arg8[%dma_start3A_1670, %dma_start3A_1671, %add3A, %dma_start3A_1680, %dma_start3A_1681] : memref<2x8x32x8x128xf32, #tpu.memory_space<hbm>> -> memref<1x1x1x8x128xf32, #tpu.memory_space<hbm>>
    %dma_start3A_1683 = tpu.memref_squeeze %dma_start3A_1682 : memref<1x1x1x8x128xf32, #tpu.memory_space<hbm>> -> memref<8x128xf32, #tpu.memory_space<hbm>>
    %dma_start3A_1684 = arith.constant 8 : i32
    %dma_start3A_1685 = arith.constant 0 : i32
    %dma_start3A_1686 = tpu.memref_slice %arg13[%dma_start3A_1669, %dma_start3A_1684, %dma_start3A_1685] : memref<2x64x128xf32, #tpu.memory_space<vmem>> -> memref<1x8x128xf32, #tpu.memory_space<vmem>>
    %dma_start3A_1687 = tpu.memref_squeeze %dma_start3A_1686 : memref<1x8x128xf32, #tpu.memory_space<vmem>> -> memref<8x128xf32, #tpu.memory_space<vmem>>
    tpu.enqueue_dma source(%dma_start3A_1687 : memref<8x128xf32, #tpu.memory_space<vmem>>) target(%dma_start3A_1683 : memref<8x128xf32, #tpu.memory_space<hbm>>) target_semaphore(%arg19 : memref<!tpu.dma_semaphore, #tpu.memory_space<semaphore_mem>>)
    %dma_start3A_1688 = arith.constant 0 : i32
    %dma_start3A_1689 = arith.constant 0 : i32
    %dma_start3A_1690 = arith.constant 2 : i32
    %dma_start3A_1691 = arith.constant 16 : i32
    %dma_start3A_1692 = arith.constant 0 : i32
    %dma_start3A_1693 = tpu.memref_slice %arg13[%dma_start3A_1688, %dma_start3A_1691, %dma_start3A_1692] : memref<2x64x128xf32, #tpu.memory_space<vmem>> -> memref<1x8x128xf32, #tpu.memory_space<vmem>>
    %dma_start3A_1694 = tpu.memref_squeeze %dma_start3A_1693 : memref<1x8x128xf32, #tpu.memory_space<vmem>> -> memref<8x128xf32, #tpu.memory_space<vmem>>
    %dma_start3A_1695 = arith.constant 0 : i32
    %dma_start3A_1696 = arith.constant 0 : i32
    %dma_start3A_1697 = tpu.memref_slice %arg8[%dma_start3A_1689, %dma_start3A_1690, %add3A, %dma_start3A_1695, %dma_start3A_1696] : memref<2x8x32x8x128xf32, #tpu.memory_space<hbm>> -> memref<1x1x1x8x128xf32, #tpu.memory_space<hbm>>
    %dma_start3A_1698 = tpu.memref_squeeze %dma_start3A_1697 : memref<1x1x1x8x128xf32, #tpu.memory_space<hbm>> -> memref<8x128xf32, #tpu.memory_space<hbm>>
    %dma_start3A_1699 = arith.constant 0 : i32
    %dma_start3A_1700 = arith.constant 0 : i32
    %dma_start3A_1701 = tpu.memref_slice %arg8[%dma_start3A_1689, %dma_start3A_1690, %add3A, %dma_start3A_1699, %dma_start3A_1700] : memref<2x8x32x8x128xf32, #tpu.memory_space<hbm>> -> memref<1x1x1x8x128xf32, #tpu.memory_space<hbm>>
    %dma_start3A_1702 = tpu.memref_squeeze %dma_start3A_1701 : memref<1x1x1x8x128xf32, #tpu.memory_space<hbm>> -> memref<8x128xf32, #tpu.memory_space<hbm>>
    %dma_start3A_1703 = arith.constant 16 : i32
    %dma_start3A_1704 = arith.constant 0 : i32
    %dma_start3A_1705 = tpu.memref_slice %arg13[%dma_start3A_1688, %dma_start3A_1703, %dma_start3A_1704] : memref<2x64x128xf32, #tpu.memory_space<vmem>> -> memref<1x8x128xf32, #tpu.memory_space<vmem>>
    %dma_start3A_1706 = tpu.memref_squeeze %dma_start3A_1705 : memref<1x8x128xf32, #tpu.memory_space<vmem>> -> memref<8x128xf32, #tpu.memory_space<vmem>>
    tpu.enqueue_dma source(%dma_start3A_1706 : memref<8x128xf32, #tpu.memory_space<vmem>>) target(%dma_start3A_1702 : memref<8x128xf32, #tpu.memory_space<hbm>>) target_semaphore(%arg19 : memref<!tpu.dma_semaphore, #tpu.memory_space<semaphore_mem>>)
    %dma_start3A_1707 = arith.constant 0 : i32
    %dma_start3A_1708 = arith.constant 0 : i32
    %dma_start3A_1709 = arith.constant 3 : i32
    %dma_start3A_1710 = arith.constant 24 : i32
    %dma_start3A_1711 = arith.constant 0 : i32
    %dma_start3A_1712 = tpu.memref_slice %arg13[%dma_start3A_1707, %dma_start3A_1710, %dma_start3A_1711] : memref<2x64x128xf32, #tpu.memory_space<vmem>> -> memref<1x8x128xf32, #tpu.memory_space<vmem>>
    %dma_start3A_1713 = tpu.memref_squeeze %dma_start3A_1712 : memref<1x8x128xf32, #tpu.memory_space<vmem>> -> memref<8x128xf32, #tpu.memory_space<vmem>>
    %dma_start3A_1714 = arith.constant 0 : i32
    %dma_start3A_1715 = arith.constant 0 : i32
    %dma_start3A_1716 = tpu.memref_slice %arg8[%dma_start3A_1708, %dma_start3A_1709, %add3A, %dma_start3A_1714, %dma_start3A_1715] : memref<2x8x32x8x128xf32, #tpu.memory_space<hbm>> -> memref<1x1x1x8x128xf32, #tpu.memory_space<hbm>>
    %dma_start3A_1717 = tpu.memref_squeeze %dma_start3A_1716 : memref<1x1x1x8x128xf32, #tpu.memory_space<hbm>> -> memref<8x128xf32, #tpu.memory_space<hbm>>
    %dma_start3A_1718 = arith.constant 0 : i32
    %dma_start3A_1719 = arith.constant 0 : i32
    %dma_start3A_1720 = tpu.memref_slice %arg8[%dma_start3A_1708, %dma_start3A_1709, %add3A, %dma_start3A_1718, %dma_start3A_1719] : memref<2x8x32x8x128xf32, #tpu.memory_space<hbm>> -> memref<1x1x1x8x128xf32, #tpu.memory_space<hbm>>
    %dma_start3A_1721 = tpu.memref_squeeze %dma_start3A_1720 : memref<1x1x1x8x128xf32, #tpu.memory_space<hbm>> -> memref<8x128xf32, #tpu.memory_space<hbm>>
    %dma_start3A_1722 = arith.constant 24 : i32
    %dma_start3A_1723 = arith.constant 0 : i32
    %dma_start3A_1724 = tpu.memref_slice %arg13[%dma_start3A_1707, %dma_start3A_1722, %dma_start3A_1723] : memref<2x64x128xf32, #tpu.memory_space<vmem>> -> memref<1x8x128xf32, #tpu.memory_space<vmem>>
    %dma_start3A_1725 = tpu.memref_squeeze %dma_start3A_1724 : memref<1x8x128xf32, #tpu.memory_space<vmem>> -> memref<8x128xf32, #tpu.memory_space<vmem>>
    tpu.enqueue_dma source(%dma_start3A_1725 : memref<8x128xf32, #tpu.memory_space<vmem>>) target(%dma_start3A_1721 : memref<8x128xf32, #tpu.memory_space<hbm>>) target_semaphore(%arg19 : memref<!tpu.dma_semaphore, #tpu.memory_space<semaphore_mem>>)
    %dma_start3A_1726 = arith.constant 0 : i32
    %dma_start3A_1727 = arith.constant 0 : i32
    %dma_start3A_1728 = arith.constant 4 : i32
    %dma_start3A_1729 = arith.constant 32 : i32
    %dma_start3A_1730 = arith.constant 0 : i32
    %dma_start3A_1731 = tpu.memref_slice %arg13[%dma_start3A_1726, %dma_start3A_1729, %dma_start3A_1730] : memref<2x64x128xf32, #tpu.memory_space<vmem>> -> memref<1x8x128xf32, #tpu.memory_space<vmem>>
    %dma_start3A_1732 = tpu.memref_squeeze %dma_start3A_1731 : memref<1x8x128xf32, #tpu.memory_space<vmem>> -> memref<8x128xf32, #tpu.memory_space<vmem>>
    %dma_start3A_1733 = arith.constant 0 : i32
    %dma_start3A_1734 = arith.constant 0 : i32
    %dma_start3A_1735 = tpu.memref_slice %arg8[%dma_start3A_1727, %dma_start3A_1728, %add3A, %dma_start3A_1733, %dma_start3A_1734] : memref<2x8x32x8x128xf32, #tpu.memory_space<hbm>> -> memref<1x1x1x8x128xf32, #tpu.memory_space<hbm>>
    %dma_start3A_1736 = tpu.memref_squeeze %dma_start3A_1735 : memref<1x1x1x8x128xf32, #tpu.memory_space<hbm>> -> memref<8x128xf32, #tpu.memory_space<hbm>>
    %dma_start3A_1737 = arith.constant 0 : i32
    %dma_start3A_1738 = arith.constant 0 : i32
    %dma_start3A_1739 = tpu.memref_slice %arg8[%dma_start3A_1727, %dma_start3A_1728, %add3A, %dma_start3A_1737, %dma_start3A_1738] : memref<2x8x32x8x128xf32, #tpu.memory_space<hbm>> -> memref<1x1x1x8x128xf32, #tpu.memory_space<hbm>>
    %dma_start3A_1740 = tpu.memref_squeeze %dma_start3A_1739 : memref<1x1x1x8x128xf32, #tpu.memory_space<hbm>> -> memref<8x128xf32, #tpu.memory_space<hbm>>
    %dma_start3A_1741 = arith.constant 32 : i32
    %dma_start3A_1742 = arith.constant 0 : i32
    %dma_start3A_1743 = tpu.memref_slice %arg13[%dma_start3A_1726, %dma_start3A_1741, %dma_start3A_1742] : memref<2x64x128xf32, #tpu.memory_space<vmem>> -> memref<1x8x128xf32, #tpu.memory_space<vmem>>
    %dma_start3A_1744 = tpu.memref_squeeze %dma_start3A_1743 : memref<1x8x128xf32, #tpu.memory_space<vmem>> -> memref<8x128xf32, #tpu.memory_space<vmem>>
    tpu.enqueue_dma source(%dma_start3A_1744 : memref<8x128xf32, #tpu.memory_space<vmem>>) target(%dma_start3A_1740 : memref<8x128xf32, #tpu.memory_space<hbm>>) target_semaphore(%arg19 : memref<!tpu.dma_semaphore, #tpu.memory_space<semaphore_mem>>)
    %dma_start3A_1745 = arith.constant 0 : i32
    %dma_start3A_1746 = arith.constant 0 : i32
    %dma_start3A_1747 = arith.constant 5 : i32
    %dma_start3A_1748 = arith.constant 40 : i32
    %dma_start3A_1749 = arith.constant 0 : i32
    %dma_start3A_1750 = tpu.memref_slice %arg13[%dma_start3A_1745, %dma_start3A_1748, %dma_start3A_1749] : memref<2x64x128xf32, #tpu.memory_space<vmem>> -> memref<1x8x128xf32, #tpu.memory_space<vmem>>
    %dma_start3A_1751 = tpu.memref_squeeze %dma_start3A_1750 : memref<1x8x128xf32, #tpu.memory_space<vmem>> -> memref<8x128xf32, #tpu.memory_space<vmem>>
    %dma_start3A_1752 = arith.constant 0 : i32
    %dma_start3A_1753 = arith.constant 0 : i32
    %dma_start3A_1754 = tpu.memref_slice %arg8[%dma_start3A_1746, %dma_start3A_1747, %add3A, %dma_start3A_1752, %dma_start3A_1753] : memref<2x8x32x8x128xf32, #tpu.memory_space<hbm>> -> memref<1x1x1x8x128xf32, #tpu.memory_space<hbm>>
    %dma_start3A_1755 = tpu.memref_squeeze %dma_start3A_1754 : memref<1x1x1x8x128xf32, #tpu.memory_space<hbm>> -> memref<8x128xf32, #tpu.memory_space<hbm>>
    %dma_start3A_1756 = arith.constant 0 : i32
    %dma_start3A_1757 = arith.constant 0 : i32
    %dma_start3A_1758 = tpu.memref_slice %arg8[%dma_start3A_1746, %dma_start3A_1747, %add3A, %dma_start3A_1756, %dma_start3A_1757] : memref<2x8x32x8x128xf32, #tpu.memory_space<hbm>> -> memref<1x1x1x8x128xf32, #tpu.memory_space<hbm>>
    %dma_start3A_1759 = tpu.memref_squeeze %dma_start3A_1758 : memref<1x1x1x8x128xf32, #tpu.memory_space<hbm>> -> memref<8x128xf32, #tpu.memory_space<hbm>>
    %dma_start3A_1760 = arith.constant 40 : i32
    %dma_start3A_1761 = arith.constant 0 : i32
    %dma_start3A_1762 = tpu.memref_slice %arg13[%dma_start3A_1745, %dma_start3A_1760, %dma_start3A_1761] : memref<2x64x128xf32, #tpu.memory_space<vmem>> -> memref<1x8x128xf32, #tpu.memory_space<vmem>>
    %dma_start3A_1763 = tpu.memref_squeeze %dma_start3A_1762 : memref<1x8x128xf32, #tpu.memory_space<vmem>> -> memref<8x128xf32, #tpu.memory_space<vmem>>
    tpu.enqueue_dma source(%dma_start3A_1763 : memref<8x128xf32, #tpu.memory_space<vmem>>) target(%dma_start3A_1759 : memref<8x128xf32, #tpu.memory_space<hbm>>) target_semaphore(%arg19 : memref<!tpu.dma_semaphore, #tpu.memory_space<semaphore_mem>>)
    %dma_start3A_1764 = arith.constant 0 : i32
    %dma_start3A_1765 = arith.constant 0 : i32
    %dma_start3A_1766 = arith.constant 6 : i32
    %dma_start3A_1767 = arith.constant 48 : i32
    %dma_start3A_1768 = arith.constant 0 : i32
    %dma_start3A_1769 = tpu.memref_slice %arg13[%dma_start3A_1764, %dma_start3A_1767, %dma_start3A_1768] : memref<2x64x128xf32, #tpu.memory_space<vmem>> -> memref<1x8x128xf32, #tpu.memory_space<vmem>>
    %dma_start3A_1770 = tpu.memref_squeeze %dma_start3A_1769 : memref<1x8x128xf32, #tpu.memory_space<vmem>> -> memref<8x128xf32, #tpu.memory_space<vmem>>
    %dma_start3A_1771 = arith.constant 0 : i32
    %dma_start3A_1772 = arith.constant 0 : i32
    %dma_start3A_1773 = tpu.memref_slice %arg8[%dma_start3A_1765, %dma_start3A_1766, %add3A, %dma_start3A_1771, %dma_start3A_1772] : memref<2x8x32x8x128xf32, #tpu.memory_space<hbm>> -> memref<1x1x1x8x128xf32, #tpu.memory_space<hbm>>
    %dma_start3A_1774 = tpu.memref_squeeze %dma_start3A_1773 : memref<1x1x1x8x128xf32, #tpu.memory_space<hbm>> -> memref<8x128xf32, #tpu.memory_space<hbm>>
    %dma_start3A_1775 = arith.constant 0 : i32
    %dma_start3A_1776 = arith.constant 0 : i32
    %dma_start3A_1777 = tpu.memref_slice %arg8[%dma_start3A_1765, %dma_start3A_1766, %add3A, %dma_start3A_1775, %dma_start3A_1776] : memref<2x8x32x8x128xf32, #tpu.memory_space<hbm>> -> memref<1x1x1x8x128xf32, #tpu.memory_space<hbm>>
    %dma_start3A_1778 = tpu.memref_squeeze %dma_start3A_1777 : memref<1x1x1x8x128xf32, #tpu.memory_space<hbm>> -> memref<8x128xf32, #tpu.memory_space<hbm>>
    %dma_start3A_1779 = arith.constant 48 : i32
    %dma_start3A_1780 = arith.constant 0 : i32
    %dma_start3A_1781 = tpu.memref_slice %arg13[%dma_start3A_1764, %dma_start3A_1779, %dma_start3A_1780] : memref<2x64x128xf32, #tpu.memory_space<vmem>> -> memref<1x8x128xf32, #tpu.memory_space<vmem>>
    %dma_start3A_1782 = tpu.memref_squeeze %dma_start3A_1781 : memref<1x8x128xf32, #tpu.memory_space<vmem>> -> memref<8x128xf32, #tpu.memory_space<vmem>>
    tpu.enqueue_dma source(%dma_start3A_1782 : memref<8x128xf32, #tpu.memory_space<vmem>>) target(%dma_start3A_1778 : memref<8x128xf32, #tpu.memory_space<hbm>>) target_semaphore(%arg19 : memref<!tpu.dma_semaphore, #tpu.memory_space<semaphore_mem>>)
    %dma_start3A_1783 = arith.constant 0 : i32
    %dma_start3A_1784 = arith.constant 0 : i32
    %dma_start3A_1785 = arith.constant 7 : i32
    %dma_start3A_1786 = arith.constant 56 : i32
    %dma_start3A_1787 = arith.constant 0 : i32
    %dma_start3A_1788 = tpu.memref_slice %arg13[%dma_start3A_1783, %dma_start3A_1786, %dma_start3A_1787] : memref<2x64x128xf32, #tpu.memory_space<vmem>> -> memref<1x8x128xf32, #tpu.memory_space<vmem>>
    %dma_start3A_1789 = tpu.memref_squeeze %dma_start3A_1788 : memref<1x8x128xf32, #tpu.memory_space<vmem>> -> memref<8x128xf32, #tpu.memory_space<vmem>>
    %dma_start3A_1790 = arith.constant 0 : i32
    %dma_start3A_1791 = arith.constant 0 : i32
    %dma_start3A_1792 = tpu.memref_slice %arg8[%dma_start3A_1784, %dma_start3A_1785, %add3A, %dma_start3A_1790, %dma_start3A_1791] : memref<2x8x32x8x128xf32, #tpu.memory_space<hbm>> -> memref<1x1x1x8x128xf32, #tpu.memory_space<hbm>>
    %dma_start3A_1793 = tpu.memref_squeeze %dma_start3A_1792 : memref<1x1x1x8x128xf32, #tpu.memory_space<hbm>> -> memref<8x128xf32, #tpu.memory_space<hbm>>
    %dma_start3A_1794 = arith.constant 0 : i32
    %dma_start3A_1795 = arith.constant 0 : i32
    %dma_start3A_1796 = tpu.memref_slice %arg8[%dma_start3A_1784, %dma_start3A_1785, %add3A, %dma_start3A_1794, %dma_start3A_1795] : memref<2x8x32x8x128xf32, #tpu.memory_space<hbm>> -> memref<1x1x1x8x128xf32, #tpu.memory_space<hbm>>
    %dma_start3A_1797 = tpu.memref_squeeze %dma_start3A_1796 : memref<1x1x1x8x128xf32, #tpu.memory_space<hbm>> -> memref<8x128xf32, #tpu.memory_space<hbm>>
    %dma_start3A_1798 = arith.constant 56 : i32
    %dma_start3A_1799 = arith.constant 0 : i32
    %dma_start3A_1800 = tpu.memref_slice %arg13[%dma_start3A_1783, %dma_start3A_1798, %dma_start3A_1799] : memref<2x64x128xf32, #tpu.memory_space<vmem>> -> memref<1x8x128xf32, #tpu.memory_space<vmem>>
    %dma_start3A_1801 = tpu.memref_squeeze %dma_start3A_1800 : memref<1x8x128xf32, #tpu.memory_space<vmem>> -> memref<8x128xf32, #tpu.memory_space<vmem>>
    tpu.enqueue_dma source(%dma_start3A_1801 : memref<8x128xf32, #tpu.memory_space<vmem>>) target(%dma_start3A_1797 : memref<8x128xf32, #tpu.memory_space<hbm>>) target_semaphore(%arg19 : memref<!tpu.dma_semaphore, #tpu.memory_space<semaphore_mem>>)
    %dma_start3A_1802 = arith.constant 1 : i32
    %dma_start3A_1803 = arith.constant 1 : i32
    %dma_start3A_1804 = arith.constant 0 : i32
    %dma_start3A_1805 = arith.constant 0 : i32
    %dma_start3A_1806 = arith.constant 0 : i32
    %dma_start3A_1807 = tpu.memref_slice %arg13[%dma_start3A_1802, %dma_start3A_1805, %dma_start3A_1806] : memref<2x64x128xf32, #tpu.memory_space<vmem>> -> memref<1x8x128xf32, #tpu.memory_space<vmem>>
    %dma_start3A_1808 = tpu.memref_squeeze %dma_start3A_1807 : memref<1x8x128xf32, #tpu.memory_space<vmem>> -> memref<8x128xf32, #tpu.memory_space<vmem>>
    %dma_start3A_1809 = arith.constant 0 : i32
    %dma_start3A_1810 = arith.constant 0 : i32
    %dma_start3A_1811 = tpu.memref_slice %arg8[%dma_start3A_1803, %dma_start3A_1804, %add3A, %dma_start3A_1809, %dma_start3A_1810] : memref<2x8x32x8x128xf32, #tpu.memory_space<hbm>> -> memref<1x1x1x8x128xf32, #tpu.memory_space<hbm>>
    %dma_start3A_1812 = tpu.memref_squeeze %dma_start3A_1811 : memref<1x1x1x8x128xf32, #tpu.memory_space<hbm>> -> memref<8x128xf32, #tpu.memory_space<hbm>>
    %dma_start3A_1813 = arith.constant 0 : i32
    %dma_start3A_1814 = arith.constant 0 : i32
    %dma_start3A_1815 = tpu.memref_slice %arg8[%dma_start3A_1803, %dma_start3A_1804, %add3A, %dma_start3A_1813, %dma_start3A_1814] : memref<2x8x32x8x128xf32, #tpu.memory_space<hbm>> -> memref<1x1x1x8x128xf32, #tpu.memory_space<hbm>>
    %dma_start3A_1816 = tpu.memref_squeeze %dma_start3A_1815 : memref<1x1x1x8x128xf32, #tpu.memory_space<hbm>> -> memref<8x128xf32, #tpu.memory_space<hbm>>
    %dma_start3A_1817 = arith.constant 0 : i32
    %dma_start3A_1818 = arith.constant 0 : i32
    %dma_start3A_1819 = tpu.memref_slice %arg13[%dma_start3A_1802, %dma_start3A_1817, %dma_start3A_1818] : memref<2x64x128xf32, #tpu.memory_space<vmem>> -> memref<1x8x128xf32, #tpu.memory_space<vmem>>
    %dma_start3A_1820 = tpu.memref_squeeze %dma_start3A_1819 : memref<1x8x128xf32, #tpu.memory_space<vmem>> -> memref<8x128xf32, #tpu.memory_space<vmem>>
    tpu.enqueue_dma source(%dma_start3A_1820 : memref<8x128xf32, #tpu.memory_space<vmem>>) target(%dma_start3A_1816 : memref<8x128xf32, #tpu.memory_space<hbm>>) target_semaphore(%arg19 : memref<!tpu.dma_semaphore, #tpu.memory_space<semaphore_mem>>)
    %dma_start3A_1821 = arith.constant 1 : i32
    %dma_start3A_1822 = arith.constant 1 : i32
    %dma_start3A_1823 = arith.constant 1 : i32
    %dma_start3A_1824 = arith.constant 8 : i32
    %dma_start3A_1825 = arith.constant 0 : i32
    %dma_start3A_1826 = tpu.memref_slice %arg13[%dma_start3A_1821, %dma_start3A_1824, %dma_start3A_1825] : memref<2x64x128xf32, #tpu.memory_space<vmem>> -> memref<1x8x128xf32, #tpu.memory_space<vmem>>
    %dma_start3A_1827 = tpu.memref_squeeze %dma_start3A_1826 : memref<1x8x128xf32, #tpu.memory_space<vmem>> -> memref<8x128xf32, #tpu.memory_space<vmem>>
    %dma_start3A_1828 = arith.constant 0 : i32
    %dma_start3A_1829 = arith.constant 0 : i32
    %dma_start3A_1830 = tpu.memref_slice %arg8[%dma_start3A_1822, %dma_start3A_1823, %add3A, %dma_start3A_1828, %dma_start3A_1829] : memref<2x8x32x8x128xf32, #tpu.memory_space<hbm>> -> memref<1x1x1x8x128xf32, #tpu.memory_space<hbm>>
    %dma_start3A_1831 = tpu.memref_squeeze %dma_start3A_1830 : memref<1x1x1x8x128xf32, #tpu.memory_space<hbm>> -> memref<8x128xf32, #tpu.memory_space<hbm>>
    %dma_start3A_1832 = arith.constant 0 : i32
    %dma_start3A_1833 = arith.constant 0 : i32
    %dma_start3A_1834 = tpu.memref_slice %arg8[%dma_start3A_1822, %dma_start3A_1823, %add3A, %dma_start3A_1832, %dma_start3A_1833] : memref<2x8x32x8x128xf32, #tpu.memory_space<hbm>> -> memref<1x1x1x8x128xf32, #tpu.memory_space<hbm>>
    %dma_start3A_1835 = tpu.memref_squeeze %dma_start3A_1834 : memref<1x1x1x8x128xf32, #tpu.memory_space<hbm>> -> memref<8x128xf32, #tpu.memory_space<hbm>>
    %dma_start3A_1836 = arith.constant 8 : i32
    %dma_start3A_1837 = arith.constant 0 : i32
    %dma_start3A_1838 = tpu.memref_slice %arg13[%dma_start3A_1821, %dma_start3A_1836, %dma_start3A_1837] : memref<2x64x128xf32, #tpu.memory_space<vmem>> -> memref<1x8x128xf32, #tpu.memory_space<vmem>>
    %dma_start3A_1839 = tpu.memref_squeeze %dma_start3A_1838 : memref<1x8x128xf32, #tpu.memory_space<vmem>> -> memref<8x128xf32, #tpu.memory_space<vmem>>
    tpu.enqueue_dma source(%dma_start3A_1839 : memref<8x128xf32, #tpu.memory_space<vmem>>) target(%dma_start3A_1835 : memref<8x128xf32, #tpu.memory_space<hbm>>) target_semaphore(%arg19 : memref<!tpu.dma_semaphore, #tpu.memory_space<semaphore_mem>>)
    %dma_start3A_1840 = arith.constant 1 : i32
    %dma_start3A_1841 = arith.constant 1 : i32
    %dma_start3A_1842 = arith.constant 2 : i32
    %dma_start3A_1843 = arith.constant 16 : i32
    %dma_start3A_1844 = arith.constant 0 : i32
    %dma_start3A_1845 = tpu.memref_slice %arg13[%dma_start3A_1840, %dma_start3A_1843, %dma_start3A_1844] : memref<2x64x128xf32, #tpu.memory_space<vmem>> -> memref<1x8x128xf32, #tpu.memory_space<vmem>>
    %dma_start3A_1846 = tpu.memref_squeeze %dma_start3A_1845 : memref<1x8x128xf32, #tpu.memory_space<vmem>> -> memref<8x128xf32, #tpu.memory_space<vmem>>
    %dma_start3A_1847 = arith.constant 0 : i32
    %dma_start3A_1848 = arith.constant 0 : i32
    %dma_start3A_1849 = tpu.memref_slice %arg8[%dma_start3A_1841, %dma_start3A_1842, %add3A, %dma_start3A_1847, %dma_start3A_1848] : memref<2x8x32x8x128xf32, #tpu.memory_space<hbm>> -> memref<1x1x1x8x128xf32, #tpu.memory_space<hbm>>
    %dma_start3A_1850 = tpu.memref_squeeze %dma_start3A_1849 : memref<1x1x1x8x128xf32, #tpu.memory_space<hbm>> -> memref<8x128xf32, #tpu.memory_space<hbm>>
    %dma_start3A_1851 = arith.constant 0 : i32
    %dma_start3A_1852 = arith.constant 0 : i32
    %dma_start3A_1853 = tpu.memref_slice %arg8[%dma_start3A_1841, %dma_start3A_1842, %add3A, %dma_start3A_1851, %dma_start3A_1852] : memref<2x8x32x8x128xf32, #tpu.memory_space<hbm>> -> memref<1x1x1x8x128xf32, #tpu.memory_space<hbm>>
    %dma_start3A_1854 = tpu.memref_squeeze %dma_start3A_1853 : memref<1x1x1x8x128xf32, #tpu.memory_space<hbm>> -> memref<8x128xf32, #tpu.memory_space<hbm>>
    %dma_start3A_1855 = arith.constant 16 : i32
    %dma_start3A_1856 = arith.constant 0 : i32
    %dma_start3A_1857 = tpu.memref_slice %arg13[%dma_start3A_1840, %dma_start3A_1855, %dma_start3A_1856] : memref<2x64x128xf32, #tpu.memory_space<vmem>> -> memref<1x8x128xf32, #tpu.memory_space<vmem>>
    %dma_start3A_1858 = tpu.memref_squeeze %dma_start3A_1857 : memref<1x8x128xf32, #tpu.memory_space<vmem>> -> memref<8x128xf32, #tpu.memory_space<vmem>>
    tpu.enqueue_dma source(%dma_start3A_1858 : memref<8x128xf32, #tpu.memory_space<vmem>>) target(%dma_start3A_1854 : memref<8x128xf32, #tpu.memory_space<hbm>>) target_semaphore(%arg19 : memref<!tpu.dma_semaphore, #tpu.memory_space<semaphore_mem>>)
    %dma_start3A_1859 = arith.constant 1 : i32
    %dma_start3A_1860 = arith.constant 1 : i32
    %dma_start3A_1861 = arith.constant 3 : i32
    %dma_start3A_1862 = arith.constant 24 : i32
    %dma_start3A_1863 = arith.constant 0 : i32
    %dma_start3A_1864 = tpu.memref_slice %arg13[%dma_start3A_1859, %dma_start3A_1862, %dma_start3A_1863] : memref<2x64x128xf32, #tpu.memory_space<vmem>> -> memref<1x8x128xf32, #tpu.memory_space<vmem>>
    %dma_start3A_1865 = tpu.memref_squeeze %dma_start3A_1864 : memref<1x8x128xf32, #tpu.memory_space<vmem>> -> memref<8x128xf32, #tpu.memory_space<vmem>>
    %dma_start3A_1866 = arith.constant 0 : i32
    %dma_start3A_1867 = arith.constant 0 : i32
    %dma_start3A_1868 = tpu.memref_slice %arg8[%dma_start3A_1860, %dma_start3A_1861, %add3A, %dma_start3A_1866, %dma_start3A_1867] : memref<2x8x32x8x128xf32, #tpu.memory_space<hbm>> -> memref<1x1x1x8x128xf32, #tpu.memory_space<hbm>>
    %dma_start3A_1869 = tpu.memref_squeeze %dma_start3A_1868 : memref<1x1x1x8x128xf32, #tpu.memory_space<hbm>> -> memref<8x128xf32, #tpu.memory_space<hbm>>
    %dma_start3A_1870 = arith.constant 0 : i32
    %dma_start3A_1871 = arith.constant 0 : i32
    %dma_start3A_1872 = tpu.memref_slice %arg8[%dma_start3A_1860, %dma_start3A_1861, %add3A, %dma_start3A_1870, %dma_start3A_1871] : memref<2x8x32x8x128xf32, #tpu.memory_space<hbm>> -> memref<1x1x1x8x128xf32, #tpu.memory_space<hbm>>
    %dma_start3A_1873 = tpu.memref_squeeze %dma_start3A_1872 : memref<1x1x1x8x128xf32, #tpu.memory_space<hbm>> -> memref<8x128xf32, #tpu.memory_space<hbm>>
    %dma_start3A_1874 = arith.constant 24 : i32
    %dma_start3A_1875 = arith.constant 0 : i32
    %dma_start3A_1876 = tpu.memref_slice %arg13[%dma_start3A_1859, %dma_start3A_1874, %dma_start3A_1875] : memref<2x64x128xf32, #tpu.memory_space<vmem>> -> memref<1x8x128xf32, #tpu.memory_space<vmem>>
    %dma_start3A_1877 = tpu.memref_squeeze %dma_start3A_1876 : memref<1x8x128xf32, #tpu.memory_space<vmem>> -> memref<8x128xf32, #tpu.memory_space<vmem>>
    tpu.enqueue_dma source(%dma_start3A_1877 : memref<8x128xf32, #tpu.memory_space<vmem>>) target(%dma_start3A_1873 : memref<8x128xf32, #tpu.memory_space<hbm>>) target_semaphore(%arg19 : memref<!tpu.dma_semaphore, #tpu.memory_space<semaphore_mem>>)
    %dma_start3A_1878 = arith.constant 1 : i32
    %dma_start3A_1879 = arith.constant 1 : i32
    %dma_start3A_1880 = arith.constant 4 : i32
    %dma_start3A_1881 = arith.constant 32 : i32
    %dma_start3A_1882 = arith.constant 0 : i32
    %dma_start3A_1883 = tpu.memref_slice %arg13[%dma_start3A_1878, %dma_start3A_1881, %dma_start3A_1882] : memref<2x64x128xf32, #tpu.memory_space<vmem>> -> memref<1x8x128xf32, #tpu.memory_space<vmem>>
    %dma_start3A_1884 = tpu.memref_squeeze %dma_start3A_1883 : memref<1x8x128xf32, #tpu.memory_space<vmem>> -> memref<8x128xf32, #tpu.memory_space<vmem>>
    %dma_start3A_1885 = arith.constant 0 : i32
    %dma_start3A_1886 = arith.constant 0 : i32
    %dma_start3A_1887 = tpu.memref_slice %arg8[%dma_start3A_1879, %dma_start3A_1880, %add3A, %dma_start3A_1885, %dma_start3A_1886] : memref<2x8x32x8x128xf32, #tpu.memory_space<hbm>> -> memref<1x1x1x8x128xf32, #tpu.memory_space<hbm>>
    %dma_start3A_1888 = tpu.memref_squeeze %dma_start3A_1887 : memref<1x1x1x8x128xf32, #tpu.memory_space<hbm>> -> memref<8x128xf32, #tpu.memory_space<hbm>>
    %dma_start3A_1889 = arith.constant 0 : i32
    %dma_start3A_1890 = arith.constant 0 : i32
    %dma_start3A_1891 = tpu.memref_slice %arg8[%dma_start3A_1879, %dma_start3A_1880, %add3A, %dma_start3A_1889, %dma_start3A_1890] : memref<2x8x32x8x128xf32, #tpu.memory_space<hbm>> -> memref<1x1x1x8x128xf32, #tpu.memory_space<hbm>>
    %dma_start3A_1892 = tpu.memref_squeeze %dma_start3A_1891 : memref<1x1x1x8x128xf32, #tpu.memory_space<hbm>> -> memref<8x128xf32, #tpu.memory_space<hbm>>
    %dma_start3A_1893 = arith.constant 32 : i32
    %dma_start3A_1894 = arith.constant 0 : i32
    %dma_start3A_1895 = tpu.memref_slice %arg13[%dma_start3A_1878, %dma_start3A_1893, %dma_start3A_1894] : memref<2x64x128xf32, #tpu.memory_space<vmem>> -> memref<1x8x128xf32, #tpu.memory_space<vmem>>
    %dma_start3A_1896 = tpu.memref_squeeze %dma_start3A_1895 : memref<1x8x128xf32, #tpu.memory_space<vmem>> -> memref<8x128xf32, #tpu.memory_space<vmem>>
    tpu.enqueue_dma source(%dma_start3A_1896 : memref<8x128xf32, #tpu.memory_space<vmem>>) target(%dma_start3A_1892 : memref<8x128xf32, #tpu.memory_space<hbm>>) target_semaphore(%arg19 : memref<!tpu.dma_semaphore, #tpu.memory_space<semaphore_mem>>)
    %dma_start3A_1897 = arith.constant 1 : i32
    %dma_start3A_1898 = arith.constant 1 : i32
    %dma_start3A_1899 = arith.constant 5 : i32
    %dma_start3A_1900 = arith.constant 40 : i32
    %dma_start3A_1901 = arith.constant 0 : i32
    %dma_start3A_1902 = tpu.memref_slice %arg13[%dma_start3A_1897, %dma_start3A_1900, %dma_start3A_1901] : memref<2x64x128xf32, #tpu.memory_space<vmem>> -> memref<1x8x128xf32, #tpu.memory_space<vmem>>
    %dma_start3A_1903 = tpu.memref_squeeze %dma_start3A_1902 : memref<1x8x128xf32, #tpu.memory_space<vmem>> -> memref<8x128xf32, #tpu.memory_space<vmem>>
    %dma_start3A_1904 = arith.constant 0 : i32
    %dma_start3A_1905 = arith.constant 0 : i32
    %dma_start3A_1906 = tpu.memref_slice %arg8[%dma_start3A_1898, %dma_start3A_1899, %add3A, %dma_start3A_1904, %dma_start3A_1905] : memref<2x8x32x8x128xf32, #tpu.memory_space<hbm>> -> memref<1x1x1x8x128xf32, #tpu.memory_space<hbm>>
    %dma_start3A_1907 = tpu.memref_squeeze %dma_start3A_1906 : memref<1x1x1x8x128xf32, #tpu.memory_space<hbm>> -> memref<8x128xf32, #tpu.memory_space<hbm>>
    %dma_start3A_1908 = arith.constant 0 : i32
    %dma_start3A_1909 = arith.constant 0 : i32
    %dma_start3A_1910 = tpu.memref_slice %arg8[%dma_start3A_1898, %dma_start3A_1899, %add3A, %dma_start3A_1908, %dma_start3A_1909] : memref<2x8x32x8x128xf32, #tpu.memory_space<hbm>> -> memref<1x1x1x8x128xf32, #tpu.memory_space<hbm>>
    %dma_start3A_1911 = tpu.memref_squeeze %dma_start3A_1910 : memref<1x1x1x8x128xf32, #tpu.memory_space<hbm>> -> memref<8x128xf32, #tpu.memory_space<hbm>>
    %dma_start3A_1912 = arith.constant 40 : i32
    %dma_start3A_1913 = arith.constant 0 : i32
    %dma_start3A_1914 = tpu.memref_slice %arg13[%dma_start3A_1897, %dma_start3A_1912, %dma_start3A_1913] : memref<2x64x128xf32, #tpu.memory_space<vmem>> -> memref<1x8x128xf32, #tpu.memory_space<vmem>>
    %dma_start3A_1915 = tpu.memref_squeeze %dma_start3A_1914 : memref<1x8x128xf32, #tpu.memory_space<vmem>> -> memref<8x128xf32, #tpu.memory_space<vmem>>
    tpu.enqueue_dma source(%dma_start3A_1915 : memref<8x128xf32, #tpu.memory_space<vmem>>) target(%dma_start3A_1911 : memref<8x128xf32, #tpu.memory_space<hbm>>) target_semaphore(%arg19 : memref<!tpu.dma_semaphore, #tpu.memory_space<semaphore_mem>>)
    %dma_start3A_1916 = arith.constant 1 : i32
    %dma_start3A_1917 = arith.constant 1 : i32
    %dma_start3A_1918 = arith.constant 6 : i32
    %dma_start3A_1919 = arith.constant 48 : i32
    %dma_start3A_1920 = arith.constant 0 : i32
    %dma_start3A_1921 = tpu.memref_slice %arg13[%dma_start3A_1916, %dma_start3A_1919, %dma_start3A_1920] : memref<2x64x128xf32, #tpu.memory_space<vmem>> -> memref<1x8x128xf32, #tpu.memory_space<vmem>>
    %dma_start3A_1922 = tpu.memref_squeeze %dma_start3A_1921 : memref<1x8x128xf32, #tpu.memory_space<vmem>> -> memref<8x128xf32, #tpu.memory_space<vmem>>
    %dma_start3A_1923 = arith.constant 0 : i32
    %dma_start3A_1924 = arith.constant 0 : i32
    %dma_start3A_1925 = tpu.memref_slice %arg8[%dma_start3A_1917, %dma_start3A_1918, %add3A, %dma_start3A_1923, %dma_start3A_1924] : memref<2x8x32x8x128xf32, #tpu.memory_space<hbm>> -> memref<1x1x1x8x128xf32, #tpu.memory_space<hbm>>
    %dma_start3A_1926 = tpu.memref_squeeze %dma_start3A_1925 : memref<1x1x1x8x128xf32, #tpu.memory_space<hbm>> -> memref<8x128xf32, #tpu.memory_space<hbm>>
    %dma_start3A_1927 = arith.constant 0 : i32
    %dma_start3A_1928 = arith.constant 0 : i32
    %dma_start3A_1929 = tpu.memref_slice %arg8[%dma_start3A_1917, %dma_start3A_1918, %add3A, %dma_start3A_1927, %dma_start3A_1928] : memref<2x8x32x8x128xf32, #tpu.memory_space<hbm>> -> memref<1x1x1x8x128xf32, #tpu.memory_space<hbm>>
    %dma_start3A_1930 = tpu.memref_squeeze %dma_start3A_1929 : memref<1x1x1x8x128xf32, #tpu.memory_space<hbm>> -> memref<8x128xf32, #tpu.memory_space<hbm>>
    %dma_start3A_1931 = arith.constant 48 : i32
    %dma_start3A_1932 = arith.constant 0 : i32
    %dma_start3A_1933 = tpu.memref_slice %arg13[%dma_start3A_1916, %dma_start3A_1931, %dma_start3A_1932] : memref<2x64x128xf32, #tpu.memory_space<vmem>> -> memref<1x8x128xf32, #tpu.memory_space<vmem>>
    %dma_start3A_1934 = tpu.memref_squeeze %dma_start3A_1933 : memref<1x8x128xf32, #tpu.memory_space<vmem>> -> memref<8x128xf32, #tpu.memory_space<vmem>>
    tpu.enqueue_dma source(%dma_start3A_1934 : memref<8x128xf32, #tpu.memory_space<vmem>>) target(%dma_start3A_1930 : memref<8x128xf32, #tpu.memory_space<hbm>>) target_semaphore(%arg19 : memref<!tpu.dma_semaphore, #tpu.memory_space<semaphore_mem>>)
    %dma_start3A_1935 = arith.constant 1 : i32
    %dma_start3A_1936 = arith.constant 1 : i32
    %dma_start3A_1937 = arith.constant 7 : i32
    %dma_start3A_1938 = arith.constant 56 : i32
    %dma_start3A_1939 = arith.constant 0 : i32
    %dma_start3A_1940 = tpu.memref_slice %arg13[%dma_start3A_1935, %dma_start3A_1938, %dma_start3A_1939] : memref<2x64x128xf32, #tpu.memory_space<vmem>> -> memref<1x8x128xf32, #tpu.memory_space<vmem>>
    %dma_start3A_1941 = tpu.memref_squeeze %dma_start3A_1940 : memref<1x8x128xf32, #tpu.memory_space<vmem>> -> memref<8x128xf32, #tpu.memory_space<vmem>>
    %dma_start3A_1942 = arith.constant 0 : i32
    %dma_start3A_1943 = arith.constant 0 : i32
    %dma_start3A_1944 = tpu.memref_slice %arg8[%dma_start3A_1936, %dma_start3A_1937, %add3A, %dma_start3A_1942, %dma_start3A_1943] : memref<2x8x32x8x128xf32, #tpu.memory_space<hbm>> -> memref<1x1x1x8x128xf32, #tpu.memory_space<hbm>>
    %dma_start3A_1945 = tpu.memref_squeeze %dma_start3A_1944 : memref<1x1x1x8x128xf32, #tpu.memory_space<hbm>> -> memref<8x128xf32, #tpu.memory_space<hbm>>
    %dma_start3A_1946 = arith.constant 0 : i32
    %dma_start3A_1947 = arith.constant 0 : i32
    %dma_start3A_1948 = tpu.memref_slice %arg8[%dma_start3A_1936, %dma_start3A_1937, %add3A, %dma_start3A_1946, %dma_start3A_1947] : memref<2x8x32x8x128xf32, #tpu.memory_space<hbm>> -> memref<1x1x1x8x128xf32, #tpu.memory_space<hbm>>
    %dma_start3A_1949 = tpu.memref_squeeze %dma_start3A_1948 : memref<1x1x1x8x128xf32, #tpu.memory_space<hbm>> -> memref<8x128xf32, #tpu.memory_space<hbm>>
    %dma_start3A_1950 = arith.constant 56 : i32
    %dma_start3A_1951 = arith.constant 0 : i32
    %dma_start3A_1952 = tpu.memref_slice %arg13[%dma_start3A_1935, %dma_start3A_1950, %dma_start3A_1951] : memref<2x64x128xf32, #tpu.memory_space<vmem>> -> memref<1x8x128xf32, #tpu.memory_space<vmem>>
    %dma_start3A_1953 = tpu.memref_squeeze %dma_start3A_1952 : memref<1x8x128xf32, #tpu.memory_space<vmem>> -> memref<8x128xf32, #tpu.memory_space<vmem>>
    tpu.enqueue_dma source(%dma_start3A_1953 : memref<8x128xf32, #tpu.memory_space<vmem>>) target(%dma_start3A_1949 : memref<8x128xf32, #tpu.memory_space<hbm>>) target_semaphore(%arg19 : memref<!tpu.dma_semaphore, #tpu.memory_space<semaphore_mem>>)
    %mul3A_1954 = arith.constant 2 : i32
    %mul3A_1955 = arith.muli %add3A, %mul3A_1954 : i32
    %dma_start3A_1956 = arith.constant 0 : i32
    %dma_start3A_1957 = tpu.memref_slice %arg9[%mul3A_1955, %dma_start3A_1956] : memref<64x128xf32, #tpu.memory_space<hbm>> -> memref<2x128xf32, #tpu.memory_space<hbm>>
    %dma_start3A_1958 = arith.constant 0 : i32
    %dma_start3A_1959 = tpu.memref_slice %arg9[%mul3A_1955, %dma_start3A_1958] : memref<64x128xf32, #tpu.memory_space<hbm>> -> memref<2x128xf32, #tpu.memory_space<hbm>>
    tpu.enqueue_dma source(%arg16 : memref<2x128xf32, #tpu.memory_space<vmem>>) target(%dma_start3A_1959 : memref<2x128xf32, #tpu.memory_space<hbm>>) target_semaphore(%arg19 : memref<!tpu.dma_semaphore, #tpu.memory_space<semaphore_mem>>)
    %dma_wait3A_1960 = arith.constant 0 : i32
    %dma_wait3A_1961 = arith.constant 0 : i32
    %dma_wait3A_1962 = arith.constant 0 : i32
    %dma_wait3A_1963 = arith.constant 0 : i32
    %dma_wait3A_1964 = arith.constant 0 : i32
    %dma_wait3A_1965 = tpu.memref_slice %arg13[%dma_wait3A_1960, %dma_wait3A_1963, %dma_wait3A_1964] : memref<2x64x128xf32, #tpu.memory_space<vmem>> -> memref<1x8x128xf32, #tpu.memory_space<vmem>>
    %dma_wait3A_1966 = tpu.memref_squeeze %dma_wait3A_1965 : memref<1x8x128xf32, #tpu.memory_space<vmem>> -> memref<8x128xf32, #tpu.memory_space<vmem>>
    %dma_wait3A_1967 = arith.constant 0 : i32
    %dma_wait3A_1968 = arith.constant 0 : i32
    %dma_wait3A_1969 = tpu.memref_slice %arg8[%dma_wait3A_1961, %dma_wait3A_1962, %add3A, %dma_wait3A_1967, %dma_wait3A_1968] : memref<2x8x32x8x128xf32, #tpu.memory_space<hbm>> -> memref<1x1x1x8x128xf32, #tpu.memory_space<hbm>>
    %dma_wait3A_1970 = tpu.memref_squeeze %dma_wait3A_1969 : memref<1x1x1x8x128xf32, #tpu.memory_space<hbm>> -> memref<8x128xf32, #tpu.memory_space<hbm>>
    %dma_wait3A_1971 = arith.constant 0 : i32
    %dma_wait3A_1972 = arith.constant 0 : i32
    %dma_wait3A_1973 = tpu.memref_slice %arg8[%dma_wait3A_1961, %dma_wait3A_1962, %add3A, %dma_wait3A_1971, %dma_wait3A_1972] : memref<2x8x32x8x128xf32, #tpu.memory_space<hbm>> -> memref<1x1x1x8x128xf32, #tpu.memory_space<hbm>>
    %dma_wait3A_1974 = tpu.memref_squeeze %dma_wait3A_1973 : memref<1x1x1x8x128xf32, #tpu.memory_space<hbm>> -> memref<8x128xf32, #tpu.memory_space<hbm>>
    %dma_wait3A_1975 = arith.constant 0 : i32
    %dma_wait3A_1976 = arith.constant 0 : i32
    %dma_wait3A_1977 = tpu.memref_slice %arg13[%dma_wait3A_1960, %dma_wait3A_1975, %dma_wait3A_1976] : memref<2x64x128xf32, #tpu.memory_space<vmem>> -> memref<1x8x128xf32, #tpu.memory_space<vmem>>
    %dma_wait3A_1978 = tpu.memref_squeeze %dma_wait3A_1977 : memref<1x8x128xf32, #tpu.memory_space<vmem>> -> memref<8x128xf32, #tpu.memory_space<vmem>>
    tpu.wait_dma2 semaphore(%arg19 : memref<!tpu.dma_semaphore, #tpu.memory_space<semaphore_mem>>) src(%dma_wait3A_1978 : memref<8x128xf32, #tpu.memory_space<vmem>>) dst(%dma_wait3A_1974 : memref<8x128xf32, #tpu.memory_space<hbm>>)
    %dma_wait3A_1979 = arith.constant 0 : i32
    %dma_wait3A_1980 = arith.constant 0 : i32
    %dma_wait3A_1981 = arith.constant 1 : i32
    %dma_wait3A_1982 = arith.constant 8 : i32
    %dma_wait3A_1983 = arith.constant 0 : i32
    %dma_wait3A_1984 = tpu.memref_slice %arg13[%dma_wait3A_1979, %dma_wait3A_1982, %dma_wait3A_1983] : memref<2x64x128xf32, #tpu.memory_space<vmem>> -> memref<1x8x128xf32, #tpu.memory_space<vmem>>
    %dma_wait3A_1985 = tpu.memref_squeeze %dma_wait3A_1984 : memref<1x8x128xf32, #tpu.memory_space<vmem>> -> memref<8x128xf32, #tpu.memory_space<vmem>>
    %dma_wait3A_1986 = arith.constant 0 : i32
    %dma_wait3A_1987 = arith.constant 0 : i32
    %dma_wait3A_1988 = tpu.memref_slice %arg8[%dma_wait3A_1980, %dma_wait3A_1981, %add3A, %dma_wait3A_1986, %dma_wait3A_1987] : memref<2x8x32x8x128xf32, #tpu.memory_space<hbm>> -> memref<1x1x1x8x128xf32, #tpu.memory_space<hbm>>
    %dma_wait3A_1989 = tpu.memref_squeeze %dma_wait3A_1988 : memref<1x1x1x8x128xf32, #tpu.memory_space<hbm>> -> memref<8x128xf32, #tpu.memory_space<hbm>>
    %dma_wait3A_1990 = arith.constant 0 : i32
    %dma_wait3A_1991 = arith.constant 0 : i32
    %dma_wait3A_1992 = tpu.memref_slice %arg8[%dma_wait3A_1980, %dma_wait3A_1981, %add3A, %dma_wait3A_1990, %dma_wait3A_1991] : memref<2x8x32x8x128xf32, #tpu.memory_space<hbm>> -> memref<1x1x1x8x128xf32, #tpu.memory_space<hbm>>
    %dma_wait3A_1993 = tpu.memref_squeeze %dma_wait3A_1992 : memref<1x1x1x8x128xf32, #tpu.memory_space<hbm>> -> memref<8x128xf32, #tpu.memory_space<hbm>>
    %dma_wait3A_1994 = arith.constant 8 : i32
    %dma_wait3A_1995 = arith.constant 0 : i32
    %dma_wait3A_1996 = tpu.memref_slice %arg13[%dma_wait3A_1979, %dma_wait3A_1994, %dma_wait3A_1995] : memref<2x64x128xf32, #tpu.memory_space<vmem>> -> memref<1x8x128xf32, #tpu.memory_space<vmem>>
    %dma_wait3A_1997 = tpu.memref_squeeze %dma_wait3A_1996 : memref<1x8x128xf32, #tpu.memory_space<vmem>> -> memref<8x128xf32, #tpu.memory_space<vmem>>
    tpu.wait_dma2 semaphore(%arg19 : memref<!tpu.dma_semaphore, #tpu.memory_space<semaphore_mem>>) src(%dma_wait3A_1997 : memref<8x128xf32, #tpu.memory_space<vmem>>) dst(%dma_wait3A_1993 : memref<8x128xf32, #tpu.memory_space<hbm>>)
    %dma_wait3A_1998 = arith.constant 0 : i32
    %dma_wait3A_1999 = arith.constant 0 : i32
    %dma_wait3A_2000 = arith.constant 2 : i32
    %dma_wait3A_2001 = arith.constant 16 : i32
    %dma_wait3A_2002 = arith.constant 0 : i32
    %dma_wait3A_2003 = tpu.memref_slice %arg13[%dma_wait3A_1998, %dma_wait3A_2001, %dma_wait3A_2002] : memref<2x64x128xf32, #tpu.memory_space<vmem>> -> memref<1x8x128xf32, #tpu.memory_space<vmem>>
    %dma_wait3A_2004 = tpu.memref_squeeze %dma_wait3A_2003 : memref<1x8x128xf32, #tpu.memory_space<vmem>> -> memref<8x128xf32, #tpu.memory_space<vmem>>
    %dma_wait3A_2005 = arith.constant 0 : i32
    %dma_wait3A_2006 = arith.constant 0 : i32
    %dma_wait3A_2007 = tpu.memref_slice %arg8[%dma_wait3A_1999, %dma_wait3A_2000, %add3A, %dma_wait3A_2005, %dma_wait3A_2006] : memref<2x8x32x8x128xf32, #tpu.memory_space<hbm>> -> memref<1x1x1x8x128xf32, #tpu.memory_space<hbm>>
    %dma_wait3A_2008 = tpu.memref_squeeze %dma_wait3A_2007 : memref<1x1x1x8x128xf32, #tpu.memory_space<hbm>> -> memref<8x128xf32, #tpu.memory_space<hbm>>
    %dma_wait3A_2009 = arith.constant 0 : i32
    %dma_wait3A_2010 = arith.constant 0 : i32
    %dma_wait3A_2011 = tpu.memref_slice %arg8[%dma_wait3A_1999, %dma_wait3A_2000, %add3A, %dma_wait3A_2009, %dma_wait3A_2010] : memref<2x8x32x8x128xf32, #tpu.memory_space<hbm>> -> memref<1x1x1x8x128xf32, #tpu.memory_space<hbm>>
    %dma_wait3A_2012 = tpu.memref_squeeze %dma_wait3A_2011 : memref<1x1x1x8x128xf32, #tpu.memory_space<hbm>> -> memref<8x128xf32, #tpu.memory_space<hbm>>
    %dma_wait3A_2013 = arith.constant 16 : i32
    %dma_wait3A_2014 = arith.constant 0 : i32
    %dma_wait3A_2015 = tpu.memref_slice %arg13[%dma_wait3A_1998, %dma_wait3A_2013, %dma_wait3A_2014] : memref<2x64x128xf32, #tpu.memory_space<vmem>> -> memref<1x8x128xf32, #tpu.memory_space<vmem>>
    %dma_wait3A_2016 = tpu.memref_squeeze %dma_wait3A_2015 : memref<1x8x128xf32, #tpu.memory_space<vmem>> -> memref<8x128xf32, #tpu.memory_space<vmem>>
    tpu.wait_dma2 semaphore(%arg19 : memref<!tpu.dma_semaphore, #tpu.memory_space<semaphore_mem>>) src(%dma_wait3A_2016 : memref<8x128xf32, #tpu.memory_space<vmem>>) dst(%dma_wait3A_2012 : memref<8x128xf32, #tpu.memory_space<hbm>>)
    %dma_wait3A_2017 = arith.constant 0 : i32
    %dma_wait3A_2018 = arith.constant 0 : i32
    %dma_wait3A_2019 = arith.constant 3 : i32
    %dma_wait3A_2020 = arith.constant 24 : i32
    %dma_wait3A_2021 = arith.constant 0 : i32
    %dma_wait3A_2022 = tpu.memref_slice %arg13[%dma_wait3A_2017, %dma_wait3A_2020, %dma_wait3A_2021] : memref<2x64x128xf32, #tpu.memory_space<vmem>> -> memref<1x8x128xf32, #tpu.memory_space<vmem>>
    %dma_wait3A_2023 = tpu.memref_squeeze %dma_wait3A_2022 : memref<1x8x128xf32, #tpu.memory_space<vmem>> -> memref<8x128xf32, #tpu.memory_space<vmem>>
    %dma_wait3A_2024 = arith.constant 0 : i32
    %dma_wait3A_2025 = arith.constant 0 : i32
    %dma_wait3A_2026 = tpu.memref_slice %arg8[%dma_wait3A_2018, %dma_wait3A_2019, %add3A, %dma_wait3A_2024, %dma_wait3A_2025] : memref<2x8x32x8x128xf32, #tpu.memory_space<hbm>> -> memref<1x1x1x8x128xf32, #tpu.memory_space<hbm>>
    %dma_wait3A_2027 = tpu.memref_squeeze %dma_wait3A_2026 : memref<1x1x1x8x128xf32, #tpu.memory_space<hbm>> -> memref<8x128xf32, #tpu.memory_space<hbm>>
    %dma_wait3A_2028 = arith.constant 0 : i32
    %dma_wait3A_2029 = arith.constant 0 : i32
    %dma_wait3A_2030 = tpu.memref_slice %arg8[%dma_wait3A_2018, %dma_wait3A_2019, %add3A, %dma_wait3A_2028, %dma_wait3A_2029] : memref<2x8x32x8x128xf32, #tpu.memory_space<hbm>> -> memref<1x1x1x8x128xf32, #tpu.memory_space<hbm>>
    %dma_wait3A_2031 = tpu.memref_squeeze %dma_wait3A_2030 : memref<1x1x1x8x128xf32, #tpu.memory_space<hbm>> -> memref<8x128xf32, #tpu.memory_space<hbm>>
    %dma_wait3A_2032 = arith.constant 24 : i32
    %dma_wait3A_2033 = arith.constant 0 : i32
    %dma_wait3A_2034 = tpu.memref_slice %arg13[%dma_wait3A_2017, %dma_wait3A_2032, %dma_wait3A_2033] : memref<2x64x128xf32, #tpu.memory_space<vmem>> -> memref<1x8x128xf32, #tpu.memory_space<vmem>>
    %dma_wait3A_2035 = tpu.memref_squeeze %dma_wait3A_2034 : memref<1x8x128xf32, #tpu.memory_space<vmem>> -> memref<8x128xf32, #tpu.memory_space<vmem>>
    tpu.wait_dma2 semaphore(%arg19 : memref<!tpu.dma_semaphore, #tpu.memory_space<semaphore_mem>>) src(%dma_wait3A_2035 : memref<8x128xf32, #tpu.memory_space<vmem>>) dst(%dma_wait3A_2031 : memref<8x128xf32, #tpu.memory_space<hbm>>)
    %dma_wait3A_2036 = arith.constant 0 : i32
    %dma_wait3A_2037 = arith.constant 0 : i32
    %dma_wait3A_2038 = arith.constant 4 : i32
    %dma_wait3A_2039 = arith.constant 32 : i32
    %dma_wait3A_2040 = arith.constant 0 : i32
    %dma_wait3A_2041 = tpu.memref_slice %arg13[%dma_wait3A_2036, %dma_wait3A_2039, %dma_wait3A_2040] : memref<2x64x128xf32, #tpu.memory_space<vmem>> -> memref<1x8x128xf32, #tpu.memory_space<vmem>>
    %dma_wait3A_2042 = tpu.memref_squeeze %dma_wait3A_2041 : memref<1x8x128xf32, #tpu.memory_space<vmem>> -> memref<8x128xf32, #tpu.memory_space<vmem>>
    %dma_wait3A_2043 = arith.constant 0 : i32
    %dma_wait3A_2044 = arith.constant 0 : i32
    %dma_wait3A_2045 = tpu.memref_slice %arg8[%dma_wait3A_2037, %dma_wait3A_2038, %add3A, %dma_wait3A_2043, %dma_wait3A_2044] : memref<2x8x32x8x128xf32, #tpu.memory_space<hbm>> -> memref<1x1x1x8x128xf32, #tpu.memory_space<hbm>>
    %dma_wait3A_2046 = tpu.memref_squeeze %dma_wait3A_2045 : memref<1x1x1x8x128xf32, #tpu.memory_space<hbm>> -> memref<8x128xf32, #tpu.memory_space<hbm>>
    %dma_wait3A_2047 = arith.constant 0 : i32
    %dma_wait3A_2048 = arith.constant 0 : i32
    %dma_wait3A_2049 = tpu.memref_slice %arg8[%dma_wait3A_2037, %dma_wait3A_2038, %add3A, %dma_wait3A_2047, %dma_wait3A_2048] : memref<2x8x32x8x128xf32, #tpu.memory_space<hbm>> -> memref<1x1x1x8x128xf32, #tpu.memory_space<hbm>>
    %dma_wait3A_2050 = tpu.memref_squeeze %dma_wait3A_2049 : memref<1x1x1x8x128xf32, #tpu.memory_space<hbm>> -> memref<8x128xf32, #tpu.memory_space<hbm>>
    %dma_wait3A_2051 = arith.constant 32 : i32
    %dma_wait3A_2052 = arith.constant 0 : i32
    %dma_wait3A_2053 = tpu.memref_slice %arg13[%dma_wait3A_2036, %dma_wait3A_2051, %dma_wait3A_2052] : memref<2x64x128xf32, #tpu.memory_space<vmem>> -> memref<1x8x128xf32, #tpu.memory_space<vmem>>
    %dma_wait3A_2054 = tpu.memref_squeeze %dma_wait3A_2053 : memref<1x8x128xf32, #tpu.memory_space<vmem>> -> memref<8x128xf32, #tpu.memory_space<vmem>>
    tpu.wait_dma2 semaphore(%arg19 : memref<!tpu.dma_semaphore, #tpu.memory_space<semaphore_mem>>) src(%dma_wait3A_2054 : memref<8x128xf32, #tpu.memory_space<vmem>>) dst(%dma_wait3A_2050 : memref<8x128xf32, #tpu.memory_space<hbm>>)
    %dma_wait3A_2055 = arith.constant 0 : i32
    %dma_wait3A_2056 = arith.constant 0 : i32
    %dma_wait3A_2057 = arith.constant 5 : i32
    %dma_wait3A_2058 = arith.constant 40 : i32
    %dma_wait3A_2059 = arith.constant 0 : i32
    %dma_wait3A_2060 = tpu.memref_slice %arg13[%dma_wait3A_2055, %dma_wait3A_2058, %dma_wait3A_2059] : memref<2x64x128xf32, #tpu.memory_space<vmem>> -> memref<1x8x128xf32, #tpu.memory_space<vmem>>
    %dma_wait3A_2061 = tpu.memref_squeeze %dma_wait3A_2060 : memref<1x8x128xf32, #tpu.memory_space<vmem>> -> memref<8x128xf32, #tpu.memory_space<vmem>>
    %dma_wait3A_2062 = arith.constant 0 : i32
    %dma_wait3A_2063 = arith.constant 0 : i32
    %dma_wait3A_2064 = tpu.memref_slice %arg8[%dma_wait3A_2056, %dma_wait3A_2057, %add3A, %dma_wait3A_2062, %dma_wait3A_2063] : memref<2x8x32x8x128xf32, #tpu.memory_space<hbm>> -> memref<1x1x1x8x128xf32, #tpu.memory_space<hbm>>
    %dma_wait3A_2065 = tpu.memref_squeeze %dma_wait3A_2064 : memref<1x1x1x8x128xf32, #tpu.memory_space<hbm>> -> memref<8x128xf32, #tpu.memory_space<hbm>>
    %dma_wait3A_2066 = arith.constant 0 : i32
    %dma_wait3A_2067 = arith.constant 0 : i32
    %dma_wait3A_2068 = tpu.memref_slice %arg8[%dma_wait3A_2056, %dma_wait3A_2057, %add3A, %dma_wait3A_2066, %dma_wait3A_2067] : memref<2x8x32x8x128xf32, #tpu.memory_space<hbm>> -> memref<1x1x1x8x128xf32, #tpu.memory_space<hbm>>
    %dma_wait3A_2069 = tpu.memref_squeeze %dma_wait3A_2068 : memref<1x1x1x8x128xf32, #tpu.memory_space<hbm>> -> memref<8x128xf32, #tpu.memory_space<hbm>>
    %dma_wait3A_2070 = arith.constant 40 : i32
    %dma_wait3A_2071 = arith.constant 0 : i32
    %dma_wait3A_2072 = tpu.memref_slice %arg13[%dma_wait3A_2055, %dma_wait3A_2070, %dma_wait3A_2071] : memref<2x64x128xf32, #tpu.memory_space<vmem>> -> memref<1x8x128xf32, #tpu.memory_space<vmem>>
    %dma_wait3A_2073 = tpu.memref_squeeze %dma_wait3A_2072 : memref<1x8x128xf32, #tpu.memory_space<vmem>> -> memref<8x128xf32, #tpu.memory_space<vmem>>
    tpu.wait_dma2 semaphore(%arg19 : memref<!tpu.dma_semaphore, #tpu.memory_space<semaphore_mem>>) src(%dma_wait3A_2073 : memref<8x128xf32, #tpu.memory_space<vmem>>) dst(%dma_wait3A_2069 : memref<8x128xf32, #tpu.memory_space<hbm>>)
    %dma_wait3A_2074 = arith.constant 0 : i32
    %dma_wait3A_2075 = arith.constant 0 : i32
    %dma_wait3A_2076 = arith.constant 6 : i32
    %dma_wait3A_2077 = arith.constant 48 : i32
    %dma_wait3A_2078 = arith.constant 0 : i32
    %dma_wait3A_2079 = tpu.memref_slice %arg13[%dma_wait3A_2074, %dma_wait3A_2077, %dma_wait3A_2078] : memref<2x64x128xf32, #tpu.memory_space<vmem>> -> memref<1x8x128xf32, #tpu.memory_space<vmem>>
    %dma_wait3A_2080 = tpu.memref_squeeze %dma_wait3A_2079 : memref<1x8x128xf32, #tpu.memory_space<vmem>> -> memref<8x128xf32, #tpu.memory_space<vmem>>
    %dma_wait3A_2081 = arith.constant 0 : i32
    %dma_wait3A_2082 = arith.constant 0 : i32
    %dma_wait3A_2083 = tpu.memref_slice %arg8[%dma_wait3A_2075, %dma_wait3A_2076, %add3A, %dma_wait3A_2081, %dma_wait3A_2082] : memref<2x8x32x8x128xf32, #tpu.memory_space<hbm>> -> memref<1x1x1x8x128xf32, #tpu.memory_space<hbm>>
    %dma_wait3A_2084 = tpu.memref_squeeze %dma_wait3A_2083 : memref<1x1x1x8x128xf32, #tpu.memory_space<hbm>> -> memref<8x128xf32, #tpu.memory_space<hbm>>
    %dma_wait3A_2085 = arith.constant 0 : i32
    %dma_wait3A_2086 = arith.constant 0 : i32
    %dma_wait3A_2087 = tpu.memref_slice %arg8[%dma_wait3A_2075, %dma_wait3A_2076, %add3A, %dma_wait3A_2085, %dma_wait3A_2086] : memref<2x8x32x8x128xf32, #tpu.memory_space<hbm>> -> memref<1x1x1x8x128xf32, #tpu.memory_space<hbm>>
    %dma_wait3A_2088 = tpu.memref_squeeze %dma_wait3A_2087 : memref<1x1x1x8x128xf32, #tpu.memory_space<hbm>> -> memref<8x128xf32, #tpu.memory_space<hbm>>
    %dma_wait3A_2089 = arith.constant 48 : i32
    %dma_wait3A_2090 = arith.constant 0 : i32
    %dma_wait3A_2091 = tpu.memref_slice %arg13[%dma_wait3A_2074, %dma_wait3A_2089, %dma_wait3A_2090] : memref<2x64x128xf32, #tpu.memory_space<vmem>> -> memref<1x8x128xf32, #tpu.memory_space<vmem>>
    %dma_wait3A_2092 = tpu.memref_squeeze %dma_wait3A_2091 : memref<1x8x128xf32, #tpu.memory_space<vmem>> -> memref<8x128xf32, #tpu.memory_space<vmem>>
    tpu.wait_dma2 semaphore(%arg19 : memref<!tpu.dma_semaphore, #tpu.memory_space<semaphore_mem>>) src(%dma_wait3A_2092 : memref<8x128xf32, #tpu.memory_space<vmem>>) dst(%dma_wait3A_2088 : memref<8x128xf32, #tpu.memory_space<hbm>>)
    %dma_wait3A_2093 = arith.constant 0 : i32
    %dma_wait3A_2094 = arith.constant 0 : i32
    %dma_wait3A_2095 = arith.constant 7 : i32
    %dma_wait3A_2096 = arith.constant 56 : i32
    %dma_wait3A_2097 = arith.constant 0 : i32
    %dma_wait3A_2098 = tpu.memref_slice %arg13[%dma_wait3A_2093, %dma_wait3A_2096, %dma_wait3A_2097] : memref<2x64x128xf32, #tpu.memory_space<vmem>> -> memref<1x8x128xf32, #tpu.memory_space<vmem>>
    %dma_wait3A_2099 = tpu.memref_squeeze %dma_wait3A_2098 : memref<1x8x128xf32, #tpu.memory_space<vmem>> -> memref<8x128xf32, #tpu.memory_space<vmem>>
    %dma_wait3A_2100 = arith.constant 0 : i32
    %dma_wait3A_2101 = arith.constant 0 : i32
    %dma_wait3A_2102 = tpu.memref_slice %arg8[%dma_wait3A_2094, %dma_wait3A_2095, %add3A, %dma_wait3A_2100, %dma_wait3A_2101] : memref<2x8x32x8x128xf32, #tpu.memory_space<hbm>> -> memref<1x1x1x8x128xf32, #tpu.memory_space<hbm>>
    %dma_wait3A_2103 = tpu.memref_squeeze %dma_wait3A_2102 : memref<1x1x1x8x128xf32, #tpu.memory_space<hbm>> -> memref<8x128xf32, #tpu.memory_space<hbm>>
    %dma_wait3A_2104 = arith.constant 0 : i32
    %dma_wait3A_2105 = arith.constant 0 : i32
    %dma_wait3A_2106 = tpu.memref_slice %arg8[%dma_wait3A_2094, %dma_wait3A_2095, %add3A, %dma_wait3A_2104, %dma_wait3A_2105] : memref<2x8x32x8x128xf32, #tpu.memory_space<hbm>> -> memref<1x1x1x8x128xf32, #tpu.memory_space<hbm>>
    %dma_wait3A_2107 = tpu.memref_squeeze %dma_wait3A_2106 : memref<1x1x1x8x128xf32, #tpu.memory_space<hbm>> -> memref<8x128xf32, #tpu.memory_space<hbm>>
    %dma_wait3A_2108 = arith.constant 56 : i32
    %dma_wait3A_2109 = arith.constant 0 : i32
    %dma_wait3A_2110 = tpu.memref_slice %arg13[%dma_wait3A_2093, %dma_wait3A_2108, %dma_wait3A_2109] : memref<2x64x128xf32, #tpu.memory_space<vmem>> -> memref<1x8x128xf32, #tpu.memory_space<vmem>>
    %dma_wait3A_2111 = tpu.memref_squeeze %dma_wait3A_2110 : memref<1x8x128xf32, #tpu.memory_space<vmem>> -> memref<8x128xf32, #tpu.memory_space<vmem>>
    tpu.wait_dma2 semaphore(%arg19 : memref<!tpu.dma_semaphore, #tpu.memory_space<semaphore_mem>>) src(%dma_wait3A_2111 : memref<8x128xf32, #tpu.memory_space<vmem>>) dst(%dma_wait3A_2107 : memref<8x128xf32, #tpu.memory_space<hbm>>)
    %dma_wait3A_2112 = arith.constant 1 : i32
    %dma_wait3A_2113 = arith.constant 1 : i32
    %dma_wait3A_2114 = arith.constant 0 : i32
    %dma_wait3A_2115 = arith.constant 0 : i32
    %dma_wait3A_2116 = arith.constant 0 : i32
    %dma_wait3A_2117 = tpu.memref_slice %arg13[%dma_wait3A_2112, %dma_wait3A_2115, %dma_wait3A_2116] : memref<2x64x128xf32, #tpu.memory_space<vmem>> -> memref<1x8x128xf32, #tpu.memory_space<vmem>>
    %dma_wait3A_2118 = tpu.memref_squeeze %dma_wait3A_2117 : memref<1x8x128xf32, #tpu.memory_space<vmem>> -> memref<8x128xf32, #tpu.memory_space<vmem>>
    %dma_wait3A_2119 = arith.constant 0 : i32
    %dma_wait3A_2120 = arith.constant 0 : i32
    %dma_wait3A_2121 = tpu.memref_slice %arg8[%dma_wait3A_2113, %dma_wait3A_2114, %add3A, %dma_wait3A_2119, %dma_wait3A_2120] : memref<2x8x32x8x128xf32, #tpu.memory_space<hbm>> -> memref<1x1x1x8x128xf32, #tpu.memory_space<hbm>>
    %dma_wait3A_2122 = tpu.memref_squeeze %dma_wait3A_2121 : memref<1x1x1x8x128xf32, #tpu.memory_space<hbm>> -> memref<8x128xf32, #tpu.memory_space<hbm>>
    %dma_wait3A_2123 = arith.constant 0 : i32
    %dma_wait3A_2124 = arith.constant 0 : i32
    %dma_wait3A_2125 = tpu.memref_slice %arg8[%dma_wait3A_2113, %dma_wait3A_2114, %add3A, %dma_wait3A_2123, %dma_wait3A_2124] : memref<2x8x32x8x128xf32, #tpu.memory_space<hbm>> -> memref<1x1x1x8x128xf32, #tpu.memory_space<hbm>>
    %dma_wait3A_2126 = tpu.memref_squeeze %dma_wait3A_2125 : memref<1x1x1x8x128xf32, #tpu.memory_space<hbm>> -> memref<8x128xf32, #tpu.memory_space<hbm>>
    %dma_wait3A_2127 = arith.constant 0 : i32
    %dma_wait3A_2128 = arith.constant 0 : i32
    %dma_wait3A_2129 = tpu.memref_slice %arg13[%dma_wait3A_2112, %dma_wait3A_2127, %dma_wait3A_2128] : memref<2x64x128xf32, #tpu.memory_space<vmem>> -> memref<1x8x128xf32, #tpu.memory_space<vmem>>
    %dma_wait3A_2130 = tpu.memref_squeeze %dma_wait3A_2129 : memref<1x8x128xf32, #tpu.memory_space<vmem>> -> memref<8x128xf32, #tpu.memory_space<vmem>>
    tpu.wait_dma2 semaphore(%arg19 : memref<!tpu.dma_semaphore, #tpu.memory_space<semaphore_mem>>) src(%dma_wait3A_2130 : memref<8x128xf32, #tpu.memory_space<vmem>>) dst(%dma_wait3A_2126 : memref<8x128xf32, #tpu.memory_space<hbm>>)
    %dma_wait3A_2131 = arith.constant 1 : i32
    %dma_wait3A_2132 = arith.constant 1 : i32
    %dma_wait3A_2133 = arith.constant 1 : i32
    %dma_wait3A_2134 = arith.constant 8 : i32
    %dma_wait3A_2135 = arith.constant 0 : i32
    %dma_wait3A_2136 = tpu.memref_slice %arg13[%dma_wait3A_2131, %dma_wait3A_2134, %dma_wait3A_2135] : memref<2x64x128xf32, #tpu.memory_space<vmem>> -> memref<1x8x128xf32, #tpu.memory_space<vmem>>
    %dma_wait3A_2137 = tpu.memref_squeeze %dma_wait3A_2136 : memref<1x8x128xf32, #tpu.memory_space<vmem>> -> memref<8x128xf32, #tpu.memory_space<vmem>>
    %dma_wait3A_2138 = arith.constant 0 : i32
    %dma_wait3A_2139 = arith.constant 0 : i32
    %dma_wait3A_2140 = tpu.memref_slice %arg8[%dma_wait3A_2132, %dma_wait3A_2133, %add3A, %dma_wait3A_2138, %dma_wait3A_2139] : memref<2x8x32x8x128xf32, #tpu.memory_space<hbm>> -> memref<1x1x1x8x128xf32, #tpu.memory_space<hbm>>
    %dma_wait3A_2141 = tpu.memref_squeeze %dma_wait3A_2140 : memref<1x1x1x8x128xf32, #tpu.memory_space<hbm>> -> memref<8x128xf32, #tpu.memory_space<hbm>>
    %dma_wait3A_2142 = arith.constant 0 : i32
    %dma_wait3A_2143 = arith.constant 0 : i32
    %dma_wait3A_2144 = tpu.memref_slice %arg8[%dma_wait3A_2132, %dma_wait3A_2133, %add3A, %dma_wait3A_2142, %dma_wait3A_2143] : memref<2x8x32x8x128xf32, #tpu.memory_space<hbm>> -> memref<1x1x1x8x128xf32, #tpu.memory_space<hbm>>
    %dma_wait3A_2145 = tpu.memref_squeeze %dma_wait3A_2144 : memref<1x1x1x8x128xf32, #tpu.memory_space<hbm>> -> memref<8x128xf32, #tpu.memory_space<hbm>>
    %dma_wait3A_2146 = arith.constant 8 : i32
    %dma_wait3A_2147 = arith.constant 0 : i32
    %dma_wait3A_2148 = tpu.memref_slice %arg13[%dma_wait3A_2131, %dma_wait3A_2146, %dma_wait3A_2147] : memref<2x64x128xf32, #tpu.memory_space<vmem>> -> memref<1x8x128xf32, #tpu.memory_space<vmem>>
    %dma_wait3A_2149 = tpu.memref_squeeze %dma_wait3A_2148 : memref<1x8x128xf32, #tpu.memory_space<vmem>> -> memref<8x128xf32, #tpu.memory_space<vmem>>
    tpu.wait_dma2 semaphore(%arg19 : memref<!tpu.dma_semaphore, #tpu.memory_space<semaphore_mem>>) src(%dma_wait3A_2149 : memref<8x128xf32, #tpu.memory_space<vmem>>) dst(%dma_wait3A_2145 : memref<8x128xf32, #tpu.memory_space<hbm>>)
    %dma_wait3A_2150 = arith.constant 1 : i32
    %dma_wait3A_2151 = arith.constant 1 : i32
    %dma_wait3A_2152 = arith.constant 2 : i32
    %dma_wait3A_2153 = arith.constant 16 : i32
    %dma_wait3A_2154 = arith.constant 0 : i32
    %dma_wait3A_2155 = tpu.memref_slice %arg13[%dma_wait3A_2150, %dma_wait3A_2153, %dma_wait3A_2154] : memref<2x64x128xf32, #tpu.memory_space<vmem>> -> memref<1x8x128xf32, #tpu.memory_space<vmem>>
    %dma_wait3A_2156 = tpu.memref_squeeze %dma_wait3A_2155 : memref<1x8x128xf32, #tpu.memory_space<vmem>> -> memref<8x128xf32, #tpu.memory_space<vmem>>
    %dma_wait3A_2157 = arith.constant 0 : i32
    %dma_wait3A_2158 = arith.constant 0 : i32
    %dma_wait3A_2159 = tpu.memref_slice %arg8[%dma_wait3A_2151, %dma_wait3A_2152, %add3A, %dma_wait3A_2157, %dma_wait3A_2158] : memref<2x8x32x8x128xf32, #tpu.memory_space<hbm>> -> memref<1x1x1x8x128xf32, #tpu.memory_space<hbm>>
    %dma_wait3A_2160 = tpu.memref_squeeze %dma_wait3A_2159 : memref<1x1x1x8x128xf32, #tpu.memory_space<hbm>> -> memref<8x128xf32, #tpu.memory_space<hbm>>
    %dma_wait3A_2161 = arith.constant 0 : i32
    %dma_wait3A_2162 = arith.constant 0 : i32
    %dma_wait3A_2163 = tpu.memref_slice %arg8[%dma_wait3A_2151, %dma_wait3A_2152, %add3A, %dma_wait3A_2161, %dma_wait3A_2162] : memref<2x8x32x8x128xf32, #tpu.memory_space<hbm>> -> memref<1x1x1x8x128xf32, #tpu.memory_space<hbm>>
    %dma_wait3A_2164 = tpu.memref_squeeze %dma_wait3A_2163 : memref<1x1x1x8x128xf32, #tpu.memory_space<hbm>> -> memref<8x128xf32, #tpu.memory_space<hbm>>
    %dma_wait3A_2165 = arith.constant 16 : i32
    %dma_wait3A_2166 = arith.constant 0 : i32
    %dma_wait3A_2167 = tpu.memref_slice %arg13[%dma_wait3A_2150, %dma_wait3A_2165, %dma_wait3A_2166] : memref<2x64x128xf32, #tpu.memory_space<vmem>> -> memref<1x8x128xf32, #tpu.memory_space<vmem>>
    %dma_wait3A_2168 = tpu.memref_squeeze %dma_wait3A_2167 : memref<1x8x128xf32, #tpu.memory_space<vmem>> -> memref<8x128xf32, #tpu.memory_space<vmem>>
    tpu.wait_dma2 semaphore(%arg19 : memref<!tpu.dma_semaphore, #tpu.memory_space<semaphore_mem>>) src(%dma_wait3A_2168 : memref<8x128xf32, #tpu.memory_space<vmem>>) dst(%dma_wait3A_2164 : memref<8x128xf32, #tpu.memory_space<hbm>>)
    %dma_wait3A_2169 = arith.constant 1 : i32
    %dma_wait3A_2170 = arith.constant 1 : i32
    %dma_wait3A_2171 = arith.constant 3 : i32
    %dma_wait3A_2172 = arith.constant 24 : i32
    %dma_wait3A_2173 = arith.constant 0 : i32
    %dma_wait3A_2174 = tpu.memref_slice %arg13[%dma_wait3A_2169, %dma_wait3A_2172, %dma_wait3A_2173] : memref<2x64x128xf32, #tpu.memory_space<vmem>> -> memref<1x8x128xf32, #tpu.memory_space<vmem>>
    %dma_wait3A_2175 = tpu.memref_squeeze %dma_wait3A_2174 : memref<1x8x128xf32, #tpu.memory_space<vmem>> -> memref<8x128xf32, #tpu.memory_space<vmem>>
    %dma_wait3A_2176 = arith.constant 0 : i32
    %dma_wait3A_2177 = arith.constant 0 : i32
    %dma_wait3A_2178 = tpu.memref_slice %arg8[%dma_wait3A_2170, %dma_wait3A_2171, %add3A, %dma_wait3A_2176, %dma_wait3A_2177] : memref<2x8x32x8x128xf32, #tpu.memory_space<hbm>> -> memref<1x1x1x8x128xf32, #tpu.memory_space<hbm>>
    %dma_wait3A_2179 = tpu.memref_squeeze %dma_wait3A_2178 : memref<1x1x1x8x128xf32, #tpu.memory_space<hbm>> -> memref<8x128xf32, #tpu.memory_space<hbm>>
    %dma_wait3A_2180 = arith.constant 0 : i32
    %dma_wait3A_2181 = arith.constant 0 : i32
    %dma_wait3A_2182 = tpu.memref_slice %arg8[%dma_wait3A_2170, %dma_wait3A_2171, %add3A, %dma_wait3A_2180, %dma_wait3A_2181] : memref<2x8x32x8x128xf32, #tpu.memory_space<hbm>> -> memref<1x1x1x8x128xf32, #tpu.memory_space<hbm>>
    %dma_wait3A_2183 = tpu.memref_squeeze %dma_wait3A_2182 : memref<1x1x1x8x128xf32, #tpu.memory_space<hbm>> -> memref<8x128xf32, #tpu.memory_space<hbm>>
    %dma_wait3A_2184 = arith.constant 24 : i32
    %dma_wait3A_2185 = arith.constant 0 : i32
    %dma_wait3A_2186 = tpu.memref_slice %arg13[%dma_wait3A_2169, %dma_wait3A_2184, %dma_wait3A_2185] : memref<2x64x128xf32, #tpu.memory_space<vmem>> -> memref<1x8x128xf32, #tpu.memory_space<vmem>>
    %dma_wait3A_2187 = tpu.memref_squeeze %dma_wait3A_2186 : memref<1x8x128xf32, #tpu.memory_space<vmem>> -> memref<8x128xf32, #tpu.memory_space<vmem>>
    tpu.wait_dma2 semaphore(%arg19 : memref<!tpu.dma_semaphore, #tpu.memory_space<semaphore_mem>>) src(%dma_wait3A_2187 : memref<8x128xf32, #tpu.memory_space<vmem>>) dst(%dma_wait3A_2183 : memref<8x128xf32, #tpu.memory_space<hbm>>)
    %dma_wait3A_2188 = arith.constant 1 : i32
    %dma_wait3A_2189 = arith.constant 1 : i32
    %dma_wait3A_2190 = arith.constant 4 : i32
    %dma_wait3A_2191 = arith.constant 32 : i32
    %dma_wait3A_2192 = arith.constant 0 : i32
    %dma_wait3A_2193 = tpu.memref_slice %arg13[%dma_wait3A_2188, %dma_wait3A_2191, %dma_wait3A_2192] : memref<2x64x128xf32, #tpu.memory_space<vmem>> -> memref<1x8x128xf32, #tpu.memory_space<vmem>>
    %dma_wait3A_2194 = tpu.memref_squeeze %dma_wait3A_2193 : memref<1x8x128xf32, #tpu.memory_space<vmem>> -> memref<8x128xf32, #tpu.memory_space<vmem>>
    %dma_wait3A_2195 = arith.constant 0 : i32
    %dma_wait3A_2196 = arith.constant 0 : i32
    %dma_wait3A_2197 = tpu.memref_slice %arg8[%dma_wait3A_2189, %dma_wait3A_2190, %add3A, %dma_wait3A_2195, %dma_wait3A_2196] : memref<2x8x32x8x128xf32, #tpu.memory_space<hbm>> -> memref<1x1x1x8x128xf32, #tpu.memory_space<hbm>>
    %dma_wait3A_2198 = tpu.memref_squeeze %dma_wait3A_2197 : memref<1x1x1x8x128xf32, #tpu.memory_space<hbm>> -> memref<8x128xf32, #tpu.memory_space<hbm>>
    %dma_wait3A_2199 = arith.constant 0 : i32
    %dma_wait3A_2200 = arith.constant 0 : i32
    %dma_wait3A_2201 = tpu.memref_slice %arg8[%dma_wait3A_2189, %dma_wait3A_2190, %add3A, %dma_wait3A_2199, %dma_wait3A_2200] : memref<2x8x32x8x128xf32, #tpu.memory_space<hbm>> -> memref<1x1x1x8x128xf32, #tpu.memory_space<hbm>>
    %dma_wait3A_2202 = tpu.memref_squeeze %dma_wait3A_2201 : memref<1x1x1x8x128xf32, #tpu.memory_space<hbm>> -> memref<8x128xf32, #tpu.memory_space<hbm>>
    %dma_wait3A_2203 = arith.constant 32 : i32
    %dma_wait3A_2204 = arith.constant 0 : i32
    %dma_wait3A_2205 = tpu.memref_slice %arg13[%dma_wait3A_2188, %dma_wait3A_2203, %dma_wait3A_2204] : memref<2x64x128xf32, #tpu.memory_space<vmem>> -> memref<1x8x128xf32, #tpu.memory_space<vmem>>
    %dma_wait3A_2206 = tpu.memref_squeeze %dma_wait3A_2205 : memref<1x8x128xf32, #tpu.memory_space<vmem>> -> memref<8x128xf32, #tpu.memory_space<vmem>>
    tpu.wait_dma2 semaphore(%arg19 : memref<!tpu.dma_semaphore, #tpu.memory_space<semaphore_mem>>) src(%dma_wait3A_2206 : memref<8x128xf32, #tpu.memory_space<vmem>>) dst(%dma_wait3A_2202 : memref<8x128xf32, #tpu.memory_space<hbm>>)
    %dma_wait3A_2207 = arith.constant 1 : i32
    %dma_wait3A_2208 = arith.constant 1 : i32
    %dma_wait3A_2209 = arith.constant 5 : i32
    %dma_wait3A_2210 = arith.constant 40 : i32
    %dma_wait3A_2211 = arith.constant 0 : i32
    %dma_wait3A_2212 = tpu.memref_slice %arg13[%dma_wait3A_2207, %dma_wait3A_2210, %dma_wait3A_2211] : memref<2x64x128xf32, #tpu.memory_space<vmem>> -> memref<1x8x128xf32, #tpu.memory_space<vmem>>
    %dma_wait3A_2213 = tpu.memref_squeeze %dma_wait3A_2212 : memref<1x8x128xf32, #tpu.memory_space<vmem>> -> memref<8x128xf32, #tpu.memory_space<vmem>>
    %dma_wait3A_2214 = arith.constant 0 : i32
    %dma_wait3A_2215 = arith.constant 0 : i32
    %dma_wait3A_2216 = tpu.memref_slice %arg8[%dma_wait3A_2208, %dma_wait3A_2209, %add3A, %dma_wait3A_2214, %dma_wait3A_2215] : memref<2x8x32x8x128xf32, #tpu.memory_space<hbm>> -> memref<1x1x1x8x128xf32, #tpu.memory_space<hbm>>
    %dma_wait3A_2217 = tpu.memref_squeeze %dma_wait3A_2216 : memref<1x1x1x8x128xf32, #tpu.memory_space<hbm>> -> memref<8x128xf32, #tpu.memory_space<hbm>>
    %dma_wait3A_2218 = arith.constant 0 : i32
    %dma_wait3A_2219 = arith.constant 0 : i32
    %dma_wait3A_2220 = tpu.memref_slice %arg8[%dma_wait3A_2208, %dma_wait3A_2209, %add3A, %dma_wait3A_2218, %dma_wait3A_2219] : memref<2x8x32x8x128xf32, #tpu.memory_space<hbm>> -> memref<1x1x1x8x128xf32, #tpu.memory_space<hbm>>
    %dma_wait3A_2221 = tpu.memref_squeeze %dma_wait3A_2220 : memref<1x1x1x8x128xf32, #tpu.memory_space<hbm>> -> memref<8x128xf32, #tpu.memory_space<hbm>>
    %dma_wait3A_2222 = arith.constant 40 : i32
    %dma_wait3A_2223 = arith.constant 0 : i32
    %dma_wait3A_2224 = tpu.memref_slice %arg13[%dma_wait3A_2207, %dma_wait3A_2222, %dma_wait3A_2223] : memref<2x64x128xf32, #tpu.memory_space<vmem>> -> memref<1x8x128xf32, #tpu.memory_space<vmem>>
    %dma_wait3A_2225 = tpu.memref_squeeze %dma_wait3A_2224 : memref<1x8x128xf32, #tpu.memory_space<vmem>> -> memref<8x128xf32, #tpu.memory_space<vmem>>
    tpu.wait_dma2 semaphore(%arg19 : memref<!tpu.dma_semaphore, #tpu.memory_space<semaphore_mem>>) src(%dma_wait3A_2225 : memref<8x128xf32, #tpu.memory_space<vmem>>) dst(%dma_wait3A_2221 : memref<8x128xf32, #tpu.memory_space<hbm>>)
    %dma_wait3A_2226 = arith.constant 1 : i32
    %dma_wait3A_2227 = arith.constant 1 : i32
    %dma_wait3A_2228 = arith.constant 6 : i32
    %dma_wait3A_2229 = arith.constant 48 : i32
    %dma_wait3A_2230 = arith.constant 0 : i32
    %dma_wait3A_2231 = tpu.memref_slice %arg13[%dma_wait3A_2226, %dma_wait3A_2229, %dma_wait3A_2230] : memref<2x64x128xf32, #tpu.memory_space<vmem>> -> memref<1x8x128xf32, #tpu.memory_space<vmem>>
    %dma_wait3A_2232 = tpu.memref_squeeze %dma_wait3A_2231 : memref<1x8x128xf32, #tpu.memory_space<vmem>> -> memref<8x128xf32, #tpu.memory_space<vmem>>
    %dma_wait3A_2233 = arith.constant 0 : i32
    %dma_wait3A_2234 = arith.constant 0 : i32
    %dma_wait3A_2235 = tpu.memref_slice %arg8[%dma_wait3A_2227, %dma_wait3A_2228, %add3A, %dma_wait3A_2233, %dma_wait3A_2234] : memref<2x8x32x8x128xf32, #tpu.memory_space<hbm>> -> memref<1x1x1x8x128xf32, #tpu.memory_space<hbm>>
    %dma_wait3A_2236 = tpu.memref_squeeze %dma_wait3A_2235 : memref<1x1x1x8x128xf32, #tpu.memory_space<hbm>> -> memref<8x128xf32, #tpu.memory_space<hbm>>
    %dma_wait3A_2237 = arith.constant 0 : i32
    %dma_wait3A_2238 = arith.constant 0 : i32
    %dma_wait3A_2239 = tpu.memref_slice %arg8[%dma_wait3A_2227, %dma_wait3A_2228, %add3A, %dma_wait3A_2237, %dma_wait3A_2238] : memref<2x8x32x8x128xf32, #tpu.memory_space<hbm>> -> memref<1x1x1x8x128xf32, #tpu.memory_space<hbm>>
    %dma_wait3A_2240 = tpu.memref_squeeze %dma_wait3A_2239 : memref<1x1x1x8x128xf32, #tpu.memory_space<hbm>> -> memref<8x128xf32, #tpu.memory_space<hbm>>
    %dma_wait3A_2241 = arith.constant 48 : i32
    %dma_wait3A_2242 = arith.constant 0 : i32
    %dma_wait3A_2243 = tpu.memref_slice %arg13[%dma_wait3A_2226, %dma_wait3A_2241, %dma_wait3A_2242] : memref<2x64x128xf32, #tpu.memory_space<vmem>> -> memref<1x8x128xf32, #tpu.memory_space<vmem>>
    %dma_wait3A_2244 = tpu.memref_squeeze %dma_wait3A_2243 : memref<1x8x128xf32, #tpu.memory_space<vmem>> -> memref<8x128xf32, #tpu.memory_space<vmem>>
    tpu.wait_dma2 semaphore(%arg19 : memref<!tpu.dma_semaphore, #tpu.memory_space<semaphore_mem>>) src(%dma_wait3A_2244 : memref<8x128xf32, #tpu.memory_space<vmem>>) dst(%dma_wait3A_2240 : memref<8x128xf32, #tpu.memory_space<hbm>>)
    %dma_wait3A_2245 = arith.constant 1 : i32
    %dma_wait3A_2246 = arith.constant 1 : i32
    %dma_wait3A_2247 = arith.constant 7 : i32
    %dma_wait3A_2248 = arith.constant 56 : i32
    %dma_wait3A_2249 = arith.constant 0 : i32
    %dma_wait3A_2250 = tpu.memref_slice %arg13[%dma_wait3A_2245, %dma_wait3A_2248, %dma_wait3A_2249] : memref<2x64x128xf32, #tpu.memory_space<vmem>> -> memref<1x8x128xf32, #tpu.memory_space<vmem>>
    %dma_wait3A_2251 = tpu.memref_squeeze %dma_wait3A_2250 : memref<1x8x128xf32, #tpu.memory_space<vmem>> -> memref<8x128xf32, #tpu.memory_space<vmem>>
    %dma_wait3A_2252 = arith.constant 0 : i32
    %dma_wait3A_2253 = arith.constant 0 : i32
    %dma_wait3A_2254 = tpu.memref_slice %arg8[%dma_wait3A_2246, %dma_wait3A_2247, %add3A, %dma_wait3A_2252, %dma_wait3A_2253] : memref<2x8x32x8x128xf32, #tpu.memory_space<hbm>> -> memref<1x1x1x8x128xf32, #tpu.memory_space<hbm>>
    %dma_wait3A_2255 = tpu.memref_squeeze %dma_wait3A_2254 : memref<1x1x1x8x128xf32, #tpu.memory_space<hbm>> -> memref<8x128xf32, #tpu.memory_space<hbm>>
    %dma_wait3A_2256 = arith.constant 0 : i32
    %dma_wait3A_2257 = arith.constant 0 : i32
    %dma_wait3A_2258 = tpu.memref_slice %arg8[%dma_wait3A_2246, %dma_wait3A_2247, %add3A, %dma_wait3A_2256, %dma_wait3A_2257] : memref<2x8x32x8x128xf32, #tpu.memory_space<hbm>> -> memref<1x1x1x8x128xf32, #tpu.memory_space<hbm>>
    %dma_wait3A_2259 = tpu.memref_squeeze %dma_wait3A_2258 : memref<1x1x1x8x128xf32, #tpu.memory_space<hbm>> -> memref<8x128xf32, #tpu.memory_space<hbm>>
    %dma_wait3A_2260 = arith.constant 56 : i32
    %dma_wait3A_2261 = arith.constant 0 : i32
    %dma_wait3A_2262 = tpu.memref_slice %arg13[%dma_wait3A_2245, %dma_wait3A_2260, %dma_wait3A_2261] : memref<2x64x128xf32, #tpu.memory_space<vmem>> -> memref<1x8x128xf32, #tpu.memory_space<vmem>>
    %dma_wait3A_2263 = tpu.memref_squeeze %dma_wait3A_2262 : memref<1x8x128xf32, #tpu.memory_space<vmem>> -> memref<8x128xf32, #tpu.memory_space<vmem>>
    tpu.wait_dma2 semaphore(%arg19 : memref<!tpu.dma_semaphore, #tpu.memory_space<semaphore_mem>>) src(%dma_wait3A_2263 : memref<8x128xf32, #tpu.memory_space<vmem>>) dst(%dma_wait3A_2259 : memref<8x128xf32, #tpu.memory_space<hbm>>)
    %dma_wait3A_2264 = arith.constant 0 : i32
    %dma_wait3A_2265 = tpu.memref_slice %arg9[%mul3A_1955, %dma_wait3A_2264] : memref<64x128xf32, #tpu.memory_space<hbm>> -> memref<2x128xf32, #tpu.memory_space<hbm>>
    %dma_wait3A_2266 = arith.constant 0 : i32
    %dma_wait3A_2267 = tpu.memref_slice %arg9[%mul3A_1955, %dma_wait3A_2266] : memref<64x128xf32, #tpu.memory_space<hbm>> -> memref<2x128xf32, #tpu.memory_space<hbm>>
    tpu.wait_dma2 semaphore(%arg19 : memref<!tpu.dma_semaphore, #tpu.memory_space<semaphore_mem>>) src(%arg16 : memref<2x128xf32, #tpu.memory_space<vmem>>) dst(%dma_wait3A_2267 : memref<2x128xf32, #tpu.memory_space<hbm>>)
    return
  }
}

</mosaic_0001>

<sc_bundles>
// kernel: kernel.3.cloned.1.call-start
scs
__scs_entry_jumppad:
0x0: {  	(pc) =	sbr.rel $0x88, $3  }
0x1: {  	(tag) =	ssettag $0x0;
	lr =	simm.s32 $0x1  }
0x2: {  	[smem:$0x3F9B] =	sst lr;
	_ =	strace $0xD0000000  }
0x3: {  	_ = 	snop  }
0x4: {  	_ = 	snop  }
0x5: {  	_ = 	snop  }
0x6: {  	_ = 	snop  }
0x7: {  	_ = 	snop  }
__scs_overlays_trampoline_lowered:
0x8: {  	[smem:$0x3FAA] =	sst s0  }
0x9: {  	[smem:$0x3FAB] =	sst s1  }
0xa: {  	[smem:$0x3FAC] =	sst s2  }
0xb: {  	[smem:$0x3FAD] =	sst s3  }
0xc: {  	[smem:$0x3FAE] =	sst s4  }
0xd: {  	[smem:$0x3FAF] =	sst s5  }
0xe: {  	[smem:$0x3FB0] =	sst s6  }
0xf: {  	[smem:$0x3FB1] =	sst s7  }
0x10: {  	[smem:$0x3FB2] =	sst s8  }
0x11: {  	[smem:$0x3FB3] =	sst s9;
	s0 =	simm.s32 @!p0 $0x0  }
0x12: {  	s1 =	sld [smem:$0x3F99];
	s0 =	simm.s32 @p0 $0x1  }
0x13: {  	[smem:$0x3FB4] =	sst s0;
	s0 =	simm.s32 @!p1 $0x0  }
0x14: {  	s2 =	sld [smem:$0x3F98];
	s0 =	simm.s32 @p1 $0x1  }
0x15: {  	[smem:$0x3FB5] =	sst s0;
	s0 =	simm.s32 @!p2 $0x0  }
0x16: {  	s3 =	sld [smem:$0x3FDB];
	s0 =	simm.s32 @p2 $0x1  }
0x17: {  	s4 =	simm.s32 $0x1BF5;
	[smem:$0x3FB7] =	sst s0  }
0x18: {  	s0 =	sld [smem:$0x3F9A];
	_ =	swait.ge [sflag:s4], $0x0  }
0x19: {  	s7 =	sld [smem:$0x3F9B]  }
0x1a: {  	s8 =	sadd.s32 $0xFFFFE003, lr  }
0x1b: {  	s9 =	sadd.s32 $0xFFFFFEF7, lr;
	s5 =	simm.s32 $0xFFFFFFFF;
	p2 =	slt.u32 s8, $0xFFFFF086  }
0x1c: {  	p1 =	slt.u32 s9, $0xF7A;
	s5 =	simm.s32 @!p2 $0x0  }
0x1d: {  	s5 =	simm.s32 @p1 $0x1;
	p0 =	seq.s32 s7, s2  }
0x1e: {  	s7 =	smul.u32 @!p0 $0xF7A, s2;
	p2 =	seq.s32 @!p0 s5, $0x0  }
0x1f: {  	s9 =	smul.u32 $0xF7A, s1;
	s8 =	simm.s32 @!p0 $0x1BF5;
	p2 =	por !p2, p0  }
0x20: {  	[sflag:s8] =	ssyncset.s32 @!p0 $0xFFFFF086;
	s6 =	sadd.s32 @!p0 s3, s7;
	s7 =	simm.s32 @!p0 $0x108  }
0x21: {  	s3 =	sadd.s32 s3, s9;
	s6 =	sadd.s32 @!p0 $0x88, s6;
	s7 =	simm.s32 @p2 $0x1082  }
0x22: {  	[simem:s7], [sflag:s8] =	dma.local @!p0 [hbm:s6], $0xF7A  }
0x23: {  	s9 =	sor.u32 $0xD0000000, s2;
	s6 =	simm.s32 $0x108;
	_ =	swait.ge @!p0 [sflag:s8], $0x0  }
0x24: {  	s3 =	sadd.s32 $0x88, s3;
	s6 =	simm.s32 @!p1 $0x1082;
	[sflag:s4] =	ssyncset.s32 $0xFFFFF086  }
0x25: {  	[simem:s6], [sflag:s4] =	dma.local [hbm:s3], $0xF7A  }
0x26: {  	[smem:$0x3F9B] =	sst s1;
	(tag) =	ssettag s2;
	_ =	strace s9  }
0x27: {  	s1 =	sld [smem:$0x3FAB]  }
0x28: {  	s2 =	sld [smem:$0x3FAC]  }
0x29: {  	s4 =	sld [smem:$0x3FAE]  }
0x2a: {  	p0 =	seq.s32 s5, $0x0;
	s5 =	sld [smem:$0x3FAF]  }
0x2b: {  	s6 =	sld [smem:$0x3FB0]  }
0x2c: {  	s7 =	sld [smem:$0x3FB1]  }
0x2d: {  	s3 =	simm.s32 $0x108;
	s8 =	sld [smem:$0x3FB2]  }
0x2e: {  	s3 =	simm.s32 @!p0 $0x1082;
	s9 =	sld [smem:$0x3FB3]  }
0x2f: {  	lr =	sadd.s32 s0, s3;
	s0 =	sld [smem:$0x3FAA]  }
0x30: {  	s3 =	sld [smem:$0x3FAD]  }
0x31: {  	[smem:$0x3FB6] =	sst s10  }
0x32: {  	s10 =	sld [smem:$0x3FB4];
	_ =	sdelay $0x3  }
0x33: {  	p0 =	seq.s32 s10, $0x1;
	s10 =	sld [smem:$0x3FB6];
	_ =	sdelay $0x3  }
0x34: {  	[smem:$0x3FB6] =	sst s10  }
0x35: {  	s10 =	sld [smem:$0x3FB5];
	_ =	sdelay $0x3  }
0x36: {  	p1 =	seq.s32 s10, $0x1;
	s10 =	sld [smem:$0x3FB6];
	_ =	sdelay $0x3  }
0x37: {  	[smem:$0x3FB6] =	sst s10  }
0x38: {  	s10 =	sld [smem:$0x3FB7]  }
0x39: {  	_ = 	snop;
	(pc) =	sbr.ind lr, $3  }
0x3a: {  	_ = 	snop  }
0x3b: {  	_ = 	snop  }
0x3c: {  	p2 =	seq.s32 s10, $0x1;
	s10 =	sld [smem:$0x3FB6]  }
0x3d: {  	_ =	shalt  }
0x3e: {  	_ =	shalt  }
0x3f: {  	_ =	shalt  }
0x40: {  	_ =	shalt  }
0x41: {  	_ =	shalt  }
0x42: {  	_ =	shalt  }
0x43: {  	_ =	shalt  }
0x44: {  	_ =	shalt  }
0x45: {  	_ =	shalt  }
0x46: {  	_ =	shalt  }
0x47: {  	_ =	shalt  }
0x48: {  	_ =	shalt  }
0x49: {  	_ =	shalt  }
0x4a: {  	_ =	shalt  }
0x4b: {  	_ =	shalt  }
0x4c: {  	_ =	shalt  }
0x4d: {  	_ =	shalt  }
0x4e: {  	_ =	shalt  }
0x4f: {  	_ =	shalt  }
0x50: {  	_ =	shalt  }
0x51: {  	_ =	shalt  }
0x52: {  	_ =	shalt  }
0x53: {  	_ =	shalt  }
0x54: {  	_ =	shalt  }
0x55: {  	_ =	shalt  }
0x56: {  	_ =	shalt  }
0x57: {  	_ =	shalt  }
0x58: {  	_ =	shalt  }
0x59: {  	_ =	shalt  }
0x5a: {  	_ =	shalt  }
0x5b: {  	_ =	shalt  }
0x5c: {  	_ =	shalt  }
0x5d: {  	_ =	shalt  }
0x5e: {  	_ =	shalt  }
0x5f: {  	_ =	shalt  }
0x60: {  	_ =	shalt  }
0x61: {  	_ =	shalt  }
0x62: {  	_ =	shalt  }
0x63: {  	_ =	shalt  }
0x64: {  	_ =	shalt  }
0x65: {  	_ =	shalt  }
0x66: {  	_ =	shalt  }
0x67: {  	_ =	shalt  }
0x68: {  	_ =	shalt  }
0x69: {  	_ =	shalt  }
0x6a: {  	_ =	shalt  }
0x6b: {  	_ =	shalt  }
0x6c: {  	_ =	shalt  }
0x6d: {  	_ =	shalt  }
0x6e: {  	_ =	shalt  }
0x6f: {  	_ =	shalt  }
0x70: {  	_ =	shalt  }
0x71: {  	_ =	shalt  }
0x72: {  	_ =	shalt  }
0x73: {  	_ =	shalt  }
0x74: {  	_ =	shalt  }
0x75: {  	_ =	shalt  }
0x76: {  	_ =	shalt  }
0x77: {  	_ =	shalt  }
0x78: {  	_ =	shalt  }
0x79: {  	_ =	shalt  }
0x7a: {  	_ =	shalt  }
0x7b: {  	_ =	shalt  }
0x7c: {  	_ =	shalt  }
0x7d: {  	_ =	shalt  }
0x7e: {  	_ =	shalt  }
0x7f: {  	_ =	shalt  }
0x80: {  	_ =	shalt  }
0x81: {  	_ =	shalt  }
0x82: {  	_ =	shalt  }
0x83: {  	_ =	shalt  }
0x84: {  	_ =	shalt  }
0x85: {  	_ =	shalt  }
0x86: {  	_ =	shalt  }
0x87: {  	_ =	shalt  }
.Lfunc_end0:
.L_simem_size_0:
called_computation_lowered:
.L_overlay_start_0:
0x88: {  	s2 =	sld [smem:$0x3FD9]  }
0x89: {  	s3 =	sld [smem:$0x3FFE];
	_ =	sdelay $0x1  }
0x8a: {  	s1 =	srdreg.scid  }
0x8b: {  	s0 =	sand.u32 $0x1, s1  }
0x8c: {  	s14 =	sshll.u32 s0, $0xA;
	s2 =	sadd.s32 s3, s2  }
0x8d: {  	s2 =	sadd.s32 s2, s14  }
0x8e: {  	[smem:$0x3FC2] =	sst s2  }
0x8f: {  	_ = 	snop  }
0x90: {  	s2 =	sld [smem:$0x3FC9]  }
0x91: {  	s15 =	sld [smem:$0x3FC8]  }
0x92: {  	s4 =	sld [smem:$0x3FD0]  }
0x93: {  	s5 =	sld [smem:$0x3FC7]  }
0x94: {  	s6 =	sld [smem:$0x3FC5]  }
0x95: {  	s8 =	simm.s32 $0xA;
	s9 =	simm.s32 $0x10;
	s7 =	sld [smem:$0x3FC4]  }
0x96: {  	[smem:s9], [sflag:s8] =	dma.local [hbm:s4], $0x1  }
0x97: {  	_ =	swait.eq [sflag:s8], $0x1  }
0x98: {  	[sflag:s8] =	ssyncset.done $0x0  }
0x99: {  	s16 =	sld [smem:$0x10];
	[sflag:s8] =	ssyncadd.s32 $0xFFFFFFFF  }
0x9a: {  	s17 =	sld [smem:$0x11];
	(tm) =	ssettm $0x1  }
0x9b: {  	s18 =	sld [smem:$0x3FFB];
	_ =	sdelay $0x3  }
0x9c: {  	_ =	strace s18  }
0x9d: {  	s9 =	sld [smem:$0x3FFC];
	_ =	sdelay $0x3  }
0x9e: {  	_ =	strace s9  }
0x9f: {  	s9 =	sld [smem:$0x3FFD];
	_ =	sdelay $0x3  }
0xa0: {  	_ =	strace s9  }
0xa1: {  	_ =	strace $0x8FFFFFFF  }
0xa2: {  	s19 =	sld [smem:$0x3FDB];
	_ =	sdelay $0x1  }
0xa3: {  	s10 =	simm.s32 $_scs_section_size  }
0xa4: {  	s11 =	simm.s32 $_size__tile_overlayer_lowered;
	s12 =	simm.s32 $_tile_overlayer_lowered  }
0xa5: {  	s22 =	simm.s32 $0x1BFF;
	s21 =	sshll.u32 s12, $0x1;
	s9 =	sadd.s32 s10, s19  }
0xa6: {  	s13 =	simm.s32 $0x0;
	s20 =	sshll.u32 s11, $0x1;
	s11 =	sadd.s32 s21, s9  }
0xa7: {  	[timem:s13], [sflag:s22] =	dma.local [hbm:s11], s20  }
0xa8: {  	_ =	swait.ge [sflag:s22], s20  }
0xa9: {  	s10 =	ssub.s32 $0x0, s20;
	[sflag:s22] =	ssyncset.done $0x0  }
0xaa: {  	[sflag:s22] =	ssyncadd.s32 s10;
	_ =	sdelay $0x1  }
0xab: {  	s23 =	simm.s32 $0x1B8B  }
0xac: {  	_ =	swait.ge [sflag:s23], $0x1  }
0xad: {  	[sflag:s23] =	ssyncset.done $0x0  }
0xae: {  	s25 =	simm.s32 $0x1B8E;
	s24 =	sld [smem:$0x3FFE];
	[sflag:s23] =	ssyncadd.s32 $0xFFFFFFFF  }
0xaf: {  	s26 =	simm.s32 $execute0_lowered;
	[smem:$0x3FD2] =	sst s25  }
0xb0: {  	s11 =	sshll.u32 s26, $0x1;
	_ =	strace $0x80000046;
	[dreg:$0x1] =	wrdreg $0xFFFFFFFF  }
0xb1: {  	s28 =	simm.s32 $_size_execute0_lowered;
	s9 =	sadd.s32 s9, s11;
	[dreg:$0x0] =	wrdreg $0x0  }
0xb2: {  	s11 =	sshll.u32 s28, $0x1;
	[dreg:$0x2] =	wrdreg s9  }
0xb3: {  	[dreg:$0x3] =	wrdreg s11  }
0xb4: {  	[dreg:$0x4] =	wrdreg $0xC0  }
0xb5: {  	_ =	task [dreg:s13], $0x5FFFF  }
0xb6: {  	[dreg:$0x1] =	wrdreg $0xFFFFFFFF  }
0xb7: {  	[dreg:$0x0] =	wrdreg $0x60  }
0xb8: {  	[dreg:$0x2] =	wrdreg s2  }
0xb9: {  	[dreg:$0x3] =	wrdreg s15  }
0xba: {  	[dreg:$0x4] =	wrdreg s5  }
0xbb: {  	[dreg:$0x5] =	wrdreg s24  }
0xbc: {  	[dreg:$0x6] =	wrdreg s6  }
0xbd: {  	[dreg:$0x7] =	wrdreg s7  }
0xbe: {  	[dreg:$0x8] =	wrdreg s16  }
0xbf: {  	[dreg:$0x9] =	wrdreg s17  }
0xc0: {  	[dreg:$0xa] =	wrdreg $0x9  }
0xc1: {  	_ =	task.clear_ibuf [dreg:s13], $0xBFFFF;
	_ =	strace $0x90000046  }
0xc2: {  	s29 =	simm.s32 $0x9;
	_ =	strace $0x80000048  }
0xc3: {  	_ =	swait.ge [sflag:s29], $0x1  }
0xc4: {  	[sflag:s29] =	ssyncadd.s32 $0xFFFFFFFF  }
0xc5: {  	_ =	strace $0x90000048  }
0xc6: {  	_ =	sfence  }
0xc7: {  	s30 =	sld [smem:$0x0];
	_ =	sdelay $0x2  }
0xc8: {  	s31 =	sshll.u32 s1, $0xD;
	s1 =	sshrl.u32 s1, $0x2  }
0xc9: {  	s3 =	sand.u32 $0x4000, s31;
	s1 =	sadd.s32 s1, s30  }
0xca: {  	s0 =	sor.u32 s3, s0;
	s1 =	sshll.u32 s1, $0x11  }
0xcb: {  	s0 =	sor.u32 s1, s0  }
0xcc: {  	s0 =	sadd.s32 $0x8F2B, s0  }
0xcd: {  	[sflag:s0] =	ssyncadd.remote.s32 $0x1  }
0xce: {  	_ =	sfence.sel $0xFFFF  }
0xcf: {  	[dreg:$0x0] =	wrdreg $0xFFFFFFFF;
	(pc) =	sbr.abs _section_cstart, $3  }
0xd0: {  	[dreg:$0x1] =	wrdreg $0xFFFFFFFF  }
0xd1: {  	_ =	task.clear_ibuf [dreg:s13], $0x2FFFF;
	_ =	strace $0x9FFFFFFF  }
0xd2: {  	(tm) =	ssettm $0x7FFFFFFF  }
0xd3: {  	_ =	shalt  }
tec
execute0_lowered:
.L_overlay_start_1:
0x0: {  	(tag) =	ssettag $0x1  }
0x1: {  	s6 =	rddreg [dreg:$0x0]  }
0x2: {  	s3 =	rddreg [dreg:$0x1]  }
0x3: {  	s0 =	srdreg.scid;
	s2 =	stileid.u32  }
0x4: {  	s14 =	rddreg [dreg:$0x4];
	s0 =	sand.u32 $0x1, s0;
	s2 =	sshll.u32 s2, $0x1  }
0x5: {  	s5 =	rddreg [dreg:$0x5];
	s1 =	simm.s32 $0x0;
	s2 =	sor.u32 s0, s2  }
0x6: {  	[smem:$0x7FF] =	sst s1;
	s15 =	sshll.u32 s2, $0x4  }
0x7: {  	s7 =	ssub.s32 $0x2, s0;
	s4 =	sshll.u32 s2, $0x7;
	s5 =	sadd.s32 s5, s15  }
0x8: {  	s12 =	sshrl.u32 s7, $0x1;
	s13 =	sadd.s32 s6, s4;
	[dreg:$0x9] =	wrdreg s5  }
0x9: {  	s0 =	ssub.s32 s7, s12;
	s14 =	sadd.s32 s14, s15;
	[dreg:$0xa] =	wrdreg s13  }
0xa: {  	s7 =	sor.u32 $0x2000, s4;
	s23 =	sadd.s32 s3, s4;
	[dreg:$0x12] =	wrdreg s14  }
0xb: {  	s9 =	sor.u32 $0x4000, s4;
	s8 =	sadd.s32 s6, s7;
	[dreg:$0x1b] =	wrdreg s23  }
0xc: {  	s12 =	sor.u32 $0x7000, s4;
	s17 =	sadd.s32 s6, s9;
	[dreg:$0xc] =	wrdreg s8  }
0xd: {  	s15 =	sor.u32 $0xB000, s4;
	s18 =	sadd.s32 s6, s12;
	[dreg:$0xe] =	wrdreg s17  }
0xe: {  	s21 =	sadd.s32 s6, s15;
	[dreg:$0x11] =	wrdreg s18  }
0xf: {  	s5 =	sor.u32 $0x1000, s4;
	s25 =	sadd.s32 s3, s7;
	[dreg:$0x16] =	wrdreg s21  }
0x10: {  	s14 =	sor.u32 $0x9000, s4;
	s16 =	sadd.s32 s6, s5;
	[dreg:$0x1d] =	wrdreg s25  }
0x11: {  	s20 =	sadd.s32 s6, s14;
	[dreg:$0xb] =	wrdreg s16  }
0x12: {  	s24 =	sadd.s32 s3, s5;
	[dreg:$0x14] =	wrdreg s20  }
0x13: {  	s8 =	sor.u32 $0x3000, s4;
	s21 =	sadd.s32 s3, s9;
	[dreg:$0x1c] =	wrdreg s24  }
0x14: {  	v2 =	vlaneseq.u32;
	vm0 =	vmmov $0xff;
	v3 =	vimm.s32 $0xB80;
	s10 =	sadd.s32 s6, s8;
	[dreg:$0x1f] =	wrdreg s21  }
0x15: {  	vm6 =	vcmask $0x300;
	v4 =	vimm.s32 $0x1B80;
	vm7 =	vcmask $0x704;
	s26 =	sadd.s32 s3, s8;
	[dreg:$0xd] =	wrdreg s10  }
0x16: {  	vm8 =	vcmask $0xB08;
	vm9 =	vcmask $0xF0C;
	vm10 =	vcmask $0x1310;
	s16 =	sor.u32 $0xA000, s4;
	s24 =	sadd.s32 s3, s12;
	[dreg:$0x1e] =	wrdreg s26  }
0x17: {  	vm11 =	vcmask $0x1714;
	vm12 =	vcmask $0x1B18;
	vm13 =	vcmask $0x1F1C;
	s17 =	sadd.s32 s6, s16;
	[smem:$0x7E4] =	sst s24  }
0x18: {  	vm14 =	vcmask $0x2320;
	vm15 =	vcmask $0x2724;
	vm5 =	vcmask $0x2B28;
	s26 =	sadd.s32 s3, s14;
	[dreg:$0x15] =	wrdreg s17  }
0x19: {  	vm1 =	vcmask $0x2F2C;
	vm2 =	vcmask $0x3330;
	vm3 =	vcmask $0x3734;
	s10 =	sor.u32 $0x5000, s4;
	s21 =	sadd.s32 s3, s16;
	[smem:$0x7E6] =	sst s26  }
0x1a: {  	vm4 =	vcmask $0x3B38;
	v6 =	vimm.s32 $0x2B80;
	v7 =	vimm.s32 $0x3B80;
	s11 =	sadd.s32 s6, s10;
	s17 =	sor.u32 $0xC000, s4;
	[smem:$0x7E7] =	sst s21  }
0x1b: {  	v8 =	vimm.s32 $0x4B80;
	v9 =	vimm.s32 $0x5B80;
	v10 =	vimm.s32 $0x6B80;
	[dreg:$0xf] =	wrdreg s11;
	s11 =	sor.u32 $0x6000, s4;
	s18 =	sadd.s32 s6, s17  }
0x1c: {  	v11 =	vimm.s32 $0x7B80;
	v0 =	vand.u32 $0x7, v2;
	v1 =	vshrl.u32 v2, $0x3;
	s13 =	sadd.s32 s6, s11;
	[dreg:$0x17] =	wrdreg s18  }
0x1d: {  	v2 =	vor.u32 $0x8, v2;
	v3 =	vsel vm6, $0x0, v3;
	v4 =	vsel vm6, $0x1000, v4;
	s18 =	sor.u32 $0xD000, s4;
	s23 =	sadd.s32 s3, s11;
	[dreg:$0x10] =	wrdreg s13  }
0x1e: {  	v6 =	vsel vm6, $0x2000, v6;
	v7 =	vsel vm6, $0x3000, v7;
	v8 =	vsel vm6, $0x4000, v8;
	s20 =	sadd.s32 s6, s18;
	[smem:$0x7E3] =	sst s23  }
0x1f: {  	v9 =	vsel vm6, $0x5000, v9;
	v10 =	vsel vm6, $0x6000, v10;
	v11 =	vsel vm6, $0x7000, v11;
	s23 =	sadd.s32 s3, s17;
	[dreg:$0x18] =	wrdreg s20  }
0x20: {  	v1 =	vmul.u32 $0x8, v1;
	v3 =	vsel vm7, $0x80, v3;
	v4 =	vsel vm7, $0x1080, v4;
	s13 =	sor.u32 $0x8000, s4;
	s24 =	sadd.s32 s3, s18;
	[smem:$0x7E9] =	sst s23  }
0x21: {  	v6 =	vsel vm7, $0x2080, v6;
	v7 =	vsel vm7, $0x3080, v7;
	v8 =	vsel vm7, $0x4080, v8;
	s19 =	sadd.s32 s6, s13;
	[smem:$0x7EA] =	sst s24  }
0x22: {  	v9 =	vsel vm7, $0x5080, v9;
	v10 =	vsel vm7, $0x6080, v10;
	v11 =	vsel vm7, $0x7080, v11;
	s25 =	sadd.s32 s3, s13;
	[dreg:$0x13] =	wrdreg s19;
	s19 =	sor.u32 $0xE000, s4  }
0x23: {  	v3 =	vsel vm8, $0x100, v3;
	v4 =	vsel vm8, $0x1100, v4;
	v6 =	vsel vm8, $0x2100, v6;
	s20 =	sor.u32 $0xF000, s4;
	[smem:$0x7E5] =	sst s25;
	s22 =	sadd.s32 s6, s19  }
0x24: {  	v7 =	vsel vm8, $0x3100, v7;
	v8 =	vsel vm8, $0x4100, v8;
	v9 =	vsel vm8, $0x5100, v9;
	s6 =	sadd.s32 s6, s20;
	[dreg:$0x19] =	wrdreg s22  }
0x25: {  	v10 =	vsel vm8, $0x6100, v10;
	v11 =	vsel vm8, $0x7100, v11;
	v3 =	vsel vm9, $0x180, v3;
	s25 =	sadd.s32 s3, s19;
	[dreg:$0x1a] =	wrdreg s6  }
0x26: {  	v4 =	vsel vm9, $0x1180, v4;
	v6 =	vsel vm9, $0x2180, v6;
	v7 =	vsel vm9, $0x3180, v7;
	[smem:$0x7EB] =	sst s25  }
0x27: {  	v8 =	vsel vm9, $0x4180, v8;
	v9 =	vsel vm9, $0x5180, v9;
	v10 =	vsel vm9, $0x6180, v10;
	s22 =	sadd.s32 s3, s10;
	s25 =	rddreg [dreg:$0x7]  }
0x28: {  	v11 =	vsel vm9, $0x7180, v11;
	v3 =	vsel vm10, $0x200, v3;
	v4 =	vsel vm10, $0x1200, v4;
	[smem:$0x7E2] =	sst s22;
	s22 =	sadd.s32 s3, s15  }
0x29: {  	v6 =	vsel vm10, $0x2200, v6;
	v7 =	vsel vm10, $0x3200, v7;
	v8 =	vsel vm10, $0x4200, v8;
	s3 =	sadd.s32 s3, s20;
	[smem:$0x7E8] =	sst s22  }
0x2a: {  	v9 =	vsel vm10, $0x5200, v9;
	v10 =	vsel vm10, $0x6200, v10;
	v11 =	vsel vm10, $0x7200, v11;
	[smem:$0x7EC] =	sst s3  }
0x2b: {  	v3 =	vsel vm11, $0x280, v3;
	v4 =	vsel vm11, $0x1280, v4;
	v6 =	vsel vm11, $0x2280, v6;
	s3 =	rddreg [dreg:$0x6]  }
0x2c: {  	v7 =	vsel vm11, $0x3280, v7;
	v8 =	vsel vm11, $0x4280, v8;
	v9 =	vsel vm11, $0x5280, v9;
	s22 =	rddreg [dreg:$0x3]  }
0x2d: {  	v10 =	vsel vm11, $0x6280, v10;
	v11 =	vsel vm11, $0x7280, v11;
	v3 =	vsel vm12, $0x300, v3;
	s4 =	sadd.s32 s3, s4;
	s6 =	sadd.s32 s3, s8;
	s8 =	sadd.s32 s3, s10  }
0x2e: {  	v4 =	vsel vm12, $0x1300, v4;
	v6 =	vsel vm12, $0x2300, v6;
	v7 =	vsel vm12, $0x3300, v7;
	s10 =	sadd.s32 s3, s12;
	s12 =	sadd.s32 s3, s14;
	s14 =	rddreg [dreg:$0x2]  }
0x2f: {  	v8 =	vsel vm12, $0x4300, v8;
	v9 =	vsel vm12, $0x5300, v9;
	v10 =	vsel vm12, $0x6300, v10;
	s26 =	sadd.s32 s3, s5;
	[smem:$0x7ED] =	sst s4  }
0x30: {  	v11 =	vsel vm12, $0x7300, v11;
	v3 =	vsel vm13, $0x380, v3;
	v4 =	vsel vm13, $0x1380, v4;
	s5 =	sadd.s32 s3, s7;
	[smem:$0x7EE] =	sst s26  }
0x31: {  	v6 =	vsel vm13, $0x2380, v6;
	v7 =	vsel vm13, $0x3380, v7;
	v8 =	vsel vm13, $0x4380, v8;
	[smem:$0x7EF] =	sst s5  }
0x32: {  	v9 =	vsel vm13, $0x5380, v9;
	v10 =	vsel vm13, $0x6380, v10;
	v11 =	vsel vm13, $0x7380, v11;
	s7 =	sadd.s32 s3, s9;
	[smem:$0x7F0] =	sst s6  }
0x33: {  	v3 =	vsel vm14, $0x800, v3;
	v4 =	vsel vm14, $0x1800, v4;
	v6 =	vsel vm14, $0x2800, v6;
	[smem:$0x7F1] =	sst s7  }
0x34: {  	v7 =	vsel vm14, $0x3800, v7;
	v8 =	vsel vm14, $0x4800, v8;
	v9 =	vsel vm14, $0x5800, v9;
	s9 =	sadd.s32 s3, s11;
	[smem:$0x7F2] =	sst s8  }
0x35: {  	v10 =	vsel vm14, $0x6800, v10;
	v11 =	vsel vm14, $0x7800, v11;
	v3 =	vsel vm15, $0x880, v3;
	[smem:$0x7F3] =	sst s9  }
0x36: {  	v4 =	vsel vm15, $0x1880, v4;
	v6 =	vsel vm15, $0x2880, v6;
	v7 =	vsel vm15, $0x3880, v7;
	s11 =	sadd.s32 s3, s13;
	[smem:$0x7F4] =	sst s10  }
0x37: {  	v8 =	vsel vm15, $0x4880, v8;
	v9 =	vsel vm15, $0x5880, v9;
	v10 =	vsel vm15, $0x6880, v10;
	[smem:$0x7F5] =	sst s11  }
0x38: {  	s28 =	simm.s32 $0x80;
	v11 =	vsel vm15, $0x7880, v11;
	v3 =	vsel vm5, $0x900, v3;
	v4 =	vsel vm5, $0x1900, v4;
	s13 =	sadd.s32 s3, s16;
	[smem:$0x7F6] =	sst s12  }
0x39: {  	s29 =	simm.s32 $0xC080;
	v6 =	vsel vm5, $0x2900, v6;
	v7 =	vsel vm5, $0x3900, v7;
	v8 =	vsel vm5, $0x4900, v8;
	s16 =	sadd.s32 s3, s15;
	[smem:$0x7F7] =	sst s13  }
0x3a: {  	s30 =	simm.s32 $0xC480;
	v9 =	vsel vm5, $0x5900, v9;
	v10 =	vsel vm5, $0x6900, v10;
	v11 =	vsel vm5, $0x7900, v11;
	s21 =	sadd.s32 s3, s17;
	[smem:$0x7F8] =	sst s16  }
0x3b: {  	s31 =	simm.s32 $0xC880;
	v3 =	vsel vm1, $0x980, v3;
	v4 =	vsel vm1, $0x1980, v4;
	v6 =	vsel vm1, $0x2980, v6;
	s23 =	sadd.s32 s3, s18;
	[smem:$0x7F9] =	sst s21  }
0x3c: {  	s2 =	sshll.u32 s2, $0x5;
	v7 =	vsel vm1, $0x3980, v7;
	v8 =	vsel vm1, $0x4980, v8;
	v9 =	vsel vm1, $0x5980, v9;
	s24 =	sadd.s32 s3, s19;
	[smem:$0x7FA] =	sst s23  }
0x3d: {  	v10 =	vsel vm1, $0x6980, v10;
	v11 =	vsel vm1, $0x7980, v11;
	v3 =	vsel vm2, $0xA00, v3;
	s3 =	sadd.s32 s3, s20;
	s15 =	simm.s32 $0xE080;
	[smem:$0x7FB] =	sst s24  }
0x3e: {  	v4 =	vsel vm2, $0x1A00, v4;
	v6 =	vsel vm2, $0x2A00, v6;
	v7 =	vsel vm2, $0x3A00, v7;
	s17 =	simm.s32 $0x0;
	[smem:$0x7FC] =	sst s3;
	s26 =	sadd.s32 s14, s2  }
0x3f: {  	v8 =	vsel vm2, $0x4A00, v8;
	v9 =	vsel vm2, $0x5A00, v9;
	v10 =	vsel vm2, $0x6A00, v10;
	s23 =	sadd.s32 s25, s2;
	s24 =	sadd.s32 $0x187200, s22;
	s25 =	smax.u32 s0, $0x1  }
0x40: {  	v11 =	vsel vm2, $0x7A00, v11;
	v3 =	vsel vm3, $0xA80, v3;
	v5 =	vsel vm3, $0x1A80, v4;
	s0 =	simm.s32 $0xCC80;
	s2 =	simm.s32 $0xD080;
	s3 =	simm.s32 $0xD480  }
0x41: {  	v4 =	vimm.s32 $0x0;
	v6 =	vsel vm3, $0x2A80, v6;
	v7 =	vsel vm3, $0x3A80, v7;
	s4 =	simm.s32 $0xD880;
	s5 =	simm.s32 $0xDC80;
	s6 =	simm.s32 $0xE480  }
0x42: {  	v8 =	vsel vm3, $0x4A80, v8;
	v9 =	vsel vm3, $0x5A80, v9;
	v10 =	vsel vm3, $0x6A80, v10;
	s7 =	simm.s32 $0xE880;
	s8 =	simm.s32 $0xEC80;
	s9 =	simm.s32 $0xF080  }
0x43: {  	v11 =	vsel vm3, $0x7A80, v11;
	v3 =	vsel vm4, $0xB00, v3;
	v5 =	vsel vm4, $0x1B00, v5;
	s10 =	simm.s32 $0xF480;
	s11 =	simm.s32 $0xF880;
	s12 =	simm.s32 $0xFC80  }
0x44: {  	v6 =	vsel vm4, $0x2B00, v6;
	v7 =	vsel vm4, $0x3B00, v7;
	v8 =	vsel vm4, $0x4B00, v8;
	s13 =	simm.s32 $0x2;
	s14 =	simm.s32 $0x1;
	[smem:$0x7FD] =	sst s26  }
0x45: {  	v9 =	vsel vm4, $0x5B00, v9;
	v10 =	vsel vm4, $0x6B00, v10;
	v11 =	vsel vm4, $0x7B00, v11;
	s16 =	simm.s32 $0x3;
	s26 =	simm.s32 $0x4;
	_ =	strace $0x80000047  }
.LBB2_1:
0x46: {  	s18 =	rddreg [dreg:$0x9]  }
0x47: {  	[tilespmem:s1], [sflag:$0x4] =	stream.linear.gather [hbm4b:s18+s1], $0x80, $0x38;
	[tilespmem:$0x10300] =	vst v63  }
0x48: {  	_ =	swait.ge [sflag:s26], $0x80  }
0x49: {  	[sflag:s26] =	ssyncset.done $0x0  }
0x4a: {  	[sflag:s26] =	ssyncadd.s32 $0xFFFFFF80  }
0x4b: {  	v12 =	vld [tilespmem:$0x0];
	_ =	sdelay $0x4  }
0x4c: {  	v13 =	vperm.xlane v12, v0;
	_ =	sdelay $0x1  }
0x4d: {  	v12 =	vperm.xlane v12, v2;
	v13 =	vadd.s32 v1, v13;
	_ =	sdelay $0x1  }
0x4e: {  	v12 =	vadd.s32 v1, v12;
	_ =	sdelay $0x2  }
0x4f: {  	[tilespmem:s28], [sflag:$0x1] =	stream.indirect_vreg.gather [hbm4b:s24+s1], $0x80, v13, vm0, $0xb8;
	[tilespmem:$0x10300] =	vst v63  }
0x50: {  	s19 =	simm.s32 $0x880  }
0x51: {  	[tilespmem:s19], [sflag:$0x1] =	stream.indirect_vreg.gather [hbm4b:s24+s1], $0x80, v12, vm0, $0xb8;
	[tilespmem:$0x10300] =	vst v63  }
0x52: {  	v12 =	vld [tilespmem:$0x10];
	_ =	sdelay $0x4  }
0x53: {  	v13 =	vperm.xlane v12, v0;
	_ =	sdelay $0x1  }
0x54: {  	v12 =	vperm.xlane v12, v2;
	v13 =	vadd.s32 v1, v13;
	_ =	sdelay $0x1  }
0x55: {  	v12 =	vadd.s32 v1, v12;
	_ =	sdelay $0x1  }
0x56: {  	s20 =	simm.s32 $0x1080  }
0x57: {  	[tilespmem:s20], [sflag:$0x1] =	stream.indirect_vreg.gather [hbm4b:s24+s1], $0x80, v13, vm0, $0xb8;
	[tilespmem:$0x10300] =	vst v63  }
0x58: {  	s21 =	simm.s32 $0x1880  }
0x59: {  	[tilespmem:s21], [sflag:$0x1] =	stream.indirect_vreg.gather [hbm4b:s24+s1], $0x80, v12, vm0, $0xb8;
	[tilespmem:$0x10300] =	vst v63  }
0x5a: {  	v12 =	vld [tilespmem:$0x20];
	_ =	sdelay $0x4  }
0x5b: {  	v13 =	vperm.xlane v12, v0;
	_ =	sdelay $0x1  }
0x5c: {  	v12 =	vperm.xlane v12, v2;
	v13 =	vadd.s32 v1, v13;
	_ =	sdelay $0x1  }
0x5d: {  	v12 =	vadd.s32 v1, v12;
	_ =	sdelay $0x1  }
0x5e: {  	s22 =	simm.s32 $0x2080  }
0x5f: {  	[tilespmem:s22], [sflag:$0x1] =	stream.indirect_vreg.gather [hbm4b:s24+s1], $0x80, v13, vm0, $0xb8;
	[tilespmem:$0x10300] =	vst v63  }
0x60: {  	s19 =	simm.s32 $0x2880  }
0x61: {  	[tilespmem:s19], [sflag:$0x1] =	stream.indirect_vreg.gather [hbm4b:s24+s1], $0x80, v12, vm0, $0xb8;
	[tilespmem:$0x10300] =	vst v63  }
0x62: {  	v12 =	vld [tilespmem:$0x30];
	_ =	sdelay $0x4  }
0x63: {  	v13 =	vperm.xlane v12, v0;
	_ =	sdelay $0x1  }
0x64: {  	v12 =	vperm.xlane v12, v2;
	v13 =	vadd.s32 v1, v13;
	_ =	sdelay $0x1  }
0x65: {  	v12 =	vadd.s32 v1, v12;
	_ =	sdelay $0x1  }
0x66: {  	s20 =	simm.s32 $0x3080  }
0x67: {  	[tilespmem:s20], [sflag:$0x1] =	stream.indirect_vreg.gather [hbm4b:s24+s1], $0x80, v13, vm0, $0xb8;
	[tilespmem:$0x10300] =	vst v63  }
0x68: {  	s21 =	simm.s32 $0x3880  }
0x69: {  	[tilespmem:s21], [sflag:$0x1] =	stream.indirect_vreg.gather [hbm4b:s24+s1], $0x80, v12, vm0, $0xb8;
	[tilespmem:$0x10300] =	vst v63  }
0x6a: {  	v12 =	vld [tilespmem:$0x40];
	_ =	sdelay $0x4  }
0x6b: {  	v13 =	vperm.xlane v12, v0;
	_ =	sdelay $0x1  }
0x6c: {  	v12 =	vperm.xlane v12, v2;
	v13 =	vadd.s32 v1, v13;
	_ =	sdelay $0x1  }
0x6d: {  	v12 =	vadd.s32 v1, v12;
	_ =	sdelay $0x1  }
0x6e: {  	s22 =	simm.s32 $0x4080  }
0x6f: {  	[tilespmem:s22], [sflag:$0x1] =	stream.indirect_vreg.gather [hbm4b:s24+s1], $0x80, v13, vm0, $0xb8;
	[tilespmem:$0x10300] =	vst v63  }
0x70: {  	s19 =	simm.s32 $0x4880  }
0x71: {  	[tilespmem:s19], [sflag:$0x1] =	stream.indirect_vreg.gather [hbm4b:s24+s1], $0x80, v12, vm0, $0xb8;
	[tilespmem:$0x10300] =	vst v63  }
0x72: {  	v12 =	vld [tilespmem:$0x50];
	_ =	sdelay $0x4  }
0x73: {  	v13 =	vperm.xlane v12, v0;
	_ =	sdelay $0x1  }
0x74: {  	v12 =	vperm.xlane v12, v2;
	v13 =	vadd.s32 v1, v13;
	_ =	sdelay $0x1  }
0x75: {  	v12 =	vadd.s32 v1, v12;
	_ =	sdelay $0x1  }
0x76: {  	s20 =	simm.s32 $0x5080  }
0x77: {  	[tilespmem:s20], [sflag:$0x1] =	stream.indirect_vreg.gather [hbm4b:s24+s1], $0x80, v13, vm0, $0xb8;
	[tilespmem:$0x10300] =	vst v63  }
0x78: {  	s21 =	simm.s32 $0x5880  }
0x79: {  	[tilespmem:s21], [sflag:$0x1] =	stream.indirect_vreg.gather [hbm4b:s24+s1], $0x80, v12, vm0, $0xb8;
	[tilespmem:$0x10300] =	vst v63  }
0x7a: {  	v12 =	vld [tilespmem:$0x60];
	_ =	sdelay $0x4  }
0x7b: {  	v13 =	vperm.xlane v12, v0;
	_ =	sdelay $0x1  }
0x7c: {  	v12 =	vperm.xlane v12, v2;
	v13 =	vadd.s32 v1, v13;
	_ =	sdelay $0x1  }
0x7d: {  	v12 =	vadd.s32 v1, v12;
	_ =	sdelay $0x1  }
0x7e: {  	s22 =	simm.s32 $0x6080  }
0x7f: {  	[tilespmem:s22], [sflag:$0x1] =	stream.indirect_vreg.gather [hbm4b:s24+s1], $0x80, v13, vm0, $0xb8;
	[tilespmem:$0x10300] =	vst v63  }
0x80: {  	s19 =	simm.s32 $0x6880  }
0x81: {  	[tilespmem:s19], [sflag:$0x1] =	stream.indirect_vreg.gather [hbm4b:s24+s1], $0x80, v12, vm0, $0xb8;
	[tilespmem:$0x10300] =	vst v63  }
0x82: {  	v12 =	vld [tilespmem:$0x70];
	_ =	sdelay $0x4  }
0x83: {  	v13 =	vperm.xlane v12, v0;
	_ =	sdelay $0x1  }
0x84: {  	v12 =	vperm.xlane v12, v2;
	v13 =	vadd.s32 v1, v13;
	_ =	sdelay $0x1  }
0x85: {  	v12 =	vadd.s32 v1, v12;
	_ =	sdelay $0x1  }
0x86: {  	s20 =	simm.s32 $0x7080  }
0x87: {  	[tilespmem:s20], [sflag:$0x1] =	stream.indirect_vreg.gather [hbm4b:s24+s1], $0x80, v13, vm0, $0xb8;
	[tilespmem:$0x10300] =	vst v63  }
0x88: {  	s21 =	simm.s32 $0x7880;
	s22 =	rddreg [dreg:$0xa]  }
0x89: {  	[tilespmem:s21], [sflag:$0x1] =	stream.indirect_vreg.gather [hbm4b:s24+s1], $0x80, v12, vm0, $0xb8;
	[tilespmem:$0x10300] =	vst v63  }
0x8a: {  	s19 =	simm.s32 $0x8080;
	s20 =	rddreg [dreg:$0x1b]  }
0x8b: {  	[tilespmem:s19], [sflag:$0x2] =	stream.linear.gather [hbm4b:s22+s1], $0x400, $0x38;
	[tilespmem:$0x10300] =	vst v63  }
0x8c: {  	s21 =	rddreg [dreg:$0xb]  }
0x8d: {  	[tilespmem:s29], [sflag:$0x2] =	stream.linear.gather [hbm4b:s20+s1], $0x400, $0x38;
	[tilespmem:$0x10300] =	vst v63  }
0x8e: {  	s22 =	simm.s32 $0x8480;
	s20 =	rddreg [dreg:$0x1c]  }
0x8f: {  	[tilespmem:s22], [sflag:$0x2] =	stream.linear.gather [hbm4b:s21+s1], $0x400, $0x38;
	[tilespmem:$0x10300] =	vst v63  }
0x90: {  	s21 =	rddreg [dreg:$0xc]  }
0x91: {  	[tilespmem:s30], [sflag:$0x2] =	stream.linear.gather [hbm4b:s20+s1], $0x400, $0x38;
	[tilespmem:$0x10300] =	vst v63  }
0x92: {  	s22 =	simm.s32 $0x8880;
	s20 =	rddreg [dreg:$0x1d]  }
0x93: {  	[tilespmem:s22], [sflag:$0x2] =	stream.linear.gather [hbm4b:s21+s1], $0x400, $0x38;
	[tilespmem:$0x10300] =	vst v63  }
0x94: {  	s21 =	rddreg [dreg:$0xd]  }
0x95: {  	[tilespmem:s31], [sflag:$0x2] =	stream.linear.gather [hbm4b:s20+s1], $0x400, $0x38;
	[tilespmem:$0x10300] =	vst v63  }
0x96: {  	s22 =	simm.s32 $0x8C80;
	s20 =	rddreg [dreg:$0x1e]  }
0x97: {  	[tilespmem:s22], [sflag:$0x2] =	stream.linear.gather [hbm4b:s21+s1], $0x400, $0x38;
	[tilespmem:$0x10300] =	vst v63  }
0x98: {  	s21 =	rddreg [dreg:$0xe]  }
0x99: {  	[tilespmem:s0], [sflag:$0x2] =	stream.linear.gather [hbm4b:s20+s1], $0x400, $0x38;
	[tilespmem:$0x10300] =	vst v63  }
0x9a: {  	s22 =	simm.s32 $0x9080;
	s20 =	rddreg [dreg:$0x1f]  }
0x9b: {  	[tilespmem:s22], [sflag:$0x2] =	stream.linear.gather [hbm4b:s21+s1], $0x400, $0x38;
	[tilespmem:$0x10300] =	vst v63  }
0x9c: {  	s21 =	rddreg [dreg:$0xf]  }
0x9d: {  	[tilespmem:s2], [sflag:$0x2] =	stream.linear.gather [hbm4b:s20+s1], $0x400, $0x38;
	[tilespmem:$0x10300] =	vst v63  }
0x9e: {  	s22 =	simm.s32 $0x9480;
	s20 =	sld [smem:$0x7E2]  }
0x9f: {  	[tilespmem:s22], [sflag:$0x2] =	stream.linear.gather [hbm4b:s21+s1], $0x400, $0x38;
	[tilespmem:$0x10300] =	vst v63  }
0xa0: {  	s21 =	rddreg [dreg:$0x10]  }
0xa1: {  	[tilespmem:s3], [sflag:$0x2] =	stream.linear.gather [hbm4b:s20+s1], $0x400, $0x38;
	[tilespmem:$0x10300] =	vst v63  }
0xa2: {  	s22 =	simm.s32 $0x9880;
	s20 =	sld [smem:$0x7E3]  }
0xa3: {  	[tilespmem:s22], [sflag:$0x2] =	stream.linear.gather [hbm4b:s21+s1], $0x400, $0x38;
	[tilespmem:$0x10300] =	vst v63  }
0xa4: {  	s19 =	sld [smem:$0x7E4]  }
0xa5: {  	[tilespmem:s4], [sflag:$0x2] =	stream.linear.gather [hbm4b:s20+s1], $0x400, $0x38;
	[tilespmem:$0x10300] =	vst v63  }
0xa6: {  	s21 =	rddreg [dreg:$0x11];
	s22 =	simm.s32 $0x9C80  }
0xa7: {  	[tilespmem:s22], [sflag:$0x2] =	stream.linear.gather [hbm4b:s21+s1], $0x400, $0x38;
	[tilespmem:$0x10300] =	vst v63  }
0xa8: {  	s20 =	rddreg [dreg:$0x13]  }
0xa9: {  	[tilespmem:s5], [sflag:$0x2] =	stream.linear.gather [hbm4b:s19+s1], $0x400, $0x38;
	[tilespmem:$0x10300] =	vst v63  }
0xaa: {  	s18 =	simm.s32 $0xA080;
	s21 =	sld [smem:$0x7E5]  }
0xab: {  	[tilespmem:s18], [sflag:$0x2] =	stream.linear.gather [hbm4b:s20+s1], $0x400, $0x38;
	[tilespmem:$0x10300] =	vst v63  }
0xac: {  	_ = 	snop  }
0xad: {  	[tilespmem:s15], [sflag:$0x2] =	stream.linear.gather [hbm4b:s21+s1], $0x400, $0x38;
	[tilespmem:$0x10300] =	vst v63  }
0xae: {  	s22 =	rddreg [dreg:$0x14];
	s20 =	simm.s32 $0xA480  }
0xaf: {  	[tilespmem:s20], [sflag:$0x2] =	stream.linear.gather [hbm4b:s22+s1], $0x400, $0x38;
	[tilespmem:$0x10300] =	vst v63  }
0xb0: {  	s20 =	sld [smem:$0x7E6];
	_ =	sdelay $0x1  }
0xb1: {  	s21 =	rddreg [dreg:$0x15]  }
0xb2: {  	[tilespmem:s6], [sflag:$0x2] =	stream.linear.gather [hbm4b:s20+s1], $0x400, $0x38;
	[tilespmem:$0x10300] =	vst v63  }
0xb3: {  	s22 =	simm.s32 $0xA880;
	s20 =	sld [smem:$0x7E7]  }
0xb4: {  	[tilespmem:s22], [sflag:$0x2] =	stream.linear.gather [hbm4b:s21+s1], $0x400, $0x38;
	[tilespmem:$0x10300] =	vst v63  }
0xb5: {  	s21 =	rddreg [dreg:$0x16]  }
0xb6: {  	[tilespmem:s7], [sflag:$0x2] =	stream.linear.gather [hbm4b:s20+s1], $0x400, $0x38;
	[tilespmem:$0x10300] =	vst v63  }
0xb7: {  	s22 =	simm.s32 $0xAC80;
	s20 =	sld [smem:$0x7E8]  }
0xb8: {  	[tilespmem:s22], [sflag:$0x2] =	stream.linear.gather [hbm4b:s21+s1], $0x400, $0x38;
	[tilespmem:$0x10300] =	vst v63  }
0xb9: {  	s21 =	rddreg [dreg:$0x17]  }
0xba: {  	[tilespmem:s8], [sflag:$0x2] =	stream.linear.gather [hbm4b:s20+s1], $0x400, $0x38;
	[tilespmem:$0x10300] =	vst v63  }
0xbb: {  	s22 =	simm.s32 $0xB080;
	s20 =	sld [smem:$0x7E9]  }
0xbc: {  	[tilespmem:s22], [sflag:$0x2] =	stream.linear.gather [hbm4b:s21+s1], $0x400, $0x38;
	[tilespmem:$0x10300] =	vst v63  }
0xbd: {  	s21 =	rddreg [dreg:$0x18]  }
0xbe: {  	[tilespmem:s9], [sflag:$0x2] =	stream.linear.gather [hbm4b:s20+s1], $0x400, $0x38;
	[tilespmem:$0x10300] =	vst v63  }
0xbf: {  	s22 =	simm.s32 $0xB480;
	s20 =	sld [smem:$0x7EA]  }
0xc0: {  	[tilespmem:s22], [sflag:$0x2] =	stream.linear.gather [hbm4b:s21+s1], $0x400, $0x38;
	[tilespmem:$0x10300] =	vst v63  }
0xc1: {  	s21 =	rddreg [dreg:$0x19]  }
0xc2: {  	[tilespmem:s10], [sflag:$0x2] =	stream.linear.gather [hbm4b:s20+s1], $0x400, $0x38;
	[tilespmem:$0x10300] =	vst v63  }
0xc3: {  	s22 =	simm.s32 $0xB880;
	s20 =	sld [smem:$0x7EB]  }
0xc4: {  	[tilespmem:s22], [sflag:$0x2] =	stream.linear.gather [hbm4b:s21+s1], $0x400, $0x38;
	[tilespmem:$0x10300] =	vst v63  }
0xc5: {  	s21 =	rddreg [dreg:$0x1a]  }
0xc6: {  	[tilespmem:s11], [sflag:$0x2] =	stream.linear.gather [hbm4b:s20+s1], $0x400, $0x38;
	[tilespmem:$0x10300] =	vst v63  }
0xc7: {  	s22 =	simm.s32 $0xBC80;
	s20 =	sld [smem:$0x7EC]  }
0xc8: {  	[tilespmem:s22], [sflag:$0x2] =	stream.linear.gather [hbm4b:s21+s1], $0x400, $0x38;
	[tilespmem:$0x10300] =	vst v63  }
0xc9: {  	_ = 	snop  }
0xca: {  	[tilespmem:s12], [sflag:$0x2] =	stream.linear.gather [hbm4b:s20+s1], $0x400, $0x38;
	[tilespmem:$0x10300] =	vst v63  }
0xcb: {  	s21 =	rddreg [dreg:$0x12];
	s22 =	simm.s32 $0x10080  }
0xcc: {  	[tilespmem:s22], [sflag:$0x2] =	stream.linear.gather [hbm4b:s21+s1], $0x80, $0x38;
	[tilespmem:$0x10300] =	vst v63  }
0xcd: {  	s21 =	sld [smem:$0x7FD];
	_ =	sdelay $0x1  }
0xce: {  	s22 =	simm.s32 $0x10100  }
0xcf: {  	[tilespmem:s22], [sflag:$0x2] =	stream.linear.gather [hbm4b:s21+s1], $0x100, $0x38;
	[tilespmem:$0x10300] =	vst v63  }
0xd0: {  	_ =	swait.ge [sflag:s13], $0x400  }
0xd1: {  	[sflag:s13] =	ssyncset.done $0x0  }
0xd2: {  	[sflag:s13] =	ssyncadd.s32 $0xFFFFFC00  }
0xd3: {  	_ =	swait.ge [sflag:s13], $0x400  }
0xd4: {  	[sflag:s13] =	ssyncset.done $0x0  }
0xd5: {  	[sflag:s13] =	ssyncadd.s32 $0xFFFFFC00  }
0xd6: {  	_ =	swait.ge [sflag:s13], $0x400  }
0xd7: {  	[sflag:s13] =	ssyncset.done $0x0  }
0xd8: {  	[sflag:s13] =	ssyncadd.s32 $0xFFFFFC00  }
0xd9: {  	_ =	swait.ge [sflag:s13], $0x400  }
0xda: {  	[sflag:s13] =	ssyncset.done $0x0  }
0xdb: {  	[sflag:s13] =	ssyncadd.s32 $0xFFFFFC00  }
0xdc: {  	_ =	swait.ge [sflag:s13], $0x400  }
0xdd: {  	[sflag:s13] =	ssyncset.done $0x0  }
0xde: {  	[sflag:s13] =	ssyncadd.s32 $0xFFFFFC00  }
0xdf: {  	_ =	swait.ge [sflag:s13], $0x400  }
0xe0: {  	[sflag:s13] =	ssyncset.done $0x0  }
0xe1: {  	[sflag:s13] =	ssyncadd.s32 $0xFFFFFC00  }
0xe2: {  	_ =	swait.ge [sflag:s13], $0x400  }
0xe3: {  	[sflag:s13] =	ssyncset.done $0x0  }
0xe4: {  	[sflag:s13] =	ssyncadd.s32 $0xFFFFFC00  }
0xe5: {  	_ =	swait.ge [sflag:s13], $0x400  }
0xe6: {  	[sflag:s13] =	ssyncset.done $0x0  }
0xe7: {  	[sflag:s13] =	ssyncadd.s32 $0xFFFFFC00  }
0xe8: {  	_ =	swait.ge [sflag:s13], $0x400  }
0xe9: {  	[sflag:s13] =	ssyncset.done $0x0  }
0xea: {  	[sflag:s13] =	ssyncadd.s32 $0xFFFFFC00  }
0xeb: {  	_ =	swait.ge [sflag:s13], $0x400  }
0xec: {  	[sflag:s13] =	ssyncset.done $0x0  }
0xed: {  	[sflag:s13] =	ssyncadd.s32 $0xFFFFFC00  }
0xee: {  	_ =	swait.ge [sflag:s13], $0x400  }
0xef: {  	[sflag:s13] =	ssyncset.done $0x0  }
0xf0: {  	[sflag:s13] =	ssyncadd.s32 $0xFFFFFC00  }
0xf1: {  	_ =	swait.ge [sflag:s13], $0x400  }
0xf2: {  	[sflag:s13] =	ssyncset.done $0x0  }
0xf3: {  	[sflag:s13] =	ssyncadd.s32 $0xFFFFFC00  }
0xf4: {  	_ =	swait.ge [sflag:s13], $0x400  }
0xf5: {  	[sflag:s13] =	ssyncset.done $0x0  }
0xf6: {  	[sflag:s13] =	ssyncadd.s32 $0xFFFFFC00  }
0xf7: {  	_ =	swait.ge [sflag:s13], $0x400  }
0xf8: {  	[sflag:s13] =	ssyncset.done $0x0  }
0xf9: {  	[sflag:s13] =	ssyncadd.s32 $0xFFFFFC00  }
0xfa: {  	_ =	swait.ge [sflag:s13], $0x400  }
0xfb: {  	[sflag:s13] =	ssyncset.done $0x0  }
0xfc: {  	[sflag:s13] =	ssyncadd.s32 $0xFFFFFC00  }
0xfd: {  	_ =	swait.ge [sflag:s13], $0x400  }
0xfe: {  	[sflag:s13] =	ssyncset.done $0x0  }
0xff: {  	[sflag:s13] =	ssyncadd.s32 $0xFFFFFC00  }
0x100: {  	_ =	swait.ge [sflag:s13], $0x400  }
0x101: {  	[sflag:s13] =	ssyncset.done $0x0  }
0x102: {  	[sflag:s13] =	ssyncadd.s32 $0xFFFFFC00  }
0x103: {  	_ =	swait.ge [sflag:s13], $0x400  }
0x104: {  	[sflag:s13] =	ssyncset.done $0x0  }
0x105: {  	[sflag:s13] =	ssyncadd.s32 $0xFFFFFC00  }
0x106: {  	_ =	swait.ge [sflag:s13], $0x400  }
0x107: {  	[sflag:s13] =	ssyncset.done $0x0  }
0x108: {  	[sflag:s13] =	ssyncadd.s32 $0xFFFFFC00  }
0x109: {  	_ =	swait.ge [sflag:s13], $0x400  }
0x10a: {  	[sflag:s13] =	ssyncset.done $0x0  }
0x10b: {  	[sflag:s13] =	ssyncadd.s32 $0xFFFFFC00  }
0x10c: {  	_ =	swait.ge [sflag:s13], $0x400  }
0x10d: {  	[sflag:s13] =	ssyncset.done $0x0  }
0x10e: {  	[sflag:s13] =	ssyncadd.s32 $0xFFFFFC00  }
0x10f: {  	_ =	swait.ge [sflag:s13], $0x400  }
0x110: {  	[sflag:s13] =	ssyncset.done $0x0  }
0x111: {  	[sflag:s13] =	ssyncadd.s32 $0xFFFFFC00  }
0x112: {  	_ =	swait.ge [sflag:s13], $0x400  }
0x113: {  	[sflag:s13] =	ssyncset.done $0x0  }
0x114: {  	[sflag:s13] =	ssyncadd.s32 $0xFFFFFC00  }
0x115: {  	_ =	swait.ge [sflag:s13], $0x400  }
0x116: {  	[sflag:s13] =	ssyncset.done $0x0  }
0x117: {  	[sflag:s13] =	ssyncadd.s32 $0xFFFFFC00  }
0x118: {  	_ =	swait.ge [sflag:s13], $0x400  }
0x119: {  	[sflag:s13] =	ssyncset.done $0x0  }
0x11a: {  	[sflag:s13] =	ssyncadd.s32 $0xFFFFFC00  }
0x11b: {  	_ =	swait.ge [sflag:s13], $0x400  }
0x11c: {  	[sflag:s13] =	ssyncset.done $0x0  }
0x11d: {  	[sflag:s13] =	ssyncadd.s32 $0xFFFFFC00  }
0x11e: {  	_ =	swait.ge [sflag:s13], $0x400  }
0x11f: {  	[sflag:s13] =	ssyncset.done $0x0  }
0x120: {  	[sflag:s13] =	ssyncadd.s32 $0xFFFFFC00  }
0x121: {  	_ =	swait.ge [sflag:s13], $0x400  }
0x122: {  	[sflag:s13] =	ssyncset.done $0x0  }
0x123: {  	[sflag:s13] =	ssyncadd.s32 $0xFFFFFC00  }
0x124: {  	_ =	swait.ge [sflag:s13], $0x400  }
0x125: {  	[sflag:s13] =	ssyncset.done $0x0  }
0x126: {  	[sflag:s13] =	ssyncadd.s32 $0xFFFFFC00  }
0x127: {  	_ =	swait.ge [sflag:s13], $0x400  }
0x128: {  	[sflag:s13] =	ssyncset.done $0x0  }
0x129: {  	[sflag:s13] =	ssyncadd.s32 $0xFFFFFC00  }
0x12a: {  	_ =	swait.ge [sflag:s13], $0x400  }
0x12b: {  	[sflag:s13] =	ssyncset.done $0x0  }
0x12c: {  	[sflag:s13] =	ssyncadd.s32 $0xFFFFFC00  }
0x12d: {  	_ =	swait.ge [sflag:s13], $0x400  }
0x12e: {  	[sflag:s13] =	ssyncset.done $0x0  }
0x12f: {  	[sflag:s13] =	ssyncadd.s32 $0xFFFFFC00  }
0x130: {  	_ =	swait.ge [sflag:s13], $0x80  }
0x131: {  	[sflag:s13] =	ssyncset.done $0x0  }
0x132: {  	[sflag:s13] =	ssyncadd.s32 $0xFFFFFF80  }
0x133: {  	_ =	swait.ge [sflag:s13], $0x100  }
0x134: {  	[sflag:s13] =	ssyncset.done $0x0  }
0x135: {  	v12 =	vor.u32 s1, v3;
	[sflag:s13] =	ssyncadd.s32 $0xFFFFFF00  }
0x136: {  	_ =	swait.ge [sflag:s14], $0x4000  }
0x137: {  	[sflag:s14] =	ssyncset.done $0x0  }
0x138: {  	[sflag:s14] =	ssyncadd.s32 $0xFFFFC000  }
0x139: {  	v13 =	vld [tilespmem:$0x10080]  }
0x13a: {  	v12 =	vld.idx.msk [tilespmem:v12+s28+$0x0], $0xffff  }
0x13b: {  	v14 =	vld [tilespmem:s15+$0xFFFFE000]  }
0x13c: {  	v15 =	vld [tilespmem:s15+$0x0]  }
0x13d: {  	s20 =	simm.s32 $0x1  }
0x13e: {  	vm1 =	vlt.f32 v13, $8.000000110e-01;
	v13 =	vor.u32 s20, v3;
	_ =	sdelay $0x1  }
0x13f: {  	v16 =	vld [tilespmem:s18+$0xFFFFE000];
	v14 =	vsel vm1, v12, v14  }
0x140: {  	v17 =	vld [tilespmem:s15+$0xFFFFE080];
	v12 =	vsel vm1, v12, v15;
	[tilespmem:s15+$0xFFFFE000] =	vst v14  }
0x141: {  	v15 =	vld [tilespmem:s18+$0x0];
	[tilespmem:s15+$0x0] =	vst v12  }
0x142: {  	v13 =	vld.idx.msk [tilespmem:v13+s28+$0x0], $0xffff;
	_ =	sdelay $0x1  }
0x143: {  	v18 =	vld [tilespmem:s15+$0x80]  }
0x144: {  	s21 =	simm.s32 $0x2  }
0x145: {  	v19 =	vor.u32 s21, v3  }
0x146: {  	v20 =	vsel vm1, v13, v17  }
0x147: {  	v14 =	vsub.f32 v16, v14;
	v21 =	vld [tilespmem:s18+$0xFFFFE080];
	[tilespmem:s15+$0xFFFFE080] =	vst v20  }
0x148: {  	v12 =	vsub.f32 v15, v12;
	v22 =	vsel vm1, v13, v18;
	v15 =	vld [tilespmem:s18+$0x80]  }
0x149: {  	v13 =	vmul.f32 v14, v14;
	v18 =	vld [tilespmem:s15+$0xFFFFE100];
	[tilespmem:s15+$0x80] =	vst v22  }
0x14a: {  	v12 =	vmul.f32 v12, v12;
	v14 =	vimm.f32 $0.0e+00;
	v16 =	vld.idx.msk [tilespmem:v19+s28+$0x0], $0xffff  }
0x14b: {  	v17 =	vld [tilespmem:s15+$0x100];
	v13 =	vadd.f32 v13, v14  }
0x14c: {  	s22 =	simm.s32 $0x3;
	v12 =	vadd.f32 v12, v14;
	v14 =	vsub.f32 v21, v20  }
0x14d: {  	s19 =	simm.s32 $0x4;
	s21 =	simm.s32 $0x8;
	s20 =	simm.s32 $0xE080;
	v19 =	vor.u32 s22, v3;
	v15 =	vsub.f32 v15, v22  }
.LBB2_2:
0x14e: {  	p0 =	slt.u32 s21, $0x3C;
	v14 =	vmul.f32 v14, v14  }
0x14f: {  	v15 =	vmul.f32 v15, v15;
	v18 =	vsel vm1, v16, v18  }
0x150: {  	v13 =	vadd.f32 v14, v13;
	v14 =	vld [tilespmem:s18+$0xFFFFE100];
	[tilespmem:s20+$0xFFFFE100] =	vst v18;
	v16 =	vsel vm1, v16, v17  }
0x151: {  	v12 =	vadd.f32 v15, v12;
	v15 =	vld [tilespmem:s18+$0x100];
	[tilespmem:s20+$0x100] =	vst v16  }
0x152: {  	v17 =	vld.idx.msk [tilespmem:v19+s28+$0x0], $0xffff  }
0x153: {  	v19 =	vld [tilespmem:s20+$0xFFFFE180]  }
0x154: {  	v20 =	vld [tilespmem:s20+$0x180]  }
0x155: {  	v14 =	vsub.f32 v14, v18  }
0x156: {  	v18 =	vor.u32 s19, v3;
	v15 =	vsub.f32 v15, v16  }
0x157: {  	v14 =	vmul.f32 v14, v14  }
0x158: {  	v15 =	vmul.f32 v15, v15;
	v16 =	vsel vm1, v17, v19  }
0x159: {  	v13 =	vadd.f32 v14, v13;
	v14 =	vld [tilespmem:s18+$0xFFFFE180];
	[tilespmem:s20+$0xFFFFE180] =	vst v16;
	v17 =	vsel vm1, v17, v20  }
0x15a: {  	v12 =	vadd.f32 v15, v12;
	v15 =	vld [tilespmem:s18+$0x180];
	[tilespmem:s20+$0x180] =	vst v17  }
0x15b: {  	s20 =	sadd.s32 $0x200, s20;
	v18 =	vld.idx.msk [tilespmem:v18+s28+$0x0], $0xffff  }
0x15c: {  	v19 =	vld [tilespmem:s20+$0xFFFFE000]  }
0x15d: {  	v20 =	vld [tilespmem:s20+$0x0]  }
0x15e: {  	s22 =	sadd.s32 $0x1, s19;
	v14 =	vsub.f32 v14, v16  }
0x15f: {  	v16 =	vor.u32 s22, v3;
	v15 =	vsub.f32 v15, v17  }
0x160: {  	v14 =	vmul.f32 v14, v14  }
0x161: {  	s18 =	sadd.s32 $0x200, s18;
	v17 =	vsel vm1, v18, v19;
	v15 =	vmul.f32 v15, v15  }
0x162: {  	v19 =	vld [tilespmem:s18+$0xFFFFE000];
	[tilespmem:s20+$0xFFFFE000] =	vst v17;
	v18 =	vsel vm1, v18, v20;
	v13 =	vadd.f32 v14, v13  }
0x163: {  	v14 =	vld [tilespmem:s18+$0x0];
	[tilespmem:s20+$0x0] =	vst v18;
	v12 =	vadd.f32 v15, v12  }
0x164: {  	v15 =	vld.idx.msk [tilespmem:v16+s28+$0x0], $0xffff  }
0x165: {  	v16 =	vld [tilespmem:s20+$0xFFFFE080]  }
0x166: {  	v20 =	vld [tilespmem:s20+$0x80]  }
0x167: {  	s22 =	sadd.s32 $0x2, s19;
	v17 =	vsub.f32 v19, v17  }
0x168: {  	v14 =	vsub.f32 v14, v18;
	v18 =	vor.u32 s22, v3  }
0x169: {  	v17 =	vmul.f32 v17, v17  }
0x16a: {  	v14 =	vmul.f32 v14, v14;
	v19 =	vsel vm1, v15, v16  }
0x16b: {  	v13 =	vadd.f32 v17, v13;
	v21 =	vld [tilespmem:s18+$0xFFFFE080];
	[tilespmem:s20+$0xFFFFE080] =	vst v19;
	v15 =	vsel vm1, v15, v20  }
0x16c: {  	v12 =	vadd.f32 v14, v12;
	v20 =	vld [tilespmem:s18+$0x80];
	[tilespmem:s20+$0x80] =	vst v15  }
.Ltmp0:
0x16d: {  	v16 =	vld.idx.msk [tilespmem:v18+s28+$0x0], $0xffff;
	(pc) =	sbr.rel @p0 .LBB2_2-.Ltmp0, $4  }
0x16e: {  	v18 =	vld [tilespmem:s20+$0xFFFFE100]  }
0x16f: {  	v17 =	vld [tilespmem:s20+$0x100]  }
0x170: {  	s22 =	sadd.s32 $0x3, s19;
	s19 =	smov.u32 s21;
	v14 =	vsub.f32 v21, v19  }
0x171: {  	s21 =	sadd.s32 $0x4, s21;
	v19 =	vor.u32 s22, v3;
	v15 =	vsub.f32 v20, v15  }
0x172: {  	_ = 	snop  }
0x173: {  	v20 =	vld [tilespmem:s18+$0xFFFFE100];
	v18 =	vsel vm1, v16, v18  }
0x174: {  	v21 =	vld [tilespmem:s20+$0xFFFFE180];
	[tilespmem:s20+$0xFFFFE100] =	vst v18;
	v16 =	vsel vm1, v16, v17  }
0x175: {  	v17 =	vld [tilespmem:s18+$0x100];
	[tilespmem:s20+$0x100] =	vst v16  }
0x176: {  	v19 =	vld.idx.msk [tilespmem:v19+s28+$0x0], $0xffff  }
0x177: {  	v22 =	vld [tilespmem:s20+$0x180];
	_ =	sdelay $0x1  }
0x178: {  	v23 =	vor.u32 s19, v3;
	_ =	sdelay $0x1  }
0x179: {  	v21 =	vsel vm1, v19, v21  }
0x17a: {  	v24 =	vld [tilespmem:s18+$0xFFFFE180];
	v19 =	vsel vm1, v19, v22;
	[tilespmem:s20+$0xFFFFE180] =	vst v21  }
0x17b: {  	v57 =	vld [tilespmem:s18+$0x180];
	[tilespmem:s20+$0x180] =	vst v19  }
0x17c: {  	s20 =	sadd.s32 $0x200, s20;
	v23 =	vld.idx.msk [tilespmem:v23+s28+$0x0], $0xffff  }
0x17d: {  	v25 =	vld [tilespmem:s20+$0xFFFFE000]  }
0x17e: {  	v26 =	vld [tilespmem:s20+$0x0]  }
0x17f: {  	s21 =	sadd.s32 $0x1, s19  }
0x180: {  	v27 =	vor.u32 s21, v3  }
0x181: {  	s18 =	sadd.s32 $0x200, s18  }
0x182: {  	v28 =	vld [tilespmem:s18+$0xFFFFE000];
	v25 =	vsel vm1, v23, v25  }
0x183: {  	v29 =	vld [tilespmem:s20+$0xFFFFE080];
	v23 =	vsel vm1, v23, v26;
	[tilespmem:s20+$0xFFFFE000] =	vst v25  }
0x184: {  	v58 =	vld [tilespmem:s18+$0x0];
	[tilespmem:s20+$0x0] =	vst v23  }
0x185: {  	v27 =	vld.idx.msk [tilespmem:v27+s28+$0x0], $0xffff  }
0x186: {  	v30 =	vld [tilespmem:s20+$0x80]  }
0x187: {  	s22 =	sadd.s32 $0x2, s19  }
0x188: {  	v31 =	vor.u32 s22, v3;
	_ =	sdelay $0x1  }
0x189: {  	v33 =	vld [tilespmem:s20+$0xFFFFE100];
	v29 =	vsel vm1, v27, v29  }
0x18a: {  	v32 =	vld [tilespmem:s18+$0xFFFFE080];
	v27 =	vsel vm1, v27, v30;
	[tilespmem:s20+$0xFFFFE080] =	vst v29  }
0x18b: {  	v59 =	vld [tilespmem:s18+$0x80];
	[tilespmem:s20+$0x80] =	vst v27  }
0x18c: {  	v31 =	vld.idx.msk [tilespmem:v31+s28+$0x0], $0xffff  }
0x18d: {  	v34 =	vld [tilespmem:s20+$0x100]  }
0x18e: {  	s22 =	sadd.s32 $0x3, s19  }
0x18f: {  	v35 =	vor.u32 s22, v3;
	_ =	sdelay $0x1  }
0x190: {  	v16 =	vsub.f32 v17, v16;
	v17 =	vld [tilespmem:s20+$0xFFFFE180];
	v33 =	vsel vm1, v31, v33  }
0x191: {  	v36 =	vld [tilespmem:s18+$0xFFFFE100];
	v31 =	vsel vm1, v31, v34;
	[tilespmem:s20+$0xFFFFE100] =	vst v33  }
0x192: {  	v14 =	vmul.f32 v14, v14;
	v18 =	vsub.f32 v20, v18;
	v60 =	vld [tilespmem:s18+$0x100];
	[tilespmem:s20+$0x100] =	vst v31  }
0x193: {  	v15 =	vmul.f32 v15, v15;
	v20 =	vld.idx.msk [tilespmem:v35+s28+$0x0], $0xffff  }
0x194: {  	v13 =	vadd.f32 v14, v13;
	v14 =	vmul.f32 v18, v18  }
0x195: {  	v12 =	vadd.f32 v15, v12;
	v15 =	vsub.f32 v24, v21;
	v16 =	vmul.f32 v16, v16  }
0x196: {  	v13 =	vadd.f32 v14, v13;
	v14 =	vsub.f32 v57, v19  }
0x197: {  	v12 =	vadd.f32 v16, v12;
	v15 =	vmul.f32 v15, v15;
	v16 =	vsub.f32 v28, v25  }
0x198: {  	v61 =	vld [tilespmem:s20+$0x180];
	v14 =	vmul.f32 v14, v14;
	v18 =	vsub.f32 v58, v23;
	v17 =	vsel vm1, v20, v17  }
0x199: {  	v13 =	vadd.f32 v15, v13;
	v15 =	vmul.f32 v16, v16;
	v16 =	vsub.f32 v32, v29;
	v19 =	vld [tilespmem:s18+$0xFFFFE180];
	[tilespmem:s20+$0xFFFFE180] =	vst v17  }
0x19a: {  	v12 =	vadd.f32 v14, v12;
	v14 =	vmul.f32 v18, v18;
	v18 =	vld [tilespmem:s18+$0x180]  }
0x19b: {  	v13 =	vadd.f32 v15, v13;
	v16 =	vmul.f32 v16, v16;
	v15 =	vsub.f32 v59, v27  }
0x19c: {  	v12 =	vadd.f32 v14, v12;
	v14 =	vsub.f32 v36, v33  }
0x19d: {  	v13 =	vadd.f32 v16, v13;
	v15 =	vmul.f32 v15, v15;
	v16 =	vsub.f32 v60, v31  }
0x19e: {  	v14 =	vmul.f32 v14, v14;
	v20 =	vsel vm1, v20, v61;
	v17 =	vsub.f32 v19, v17  }
0x19f: {  	v12 =	vadd.f32 v15, v12;
	v15 =	vmul.f32 v16, v16;
	v16 =	vsub.f32 v18, v20  }
0x1a0: {  	v13 =	vadd.f32 v14, v13;
	v14 =	vmul.f32 v17, v17  }
0x1a1: {  	v12 =	vadd.f32 v15, v12;
	v15 =	vmul.f32 v16, v16  }
0x1a2: {  	[tilespmem:s20+$0x180] =	vst v20;
	v13 =	vadd.f32 v14, v13  }
0x1a3: {  	v14 =	vld [tilespmem:$0x10100];
	v12 =	vadd.f32 v15, v12  }
0x1a4: {  	vm2 =	vge.f32 v13, $2.499999940e-03;
	v13 =	vld [tilespmem:$0x10180]  }
0x1a5: {  	s20 =	simm.s32 $0x0;
	v15 =	vsel vm2, $0x3F800000, v4;
	vm2 =	vge.f32 v12, $2.499999940e-03  }
0x1a6: {  	v16 =	vor.u32 s20, v5;
	v12 =	vsub.f32 $0.0e+00, v15;
	v15 =	vsel vm2, $0x3F800000, v4  }
0x1a7: {  	v15 =	vsub.f32 $0.0e+00, v15  }
0x1a8: {  	v12 =	vsel vm1, v12, v14  }
0x1a9: {  	[tilespmem:$0x10200] =	vst v12;
	v12 =	vsel vm1, v15, v13  }
0x1aa: {  	[tilespmem:$0x10280] =	vst v12;
	v12 =	vld [tilespmem:$0x10090]  }
0x1ab: {  	s19 =	simm.s32 $0xE090;
	v13 =	vld.idx.msk [tilespmem:v16+s28+$0x0], $0xffff  }
0x1ac: {  	v14 =	vld [tilespmem:s19+$0xFFFFE000]  }
0x1ad: {  	v15 =	vld [tilespmem:s19+$0x0]  }
0x1ae: {  	s21 =	simm.s32 $0x1  }
0x1af: {  	vm1 =	vlt.f32 v12, $8.000000110e-01;
	v12 =	vor.u32 s21, v5  }
0x1b0: {  	s18 =	simm.s32 $0xA090  }
0x1b1: {  	v16 =	vld [tilespmem:s18+$0xFFFFE000];
	v14 =	vsel vm1, v13, v14  }
0x1b2: {  	v17 =	vld [tilespmem:s19+$0xFFFFE080];
	v13 =	vsel vm1, v13, v15;
	[tilespmem:s19+$0xFFFFE000] =	vst v14  }
0x1b3: {  	v15 =	vld [tilespmem:s18+$0x0];
	[tilespmem:s19+$0x0] =	vst v13  }
0x1b4: {  	v12 =	vld.idx.msk [tilespmem:v12+s28+$0x0], $0xffff;
	_ =	sdelay $0x1  }
0x1b5: {  	v18 =	vld [tilespmem:s19+$0x80]  }
0x1b6: {  	s22 =	simm.s32 $0x2  }
0x1b7: {  	v19 =	vor.u32 s22, v5  }
0x1b8: {  	v20 =	vsel vm1, v12, v17  }
0x1b9: {  	v14 =	vsub.f32 v16, v14;
	v62 =	vld [tilespmem:s18+$0xFFFFE080];
	v13 =	vsub.f32 v15, v13;
	[tilespmem:s19+$0xFFFFE080] =	vst v20  }
0x1ba: {  	v63 =	vsel vm1, v12, v18;
	v15 =	vld [tilespmem:s18+$0x80]  }
0x1bb: {  	v12 =	vmul.f32 v14, v14;
	v14 =	vmul.f32 v13, v13;
	v18 =	vld [tilespmem:s19+$0xFFFFE100];
	[tilespmem:s19+$0x80] =	vst v63  }
0x1bc: {  	v17 =	vimm.f32 $0.0e+00;
	v16 =	vld.idx.msk [tilespmem:v19+s28+$0x0], $0xffff  }
0x1bd: {  	v13 =	vadd.f32 v12, v17;
	v12 =	vadd.f32 v14, v17;
	v17 =	vld [tilespmem:s19+$0x100]  }
0x1be: {  	s22 =	simm.s32 $0x3;
	v14 =	vsub.f32 v62, v20  }
0x1bf: {  	s20 =	simm.s32 $0x4;
	s21 =	simm.s32 $0x8;
	v19 =	vor.u32 s22, v5;
	v15 =	vsub.f32 v15, v63  }
.LBB2_4:
0x1c0: {  	p0 =	slt.u32 s21, $0x3C;
	v14 =	vmul.f32 v14, v14  }
0x1c1: {  	v15 =	vmul.f32 v15, v15;
	v18 =	vsel vm1, v16, v18  }
0x1c2: {  	v13 =	vadd.f32 v14, v13;
	v14 =	vld [tilespmem:s18+$0xFFFFE100];
	[tilespmem:s19+$0xFFFFE100] =	vst v18;
	v16 =	vsel vm1, v16, v17  }
0x1c3: {  	v12 =	vadd.f32 v15, v12;
	v15 =	vld [tilespmem:s18+$0x100];
	[tilespmem:s19+$0x100] =	vst v16  }
0x1c4: {  	v17 =	vld.idx.msk [tilespmem:v19+s28+$0x0], $0xffff  }
0x1c5: {  	v19 =	vld [tilespmem:s19+$0xFFFFE180]  }
0x1c6: {  	v20 =	vld [tilespmem:s19+$0x180]  }
0x1c7: {  	v14 =	vsub.f32 v14, v18  }
0x1c8: {  	v18 =	vor.u32 s20, v5;
	v15 =	vsub.f32 v15, v16  }
0x1c9: {  	v14 =	vmul.f32 v14, v14  }
0x1ca: {  	v15 =	vmul.f32 v15, v15;
	v16 =	vsel vm1, v17, v19  }
0x1cb: {  	v13 =	vadd.f32 v14, v13;
	v14 =	vld [tilespmem:s18+$0xFFFFE180];
	[tilespmem:s19+$0xFFFFE180] =	vst v16;
	v17 =	vsel vm1, v17, v20  }
0x1cc: {  	v12 =	vadd.f32 v15, v12;
	v15 =	vld [tilespmem:s18+$0x180];
	[tilespmem:s19+$0x180] =	vst v17  }
0x1cd: {  	s19 =	sadd.s32 $0x200, s19;
	v18 =	vld.idx.msk [tilespmem:v18+s28+$0x0], $0xffff  }
0x1ce: {  	v19 =	vld [tilespmem:s19+$0xFFFFE000]  }
0x1cf: {  	v20 =	vld [tilespmem:s19+$0x0]  }
0x1d0: {  	s22 =	sadd.s32 $0x1, s20;
	v14 =	vsub.f32 v14, v16  }
0x1d1: {  	v16 =	vor.u32 s22, v5;
	v15 =	vsub.f32 v15, v17  }
0x1d2: {  	v14 =	vmul.f32 v14, v14  }
0x1d3: {  	s18 =	sadd.s32 $0x200, s18;
	v17 =	vsel vm1, v18, v19;
	v15 =	vmul.f32 v15, v15  }
0x1d4: {  	v19 =	vld [tilespmem:s18+$0xFFFFE000];
	[tilespmem:s19+$0xFFFFE000] =	vst v17;
	v18 =	vsel vm1, v18, v20;
	v13 =	vadd.f32 v14, v13  }
0x1d5: {  	v14 =	vld [tilespmem:s18+$0x0];
	[tilespmem:s19+$0x0] =	vst v18;
	v12 =	vadd.f32 v15, v12  }
0x1d6: {  	v15 =	vld.idx.msk [tilespmem:v16+s28+$0x0], $0xffff  }
0x1d7: {  	v16 =	vld [tilespmem:s19+$0xFFFFE080]  }
0x1d8: {  	v20 =	vld [tilespmem:s19+$0x80]  }
0x1d9: {  	s22 =	sadd.s32 $0x2, s20;
	v17 =	vsub.f32 v19, v17  }
0x1da: {  	v14 =	vsub.f32 v14, v18;
	v18 =	vor.u32 s22, v5  }
0x1db: {  	v17 =	vmul.f32 v17, v17  }
0x1dc: {  	v14 =	vmul.f32 v14, v14;
	v19 =	vsel vm1, v15, v16  }
0x1dd: {  	v13 =	vadd.f32 v17, v13;
	v21 =	vld [tilespmem:s18+$0xFFFFE080];
	[tilespmem:s19+$0xFFFFE080] =	vst v19;
	v15 =	vsel vm1, v15, v20  }
0x1de: {  	v12 =	vadd.f32 v14, v12;
	v20 =	vld [tilespmem:s18+$0x80];
	[tilespmem:s19+$0x80] =	vst v15  }
.Ltmp1:
0x1df: {  	v16 =	vld.idx.msk [tilespmem:v18+s28+$0x0], $0xffff;
	(pc) =	sbr.rel @p0 .LBB2_4-.Ltmp1, $4  }
0x1e0: {  	v18 =	vld [tilespmem:s19+$0xFFFFE100]  }
0x1e1: {  	v17 =	vld [tilespmem:s19+$0x100]  }
0x1e2: {  	s22 =	sadd.s32 $0x3, s20;
	s20 =	smov.u32 s21;
	v14 =	vsub.f32 v21, v19  }
0x1e3: {  	s21 =	sadd.s32 $0x4, s21;
	v19 =	vor.u32 s22, v5;
	v15 =	vsub.f32 v20, v15  }
0x1e4: {  	_ = 	snop  }
0x1e5: {  	v20 =	vld [tilespmem:s18+$0xFFFFE100];
	v18 =	vsel vm1, v16, v18  }
0x1e6: {  	v21 =	vld [tilespmem:s19+$0xFFFFE180];
	[tilespmem:s19+$0xFFFFE100] =	vst v18;
	v16 =	vsel vm1, v16, v17  }
0x1e7: {  	v17 =	vld [tilespmem:s18+$0x100];
	[tilespmem:s19+$0x100] =	vst v16  }
0x1e8: {  	v19 =	vld.idx.msk [tilespmem:v19+s28+$0x0], $0xffff  }
0x1e9: {  	v22 =	vld [tilespmem:s19+$0x180];
	_ =	sdelay $0x1  }
0x1ea: {  	v23 =	vor.u32 s20, v5;
	_ =	sdelay $0x1  }
0x1eb: {  	v21 =	vsel vm1, v19, v21  }
0x1ec: {  	v24 =	vld [tilespmem:s18+$0xFFFFE180];
	v19 =	vsel vm1, v19, v22;
	[tilespmem:s19+$0xFFFFE180] =	vst v21  }
0x1ed: {  	v57 =	vld [tilespmem:s18+$0x180];
	[tilespmem:s19+$0x180] =	vst v19  }
0x1ee: {  	s19 =	sadd.s32 $0x200, s19;
	v23 =	vld.idx.msk [tilespmem:v23+s28+$0x0], $0xffff  }
0x1ef: {  	v25 =	vld [tilespmem:s19+$0xFFFFE000]  }
0x1f0: {  	v26 =	vld [tilespmem:s19+$0x0]  }
0x1f1: {  	s21 =	sadd.s32 $0x1, s20  }
0x1f2: {  	v27 =	vor.u32 s21, v5  }
0x1f3: {  	s18 =	sadd.s32 $0x200, s18  }
0x1f4: {  	v28 =	vld [tilespmem:s18+$0xFFFFE000];
	v25 =	vsel vm1, v23, v25  }
0x1f5: {  	v29 =	vld [tilespmem:s19+$0xFFFFE080];
	v23 =	vsel vm1, v23, v26;
	[tilespmem:s19+$0xFFFFE000] =	vst v25  }
0x1f6: {  	v58 =	vld [tilespmem:s18+$0x0];
	[tilespmem:s19+$0x0] =	vst v23  }
0x1f7: {  	v27 =	vld.idx.msk [tilespmem:v27+s28+$0x0], $0xffff  }
0x1f8: {  	v30 =	vld [tilespmem:s19+$0x80]  }
0x1f9: {  	s22 =	sadd.s32 $0x2, s20  }
0x1fa: {  	v31 =	vor.u32 s22, v5;
	_ =	sdelay $0x1  }
0x1fb: {  	v33 =	vld [tilespmem:s19+$0xFFFFE100];
	v29 =	vsel vm1, v27, v29  }
0x1fc: {  	v32 =	vld [tilespmem:s18+$0xFFFFE080];
	v27 =	vsel vm1, v27, v30;
	[tilespmem:s19+$0xFFFFE080] =	vst v29  }
0x1fd: {  	v59 =	vld [tilespmem:s18+$0x80];
	[tilespmem:s19+$0x80] =	vst v27  }
0x1fe: {  	v31 =	vld.idx.msk [tilespmem:v31+s28+$0x0], $0xffff  }
0x1ff: {  	v34 =	vld [tilespmem:s19+$0x100]  }
0x200: {  	s22 =	sadd.s32 $0x3, s20  }
0x201: {  	v35 =	vor.u32 s22, v5;
	_ =	sdelay $0x1  }
0x202: {  	v16 =	vsub.f32 v17, v16;
	v17 =	vld [tilespmem:s19+$0xFFFFE180];
	v33 =	vsel vm1, v31, v33  }
0x203: {  	v36 =	vld [tilespmem:s18+$0xFFFFE100];
	v31 =	vsel vm1, v31, v34;
	[tilespmem:s19+$0xFFFFE100] =	vst v33  }
0x204: {  	v14 =	vmul.f32 v14, v14;
	v18 =	vsub.f32 v20, v18;
	v60 =	vld [tilespmem:s18+$0x100];
	[tilespmem:s19+$0x100] =	vst v31  }
0x205: {  	v15 =	vmul.f32 v15, v15;
	v20 =	vld.idx.msk [tilespmem:v35+s28+$0x0], $0xffff  }
0x206: {  	v13 =	vadd.f32 v14, v13;
	v14 =	vmul.f32 v18, v18  }
0x207: {  	v12 =	vadd.f32 v15, v12;
	v15 =	vsub.f32 v24, v21;
	v16 =	vmul.f32 v16, v16  }
0x208: {  	v13 =	vadd.f32 v14, v13;
	v14 =	vsub.f32 v57, v19  }
0x209: {  	v12 =	vadd.f32 v16, v12;
	v15 =	vmul.f32 v15, v15;
	v16 =	vsub.f32 v28, v25  }
0x20a: {  	v61 =	vld [tilespmem:s19+$0x180];
	v14 =	vmul.f32 v14, v14;
	v18 =	vsub.f32 v58, v23;
	v17 =	vsel vm1, v20, v17  }
0x20b: {  	v13 =	vadd.f32 v15, v13;
	v15 =	vmul.f32 v16, v16;
	v16 =	vsub.f32 v32, v29;
	v19 =	vld [tilespmem:s18+$0xFFFFE180];
	[tilespmem:s19+$0xFFFFE180] =	vst v17  }
0x20c: {  	v12 =	vadd.f32 v14, v12;
	v14 =	vmul.f32 v18, v18;
	v18 =	vld [tilespmem:s18+$0x180]  }
0x20d: {  	v13 =	vadd.f32 v15, v13;
	v16 =	vmul.f32 v16, v16;
	v15 =	vsub.f32 v59, v27  }
0x20e: {  	v12 =	vadd.f32 v14, v12;
	v14 =	vsub.f32 v36, v33  }
0x20f: {  	v13 =	vadd.f32 v16, v13;
	v15 =	vmul.f32 v15, v15;
	v16 =	vsub.f32 v60, v31  }
0x210: {  	v14 =	vmul.f32 v14, v14;
	v20 =	vsel vm1, v20, v61;
	v17 =	vsub.f32 v19, v17  }
0x211: {  	v12 =	vadd.f32 v15, v12;
	v15 =	vmul.f32 v16, v16;
	v16 =	vsub.f32 v18, v20  }
0x212: {  	v13 =	vadd.f32 v14, v13;
	v14 =	vmul.f32 v17, v17  }
0x213: {  	v12 =	vadd.f32 v15, v12;
	v15 =	vmul.f32 v16, v16  }
0x214: {  	[tilespmem:s19+$0x180] =	vst v20;
	v13 =	vadd.f32 v14, v13  }
0x215: {  	v14 =	vld [tilespmem:$0x10110];
	v12 =	vadd.f32 v15, v12  }
0x216: {  	vm2 =	vge.f32 v13, $2.499999940e-03;
	v13 =	vld [tilespmem:$0x10190]  }
0x217: {  	s20 =	simm.s32 $0x0;
	v15 =	vsel vm2, $0x3F800000, v4;
	vm2 =	vge.f32 v12, $2.499999940e-03  }
0x218: {  	v16 =	vor.u32 s20, v6;
	v12 =	vsub.f32 $0.0e+00, v15;
	v15 =	vsel vm2, $0x3F800000, v4  }
0x219: {  	v15 =	vsub.f32 $0.0e+00, v15  }
0x21a: {  	v12 =	vsel vm1, v12, v14  }
0x21b: {  	[tilespmem:$0x10210] =	vst v12;
	v12 =	vsel vm1, v15, v13  }
0x21c: {  	[tilespmem:$0x10290] =	vst v12;
	v12 =	vld [tilespmem:$0x100A0]  }
0x21d: {  	s19 =	simm.s32 $0xE0A0;
	v13 =	vld.idx.msk [tilespmem:v16+s28+$0x0], $0xffff  }
0x21e: {  	v14 =	vld [tilespmem:s19+$0xFFFFE000]  }
0x21f: {  	v15 =	vld [tilespmem:s19+$0x0]  }
0x220: {  	s21 =	simm.s32 $0x1  }
0x221: {  	vm1 =	vlt.f32 v12, $8.000000110e-01;
	v12 =	vor.u32 s21, v6  }
0x222: {  	s18 =	simm.s32 $0xA0A0  }
0x223: {  	v16 =	vld [tilespmem:s18+$0xFFFFE000];
	v14 =	vsel vm1, v13, v14  }
0x224: {  	v17 =	vld [tilespmem:s19+$0xFFFFE080];
	v13 =	vsel vm1, v13, v15;
	[tilespmem:s19+$0xFFFFE000] =	vst v14  }
0x225: {  	v15 =	vld [tilespmem:s18+$0x0];
	[tilespmem:s19+$0x0] =	vst v13  }
0x226: {  	v12 =	vld.idx.msk [tilespmem:v12+s28+$0x0], $0xffff;
	_ =	sdelay $0x1  }
0x227: {  	v18 =	vld [tilespmem:s19+$0x80]  }
0x228: {  	s22 =	simm.s32 $0x2  }
0x229: {  	v19 =	vor.u32 s22, v6  }
0x22a: {  	v20 =	vsel vm1, v12, v17  }
0x22b: {  	v14 =	vsub.f32 v16, v14;
	v62 =	vld [tilespmem:s18+$0xFFFFE080];
	v13 =	vsub.f32 v15, v13;
	[tilespmem:s19+$0xFFFFE080] =	vst v20  }
0x22c: {  	v63 =	vsel vm1, v12, v18;
	v15 =	vld [tilespmem:s18+$0x80]  }
0x22d: {  	v12 =	vmul.f32 v14, v14;
	v14 =	vmul.f32 v13, v13;
	v18 =	vld [tilespmem:s19+$0xFFFFE100];
	[tilespmem:s19+$0x80] =	vst v63  }
0x22e: {  	v17 =	vimm.f32 $0.0e+00;
	v16 =	vld.idx.msk [tilespmem:v19+s28+$0x0], $0xffff  }
0x22f: {  	v13 =	vadd.f32 v12, v17;
	v12 =	vadd.f32 v14, v17;
	v17 =	vld [tilespmem:s19+$0x100]  }
0x230: {  	s22 =	simm.s32 $0x3;
	v14 =	vsub.f32 v62, v20  }
0x231: {  	s20 =	simm.s32 $0x4;
	s21 =	simm.s32 $0x8;
	v19 =	vor.u32 s22, v6;
	v15 =	vsub.f32 v15, v63  }
.LBB2_6:
0x232: {  	p0 =	slt.u32 s21, $0x3C;
	v14 =	vmul.f32 v14, v14  }
0x233: {  	v15 =	vmul.f32 v15, v15;
	v18 =	vsel vm1, v16, v18  }
0x234: {  	v13 =	vadd.f32 v14, v13;
	v14 =	vld [tilespmem:s18+$0xFFFFE100];
	[tilespmem:s19+$0xFFFFE100] =	vst v18;
	v16 =	vsel vm1, v16, v17  }
0x235: {  	v12 =	vadd.f32 v15, v12;
	v15 =	vld [tilespmem:s18+$0x100];
	[tilespmem:s19+$0x100] =	vst v16  }
0x236: {  	v17 =	vld.idx.msk [tilespmem:v19+s28+$0x0], $0xffff  }
0x237: {  	v19 =	vld [tilespmem:s19+$0xFFFFE180]  }
0x238: {  	v20 =	vld [tilespmem:s19+$0x180]  }
0x239: {  	v14 =	vsub.f32 v14, v18  }
0x23a: {  	v18 =	vor.u32 s20, v6;
	v15 =	vsub.f32 v15, v16  }
0x23b: {  	v14 =	vmul.f32 v14, v14  }
0x23c: {  	v15 =	vmul.f32 v15, v15;
	v16 =	vsel vm1, v17, v19  }
0x23d: {  	v13 =	vadd.f32 v14, v13;
	v14 =	vld [tilespmem:s18+$0xFFFFE180];
	[tilespmem:s19+$0xFFFFE180] =	vst v16;
	v17 =	vsel vm1, v17, v20  }
0x23e: {  	v12 =	vadd.f32 v15, v12;
	v15 =	vld [tilespmem:s18+$0x180];
	[tilespmem:s19+$0x180] =	vst v17  }
0x23f: {  	s19 =	sadd.s32 $0x200, s19;
	v18 =	vld.idx.msk [tilespmem:v18+s28+$0x0], $0xffff  }
0x240: {  	v19 =	vld [tilespmem:s19+$0xFFFFE000]  }
0x241: {  	v20 =	vld [tilespmem:s19+$0x0]  }
0x242: {  	s22 =	sadd.s32 $0x1, s20;
	v14 =	vsub.f32 v14, v16  }
0x243: {  	v16 =	vor.u32 s22, v6;
	v15 =	vsub.f32 v15, v17  }
0x244: {  	v14 =	vmul.f32 v14, v14  }
0x245: {  	s18 =	sadd.s32 $0x200, s18;
	v17 =	vsel vm1, v18, v19;
	v15 =	vmul.f32 v15, v15  }
0x246: {  	v19 =	vld [tilespmem:s18+$0xFFFFE000];
	[tilespmem:s19+$0xFFFFE000] =	vst v17;
	v18 =	vsel vm1, v18, v20;
	v13 =	vadd.f32 v14, v13  }
0x247: {  	v14 =	vld [tilespmem:s18+$0x0];
	[tilespmem:s19+$0x0] =	vst v18;
	v12 =	vadd.f32 v15, v12  }
0x248: {  	v15 =	vld.idx.msk [tilespmem:v16+s28+$0x0], $0xffff  }
0x249: {  	v16 =	vld [tilespmem:s19+$0xFFFFE080]  }
0x24a: {  	v20 =	vld [tilespmem:s19+$0x80]  }
0x24b: {  	s22 =	sadd.s32 $0x2, s20;
	v17 =	vsub.f32 v19, v17  }
0x24c: {  	v14 =	vsub.f32 v14, v18;
	v18 =	vor.u32 s22, v6  }
0x24d: {  	v17 =	vmul.f32 v17, v17  }
0x24e: {  	v14 =	vmul.f32 v14, v14;
	v19 =	vsel vm1, v15, v16  }
0x24f: {  	v13 =	vadd.f32 v17, v13;
	v21 =	vld [tilespmem:s18+$0xFFFFE080];
	[tilespmem:s19+$0xFFFFE080] =	vst v19;
	v15 =	vsel vm1, v15, v20  }
0x250: {  	v12 =	vadd.f32 v14, v12;
	v20 =	vld [tilespmem:s18+$0x80];
	[tilespmem:s19+$0x80] =	vst v15  }
.Ltmp2:
0x251: {  	v16 =	vld.idx.msk [tilespmem:v18+s28+$0x0], $0xffff;
	(pc) =	sbr.rel @p0 .LBB2_6-.Ltmp2, $4  }
0x252: {  	v18 =	vld [tilespmem:s19+$0xFFFFE100]  }
0x253: {  	v17 =	vld [tilespmem:s19+$0x100]  }
0x254: {  	s22 =	sadd.s32 $0x3, s20;
	s20 =	smov.u32 s21;
	v14 =	vsub.f32 v21, v19  }
0x255: {  	s21 =	sadd.s32 $0x4, s21;
	v19 =	vor.u32 s22, v6;
	v15 =	vsub.f32 v20, v15  }
0x256: {  	_ = 	snop  }
0x257: {  	v20 =	vld [tilespmem:s18+$0xFFFFE100];
	v18 =	vsel vm1, v16, v18  }
0x258: {  	v21 =	vld [tilespmem:s19+$0xFFFFE180];
	[tilespmem:s19+$0xFFFFE100] =	vst v18;
	v16 =	vsel vm1, v16, v17  }
0x259: {  	v17 =	vld [tilespmem:s18+$0x100];
	[tilespmem:s19+$0x100] =	vst v16  }
0x25a: {  	v19 =	vld.idx.msk [tilespmem:v19+s28+$0x0], $0xffff  }
0x25b: {  	v22 =	vld [tilespmem:s19+$0x180];
	_ =	sdelay $0x1  }
0x25c: {  	v23 =	vor.u32 s20, v6;
	_ =	sdelay $0x1  }
0x25d: {  	v21 =	vsel vm1, v19, v21  }
0x25e: {  	v24 =	vld [tilespmem:s18+$0xFFFFE180];
	v19 =	vsel vm1, v19, v22;
	[tilespmem:s19+$0xFFFFE180] =	vst v21  }
0x25f: {  	v57 =	vld [tilespmem:s18+$0x180];
	[tilespmem:s19+$0x180] =	vst v19  }
0x260: {  	s19 =	sadd.s32 $0x200, s19;
	v23 =	vld.idx.msk [tilespmem:v23+s28+$0x0], $0xffff  }
0x261: {  	v25 =	vld [tilespmem:s19+$0xFFFFE000]  }
0x262: {  	v26 =	vld [tilespmem:s19+$0x0]  }
0x263: {  	s21 =	sadd.s32 $0x1, s20  }
0x264: {  	v27 =	vor.u32 s21, v6  }
0x265: {  	s18 =	sadd.s32 $0x200, s18  }
0x266: {  	v28 =	vld [tilespmem:s18+$0xFFFFE000];
	v25 =	vsel vm1, v23, v25  }
0x267: {  	v29 =	vld [tilespmem:s19+$0xFFFFE080];
	v23 =	vsel vm1, v23, v26;
	[tilespmem:s19+$0xFFFFE000] =	vst v25  }
0x268: {  	v58 =	vld [tilespmem:s18+$0x0];
	[tilespmem:s19+$0x0] =	vst v23  }
0x269: {  	v27 =	vld.idx.msk [tilespmem:v27+s28+$0x0], $0xffff  }
0x26a: {  	v30 =	vld [tilespmem:s19+$0x80]  }
0x26b: {  	s22 =	sadd.s32 $0x2, s20  }
0x26c: {  	v31 =	vor.u32 s22, v6;
	_ =	sdelay $0x1  }
0x26d: {  	v33 =	vld [tilespmem:s19+$0xFFFFE100];
	v29 =	vsel vm1, v27, v29  }
0x26e: {  	v32 =	vld [tilespmem:s18+$0xFFFFE080];
	v27 =	vsel vm1, v27, v30;
	[tilespmem:s19+$0xFFFFE080] =	vst v29  }
0x26f: {  	v59 =	vld [tilespmem:s18+$0x80];
	[tilespmem:s19+$0x80] =	vst v27  }
0x270: {  	v31 =	vld.idx.msk [tilespmem:v31+s28+$0x0], $0xffff  }
0x271: {  	v34 =	vld [tilespmem:s19+$0x100]  }
0x272: {  	s22 =	sadd.s32 $0x3, s20  }
0x273: {  	v35 =	vor.u32 s22, v6;
	_ =	sdelay $0x1  }
0x274: {  	v16 =	vsub.f32 v17, v16;
	v17 =	vld [tilespmem:s19+$0xFFFFE180];
	v33 =	vsel vm1, v31, v33  }
0x275: {  	v36 =	vld [tilespmem:s18+$0xFFFFE100];
	v31 =	vsel vm1, v31, v34;
	[tilespmem:s19+$0xFFFFE100] =	vst v33  }
0x276: {  	v14 =	vmul.f32 v14, v14;
	v18 =	vsub.f32 v20, v18;
	v60 =	vld [tilespmem:s18+$0x100];
	[tilespmem:s19+$0x100] =	vst v31  }
0x277: {  	v15 =	vmul.f32 v15, v15;
	v20 =	vld.idx.msk [tilespmem:v35+s28+$0x0], $0xffff  }
0x278: {  	v13 =	vadd.f32 v14, v13;
	v14 =	vmul.f32 v18, v18  }
0x279: {  	v12 =	vadd.f32 v15, v12;
	v15 =	vsub.f32 v24, v21;
	v16 =	vmul.f32 v16, v16  }
0x27a: {  	v13 =	vadd.f32 v14, v13;
	v14 =	vsub.f32 v57, v19  }
0x27b: {  	v12 =	vadd.f32 v16, v12;
	v15 =	vmul.f32 v15, v15;
	v16 =	vsub.f32 v28, v25  }
0x27c: {  	v61 =	vld [tilespmem:s19+$0x180];
	v14 =	vmul.f32 v14, v14;
	v18 =	vsub.f32 v58, v23;
	v17 =	vsel vm1, v20, v17  }
0x27d: {  	v13 =	vadd.f32 v15, v13;
	v15 =	vmul.f32 v16, v16;
	v16 =	vsub.f32 v32, v29;
	v19 =	vld [tilespmem:s18+$0xFFFFE180];
	[tilespmem:s19+$0xFFFFE180] =	vst v17  }
0x27e: {  	v12 =	vadd.f32 v14, v12;
	v14 =	vmul.f32 v18, v18;
	v18 =	vld [tilespmem:s18+$0x180]  }
0x27f: {  	v13 =	vadd.f32 v15, v13;
	v16 =	vmul.f32 v16, v16;
	v15 =	vsub.f32 v59, v27  }
0x280: {  	v12 =	vadd.f32 v14, v12;
	v14 =	vsub.f32 v36, v33  }
0x281: {  	v13 =	vadd.f32 v16, v13;
	v15 =	vmul.f32 v15, v15;
	v16 =	vsub.f32 v60, v31  }
0x282: {  	v14 =	vmul.f32 v14, v14;
	v20 =	vsel vm1, v20, v61;
	v17 =	vsub.f32 v19, v17  }
0x283: {  	v12 =	vadd.f32 v15, v12;
	v15 =	vmul.f32 v16, v16;
	v16 =	vsub.f32 v18, v20  }
0x284: {  	v13 =	vadd.f32 v14, v13;
	v14 =	vmul.f32 v17, v17  }
0x285: {  	v12 =	vadd.f32 v15, v12;
	v15 =	vmul.f32 v16, v16  }
0x286: {  	[tilespmem:s19+$0x180] =	vst v20;
	v13 =	vadd.f32 v14, v13  }
0x287: {  	v14 =	vld [tilespmem:$0x10120];
	v12 =	vadd.f32 v15, v12  }
0x288: {  	vm2 =	vge.f32 v13, $2.499999940e-03;
	v13 =	vld [tilespmem:$0x101A0]  }
0x289: {  	s20 =	simm.s32 $0x0;
	v15 =	vsel vm2, $0x3F800000, v4;
	vm2 =	vge.f32 v12, $2.499999940e-03  }
0x28a: {  	v16 =	vor.u32 s20, v7;
	v12 =	vsub.f32 $0.0e+00, v15;
	v15 =	vsel vm2, $0x3F800000, v4  }
0x28b: {  	v15 =	vsub.f32 $0.0e+00, v15  }
0x28c: {  	v12 =	vsel vm1, v12, v14  }
0x28d: {  	[tilespmem:$0x10220] =	vst v12;
	v12 =	vsel vm1, v15, v13  }
0x28e: {  	[tilespmem:$0x102A0] =	vst v12;
	v12 =	vld [tilespmem:$0x100B0]  }
0x28f: {  	s19 =	simm.s32 $0xE0B0;
	v13 =	vld.idx.msk [tilespmem:v16+s28+$0x0], $0xffff  }
0x290: {  	v14 =	vld [tilespmem:s19+$0xFFFFE000]  }
0x291: {  	v15 =	vld [tilespmem:s19+$0x0]  }
0x292: {  	s21 =	simm.s32 $0x1  }
0x293: {  	v16 =	vor.u32 s21, v7  }
0x294: {  	vm1 =	vlt.f32 v12, $8.000000110e-01  }
0x295: {  	s18 =	simm.s32 $0xA0B0;
	v17 =	vld [tilespmem:s19+$0xFFFFE080];
	v12 =	vsel vm1, v13, v14  }
0x296: {  	v14 =	vld [tilespmem:s18+$0xFFFFE000];
	v13 =	vsel vm1, v13, v15;
	[tilespmem:s19+$0xFFFFE000] =	vst v12  }
0x297: {  	v15 =	vld [tilespmem:s18+$0x0];
	[tilespmem:s19+$0x0] =	vst v13  }
0x298: {  	v16 =	vld.idx.msk [tilespmem:v16+s28+$0x0], $0xffff;
	_ =	sdelay $0x1  }
0x299: {  	v18 =	vld [tilespmem:s19+$0x80]  }
0x29a: {  	s22 =	simm.s32 $0x2  }
0x29b: {  	v19 =	vor.u32 s22, v7  }
0x29c: {  	v20 =	vsel vm1, v16, v17  }
0x29d: {  	v62 =	vld [tilespmem:s18+$0xFFFFE080];
	v12 =	vsub.f32 v14, v12;
	v13 =	vsub.f32 v15, v13;
	[tilespmem:s19+$0xFFFFE080] =	vst v20  }
0x29e: {  	v63 =	vsel vm1, v16, v18;
	v15 =	vld [tilespmem:s18+$0x80]  }
0x29f: {  	v12 =	vmul.f32 v12, v12;
	v18 =	vld [tilespmem:s19+$0xFFFFE100];
	v14 =	vmul.f32 v13, v13;
	[tilespmem:s19+$0x80] =	vst v63  }
0x2a0: {  	v17 =	vimm.f32 $0.0e+00;
	v16 =	vld.idx.msk [tilespmem:v19+s28+$0x0], $0xffff  }
0x2a1: {  	v13 =	vadd.f32 v12, v17;
	v12 =	vadd.f32 v14, v17;
	v17 =	vld [tilespmem:s19+$0x100]  }
0x2a2: {  	s22 =	simm.s32 $0x3;
	v14 =	vsub.f32 v62, v20  }
0x2a3: {  	s20 =	simm.s32 $0x4;
	s21 =	simm.s32 $0x8;
	v19 =	vor.u32 s22, v7;
	v15 =	vsub.f32 v15, v63  }
.LBB2_8:
0x2a4: {  	p0 =	slt.u32 s21, $0x3C;
	v14 =	vmul.f32 v14, v14  }
0x2a5: {  	v15 =	vmul.f32 v15, v15;
	v18 =	vsel vm1, v16, v18  }
0x2a6: {  	v13 =	vadd.f32 v14, v13;
	v14 =	vld [tilespmem:s18+$0xFFFFE100];
	[tilespmem:s19+$0xFFFFE100] =	vst v18;
	v16 =	vsel vm1, v16, v17  }
0x2a7: {  	v12 =	vadd.f32 v15, v12;
	v15 =	vld [tilespmem:s18+$0x100];
	[tilespmem:s19+$0x100] =	vst v16  }
0x2a8: {  	v17 =	vld.idx.msk [tilespmem:v19+s28+$0x0], $0xffff  }
0x2a9: {  	v19 =	vld [tilespmem:s19+$0xFFFFE180]  }
0x2aa: {  	v20 =	vld [tilespmem:s19+$0x180]  }
0x2ab: {  	v14 =	vsub.f32 v14, v18  }
0x2ac: {  	v18 =	vor.u32 s20, v7;
	v15 =	vsub.f32 v15, v16  }
0x2ad: {  	v14 =	vmul.f32 v14, v14  }
0x2ae: {  	v15 =	vmul.f32 v15, v15;
	v16 =	vsel vm1, v17, v19  }
0x2af: {  	v13 =	vadd.f32 v14, v13;
	v14 =	vld [tilespmem:s18+$0xFFFFE180];
	[tilespmem:s19+$0xFFFFE180] =	vst v16;
	v17 =	vsel vm1, v17, v20  }
0x2b0: {  	v12 =	vadd.f32 v15, v12;
	v15 =	vld [tilespmem:s18+$0x180];
	[tilespmem:s19+$0x180] =	vst v17  }
0x2b1: {  	s19 =	sadd.s32 $0x200, s19;
	v18 =	vld.idx.msk [tilespmem:v18+s28+$0x0], $0xffff  }
0x2b2: {  	v19 =	vld [tilespmem:s19+$0xFFFFE000]  }
0x2b3: {  	v20 =	vld [tilespmem:s19+$0x0]  }
0x2b4: {  	s22 =	sadd.s32 $0x1, s20;
	v14 =	vsub.f32 v14, v16  }
0x2b5: {  	v16 =	vor.u32 s22, v7;
	v15 =	vsub.f32 v15, v17  }
0x2b6: {  	v14 =	vmul.f32 v14, v14  }
0x2b7: {  	s18 =	sadd.s32 $0x200, s18;
	v17 =	vsel vm1, v18, v19;
	v15 =	vmul.f32 v15, v15  }
0x2b8: {  	v19 =	vld [tilespmem:s18+$0xFFFFE000];
	[tilespmem:s19+$0xFFFFE000] =	vst v17;
	v18 =	vsel vm1, v18, v20;
	v13 =	vadd.f32 v14, v13  }
0x2b9: {  	v14 =	vld [tilespmem:s18+$0x0];
	[tilespmem:s19+$0x0] =	vst v18;
	v12 =	vadd.f32 v15, v12  }
0x2ba: {  	v15 =	vld.idx.msk [tilespmem:v16+s28+$0x0], $0xffff  }
0x2bb: {  	v16 =	vld [tilespmem:s19+$0xFFFFE080]  }
0x2bc: {  	v20 =	vld [tilespmem:s19+$0x80]  }
0x2bd: {  	s22 =	sadd.s32 $0x2, s20;
	v17 =	vsub.f32 v19, v17  }
0x2be: {  	v14 =	vsub.f32 v14, v18;
	v18 =	vor.u32 s22, v7  }
0x2bf: {  	v17 =	vmul.f32 v17, v17  }
0x2c0: {  	v14 =	vmul.f32 v14, v14;
	v19 =	vsel vm1, v15, v16  }
0x2c1: {  	v13 =	vadd.f32 v17, v13;
	v21 =	vld [tilespmem:s18+$0xFFFFE080];
	[tilespmem:s19+$0xFFFFE080] =	vst v19;
	v15 =	vsel vm1, v15, v20  }
0x2c2: {  	v12 =	vadd.f32 v14, v12;
	v20 =	vld [tilespmem:s18+$0x80];
	[tilespmem:s19+$0x80] =	vst v15  }
.Ltmp3:
0x2c3: {  	v16 =	vld.idx.msk [tilespmem:v18+s28+$0x0], $0xffff;
	(pc) =	sbr.rel @p0 .LBB2_8-.Ltmp3, $4  }
0x2c4: {  	v18 =	vld [tilespmem:s19+$0xFFFFE100]  }
0x2c5: {  	v17 =	vld [tilespmem:s19+$0x100]  }
0x2c6: {  	s22 =	sadd.s32 $0x3, s20;
	s20 =	smov.u32 s21;
	v14 =	vsub.f32 v21, v19  }
0x2c7: {  	s21 =	sadd.s32 $0x4, s21;
	v19 =	vor.u32 s22, v7;
	v15 =	vsub.f32 v20, v15  }
0x2c8: {  	_ = 	snop  }
0x2c9: {  	v20 =	vld [tilespmem:s18+$0xFFFFE100];
	v18 =	vsel vm1, v16, v18  }
0x2ca: {  	v21 =	vld [tilespmem:s19+$0xFFFFE180];
	[tilespmem:s19+$0xFFFFE100] =	vst v18;
	v16 =	vsel vm1, v16, v17  }
0x2cb: {  	v17 =	vld [tilespmem:s18+$0x100];
	[tilespmem:s19+$0x100] =	vst v16  }
0x2cc: {  	v19 =	vld.idx.msk [tilespmem:v19+s28+$0x0], $0xffff  }
0x2cd: {  	v22 =	vld [tilespmem:s19+$0x180];
	_ =	sdelay $0x1  }
0x2ce: {  	v23 =	vor.u32 s20, v7;
	_ =	sdelay $0x1  }
0x2cf: {  	v21 =	vsel vm1, v19, v21  }
0x2d0: {  	v24 =	vld [tilespmem:s18+$0xFFFFE180];
	v19 =	vsel vm1, v19, v22;
	[tilespmem:s19+$0xFFFFE180] =	vst v21  }
0x2d1: {  	v57 =	vld [tilespmem:s18+$0x180];
	[tilespmem:s19+$0x180] =	vst v19  }
0x2d2: {  	s19 =	sadd.s32 $0x200, s19;
	v23 =	vld.idx.msk [tilespmem:v23+s28+$0x0], $0xffff  }
0x2d3: {  	v25 =	vld [tilespmem:s19+$0xFFFFE000]  }
0x2d4: {  	v26 =	vld [tilespmem:s19+$0x0]  }
0x2d5: {  	s21 =	sadd.s32 $0x1, s20  }
0x2d6: {  	v27 =	vor.u32 s21, v7  }
0x2d7: {  	s18 =	sadd.s32 $0x200, s18  }
0x2d8: {  	v28 =	vld [tilespmem:s18+$0xFFFFE000];
	v25 =	vsel vm1, v23, v25  }
0x2d9: {  	v29 =	vld [tilespmem:s19+$0xFFFFE080];
	v23 =	vsel vm1, v23, v26;
	[tilespmem:s19+$0xFFFFE000] =	vst v25  }
0x2da: {  	v58 =	vld [tilespmem:s18+$0x0];
	[tilespmem:s19+$0x0] =	vst v23  }
0x2db: {  	v27 =	vld.idx.msk [tilespmem:v27+s28+$0x0], $0xffff  }
0x2dc: {  	v30 =	vld [tilespmem:s19+$0x80]  }
0x2dd: {  	s22 =	sadd.s32 $0x2, s20  }
0x2de: {  	v31 =	vor.u32 s22, v7;
	_ =	sdelay $0x1  }
0x2df: {  	v33 =	vld [tilespmem:s19+$0xFFFFE100];
	v29 =	vsel vm1, v27, v29  }
0x2e0: {  	v32 =	vld [tilespmem:s18+$0xFFFFE080];
	v27 =	vsel vm1, v27, v30;
	[tilespmem:s19+$0xFFFFE080] =	vst v29  }
0x2e1: {  	v59 =	vld [tilespmem:s18+$0x80];
	[tilespmem:s19+$0x80] =	vst v27  }
0x2e2: {  	v31 =	vld.idx.msk [tilespmem:v31+s28+$0x0], $0xffff  }
0x2e3: {  	v34 =	vld [tilespmem:s19+$0x100]  }
0x2e4: {  	s22 =	sadd.s32 $0x3, s20  }
0x2e5: {  	v35 =	vor.u32 s22, v7;
	_ =	sdelay $0x1  }
0x2e6: {  	v16 =	vsub.f32 v17, v16;
	v17 =	vld [tilespmem:s19+$0xFFFFE180];
	v33 =	vsel vm1, v31, v33  }
0x2e7: {  	v36 =	vld [tilespmem:s18+$0xFFFFE100];
	v31 =	vsel vm1, v31, v34;
	[tilespmem:s19+$0xFFFFE100] =	vst v33  }
0x2e8: {  	v14 =	vmul.f32 v14, v14;
	v18 =	vsub.f32 v20, v18;
	v60 =	vld [tilespmem:s18+$0x100];
	[tilespmem:s19+$0x100] =	vst v31  }
0x2e9: {  	v15 =	vmul.f32 v15, v15;
	v20 =	vld.idx.msk [tilespmem:v35+s28+$0x0], $0xffff  }
0x2ea: {  	v13 =	vadd.f32 v14, v13;
	v14 =	vmul.f32 v18, v18  }
0x2eb: {  	v12 =	vadd.f32 v15, v12;
	v15 =	vsub.f32 v24, v21;
	v16 =	vmul.f32 v16, v16  }
0x2ec: {  	v13 =	vadd.f32 v14, v13;
	v14 =	vsub.f32 v57, v19  }
0x2ed: {  	v12 =	vadd.f32 v16, v12;
	v15 =	vmul.f32 v15, v15;
	v16 =	vsub.f32 v28, v25  }
0x2ee: {  	v61 =	vld [tilespmem:s19+$0x180];
	v14 =	vmul.f32 v14, v14;
	v18 =	vsub.f32 v58, v23;
	v17 =	vsel vm1, v20, v17  }
0x2ef: {  	v13 =	vadd.f32 v15, v13;
	v15 =	vmul.f32 v16, v16;
	v16 =	vsub.f32 v32, v29;
	v19 =	vld [tilespmem:s18+$0xFFFFE180];
	[tilespmem:s19+$0xFFFFE180] =	vst v17  }
0x2f0: {  	v12 =	vadd.f32 v14, v12;
	v14 =	vmul.f32 v18, v18;
	v18 =	vld [tilespmem:s18+$0x180]  }
0x2f1: {  	v13 =	vadd.f32 v15, v13;
	v16 =	vmul.f32 v16, v16;
	v15 =	vsub.f32 v59, v27  }
0x2f2: {  	v12 =	vadd.f32 v14, v12;
	v14 =	vsub.f32 v36, v33  }
0x2f3: {  	v13 =	vadd.f32 v16, v13;
	v15 =	vmul.f32 v15, v15;
	v16 =	vsub.f32 v60, v31  }
0x2f4: {  	v14 =	vmul.f32 v14, v14;
	v20 =	vsel vm1, v20, v61;
	v17 =	vsub.f32 v19, v17  }
0x2f5: {  	v12 =	vadd.f32 v15, v12;
	v15 =	vmul.f32 v16, v16;
	v16 =	vsub.f32 v18, v20  }
0x2f6: {  	v13 =	vadd.f32 v14, v13;
	v14 =	vmul.f32 v17, v17  }
0x2f7: {  	v12 =	vadd.f32 v15, v12;
	v15 =	vmul.f32 v16, v16  }
0x2f8: {  	[tilespmem:s19+$0x180] =	vst v20;
	v13 =	vadd.f32 v14, v13  }
0x2f9: {  	v14 =	vld [tilespmem:$0x10130];
	v12 =	vadd.f32 v15, v12  }
0x2fa: {  	vm2 =	vge.f32 v13, $2.499999940e-03;
	v13 =	vld [tilespmem:$0x101B0]  }
0x2fb: {  	s20 =	simm.s32 $0x0;
	v15 =	vsel vm2, $0x3F800000, v4;
	vm2 =	vge.f32 v12, $2.499999940e-03  }
0x2fc: {  	v16 =	vor.u32 s20, v8;
	v12 =	vsub.f32 $0.0e+00, v15;
	v15 =	vsel vm2, $0x3F800000, v4  }
0x2fd: {  	v15 =	vsub.f32 $0.0e+00, v15  }
0x2fe: {  	v12 =	vsel vm1, v12, v14  }
0x2ff: {  	[tilespmem:$0x10230] =	vst v12;
	v12 =	vsel vm1, v15, v13  }
0x300: {  	[tilespmem:$0x102B0] =	vst v12;
	v12 =	vld [tilespmem:$0x100C0]  }
0x301: {  	s19 =	simm.s32 $0xE0C0;
	v13 =	vld.idx.msk [tilespmem:v16+s28+$0x0], $0xffff  }
0x302: {  	v14 =	vld [tilespmem:s19+$0xFFFFE000]  }
0x303: {  	v15 =	vld [tilespmem:s19+$0x0]  }
0x304: {  	s21 =	simm.s32 $0x1  }
0x305: {  	v16 =	vor.u32 s21, v8  }
0x306: {  	vm1 =	vlt.f32 v12, $8.000000110e-01  }
0x307: {  	s18 =	simm.s32 $0xA0C0;
	v17 =	vld [tilespmem:s19+$0xFFFFE080];
	v12 =	vsel vm1, v13, v14  }
0x308: {  	v14 =	vld [tilespmem:s18+$0xFFFFE000];
	v13 =	vsel vm1, v13, v15;
	[tilespmem:s19+$0xFFFFE000] =	vst v12  }
0x309: {  	v15 =	vld [tilespmem:s18+$0x0];
	[tilespmem:s19+$0x0] =	vst v13  }
0x30a: {  	v16 =	vld.idx.msk [tilespmem:v16+s28+$0x0], $0xffff;
	_ =	sdelay $0x1  }
0x30b: {  	v18 =	vld [tilespmem:s19+$0x80]  }
0x30c: {  	s22 =	simm.s32 $0x2  }
0x30d: {  	v19 =	vor.u32 s22, v8  }
0x30e: {  	v20 =	vsel vm1, v16, v17  }
0x30f: {  	v62 =	vld [tilespmem:s18+$0xFFFFE080];
	v12 =	vsub.f32 v14, v12;
	v13 =	vsub.f32 v15, v13;
	[tilespmem:s19+$0xFFFFE080] =	vst v20  }
0x310: {  	v63 =	vsel vm1, v16, v18;
	v15 =	vld [tilespmem:s18+$0x80]  }
0x311: {  	v12 =	vmul.f32 v12, v12;
	v18 =	vld [tilespmem:s19+$0xFFFFE100];
	v14 =	vmul.f32 v13, v13;
	[tilespmem:s19+$0x80] =	vst v63  }
0x312: {  	v17 =	vimm.f32 $0.0e+00;
	v16 =	vld.idx.msk [tilespmem:v19+s28+$0x0], $0xffff  }
0x313: {  	v13 =	vadd.f32 v12, v17;
	v12 =	vadd.f32 v14, v17;
	v17 =	vld [tilespmem:s19+$0x100]  }
0x314: {  	s22 =	simm.s32 $0x3;
	v14 =	vsub.f32 v62, v20  }
0x315: {  	s20 =	simm.s32 $0x4;
	s21 =	simm.s32 $0x8;
	v19 =	vor.u32 s22, v8;
	v15 =	vsub.f32 v15, v63  }
.LBB2_10:
0x316: {  	p0 =	slt.u32 s21, $0x3C;
	v14 =	vmul.f32 v14, v14  }
0x317: {  	v15 =	vmul.f32 v15, v15;
	v18 =	vsel vm1, v16, v18  }
0x318: {  	v13 =	vadd.f32 v14, v13;
	v14 =	vld [tilespmem:s18+$0xFFFFE100];
	[tilespmem:s19+$0xFFFFE100] =	vst v18;
	v16 =	vsel vm1, v16, v17  }
0x319: {  	v12 =	vadd.f32 v15, v12;
	v15 =	vld [tilespmem:s18+$0x100];
	[tilespmem:s19+$0x100] =	vst v16  }
0x31a: {  	v17 =	vld.idx.msk [tilespmem:v19+s28+$0x0], $0xffff  }
0x31b: {  	v19 =	vld [tilespmem:s19+$0xFFFFE180]  }
0x31c: {  	v20 =	vld [tilespmem:s19+$0x180]  }
0x31d: {  	v14 =	vsub.f32 v14, v18  }
0x31e: {  	v18 =	vor.u32 s20, v8;
	v15 =	vsub.f32 v15, v16  }
0x31f: {  	v14 =	vmul.f32 v14, v14  }
0x320: {  	v15 =	vmul.f32 v15, v15;
	v16 =	vsel vm1, v17, v19  }
0x321: {  	v13 =	vadd.f32 v14, v13;
	v14 =	vld [tilespmem:s18+$0xFFFFE180];
	[tilespmem:s19+$0xFFFFE180] =	vst v16;
	v17 =	vsel vm1, v17, v20  }
0x322: {  	v12 =	vadd.f32 v15, v12;
	v15 =	vld [tilespmem:s18+$0x180];
	[tilespmem:s19+$0x180] =	vst v17  }
0x323: {  	s19 =	sadd.s32 $0x200, s19;
	v18 =	vld.idx.msk [tilespmem:v18+s28+$0x0], $0xffff  }
0x324: {  	v19 =	vld [tilespmem:s19+$0xFFFFE000]  }
0x325: {  	v20 =	vld [tilespmem:s19+$0x0]  }
0x326: {  	s22 =	sadd.s32 $0x1, s20;
	v14 =	vsub.f32 v14, v16  }
0x327: {  	v16 =	vor.u32 s22, v8;
	v15 =	vsub.f32 v15, v17  }
0x328: {  	v14 =	vmul.f32 v14, v14  }
0x329: {  	s18 =	sadd.s32 $0x200, s18;
	v17 =	vsel vm1, v18, v19;
	v15 =	vmul.f32 v15, v15  }
0x32a: {  	v19 =	vld [tilespmem:s18+$0xFFFFE000];
	[tilespmem:s19+$0xFFFFE000] =	vst v17;
	v18 =	vsel vm1, v18, v20;
	v13 =	vadd.f32 v14, v13  }
0x32b: {  	v14 =	vld [tilespmem:s18+$0x0];
	[tilespmem:s19+$0x0] =	vst v18;
	v12 =	vadd.f32 v15, v12  }
0x32c: {  	v15 =	vld.idx.msk [tilespmem:v16+s28+$0x0], $0xffff  }
0x32d: {  	v16 =	vld [tilespmem:s19+$0xFFFFE080]  }
0x32e: {  	v20 =	vld [tilespmem:s19+$0x80]  }
0x32f: {  	s22 =	sadd.s32 $0x2, s20;
	v17 =	vsub.f32 v19, v17  }
0x330: {  	v14 =	vsub.f32 v14, v18;
	v18 =	vor.u32 s22, v8  }
0x331: {  	v17 =	vmul.f32 v17, v17  }
0x332: {  	v14 =	vmul.f32 v14, v14;
	v19 =	vsel vm1, v15, v16  }
0x333: {  	v13 =	vadd.f32 v17, v13;
	v21 =	vld [tilespmem:s18+$0xFFFFE080];
	[tilespmem:s19+$0xFFFFE080] =	vst v19;
	v15 =	vsel vm1, v15, v20  }
0x334: {  	v12 =	vadd.f32 v14, v12;
	v20 =	vld [tilespmem:s18+$0x80];
	[tilespmem:s19+$0x80] =	vst v15  }
.Ltmp4:
0x335: {  	v16 =	vld.idx.msk [tilespmem:v18+s28+$0x0], $0xffff;
	(pc) =	sbr.rel @p0 .LBB2_10-.Ltmp4, $4  }
0x336: {  	v18 =	vld [tilespmem:s19+$0xFFFFE100]  }
0x337: {  	v17 =	vld [tilespmem:s19+$0x100]  }
0x338: {  	s22 =	sadd.s32 $0x3, s20;
	s20 =	smov.u32 s21;
	v14 =	vsub.f32 v21, v19  }
0x339: {  	s21 =	sadd.s32 $0x4, s21;
	v19 =	vor.u32 s22, v8;
	v15 =	vsub.f32 v20, v15  }
0x33a: {  	_ = 	snop  }
0x33b: {  	v20 =	vld [tilespmem:s18+$0xFFFFE100];
	v18 =	vsel vm1, v16, v18  }
0x33c: {  	v21 =	vld [tilespmem:s19+$0xFFFFE180];
	[tilespmem:s19+$0xFFFFE100] =	vst v18;
	v16 =	vsel vm1, v16, v17  }
0x33d: {  	v17 =	vld [tilespmem:s18+$0x100];
	[tilespmem:s19+$0x100] =	vst v16  }
0x33e: {  	v19 =	vld.idx.msk [tilespmem:v19+s28+$0x0], $0xffff  }
0x33f: {  	v22 =	vld [tilespmem:s19+$0x180];
	_ =	sdelay $0x1  }
0x340: {  	v23 =	vor.u32 s20, v8;
	_ =	sdelay $0x1  }
0x341: {  	v21 =	vsel vm1, v19, v21  }
0x342: {  	v24 =	vld [tilespmem:s18+$0xFFFFE180];
	v19 =	vsel vm1, v19, v22;
	[tilespmem:s19+$0xFFFFE180] =	vst v21  }
0x343: {  	v57 =	vld [tilespmem:s18+$0x180];
	[tilespmem:s19+$0x180] =	vst v19  }
0x344: {  	s19 =	sadd.s32 $0x200, s19;
	v23 =	vld.idx.msk [tilespmem:v23+s28+$0x0], $0xffff  }
0x345: {  	v25 =	vld [tilespmem:s19+$0xFFFFE000]  }
0x346: {  	v26 =	vld [tilespmem:s19+$0x0]  }
0x347: {  	s21 =	sadd.s32 $0x1, s20  }
0x348: {  	v27 =	vor.u32 s21, v8  }
0x349: {  	s18 =	sadd.s32 $0x200, s18  }
0x34a: {  	v28 =	vld [tilespmem:s18+$0xFFFFE000];
	v25 =	vsel vm1, v23, v25  }
0x34b: {  	v29 =	vld [tilespmem:s19+$0xFFFFE080];
	v23 =	vsel vm1, v23, v26;
	[tilespmem:s19+$0xFFFFE000] =	vst v25  }
0x34c: {  	v58 =	vld [tilespmem:s18+$0x0];
	[tilespmem:s19+$0x0] =	vst v23  }
0x34d: {  	v27 =	vld.idx.msk [tilespmem:v27+s28+$0x0], $0xffff  }
0x34e: {  	v30 =	vld [tilespmem:s19+$0x80]  }
0x34f: {  	s22 =	sadd.s32 $0x2, s20  }
0x350: {  	v31 =	vor.u32 s22, v8;
	_ =	sdelay $0x1  }
0x351: {  	v33 =	vld [tilespmem:s19+$0xFFFFE100];
	v29 =	vsel vm1, v27, v29  }
0x352: {  	v32 =	vld [tilespmem:s18+$0xFFFFE080];
	v27 =	vsel vm1, v27, v30;
	[tilespmem:s19+$0xFFFFE080] =	vst v29  }
0x353: {  	v59 =	vld [tilespmem:s18+$0x80];
	[tilespmem:s19+$0x80] =	vst v27  }
0x354: {  	v31 =	vld.idx.msk [tilespmem:v31+s28+$0x0], $0xffff  }
0x355: {  	v34 =	vld [tilespmem:s19+$0x100]  }
0x356: {  	s22 =	sadd.s32 $0x3, s20  }
0x357: {  	v35 =	vor.u32 s22, v8;
	_ =	sdelay $0x1  }
0x358: {  	v16 =	vsub.f32 v17, v16;
	v17 =	vld [tilespmem:s19+$0xFFFFE180];
	v33 =	vsel vm1, v31, v33  }
0x359: {  	v36 =	vld [tilespmem:s18+$0xFFFFE100];
	v31 =	vsel vm1, v31, v34;
	[tilespmem:s19+$0xFFFFE100] =	vst v33  }
0x35a: {  	v14 =	vmul.f32 v14, v14;
	v18 =	vsub.f32 v20, v18;
	v60 =	vld [tilespmem:s18+$0x100];
	[tilespmem:s19+$0x100] =	vst v31  }
0x35b: {  	v15 =	vmul.f32 v15, v15;
	v20 =	vld.idx.msk [tilespmem:v35+s28+$0x0], $0xffff  }
0x35c: {  	v13 =	vadd.f32 v14, v13;
	v14 =	vmul.f32 v18, v18  }
0x35d: {  	v12 =	vadd.f32 v15, v12;
	v15 =	vsub.f32 v24, v21;
	v16 =	vmul.f32 v16, v16  }
0x35e: {  	v13 =	vadd.f32 v14, v13;
	v14 =	vsub.f32 v57, v19  }
0x35f: {  	v12 =	vadd.f32 v16, v12;
	v15 =	vmul.f32 v15, v15;
	v16 =	vsub.f32 v28, v25  }
0x360: {  	v61 =	vld [tilespmem:s19+$0x180];
	v14 =	vmul.f32 v14, v14;
	v18 =	vsub.f32 v58, v23;
	v17 =	vsel vm1, v20, v17  }
0x361: {  	v13 =	vadd.f32 v15, v13;
	v15 =	vmul.f32 v16, v16;
	v16 =	vsub.f32 v32, v29;
	v19 =	vld [tilespmem:s18+$0xFFFFE180];
	[tilespmem:s19+$0xFFFFE180] =	vst v17  }
0x362: {  	v12 =	vadd.f32 v14, v12;
	v14 =	vmul.f32 v18, v18;
	v18 =	vld [tilespmem:s18+$0x180]  }
0x363: {  	v13 =	vadd.f32 v15, v13;
	v16 =	vmul.f32 v16, v16;
	v15 =	vsub.f32 v59, v27  }
0x364: {  	v12 =	vadd.f32 v14, v12;
	v14 =	vsub.f32 v36, v33  }
0x365: {  	v13 =	vadd.f32 v16, v13;
	v15 =	vmul.f32 v15, v15;
	v16 =	vsub.f32 v60, v31  }
0x366: {  	v14 =	vmul.f32 v14, v14;
	v20 =	vsel vm1, v20, v61;
	v17 =	vsub.f32 v19, v17  }
0x367: {  	v12 =	vadd.f32 v15, v12;
	v15 =	vmul.f32 v16, v16;
	v16 =	vsub.f32 v18, v20  }
0x368: {  	v13 =	vadd.f32 v14, v13;
	v14 =	vmul.f32 v17, v17  }
0x369: {  	v12 =	vadd.f32 v15, v12;
	v15 =	vmul.f32 v16, v16  }
0x36a: {  	[tilespmem:s19+$0x180] =	vst v20;
	v13 =	vadd.f32 v14, v13  }
0x36b: {  	v14 =	vld [tilespmem:$0x10140];
	v12 =	vadd.f32 v15, v12  }
0x36c: {  	vm2 =	vge.f32 v13, $2.499999940e-03;
	v13 =	vld [tilespmem:$0x101C0]  }
0x36d: {  	s20 =	simm.s32 $0x0;
	v15 =	vsel vm2, $0x3F800000, v4;
	vm2 =	vge.f32 v12, $2.499999940e-03  }
0x36e: {  	v16 =	vor.u32 s20, v9;
	v12 =	vsub.f32 $0.0e+00, v15;
	v15 =	vsel vm2, $0x3F800000, v4  }
0x36f: {  	v15 =	vsub.f32 $0.0e+00, v15  }
0x370: {  	v12 =	vsel vm1, v12, v14  }
0x371: {  	[tilespmem:$0x10240] =	vst v12;
	v12 =	vsel vm1, v15, v13  }
0x372: {  	[tilespmem:$0x102C0] =	vst v12;
	v12 =	vld [tilespmem:$0x100D0]  }
0x373: {  	s19 =	simm.s32 $0xE0D0;
	v13 =	vld.idx.msk [tilespmem:v16+s28+$0x0], $0xffff  }
0x374: {  	v14 =	vld [tilespmem:s19+$0xFFFFE000]  }
0x375: {  	v15 =	vld [tilespmem:s19+$0x0]  }
0x376: {  	s21 =	simm.s32 $0x1  }
0x377: {  	v16 =	vor.u32 s21, v9  }
0x378: {  	vm1 =	vlt.f32 v12, $8.000000110e-01  }
0x379: {  	s18 =	simm.s32 $0xA0D0;
	v17 =	vld [tilespmem:s19+$0xFFFFE080];
	v12 =	vsel vm1, v13, v14  }
0x37a: {  	v14 =	vld [tilespmem:s18+$0xFFFFE000];
	v13 =	vsel vm1, v13, v15;
	[tilespmem:s19+$0xFFFFE000] =	vst v12  }
0x37b: {  	v15 =	vld [tilespmem:s18+$0x0];
	[tilespmem:s19+$0x0] =	vst v13  }
0x37c: {  	v16 =	vld.idx.msk [tilespmem:v16+s28+$0x0], $0xffff;
	_ =	sdelay $0x1  }
0x37d: {  	v18 =	vld [tilespmem:s19+$0x80]  }
0x37e: {  	s22 =	simm.s32 $0x2  }
0x37f: {  	v19 =	vor.u32 s22, v9  }
0x380: {  	v20 =	vsel vm1, v16, v17  }
0x381: {  	v62 =	vld [tilespmem:s18+$0xFFFFE080];
	v12 =	vsub.f32 v14, v12;
	v13 =	vsub.f32 v15, v13;
	[tilespmem:s19+$0xFFFFE080] =	vst v20  }
0x382: {  	v63 =	vsel vm1, v16, v18;
	v15 =	vld [tilespmem:s18+$0x80]  }
0x383: {  	v12 =	vmul.f32 v12, v12;
	v18 =	vld [tilespmem:s19+$0xFFFFE100];
	v14 =	vmul.f32 v13, v13;
	[tilespmem:s19+$0x80] =	vst v63  }
0x384: {  	v17 =	vimm.f32 $0.0e+00;
	v16 =	vld.idx.msk [tilespmem:v19+s28+$0x0], $0xffff  }
0x385: {  	v13 =	vadd.f32 v12, v17;
	v12 =	vadd.f32 v14, v17;
	v17 =	vld [tilespmem:s19+$0x100]  }
0x386: {  	s22 =	simm.s32 $0x3;
	v14 =	vsub.f32 v62, v20  }
0x387: {  	s20 =	simm.s32 $0x4;
	s21 =	simm.s32 $0x8;
	v19 =	vor.u32 s22, v9;
	v15 =	vsub.f32 v15, v63  }
.LBB2_12:
0x388: {  	p0 =	slt.u32 s21, $0x3C;
	v14 =	vmul.f32 v14, v14  }
0x389: {  	v15 =	vmul.f32 v15, v15;
	v18 =	vsel vm1, v16, v18  }
0x38a: {  	v13 =	vadd.f32 v14, v13;
	v14 =	vld [tilespmem:s18+$0xFFFFE100];
	[tilespmem:s19+$0xFFFFE100] =	vst v18;
	v16 =	vsel vm1, v16, v17  }
0x38b: {  	v12 =	vadd.f32 v15, v12;
	v15 =	vld [tilespmem:s18+$0x100];
	[tilespmem:s19+$0x100] =	vst v16  }
0x38c: {  	v17 =	vld.idx.msk [tilespmem:v19+s28+$0x0], $0xffff  }
0x38d: {  	v19 =	vld [tilespmem:s19+$0xFFFFE180]  }
0x38e: {  	v20 =	vld [tilespmem:s19+$0x180]  }
0x38f: {  	v14 =	vsub.f32 v14, v18  }
0x390: {  	v18 =	vor.u32 s20, v9;
	v15 =	vsub.f32 v15, v16  }
0x391: {  	v14 =	vmul.f32 v14, v14  }
0x392: {  	v15 =	vmul.f32 v15, v15;
	v16 =	vsel vm1, v17, v19  }
0x393: {  	v13 =	vadd.f32 v14, v13;
	v14 =	vld [tilespmem:s18+$0xFFFFE180];
	[tilespmem:s19+$0xFFFFE180] =	vst v16;
	v17 =	vsel vm1, v17, v20  }
0x394: {  	v12 =	vadd.f32 v15, v12;
	v15 =	vld [tilespmem:s18+$0x180];
	[tilespmem:s19+$0x180] =	vst v17  }
0x395: {  	s19 =	sadd.s32 $0x200, s19;
	v18 =	vld.idx.msk [tilespmem:v18+s28+$0x0], $0xffff  }
0x396: {  	v19 =	vld [tilespmem:s19+$0xFFFFE000]  }
0x397: {  	v20 =	vld [tilespmem:s19+$0x0]  }
0x398: {  	s22 =	sadd.s32 $0x1, s20;
	v14 =	vsub.f32 v14, v16  }
0x399: {  	v16 =	vor.u32 s22, v9;
	v15 =	vsub.f32 v15, v17  }
0x39a: {  	v14 =	vmul.f32 v14, v14  }
0x39b: {  	s18 =	sadd.s32 $0x200, s18;
	v17 =	vsel vm1, v18, v19;
	v15 =	vmul.f32 v15, v15  }
0x39c: {  	v19 =	vld [tilespmem:s18+$0xFFFFE000];
	[tilespmem:s19+$0xFFFFE000] =	vst v17;
	v18 =	vsel vm1, v18, v20;
	v13 =	vadd.f32 v14, v13  }
0x39d: {  	v14 =	vld [tilespmem:s18+$0x0];
	[tilespmem:s19+$0x0] =	vst v18;
	v12 =	vadd.f32 v15, v12  }
0x39e: {  	v15 =	vld.idx.msk [tilespmem:v16+s28+$0x0], $0xffff  }
0x39f: {  	v16 =	vld [tilespmem:s19+$0xFFFFE080]  }
0x3a0: {  	v20 =	vld [tilespmem:s19+$0x80]  }
0x3a1: {  	s22 =	sadd.s32 $0x2, s20;
	v17 =	vsub.f32 v19, v17  }
0x3a2: {  	v14 =	vsub.f32 v14, v18;
	v18 =	vor.u32 s22, v9  }
0x3a3: {  	v17 =	vmul.f32 v17, v17  }
0x3a4: {  	v14 =	vmul.f32 v14, v14;
	v19 =	vsel vm1, v15, v16  }
0x3a5: {  	v13 =	vadd.f32 v17, v13;
	v21 =	vld [tilespmem:s18+$0xFFFFE080];
	[tilespmem:s19+$0xFFFFE080] =	vst v19;
	v15 =	vsel vm1, v15, v20  }
0x3a6: {  	v12 =	vadd.f32 v14, v12;
	v20 =	vld [tilespmem:s18+$0x80];
	[tilespmem:s19+$0x80] =	vst v15  }
.Ltmp5:
0x3a7: {  	v16 =	vld.idx.msk [tilespmem:v18+s28+$0x0], $0xffff;
	(pc) =	sbr.rel @p0 .LBB2_12-.Ltmp5, $4  }
0x3a8: {  	v18 =	vld [tilespmem:s19+$0xFFFFE100]  }
0x3a9: {  	v17 =	vld [tilespmem:s19+$0x100]  }
0x3aa: {  	s22 =	sadd.s32 $0x3, s20;
	s20 =	smov.u32 s21;
	v14 =	vsub.f32 v21, v19  }
0x3ab: {  	s21 =	sadd.s32 $0x4, s21;
	v19 =	vor.u32 s22, v9;
	v15 =	vsub.f32 v20, v15  }
0x3ac: {  	_ = 	snop  }
0x3ad: {  	v20 =	vld [tilespmem:s18+$0xFFFFE100];
	v18 =	vsel vm1, v16, v18  }
0x3ae: {  	v21 =	vld [tilespmem:s19+$0xFFFFE180];
	[tilespmem:s19+$0xFFFFE100] =	vst v18;
	v16 =	vsel vm1, v16, v17  }
0x3af: {  	v17 =	vld [tilespmem:s18+$0x100];
	[tilespmem:s19+$0x100] =	vst v16  }
0x3b0: {  	v19 =	vld.idx.msk [tilespmem:v19+s28+$0x0], $0xffff  }
0x3b1: {  	v22 =	vld [tilespmem:s19+$0x180];
	_ =	sdelay $0x1  }
0x3b2: {  	v23 =	vor.u32 s20, v9;
	_ =	sdelay $0x1  }
0x3b3: {  	v21 =	vsel vm1, v19, v21  }
0x3b4: {  	v24 =	vld [tilespmem:s18+$0xFFFFE180];
	v19 =	vsel vm1, v19, v22;
	[tilespmem:s19+$0xFFFFE180] =	vst v21  }
0x3b5: {  	v57 =	vld [tilespmem:s18+$0x180];
	[tilespmem:s19+$0x180] =	vst v19  }
0x3b6: {  	s19 =	sadd.s32 $0x200, s19;
	v23 =	vld.idx.msk [tilespmem:v23+s28+$0x0], $0xffff  }
0x3b7: {  	v25 =	vld [tilespmem:s19+$0xFFFFE000]  }
0x3b8: {  	v26 =	vld [tilespmem:s19+$0x0]  }
0x3b9: {  	s21 =	sadd.s32 $0x1, s20  }
0x3ba: {  	v27 =	vor.u32 s21, v9  }
0x3bb: {  	s18 =	sadd.s32 $0x200, s18  }
0x3bc: {  	v28 =	vld [tilespmem:s18+$0xFFFFE000];
	v25 =	vsel vm1, v23, v25  }
0x3bd: {  	v29 =	vld [tilespmem:s19+$0xFFFFE080];
	v23 =	vsel vm1, v23, v26;
	[tilespmem:s19+$0xFFFFE000] =	vst v25  }
0x3be: {  	v58 =	vld [tilespmem:s18+$0x0];
	[tilespmem:s19+$0x0] =	vst v23  }
0x3bf: {  	v27 =	vld.idx.msk [tilespmem:v27+s28+$0x0], $0xffff  }
0x3c0: {  	v30 =	vld [tilespmem:s19+$0x80]  }
0x3c1: {  	s22 =	sadd.s32 $0x2, s20  }
0x3c2: {  	v31 =	vor.u32 s22, v9;
	_ =	sdelay $0x1  }
0x3c3: {  	v33 =	vld [tilespmem:s19+$0xFFFFE100];
	v29 =	vsel vm1, v27, v29  }
0x3c4: {  	v32 =	vld [tilespmem:s18+$0xFFFFE080];
	v27 =	vsel vm1, v27, v30;
	[tilespmem:s19+$0xFFFFE080] =	vst v29  }
0x3c5: {  	v59 =	vld [tilespmem:s18+$0x80];
	[tilespmem:s19+$0x80] =	vst v27  }
0x3c6: {  	v31 =	vld.idx.msk [tilespmem:v31+s28+$0x0], $0xffff  }
0x3c7: {  	v34 =	vld [tilespmem:s19+$0x100]  }
0x3c8: {  	s22 =	sadd.s32 $0x3, s20  }
0x3c9: {  	v35 =	vor.u32 s22, v9;
	_ =	sdelay $0x1  }
0x3ca: {  	v16 =	vsub.f32 v17, v16;
	v17 =	vld [tilespmem:s19+$0xFFFFE180];
	v33 =	vsel vm1, v31, v33  }
0x3cb: {  	v36 =	vld [tilespmem:s18+$0xFFFFE100];
	v31 =	vsel vm1, v31, v34;
	[tilespmem:s19+$0xFFFFE100] =	vst v33  }
0x3cc: {  	v14 =	vmul.f32 v14, v14;
	v18 =	vsub.f32 v20, v18;
	v60 =	vld [tilespmem:s18+$0x100];
	[tilespmem:s19+$0x100] =	vst v31  }
0x3cd: {  	v15 =	vmul.f32 v15, v15;
	v20 =	vld.idx.msk [tilespmem:v35+s28+$0x0], $0xffff  }
0x3ce: {  	v13 =	vadd.f32 v14, v13;
	v14 =	vmul.f32 v18, v18  }
0x3cf: {  	v12 =	vadd.f32 v15, v12;
	v15 =	vsub.f32 v24, v21;
	v16 =	vmul.f32 v16, v16  }
0x3d0: {  	v13 =	vadd.f32 v14, v13;
	v14 =	vsub.f32 v57, v19  }
0x3d1: {  	v12 =	vadd.f32 v16, v12;
	v15 =	vmul.f32 v15, v15;
	v16 =	vsub.f32 v28, v25  }
0x3d2: {  	v61 =	vld [tilespmem:s19+$0x180];
	v14 =	vmul.f32 v14, v14;
	v18 =	vsub.f32 v58, v23;
	v17 =	vsel vm1, v20, v17  }
0x3d3: {  	v13 =	vadd.f32 v15, v13;
	v15 =	vmul.f32 v16, v16;
	v16 =	vsub.f32 v32, v29;
	v19 =	vld [tilespmem:s18+$0xFFFFE180];
	[tilespmem:s19+$0xFFFFE180] =	vst v17  }
0x3d4: {  	v12 =	vadd.f32 v14, v12;
	v14 =	vmul.f32 v18, v18;
	v18 =	vld [tilespmem:s18+$0x180]  }
0x3d5: {  	v13 =	vadd.f32 v15, v13;
	v16 =	vmul.f32 v16, v16;
	v15 =	vsub.f32 v59, v27  }
0x3d6: {  	v12 =	vadd.f32 v14, v12;
	v14 =	vsub.f32 v36, v33  }
0x3d7: {  	v13 =	vadd.f32 v16, v13;
	v15 =	vmul.f32 v15, v15;
	v16 =	vsub.f32 v60, v31  }
0x3d8: {  	v14 =	vmul.f32 v14, v14;
	v20 =	vsel vm1, v20, v61;
	v17 =	vsub.f32 v19, v17  }
0x3d9: {  	v12 =	vadd.f32 v15, v12;
	v15 =	vmul.f32 v16, v16;
	v16 =	vsub.f32 v18, v20  }
0x3da: {  	v13 =	vadd.f32 v14, v13;
	v14 =	vmul.f32 v17, v17  }
0x3db: {  	v12 =	vadd.f32 v15, v12;
	v15 =	vmul.f32 v16, v16  }
0x3dc: {  	[tilespmem:s19+$0x180] =	vst v20;
	v13 =	vadd.f32 v14, v13  }
0x3dd: {  	v14 =	vld [tilespmem:$0x10150];
	v12 =	vadd.f32 v15, v12  }
0x3de: {  	vm2 =	vge.f32 v13, $2.499999940e-03;
	v13 =	vld [tilespmem:$0x101D0]  }
0x3df: {  	s20 =	simm.s32 $0x0;
	v15 =	vsel vm2, $0x3F800000, v4;
	vm2 =	vge.f32 v12, $2.499999940e-03  }
0x3e0: {  	v16 =	vor.u32 s20, v10;
	v12 =	vsub.f32 $0.0e+00, v15;
	v15 =	vsel vm2, $0x3F800000, v4  }
0x3e1: {  	v15 =	vsub.f32 $0.0e+00, v15  }
0x3e2: {  	v12 =	vsel vm1, v12, v14  }
0x3e3: {  	[tilespmem:$0x10250] =	vst v12;
	v12 =	vsel vm1, v15, v13  }
0x3e4: {  	[tilespmem:$0x102D0] =	vst v12;
	v12 =	vld [tilespmem:$0x100E0]  }
0x3e5: {  	s19 =	simm.s32 $0xE0E0;
	v13 =	vld.idx.msk [tilespmem:v16+s28+$0x0], $0xffff  }
0x3e6: {  	v14 =	vld [tilespmem:s19+$0xFFFFE000]  }
0x3e7: {  	v15 =	vld [tilespmem:s19+$0x0]  }
0x3e8: {  	s21 =	simm.s32 $0x1  }
0x3e9: {  	v16 =	vor.u32 s21, v10  }
0x3ea: {  	vm1 =	vlt.f32 v12, $8.000000110e-01  }
0x3eb: {  	s18 =	simm.s32 $0xA0E0;
	v17 =	vld [tilespmem:s19+$0xFFFFE080];
	v12 =	vsel vm1, v13, v14  }
0x3ec: {  	v14 =	vld [tilespmem:s18+$0xFFFFE000];
	v13 =	vsel vm1, v13, v15;
	[tilespmem:s19+$0xFFFFE000] =	vst v12  }
0x3ed: {  	v15 =	vld [tilespmem:s18+$0x0];
	[tilespmem:s19+$0x0] =	vst v13  }
0x3ee: {  	v16 =	vld.idx.msk [tilespmem:v16+s28+$0x0], $0xffff;
	_ =	sdelay $0x1  }
0x3ef: {  	v18 =	vld [tilespmem:s19+$0x80]  }
0x3f0: {  	s22 =	simm.s32 $0x2  }
0x3f1: {  	v19 =	vor.u32 s22, v10  }
0x3f2: {  	v20 =	vsel vm1, v16, v17  }
0x3f3: {  	v62 =	vld [tilespmem:s18+$0xFFFFE080];
	v12 =	vsub.f32 v14, v12;
	v13 =	vsub.f32 v15, v13;
	[tilespmem:s19+$0xFFFFE080] =	vst v20  }
0x3f4: {  	v63 =	vsel vm1, v16, v18;
	v15 =	vld [tilespmem:s18+$0x80]  }
0x3f5: {  	v12 =	vmul.f32 v12, v12;
	v18 =	vld [tilespmem:s19+$0xFFFFE100];
	v14 =	vmul.f32 v13, v13;
	[tilespmem:s19+$0x80] =	vst v63  }
0x3f6: {  	v17 =	vimm.f32 $0.0e+00;
	v16 =	vld.idx.msk [tilespmem:v19+s28+$0x0], $0xffff  }
0x3f7: {  	v13 =	vadd.f32 v12, v17;
	v12 =	vadd.f32 v14, v17;
	v17 =	vld [tilespmem:s19+$0x100]  }
0x3f8: {  	s22 =	simm.s32 $0x3;
	v14 =	vsub.f32 v62, v20  }
0x3f9: {  	s20 =	simm.s32 $0x4;
	s21 =	simm.s32 $0x8;
	v19 =	vor.u32 s22, v10;
	v15 =	vsub.f32 v15, v63  }
.LBB2_14:
0x3fa: {  	p0 =	slt.u32 s21, $0x3C;
	v14 =	vmul.f32 v14, v14  }
0x3fb: {  	v15 =	vmul.f32 v15, v15;
	v18 =	vsel vm1, v16, v18  }
0x3fc: {  	v13 =	vadd.f32 v14, v13;
	v14 =	vld [tilespmem:s18+$0xFFFFE100];
	[tilespmem:s19+$0xFFFFE100] =	vst v18;
	v16 =	vsel vm1, v16, v17  }
0x3fd: {  	v12 =	vadd.f32 v15, v12;
	v15 =	vld [tilespmem:s18+$0x100];
	[tilespmem:s19+$0x100] =	vst v16  }
0x3fe: {  	v17 =	vld.idx.msk [tilespmem:v19+s28+$0x0], $0xffff  }
0x3ff: {  	v19 =	vld [tilespmem:s19+$0xFFFFE180]  }
0x400: {  	v20 =	vld [tilespmem:s19+$0x180]  }
0x401: {  	v14 =	vsub.f32 v14, v18  }
0x402: {  	v18 =	vor.u32 s20, v10;
	v15 =	vsub.f32 v15, v16  }
0x403: {  	v14 =	vmul.f32 v14, v14  }
0x404: {  	v15 =	vmul.f32 v15, v15;
	v16 =	vsel vm1, v17, v19  }
0x405: {  	v13 =	vadd.f32 v14, v13;
	v14 =	vld [tilespmem:s18+$0xFFFFE180];
	[tilespmem:s19+$0xFFFFE180] =	vst v16;
	v17 =	vsel vm1, v17, v20  }
0x406: {  	v12 =	vadd.f32 v15, v12;
	v15 =	vld [tilespmem:s18+$0x180];
	[tilespmem:s19+$0x180] =	vst v17  }
0x407: {  	s19 =	sadd.s32 $0x200, s19;
	v18 =	vld.idx.msk [tilespmem:v18+s28+$0x0], $0xffff  }
0x408: {  	v19 =	vld [tilespmem:s19+$0xFFFFE000]  }
0x409: {  	v20 =	vld [tilespmem:s19+$0x0]  }
0x40a: {  	s22 =	sadd.s32 $0x1, s20;
	v14 =	vsub.f32 v14, v16  }
0x40b: {  	v16 =	vor.u32 s22, v10;
	v15 =	vsub.f32 v15, v17  }
0x40c: {  	v14 =	vmul.f32 v14, v14  }
0x40d: {  	s18 =	sadd.s32 $0x200, s18;
	v17 =	vsel vm1, v18, v19;
	v15 =	vmul.f32 v15, v15  }
0x40e: {  	v19 =	vld [tilespmem:s18+$0xFFFFE000];
	[tilespmem:s19+$0xFFFFE000] =	vst v17;
	v18 =	vsel vm1, v18, v20;
	v13 =	vadd.f32 v14, v13  }
0x40f: {  	v14 =	vld [tilespmem:s18+$0x0];
	[tilespmem:s19+$0x0] =	vst v18;
	v12 =	vadd.f32 v15, v12  }
0x410: {  	v15 =	vld.idx.msk [tilespmem:v16+s28+$0x0], $0xffff  }
0x411: {  	v16 =	vld [tilespmem:s19+$0xFFFFE080]  }
0x412: {  	v20 =	vld [tilespmem:s19+$0x80]  }
0x413: {  	s22 =	sadd.s32 $0x2, s20;
	v17 =	vsub.f32 v19, v17  }
0x414: {  	v14 =	vsub.f32 v14, v18;
	v18 =	vor.u32 s22, v10  }
0x415: {  	v17 =	vmul.f32 v17, v17  }
0x416: {  	v14 =	vmul.f32 v14, v14;
	v19 =	vsel vm1, v15, v16  }
0x417: {  	v13 =	vadd.f32 v17, v13;
	v21 =	vld [tilespmem:s18+$0xFFFFE080];
	[tilespmem:s19+$0xFFFFE080] =	vst v19;
	v15 =	vsel vm1, v15, v20  }
0x418: {  	v12 =	vadd.f32 v14, v12;
	v20 =	vld [tilespmem:s18+$0x80];
	[tilespmem:s19+$0x80] =	vst v15  }
.Ltmp6:
0x419: {  	v16 =	vld.idx.msk [tilespmem:v18+s28+$0x0], $0xffff;
	(pc) =	sbr.rel @p0 .LBB2_14-.Ltmp6, $4  }
0x41a: {  	v18 =	vld [tilespmem:s19+$0xFFFFE100]  }
0x41b: {  	v17 =	vld [tilespmem:s19+$0x100]  }
0x41c: {  	s22 =	sadd.s32 $0x3, s20;
	s20 =	smov.u32 s21;
	v14 =	vsub.f32 v21, v19  }
0x41d: {  	s21 =	sadd.s32 $0x4, s21;
	v19 =	vor.u32 s22, v10;
	v15 =	vsub.f32 v20, v15  }
0x41e: {  	_ = 	snop  }
0x41f: {  	v20 =	vld [tilespmem:s18+$0xFFFFE100];
	v18 =	vsel vm1, v16, v18  }
0x420: {  	v21 =	vld [tilespmem:s19+$0xFFFFE180];
	[tilespmem:s19+$0xFFFFE100] =	vst v18;
	v16 =	vsel vm1, v16, v17  }
0x421: {  	v17 =	vld [tilespmem:s18+$0x100];
	[tilespmem:s19+$0x100] =	vst v16  }
0x422: {  	v19 =	vld.idx.msk [tilespmem:v19+s28+$0x0], $0xffff  }
0x423: {  	v22 =	vld [tilespmem:s19+$0x180];
	_ =	sdelay $0x1  }
0x424: {  	v23 =	vor.u32 s20, v10;
	_ =	sdelay $0x1  }
0x425: {  	v21 =	vsel vm1, v19, v21  }
0x426: {  	v24 =	vld [tilespmem:s18+$0xFFFFE180];
	v19 =	vsel vm1, v19, v22;
	[tilespmem:s19+$0xFFFFE180] =	vst v21  }
0x427: {  	v57 =	vld [tilespmem:s18+$0x180];
	[tilespmem:s19+$0x180] =	vst v19  }
0x428: {  	s19 =	sadd.s32 $0x200, s19;
	v23 =	vld.idx.msk [tilespmem:v23+s28+$0x0], $0xffff  }
0x429: {  	v25 =	vld [tilespmem:s19+$0xFFFFE000]  }
0x42a: {  	v26 =	vld [tilespmem:s19+$0x0]  }
0x42b: {  	s21 =	sadd.s32 $0x1, s20  }
0x42c: {  	v27 =	vor.u32 s21, v10  }
0x42d: {  	s18 =	sadd.s32 $0x200, s18  }
0x42e: {  	v28 =	vld [tilespmem:s18+$0xFFFFE000];
	v25 =	vsel vm1, v23, v25  }
0x42f: {  	v29 =	vld [tilespmem:s19+$0xFFFFE080];
	v23 =	vsel vm1, v23, v26;
	[tilespmem:s19+$0xFFFFE000] =	vst v25  }
0x430: {  	v58 =	vld [tilespmem:s18+$0x0];
	[tilespmem:s19+$0x0] =	vst v23  }
0x431: {  	v27 =	vld.idx.msk [tilespmem:v27+s28+$0x0], $0xffff  }
0x432: {  	v30 =	vld [tilespmem:s19+$0x80]  }
0x433: {  	s22 =	sadd.s32 $0x2, s20  }
0x434: {  	v31 =	vor.u32 s22, v10;
	_ =	sdelay $0x1  }
0x435: {  	v33 =	vld [tilespmem:s19+$0xFFFFE100];
	v29 =	vsel vm1, v27, v29  }
0x436: {  	v32 =	vld [tilespmem:s18+$0xFFFFE080];
	v27 =	vsel vm1, v27, v30;
	[tilespmem:s19+$0xFFFFE080] =	vst v29  }
0x437: {  	v59 =	vld [tilespmem:s18+$0x80];
	[tilespmem:s19+$0x80] =	vst v27  }
0x438: {  	v31 =	vld.idx.msk [tilespmem:v31+s28+$0x0], $0xffff  }
0x439: {  	v34 =	vld [tilespmem:s19+$0x100]  }
0x43a: {  	s22 =	sadd.s32 $0x3, s20  }
0x43b: {  	v35 =	vor.u32 s22, v10;
	_ =	sdelay $0x1  }
0x43c: {  	v16 =	vsub.f32 v17, v16;
	v17 =	vld [tilespmem:s19+$0xFFFFE180];
	v33 =	vsel vm1, v31, v33  }
0x43d: {  	v36 =	vld [tilespmem:s18+$0xFFFFE100];
	v31 =	vsel vm1, v31, v34;
	[tilespmem:s19+$0xFFFFE100] =	vst v33  }
0x43e: {  	v14 =	vmul.f32 v14, v14;
	v18 =	vsub.f32 v20, v18;
	v60 =	vld [tilespmem:s18+$0x100];
	[tilespmem:s19+$0x100] =	vst v31  }
0x43f: {  	v15 =	vmul.f32 v15, v15;
	v20 =	vld.idx.msk [tilespmem:v35+s28+$0x0], $0xffff  }
0x440: {  	v13 =	vadd.f32 v14, v13;
	v14 =	vmul.f32 v18, v18  }
0x441: {  	v12 =	vadd.f32 v15, v12;
	v15 =	vsub.f32 v24, v21;
	v16 =	vmul.f32 v16, v16  }
0x442: {  	v13 =	vadd.f32 v14, v13;
	v14 =	vsub.f32 v57, v19  }
0x443: {  	v12 =	vadd.f32 v16, v12;
	v15 =	vmul.f32 v15, v15;
	v16 =	vsub.f32 v28, v25  }
0x444: {  	v61 =	vld [tilespmem:s19+$0x180];
	v14 =	vmul.f32 v14, v14;
	v18 =	vsub.f32 v58, v23;
	v17 =	vsel vm1, v20, v17  }
0x445: {  	v13 =	vadd.f32 v15, v13;
	v15 =	vmul.f32 v16, v16;
	v16 =	vsub.f32 v32, v29;
	v19 =	vld [tilespmem:s18+$0xFFFFE180];
	[tilespmem:s19+$0xFFFFE180] =	vst v17  }
0x446: {  	v12 =	vadd.f32 v14, v12;
	v14 =	vmul.f32 v18, v18;
	v18 =	vld [tilespmem:s18+$0x180]  }
0x447: {  	v13 =	vadd.f32 v15, v13;
	v16 =	vmul.f32 v16, v16;
	v15 =	vsub.f32 v59, v27  }
0x448: {  	v12 =	vadd.f32 v14, v12;
	v14 =	vsub.f32 v36, v33  }
0x449: {  	v13 =	vadd.f32 v16, v13;
	v15 =	vmul.f32 v15, v15;
	v16 =	vsub.f32 v60, v31  }
0x44a: {  	v14 =	vmul.f32 v14, v14;
	v20 =	vsel vm1, v20, v61;
	v17 =	vsub.f32 v19, v17  }
0x44b: {  	v12 =	vadd.f32 v15, v12;
	v15 =	vmul.f32 v16, v16;
	v16 =	vsub.f32 v18, v20  }
0x44c: {  	v13 =	vadd.f32 v14, v13;
	v14 =	vmul.f32 v17, v17  }
0x44d: {  	v12 =	vadd.f32 v15, v12;
	v15 =	vmul.f32 v16, v16  }
0x44e: {  	[tilespmem:s19+$0x180] =	vst v20;
	v13 =	vadd.f32 v14, v13  }
0x44f: {  	v14 =	vld [tilespmem:$0x10160];
	v12 =	vadd.f32 v15, v12  }
0x450: {  	vm2 =	vge.f32 v13, $2.499999940e-03;
	v13 =	vld [tilespmem:$0x101E0]  }
0x451: {  	s20 =	simm.s32 $0x0;
	v15 =	vsel vm2, $0x3F800000, v4;
	vm2 =	vge.f32 v12, $2.499999940e-03  }
0x452: {  	v16 =	vor.u32 s20, v11;
	v12 =	vsub.f32 $0.0e+00, v15;
	v15 =	vsel vm2, $0x3F800000, v4  }
0x453: {  	v15 =	vsub.f32 $0.0e+00, v15  }
0x454: {  	v12 =	vsel vm1, v12, v14  }
0x455: {  	[tilespmem:$0x10260] =	vst v12;
	v12 =	vsel vm1, v15, v13  }
0x456: {  	[tilespmem:$0x102E0] =	vst v12;
	v12 =	vld [tilespmem:$0x100F0]  }
0x457: {  	s19 =	simm.s32 $0xE0F0;
	v13 =	vld.idx.msk [tilespmem:v16+s28+$0x0], $0xffff  }
0x458: {  	v14 =	vld [tilespmem:s19+$0xFFFFE000]  }
0x459: {  	v15 =	vld [tilespmem:s19+$0x0]  }
0x45a: {  	s21 =	simm.s32 $0x1  }
0x45b: {  	v16 =	vor.u32 s21, v11  }
0x45c: {  	vm1 =	vlt.f32 v12, $8.000000110e-01  }
0x45d: {  	s18 =	simm.s32 $0xA0F0;
	v17 =	vld [tilespmem:s19+$0xFFFFE080];
	v12 =	vsel vm1, v13, v14  }
0x45e: {  	v14 =	vld [tilespmem:s18+$0xFFFFE000];
	v13 =	vsel vm1, v13, v15;
	[tilespmem:s19+$0xFFFFE000] =	vst v12  }
0x45f: {  	v15 =	vld [tilespmem:s18+$0x0];
	[tilespmem:s19+$0x0] =	vst v13  }
0x460: {  	v16 =	vld.idx.msk [tilespmem:v16+s28+$0x0], $0xffff;
	_ =	sdelay $0x1  }
0x461: {  	v18 =	vld [tilespmem:s19+$0x80]  }
0x462: {  	s22 =	simm.s32 $0x2  }
0x463: {  	v19 =	vor.u32 s22, v11  }
0x464: {  	v20 =	vsel vm1, v16, v17  }
0x465: {  	v62 =	vld [tilespmem:s18+$0xFFFFE080];
	v12 =	vsub.f32 v14, v12;
	v13 =	vsub.f32 v15, v13;
	[tilespmem:s19+$0xFFFFE080] =	vst v20  }
0x466: {  	v63 =	vsel vm1, v16, v18;
	v15 =	vld [tilespmem:s18+$0x80]  }
0x467: {  	v12 =	vmul.f32 v12, v12;
	v18 =	vld [tilespmem:s19+$0xFFFFE100];
	v14 =	vmul.f32 v13, v13;
	[tilespmem:s19+$0x80] =	vst v63  }
0x468: {  	v17 =	vimm.f32 $0.0e+00;
	v16 =	vld.idx.msk [tilespmem:v19+s28+$0x0], $0xffff  }
0x469: {  	v13 =	vadd.f32 v12, v17;
	v12 =	vadd.f32 v14, v17;
	v17 =	vld [tilespmem:s19+$0x100]  }
0x46a: {  	s22 =	simm.s32 $0x3;
	v14 =	vsub.f32 v62, v20  }
0x46b: {  	s20 =	simm.s32 $0x4;
	s21 =	simm.s32 $0x8;
	v19 =	vor.u32 s22, v11;
	v15 =	vsub.f32 v15, v63  }
.LBB2_16:
0x46c: {  	p0 =	slt.u32 s21, $0x3C;
	v14 =	vmul.f32 v14, v14  }
0x46d: {  	v15 =	vmul.f32 v15, v15;
	v18 =	vsel vm1, v16, v18  }
0x46e: {  	v13 =	vadd.f32 v14, v13;
	v14 =	vld [tilespmem:s18+$0xFFFFE100];
	[tilespmem:s19+$0xFFFFE100] =	vst v18;
	v16 =	vsel vm1, v16, v17  }
0x46f: {  	v12 =	vadd.f32 v15, v12;
	v15 =	vld [tilespmem:s18+$0x100];
	[tilespmem:s19+$0x100] =	vst v16  }
0x470: {  	v17 =	vld.idx.msk [tilespmem:v19+s28+$0x0], $0xffff  }
0x471: {  	v19 =	vld [tilespmem:s19+$0xFFFFE180]  }
0x472: {  	v20 =	vld [tilespmem:s19+$0x180]  }
0x473: {  	v14 =	vsub.f32 v14, v18  }
0x474: {  	v18 =	vor.u32 s20, v11;
	v15 =	vsub.f32 v15, v16  }
0x475: {  	v14 =	vmul.f32 v14, v14  }
0x476: {  	v15 =	vmul.f32 v15, v15;
	v16 =	vsel vm1, v17, v19  }
0x477: {  	v13 =	vadd.f32 v14, v13;
	v14 =	vld [tilespmem:s18+$0xFFFFE180];
	[tilespmem:s19+$0xFFFFE180] =	vst v16;
	v17 =	vsel vm1, v17, v20  }
0x478: {  	v12 =	vadd.f32 v15, v12;
	v15 =	vld [tilespmem:s18+$0x180];
	[tilespmem:s19+$0x180] =	vst v17  }
0x479: {  	s19 =	sadd.s32 $0x200, s19;
	v18 =	vld.idx.msk [tilespmem:v18+s28+$0x0], $0xffff  }
0x47a: {  	v19 =	vld [tilespmem:s19+$0xFFFFE000]  }
0x47b: {  	v20 =	vld [tilespmem:s19+$0x0]  }
0x47c: {  	s22 =	sadd.s32 $0x1, s20;
	v14 =	vsub.f32 v14, v16  }
0x47d: {  	v16 =	vor.u32 s22, v11;
	v15 =	vsub.f32 v15, v17  }
0x47e: {  	v14 =	vmul.f32 v14, v14  }
0x47f: {  	s18 =	sadd.s32 $0x200, s18;
	v17 =	vsel vm1, v18, v19;
	v15 =	vmul.f32 v15, v15  }
0x480: {  	v19 =	vld [tilespmem:s18+$0xFFFFE000];
	[tilespmem:s19+$0xFFFFE000] =	vst v17;
	v18 =	vsel vm1, v18, v20;
	v13 =	vadd.f32 v14, v13  }
0x481: {  	v14 =	vld [tilespmem:s18+$0x0];
	[tilespmem:s19+$0x0] =	vst v18;
	v12 =	vadd.f32 v15, v12  }
0x482: {  	v15 =	vld.idx.msk [tilespmem:v16+s28+$0x0], $0xffff  }
0x483: {  	v16 =	vld [tilespmem:s19+$0xFFFFE080]  }
0x484: {  	v20 =	vld [tilespmem:s19+$0x80]  }
0x485: {  	s22 =	sadd.s32 $0x2, s20;
	v17 =	vsub.f32 v19, v17  }
0x486: {  	v14 =	vsub.f32 v14, v18;
	v18 =	vor.u32 s22, v11  }
0x487: {  	v17 =	vmul.f32 v17, v17  }
0x488: {  	v14 =	vmul.f32 v14, v14;
	v19 =	vsel vm1, v15, v16  }
0x489: {  	v13 =	vadd.f32 v17, v13;
	v21 =	vld [tilespmem:s18+$0xFFFFE080];
	[tilespmem:s19+$0xFFFFE080] =	vst v19;
	v15 =	vsel vm1, v15, v20  }
0x48a: {  	v12 =	vadd.f32 v14, v12;
	v20 =	vld [tilespmem:s18+$0x80];
	[tilespmem:s19+$0x80] =	vst v15  }
.Ltmp7:
0x48b: {  	v16 =	vld.idx.msk [tilespmem:v18+s28+$0x0], $0xffff;
	(pc) =	sbr.rel @p0 .LBB2_16-.Ltmp7, $4  }
0x48c: {  	v18 =	vld [tilespmem:s19+$0xFFFFE100]  }
0x48d: {  	v17 =	vld [tilespmem:s19+$0x100]  }
0x48e: {  	s22 =	sadd.s32 $0x3, s20;
	s20 =	smov.u32 s21;
	v14 =	vsub.f32 v21, v19  }
0x48f: {  	s21 =	sadd.s32 $0x4, s21;
	v19 =	vor.u32 s22, v11;
	v15 =	vsub.f32 v20, v15  }
0x490: {  	_ = 	snop  }
0x491: {  	v20 =	vld [tilespmem:s18+$0xFFFFE100];
	v18 =	vsel vm1, v16, v18  }
0x492: {  	v21 =	vld [tilespmem:s19+$0xFFFFE180];
	[tilespmem:s19+$0xFFFFE100] =	vst v18;
	v58 =	vsel vm1, v16, v17  }
0x493: {  	v59 =	vld [tilespmem:s18+$0x100];
	[tilespmem:s19+$0x100] =	vst v58  }
0x494: {  	v19 =	vld.idx.msk [tilespmem:v19+s28+$0x0], $0xffff  }
0x495: {  	v22 =	vld [tilespmem:s19+$0x180];
	_ =	sdelay $0x1  }
0x496: {  	v23 =	vor.u32 s20, v11;
	_ =	sdelay $0x1  }
0x497: {  	v21 =	vsel vm1, v19, v21  }
0x498: {  	v24 =	vld [tilespmem:s18+$0xFFFFE180];
	v19 =	vsel vm1, v19, v22;
	[tilespmem:s19+$0xFFFFE180] =	vst v21  }
0x499: {  	v60 =	vld [tilespmem:s18+$0x180];
	[tilespmem:s19+$0x180] =	vst v19  }
0x49a: {  	s19 =	sadd.s32 $0x200, s19;
	v23 =	vld.idx.msk [tilespmem:v23+s28+$0x0], $0xffff  }
0x49b: {  	v25 =	vld [tilespmem:s19+$0xFFFFE000]  }
0x49c: {  	v26 =	vld [tilespmem:s19+$0x0]  }
0x49d: {  	s21 =	sadd.s32 $0x1, s20  }
0x49e: {  	v27 =	vor.u32 s21, v11  }
0x49f: {  	s18 =	sadd.s32 $0x200, s18  }
0x4a0: {  	v28 =	vld [tilespmem:s18+$0xFFFFE000];
	v25 =	vsel vm1, v23, v25  }
0x4a1: {  	v29 =	vld [tilespmem:s19+$0xFFFFE080];
	v23 =	vsel vm1, v23, v26;
	[tilespmem:s19+$0xFFFFE000] =	vst v25  }
0x4a2: {  	v61 =	vld [tilespmem:s18+$0x0];
	[tilespmem:s19+$0x0] =	vst v23  }
0x4a3: {  	v27 =	vld.idx.msk [tilespmem:v27+s28+$0x0], $0xffff  }
0x4a4: {  	v30 =	vld [tilespmem:s19+$0x80]  }
0x4a5: {  	s22 =	sadd.s32 $0x2, s20  }
0x4a6: {  	v31 =	vor.u32 s22, v11;
	_ =	sdelay $0x1  }
0x4a7: {  	v33 =	vld [tilespmem:s19+$0xFFFFE100];
	v29 =	vsel vm1, v27, v29  }
0x4a8: {  	v32 =	vld [tilespmem:s18+$0xFFFFE080];
	v27 =	vsel vm1, v27, v30;
	[tilespmem:s19+$0xFFFFE080] =	vst v29  }
0x4a9: {  	v62 =	vld [tilespmem:s18+$0x80];
	[tilespmem:s19+$0x80] =	vst v27  }
0x4aa: {  	v31 =	vld.idx.msk [tilespmem:v31+s28+$0x0], $0xffff  }
0x4ab: {  	v34 =	vld [tilespmem:s19+$0x100]  }
0x4ac: {  	s21 =	sadd.s32 $0x3, s20  }
0x4ad: {  	v35 =	vor.u32 s21, v11;
	_ =	sdelay $0x1  }
0x4ae: {  	v38 =	vld [tilespmem:s19+$0xFFFFE180];
	v33 =	vsel vm1, v31, v33  }
0x4af: {  	v36 =	vld [tilespmem:s18+$0xFFFFE100];
	v31 =	vsel vm1, v31, v34;
	[tilespmem:s19+$0xFFFFE100] =	vst v33  }
0x4b0: {  	v14 =	vmul.f32 v14, v14;
	v18 =	vsub.f32 v20, v18;
	v63 =	vld [tilespmem:s18+$0x100];
	[tilespmem:s19+$0x100] =	vst v31  }
0x4b1: {  	v15 =	vmul.f32 v15, v15;
	v16 =	vsub.f32 v59, v58;
	v37 =	vld.idx.msk [tilespmem:v35+s28+$0x0], $0xffff  }
0x4b2: {  	v13 =	vadd.f32 v14, v13;
	v39 =	vmul.f32 v18, v18  }
0x4b3: {  	v12 =	vadd.f32 v15, v12;
	v40 =	vsub.f32 v24, v21;
	v16 =	vmul.f32 v16, v16  }
0x4b4: {  	v13 =	vadd.f32 v39, v13;
	v41 =	vsub.f32 v60, v19  }
0x4b5: {  	v12 =	vadd.f32 v16, v12;
	v15 =	vmul.f32 v40, v40;
	v42 =	vsub.f32 v28, v25  }
0x4b6: {  	v47 =	vld [tilespmem:s19+$0x180];
	v14 =	vmul.f32 v41, v41;
	v43 =	vsub.f32 v61, v23;
	v17 =	vsel vm1, v37, v38  }
0x4b7: {  	v13 =	vadd.f32 v15, v13;
	v45 =	vmul.f32 v42, v42;
	v46 =	vsub.f32 v32, v29;
	v44 =	vld [tilespmem:s18+$0xFFFFE180];
	[tilespmem:s19+$0xFFFFE180] =	vst v17  }
0x4b8: {  	v12 =	vadd.f32 v14, v12;
	v49 =	vmul.f32 v43, v43;
	v48 =	vld [tilespmem:s18+$0x180]  }
0x4b9: {  	v13 =	vadd.f32 v45, v13;
	v16 =	vmul.f32 v46, v46;
	v50 =	vsub.f32 v62, v27  }
0x4ba: {  	v12 =	vadd.f32 v49, v12;
	v51 =	vsub.f32 v36, v33  }
0x4bb: {  	v13 =	vadd.f32 v16, v13;
	v15 =	vmul.f32 v50, v50;
	v52 =	vsub.f32 v63, v31  }
0x4bc: {  	v14 =	vmul.f32 v51, v51;
	v53 =	vsel vm1, v37, v47;
	v17 =	vsub.f32 v44, v17  }
0x4bd: {  	v12 =	vadd.f32 v15, v12;
	v54 =	vmul.f32 v52, v52;
	v55 =	vsub.f32 v48, v53  }
0x4be: {  	v13 =	vadd.f32 v14, v13;
	v56 =	vmul.f32 v17, v17  }
0x4bf: {  	v12 =	vadd.f32 v54, v12;
	v57 =	vmul.f32 v55, v55  }
0x4c0: {  	[tilespmem:s19+$0x180] =	vst v53;
	v13 =	vadd.f32 v56, v13  }
0x4c1: {  	v58 =	vld [tilespmem:$0x10170];
	v12 =	vadd.f32 v57, v12  }
0x4c2: {  	v59 =	vld [tilespmem:$0x101F0];
	vm2 =	vge.f32 v13, $2.499999940e-03  }
0x4c3: {  	v60 =	vsel vm2, $0x3F800000, v4;
	vm2 =	vge.f32 v12, $2.499999940e-03  }
0x4c4: {  	v61 =	vsub.f32 $0.0e+00, v60;
	v62 =	vsel vm2, $0x3F800000, v4  }
0x4c5: {  	v15 =	vsub.f32 $0.0e+00, v62  }
0x4c6: {  	s22 =	sld [smem:$0x7ED];
	v12 =	vsel vm1, v61, v58  }
0x4c7: {  	[tilespmem:$0x10270] =	vst v12;
	v63 =	vsel vm1, v15, v59  }
0x4c8: {  	s19 =	sld [smem:$0x7EE];
	[tilespmem:$0x102F0] =	vst v63  }
0x4c9: {  	[hbm4b:s22+s1] =	stream.linear.scatter [tilespmem:s29], [sflag:$0x3], $0x400, $0x38;
	[tilespmem:$0x10300] =	vst v63  }
0x4ca: {  	s20 =	sld [smem:$0x7EF]  }
0x4cb: {  	[hbm4b:s19+s1] =	stream.linear.scatter [tilespmem:s30], [sflag:$0x3], $0x400, $0x38;
	[tilespmem:$0x10300] =	vst v63  }
0x4cc: {  	s21 =	sld [smem:$0x7F0]  }
0x4cd: {  	[hbm4b:s20+s1] =	stream.linear.scatter [tilespmem:s31], [sflag:$0x3], $0x400, $0x38;
	[tilespmem:$0x10300] =	vst v63  }
0x4ce: {  	s22 =	sld [smem:$0x7F1]  }
0x4cf: {  	[hbm4b:s21+s1] =	stream.linear.scatter [tilespmem:s0], [sflag:$0x3], $0x400, $0x38;
	[tilespmem:$0x10300] =	vst v63  }
0x4d0: {  	s19 =	sld [smem:$0x7F2]  }
0x4d1: {  	[hbm4b:s22+s1] =	stream.linear.scatter [tilespmem:s2], [sflag:$0x3], $0x400, $0x38;
	[tilespmem:$0x10300] =	vst v63  }
0x4d2: {  	s20 =	sld [smem:$0x7F3]  }
0x4d3: {  	[hbm4b:s19+s1] =	stream.linear.scatter [tilespmem:s3], [sflag:$0x3], $0x400, $0x38;
	[tilespmem:$0x10300] =	vst v63  }
0x4d4: {  	s21 =	sld [smem:$0x7F4]  }
0x4d5: {  	[hbm4b:s20+s1] =	stream.linear.scatter [tilespmem:s4], [sflag:$0x3], $0x400, $0x38;
	[tilespmem:$0x10300] =	vst v63  }
0x4d6: {  	s22 =	sld [smem:$0x7F5]  }
0x4d7: {  	[hbm4b:s21+s1] =	stream.linear.scatter [tilespmem:s5], [sflag:$0x3], $0x400, $0x38;
	[tilespmem:$0x10300] =	vst v63  }
0x4d8: {  	s19 =	sld [smem:$0x7F6]  }
0x4d9: {  	[hbm4b:s22+s1] =	stream.linear.scatter [tilespmem:s15], [sflag:$0x3], $0x400, $0x38;
	[tilespmem:$0x10300] =	vst v63  }
0x4da: {  	s20 =	sld [smem:$0x7F7]  }
0x4db: {  	[hbm4b:s19+s1] =	stream.linear.scatter [tilespmem:s6], [sflag:$0x3], $0x400, $0x38;
	[tilespmem:$0x10300] =	vst v63  }
0x4dc: {  	s21 =	sld [smem:$0x7F8]  }
0x4dd: {  	[hbm4b:s20+s1] =	stream.linear.scatter [tilespmem:s7], [sflag:$0x3], $0x400, $0x38;
	[tilespmem:$0x10300] =	vst v63  }
0x4de: {  	s22 =	sld [smem:$0x7F9]  }
0x4df: {  	[hbm4b:s21+s1] =	stream.linear.scatter [tilespmem:s8], [sflag:$0x3], $0x400, $0x38;
	[tilespmem:$0x10300] =	vst v63  }
0x4e0: {  	s19 =	sld [smem:$0x7FA]  }
0x4e1: {  	[hbm4b:s22+s1] =	stream.linear.scatter [tilespmem:s9], [sflag:$0x3], $0x400, $0x38;
	[tilespmem:$0x10300] =	vst v63  }
0x4e2: {  	s20 =	sld [smem:$0x7FB]  }
0x4e3: {  	[hbm4b:s19+s1] =	stream.linear.scatter [tilespmem:s10], [sflag:$0x3], $0x400, $0x38;
	[tilespmem:$0x10300] =	vst v63  }
0x4e4: {  	s21 =	sld [smem:$0x7FC]  }
0x4e5: {  	[hbm4b:s20+s1] =	stream.linear.scatter [tilespmem:s11], [sflag:$0x3], $0x400, $0x38;
	[tilespmem:$0x10300] =	vst v63  }
0x4e6: {  	_ = 	snop  }
0x4e7: {  	[hbm4b:s21+s1] =	stream.linear.scatter [tilespmem:s12], [sflag:$0x3], $0x400, $0x38;
	[tilespmem:$0x10300] =	vst v63  }
0x4e8: {  	s22 =	simm.s32 $0x10200  }
0x4e9: {  	[hbm4b:s23+s1] =	stream.linear.scatter [tilespmem:s22], [sflag:$0x3], $0x100, $0x38;
	[tilespmem:$0x10300] =	vst v63  }
0x4ea: {  	_ =	swait.ge [sflag:s16], $0x400  }
0x4eb: {  	[sflag:s16] =	ssyncset.done $0x0  }
0x4ec: {  	[sflag:s16] =	ssyncadd.s32 $0xFFFFFC00  }
0x4ed: {  	_ =	swait.ge [sflag:s16], $0x400  }
0x4ee: {  	[sflag:s16] =	ssyncset.done $0x0  }
0x4ef: {  	[sflag:s16] =	ssyncadd.s32 $0xFFFFFC00  }
0x4f0: {  	_ =	swait.ge [sflag:s16], $0x400  }
0x4f1: {  	[sflag:s16] =	ssyncset.done $0x0  }
0x4f2: {  	[sflag:s16] =	ssyncadd.s32 $0xFFFFFC00  }
0x4f3: {  	_ =	swait.ge [sflag:s16], $0x400  }
0x4f4: {  	[sflag:s16] =	ssyncset.done $0x0  }
0x4f5: {  	[sflag:s16] =	ssyncadd.s32 $0xFFFFFC00  }
0x4f6: {  	_ =	swait.ge [sflag:s16], $0x400  }
0x4f7: {  	[sflag:s16] =	ssyncset.done $0x0  }
0x4f8: {  	[sflag:s16] =	ssyncadd.s32 $0xFFFFFC00  }
0x4f9: {  	_ =	swait.ge [sflag:s16], $0x400  }
0x4fa: {  	[sflag:s16] =	ssyncset.done $0x0  }
0x4fb: {  	[sflag:s16] =	ssyncadd.s32 $0xFFFFFC00  }
0x4fc: {  	_ =	swait.ge [sflag:s16], $0x400  }
0x4fd: {  	[sflag:s16] =	ssyncset.done $0x0  }
0x4fe: {  	[sflag:s16] =	ssyncadd.s32 $0xFFFFFC00  }
0x4ff: {  	_ =	swait.ge [sflag:s16], $0x400  }
0x500: {  	[sflag:s16] =	ssyncset.done $0x0  }
0x501: {  	[sflag:s16] =	ssyncadd.s32 $0xFFFFFC00  }
0x502: {  	_ =	swait.ge [sflag:s16], $0x400  }
0x503: {  	[sflag:s16] =	ssyncset.done $0x0  }
0x504: {  	[sflag:s16] =	ssyncadd.s32 $0xFFFFFC00  }
0x505: {  	_ =	swait.ge [sflag:s16], $0x400  }
0x506: {  	[sflag:s16] =	ssyncset.done $0x0  }
0x507: {  	[sflag:s16] =	ssyncadd.s32 $0xFFFFFC00  }
0x508: {  	_ =	swait.ge [sflag:s16], $0x400  }
0x509: {  	[sflag:s16] =	ssyncset.done $0x0  }
0x50a: {  	[sflag:s16] =	ssyncadd.s32 $0xFFFFFC00  }
0x50b: {  	_ =	swait.ge [sflag:s16], $0x400  }
0x50c: {  	[sflag:s16] =	ssyncset.done $0x0  }
0x50d: {  	[sflag:s16] =	ssyncadd.s32 $0xFFFFFC00  }
0x50e: {  	_ =	swait.ge [sflag:s16], $0x400  }
0x50f: {  	[sflag:s16] =	ssyncset.done $0x0  }
0x510: {  	[sflag:s16] =	ssyncadd.s32 $0xFFFFFC00  }
0x511: {  	_ =	swait.ge [sflag:s16], $0x400  }
0x512: {  	[sflag:s16] =	ssyncset.done $0x0  }
0x513: {  	[sflag:s16] =	ssyncadd.s32 $0xFFFFFC00  }
0x514: {  	_ =	swait.ge [sflag:s16], $0x400  }
0x515: {  	[sflag:s16] =	ssyncset.done $0x0  }
0x516: {  	s17 =	sadd.s32 $0x1, s17;
	[sflag:s16] =	ssyncadd.s32 $0xFFFFFC00  }
0x517: {  	p0 =	sne.s32 s17, s25;
	_ =	swait.ge [sflag:s16], $0x400  }
.Ltmp8:
0x518: {  	[sflag:s16] =	ssyncset.done $0x0;
	(pc) =	sbr.rel @p0 .LBB2_1-.Ltmp8, $4  }
0x519: {  	[sflag:s16] =	ssyncadd.s32 $0xFFFFFC00  }
0x51a: {  	_ =	swait.ge [sflag:s16], $0x100  }
0x51b: {  	[sflag:s16] =	ssyncset.done $0x0  }
0x51c: {  	[sflag:s16] =	ssyncadd.s32 $0xFFFFFF00  }
0x51d: {  	_ =	sfence.sel $0x180000  }
0x51e: {  	[bflag:$0x0] =	sbarrier.arrive $0xFFFF  }
0x51f: {  	_ =	strace $0x90000047  }
0x520: {  	s0 =	stileid.u32;
	[bflag:$0x2] =	sbarrier.arrive $0xFFFF  }
0x521: {  	p0 =	sne.s32 s0, $0x0;
	s0 =	rddreg [dreg:$0x8]  }
0x522: {  	s0 =	sadd.s32 @!p0 $0x100000, s0  }
0x523: {  	[sflag:s0] =	ssyncadd.tile.s32 @!p0 $0x1;
	_ =	shalt  }
.Lfunc_end2:
_tile_overlayer_lowered:
.L_overlay_start_2:
0x524: {  	(tag) =	ssettag $0x2  }
0x525: {  	s0 =	rddreg [dreg:$0x0];
	s2 =	stileid.u32  }
0x526: {  	s1 =	rddreg [dreg:$0x1];
	p0 =	sne.s32 s2, $0x0  }
0x527: {  	s3 =	rddreg [dreg:$0x2];
	[bflag:$0x3] =	sbarrier.arrive $0xFFFF;
	s2 =	simm.s32 @!p0 $0x1C04  }
0x528: {  	[timem:s3], [sflag:s2] =	dma.local @!p0 [hbm:s0], s1  }
0x529: {  	s0 =	simm.s32 @!p0 $0x4  }
0x52a: {  	_ =	swait.ge @!p0 [sflag:s0], s1  }
0x52b: {  	s1 =	ssub.s32 @!p0 $0x0, s1;
	[sflag:s0] =	ssyncset.done @!p0 $0x0  }
0x52c: {  	[sflag:s0] =	ssyncadd.s32 @!p0 s1  }
0x52d: {  	[bflag:$0x3] =	sbarrier.arrive $0xFFFF  }
0x52e: {  	_ =	shalt  }

</sc_bundles>
